<compile_context>
chip_gen: v7x
topology: tpu7x:2x2x1
jax: 0.10.2.dev20260603
libtpu: 0.0.44.dev20260713+nightly
codegen_flags: <defaults>
</compile_context>

<pallas_src>
import jax
import jax.numpy as jnp
from jax import lax
from jax.experimental import pallas as pl
from jax.experimental.pallas import tpu as pltpu
from jax.experimental.pallas import tpu_sc as plsc

M = 48
K = 256
DSUB = 16
B = 16384

NC = 2
NS = 16
NW = NC * NS
ROWS = B * M
RPW = ROWS // NW
CHUNK = 1536
ISLICE = 256
NSTREAM = CHUNK // ISLICE
NCHUNK = RPW // CHUNK


def _gather_body(codes_hbm, table_hbm, out_hbm, idx_v, idx2_v, rows0, rows1,
                 tab_s, sem_g0, sem_g1, sem_o0, sem_o1):
    wid = lax.axis_index("s") * NC + lax.axis_index("c")
    base = pl.multiple_of(wid * RPW, RPW)

    @pl.when(lax.axis_index("s") == 0)
    def _stage():
        pltpu.sync_copy(table_hbm, tab_s)

    plsc.subcore_barrier()

    pltpu.sync_copy(codes_hbm.at[pl.ds(base, RPW)], idx_v)

    lane = lax.iota(jnp.int32, 16)
    lane8 = lax.rem(lane, 8)
    lo = lane < 8
    def build(d8, carry):
        p0 = pl.multiple_of(d8 * 384, 16)
        a00 = d8 * (8 * M)
        for j in range(6):
            for q in range(4):
                a0 = a00 + 2 * q * M + 8 * j
                v1 = idx_v[pl.ds(pl.multiple_of(a0, 8), 16)]
                v2 = idx_v[pl.ds(pl.multiple_of(a0 + M - 8, 8), 16)]
                vals = jnp.where(lo, v1, v2)
                vals = vals + (8 * j + lane8) * K
                sl = pl.ds(pl.multiple_of(p0 + j * 64 + q * 16, 16), 16)
                idx2_v[sl] = vals
        return carry

    lax.fori_loop(0, RPW // 384, build, 0)

    rows = (rows0, rows1)
    sem_g = (sem_g0, sem_g1)
    sem_o = (sem_o0, sem_o1)
    out_cp = [None, None]
    gth = [None, None]

    def drain(b, ci):
        for cp in gth[b]:
            cp.wait()
        gth[b] = None
        out_cp[b] = pltpu.async_copy(
            rows[b], out_hbm.at[pl.ds(base + ci * CHUNK, CHUNK)], sem_o[b]
        )

    for ci in range(NCHUNK):
        b = ci & 1
        if out_cp[b] is not None:
            out_cp[b].wait()
        cb = ci * CHUNK
        gth[b] = [
            pltpu.async_copy(
                tab_s.at[idx2_v.at[pl.ds(cb + s * ISLICE, ISLICE)]],
                rows[b].at[pl.ds(s * ISLICE, ISLICE)],
                sem_g[b],
            )
            for s in range(NSTREAM)
        ]
        if ci >= 1:
            drain(1 - b, ci - 1)
    drain((NCHUNK - 1) & 1, NCHUNK - 1)
    out_cp[0].wait()
    out_cp[1].wait()


@jax.jit
def _impl(doc_codes, sub_weights):
    codes = doc_codes.astype(jnp.int32).reshape(ROWS)
    table = sub_weights.reshape(M * K, DSUB)
    mesh = plsc.VectorSubcoreMesh(core_axis_name="c", subcore_axis_name="s")
    out = pl.kernel(
        _gather_body,
        out_type=jax.ShapeDtypeStruct((ROWS, DSUB), jnp.float32),
        mesh=mesh,
        compiler_params=pltpu.CompilerParams(use_tc_tiling_on_sc=False),
        scratch_types=[
            pltpu.VMEM((RPW,), jnp.int32),
            pltpu.VMEM((RPW,), jnp.int32),
            pltpu.VMEM((CHUNK, DSUB), jnp.float32),
            pltpu.VMEM((CHUNK, DSUB), jnp.float32),
            pltpu.VMEM_SHARED((M * K, DSUB), jnp.float32),
            pltpu.SemaphoreType.DMA,
            pltpu.SemaphoreType.DMA,
            pltpu.SemaphoreType.DMA,
            pltpu.SemaphoreType.DMA,
        ],
    )(codes, table)
    out = out.reshape(B // 8, M // 8, 8, 128).transpose(0, 2, 1, 3)
    return out.reshape(B, M * DSUB)


def kernel(doc_codes, sub_weights):
    return _impl(doc_codes, sub_weights)

# --- scband reference (transcript-rebuilt; emitter-appended) ---
"""Pipeline reference for scband-jpqembedding-model-23072564314885 (READ-ONLY COPY).

The authoritative reference and input builder live on the scoring server;
editing this copy changes nothing except your own understanding.
"""

import jax, jax.numpy as jnp
import numpy as np

M = 48
K = 256
DSUB = 16
B = 16384


def setup_inputs(seed: int = 0) -> dict:
    key = jax.random.key(seed)
    k1, k2 = jax.random.split(key)
    doc_codes = jax.random.randint(k1, (B, M), 0, K).astype(jnp.int64)
    # Learned parameters: M sub-embedding tables, each [K, DSUB] (faiss PQ centroids)
    sub_weights = jax.random.normal(k2, (M, K, DSUB), dtype=jnp.float32)
    return {"doc_codes": doc_codes, "sub_weights": sub_weights}


def reference(doc_codes, sub_weights):
    # Faithful translation of JPQEmbeddingModel.forward:
    # parts[i] = sub_embeddings[i](doc_codes[:, i]); out = cat(parts, dim=1)
    parts = [jnp.take(sub_weights[i], doc_codes[:, i], axis=0) for i in range(M)]
    return jnp.concatenate(parts, axis=1)

if __name__ == "__main__":
    import jax
    _d = setup_inputs()
    print(jax.jit(kernel)(*tuple(_d.values())))

</pallas_src>

<mosaic_0001>
#map = affine_map<(d0, d1) -> (0)>
#map1 = affine_map<(d0, d1) -> (0, 0)>
module attributes {stable_mosaic.version = 14 : i64} {
  func.func @_gather_body(%arg0: i32, %arg1: i32, %arg2: memref<786432xi32, #tpu.memory_space<hbm>>, %arg3: memref<12288x16xf32, #tpu.memory_space<hbm>>, %arg4: memref<786432x16xf32, #tpu.memory_space<hbm>>, %arg5: memref<24576xi32, #tpu.memory_space<vmem>>, %arg6: memref<24576xi32, #tpu.memory_space<vmem>>, %arg7: memref<1536x16xf32, #tpu.memory_space<vmem>>, %arg8: memref<1536x16xf32, #tpu.memory_space<vmem>>, %arg9: memref<12288x16xf32, #tpu.memory_space<vmem_shared>>, %arg10: memref<!tpu.dma_semaphore, #tpu.memory_space<semaphore_mem>>, %arg11: memref<!tpu.dma_semaphore, #tpu.memory_space<semaphore_mem>>, %arg12: memref<!tpu.dma_semaphore, #tpu.memory_space<semaphore_mem>>, %arg13: memref<!tpu.dma_semaphore, #tpu.memory_space<semaphore_mem>>) attributes {dimension_semantics = [#tpu.dimension_semantics<core_parallel>, #tpu.dimension_semantics<subcore_parallel>], iteration_bounds = array<i64: 2, 16>, scalar_prefetch = 0 : i64, scratch_operands = 9 : i64, tpu.core_type = #tpu.core_type<sc_vector_subcore>, window_params = [{transform_indices = #map}, {transform_indices = #map1}, {transform_indices = #map1}]} {
    %mul3A = arith.constant 2 : i32
    %mul3A_0 = arith.muli %arg1, %mul3A : i32
    %add3A = arith.addi %mul3A_0, %arg0 : i32
    %mul3A_1 = arith.constant 24576 : i32
    %mul3A_2 = arith.muli %add3A, %mul3A_1 : i32
    %multiple_of3A = tpu.assume_multiple %mul3A_2, 24576 : i32
    %eq3A = arith.constant 0 : i32
    %eq3A_3 = arith.cmpi eq, %arg1, %eq3A : i32
    %convert_element_type3A = arith.extui %eq3A_3 : i1 to i32
    %cond3A = arith.constant 0 : i32
    %cond3A_4 = arith.cmpi ne, %convert_element_type3A, %cond3A : i32
    scf.if %cond3A_4 {
      "tpu.region"() ({
        %run_scoped3A = tpu.sem_alloc : memref<!tpu.dma_semaphore, #tpu.memory_space<semaphore_mem>>
        tpu.enqueue_dma source(%arg3 : memref<12288x16xf32, #tpu.memory_space<hbm>>) target(%arg9 : memref<12288x16xf32, #tpu.memory_space<vmem_shared>>) target_semaphore(%run_scoped3A : memref<!tpu.dma_semaphore, #tpu.memory_space<semaphore_mem>>)
        tpu.wait_dma2 semaphore(%run_scoped3A : memref<!tpu.dma_semaphore, #tpu.memory_space<semaphore_mem>>) src(%arg3 : memref<12288x16xf32, #tpu.memory_space<hbm>>) dst(%arg9 : memref<12288x16xf32, #tpu.memory_space<vmem_shared>>)
        tpu.yield
      }) : () -> ()
    } else {
    }
    %barrier3A = arith.constant 0 : index
    tpu.barrier barrier_id(%barrier3A)
    "tpu.region"() ({
      %run_scoped3A = tpu.sem_alloc : memref<!tpu.dma_semaphore, #tpu.memory_space<semaphore_mem>>
      %dma_start3A_1708 = tpu.memref_slice %arg2[%multiple_of3A] : memref<786432xi32, #tpu.memory_space<hbm>> -> memref<24576xi32, #tpu.memory_space<hbm>>
      %dma_start3A_1709 = tpu.memref_slice %arg2[%multiple_of3A] : memref<786432xi32, #tpu.memory_space<hbm>> -> memref<24576xi32, #tpu.memory_space<hbm>>
      tpu.enqueue_dma source(%dma_start3A_1709 : memref<24576xi32, #tpu.memory_space<hbm>>) target(%arg5 : memref<24576xi32, #tpu.memory_space<vmem>>) target_semaphore(%run_scoped3A : memref<!tpu.dma_semaphore, #tpu.memory_space<semaphore_mem>>)
      %dma_wait3A_1710 = tpu.memref_slice %arg2[%multiple_of3A] : memref<786432xi32, #tpu.memory_space<hbm>> -> memref<24576xi32, #tpu.memory_space<hbm>>
      %dma_wait3A_1711 = tpu.memref_slice %arg2[%multiple_of3A] : memref<786432xi32, #tpu.memory_space<hbm>> -> memref<24576xi32, #tpu.memory_space<hbm>>
      tpu.wait_dma2 semaphore(%run_scoped3A : memref<!tpu.dma_semaphore, #tpu.memory_space<semaphore_mem>>) src(%dma_wait3A_1711 : memref<24576xi32, #tpu.memory_space<hbm>>) dst(%arg5 : memref<24576xi32, #tpu.memory_space<vmem>>)
      tpu.yield
    }) : () -> ()
    %iota3A = tpu.iota {dimensions = array<i32: 0>} : vector<16xi32>
    %rem3A = arith.constant 8 : i32
    %rem3A_5 = vector.broadcast %rem3A : i32 to vector<16xi32>
    %rem3A_6 = arith.remsi %iota3A, %rem3A_5 : vector<16xi32>
    %lt3A = arith.constant 8 : i32
    %lt3A_7 = vector.broadcast %lt3A : i32 to vector<16xi32>
    %lt3A_8 = arith.cmpi slt, %iota3A, %lt3A_7 : vector<16xi32>
    %scan3A = arith.constant 0 : i32
    %scan3A_9 = arith.constant 0 : i32
    %scan3A_10 = arith.constant 64 : i32
    %scan3A_11 = arith.addi %scan3A_9, %scan3A_10 : i32
    %scan3A_12 = arith.constant 1 : i32
    scf.for %scan3A_1708 = %scan3A_9 to %scan3A_11 step %scan3A_12  : i32 {
      %mul3A_1709 = arith.constant 384 : i32
      %mul3A_1710 = arith.muli %scan3A_1708, %mul3A_1709 : i32
      %multiple_of3A_1711 = tpu.assume_multiple %mul3A_1710, 16 : i32
      %mul3A_1712 = arith.constant 384 : i32
      %mul3A_1713 = arith.muli %scan3A_1708, %mul3A_1712 : i32
      %add3A_1714 = arith.constant 0 : i32
      %add3A_1715 = arith.addi %mul3A_1713, %add3A_1714 : i32
      %add3A_1716 = arith.constant 0 : i32
      %add3A_1717 = arith.addi %add3A_1715, %add3A_1716 : i32
      %multiple_of3A_1718 = tpu.assume_multiple %add3A_1717, 8 : i32
      %get3A = arith.index_cast %multiple_of3A_1718 : i32 to index
      %get3A_1719 = tpu.vector_load %arg5[%get3A] {strides = array<i32>} : memref<24576xi32, #tpu.memory_space<vmem>>, vector<16xi32>,
      %get3A_1720 = vector.shape_cast %get3A_1719 : vector<16xi32> to vector<16xi32>
      %add3A_1721 = arith.constant 48 : i32
      %add3A_1722 = arith.addi %add3A_1717, %add3A_1721 : i32
      %sub3A = arith.constant 8 : i32
      %sub3A_1723 = arith.subi %add3A_1722, %sub3A : i32
      %multiple_of3A_1724 = tpu.assume_multiple %sub3A_1723, 8 : i32
      %get3A_1725 = arith.index_cast %multiple_of3A_1724 : i32 to index
      %get3A_1726 = tpu.vector_load %arg5[%get3A_1725] {strides = array<i32>} : memref<24576xi32, #tpu.memory_space<vmem>>, vector<16xi32>,
      %get3A_1727 = vector.shape_cast %get3A_1726 : vector<16xi32> to vector<16xi32>
      %select_n3A = arith.select %lt3A_8, %get3A_1720, %get3A_1727 : vector<16xi1>, vector<16xi32>
      %add3A_1728 = arith.constant 0 : i32
      %add3A_1729 = vector.broadcast %add3A_1728 : i32 to vector<16xi32>
      %add3A_1730 = arith.addi %add3A_1729, %rem3A_6 : vector<16xi32>
      %mul3A_1731 = arith.constant 256 : i32
      %mul3A_1732 = vector.broadcast %mul3A_1731 : i32 to vector<16xi32>
      %mul3A_1733 = arith.muli %add3A_1730, %mul3A_1732 : vector<16xi32>
      %add3A_1734 = arith.addi %select_n3A, %mul3A_1733 : vector<16xi32>
      %add3A_1735 = arith.constant 0 : i32
      %add3A_1736 = arith.addi %multiple_of3A_1711, %add3A_1735 : i32
      %add3A_1737 = arith.constant 0 : i32
      %add3A_1738 = arith.addi %add3A_1736, %add3A_1737 : i32
      %multiple_of3A_1739 = tpu.assume_multiple %add3A_1738, 16 : i32
      %swap3A = arith.index_cast %multiple_of3A_1739 : i32 to index
      %swap3A_1740 = tpu.vector_load %arg6[%swap3A] {strides = array<i32>} : memref<24576xi32, #tpu.memory_space<vmem>>, vector<16xi32>,
      %swap3A_1741 = vector.shape_cast %swap3A_1740 : vector<16xi32> to vector<16xi32>
      %swap3A_1742 = vector.shape_cast %add3A_1734 : vector<16xi32> to vector<16xi32>
      tpu.vector_store %arg6[%swap3A], %swap3A_1742 {strides = array<i32>} : memref<24576xi32, #tpu.memory_space<vmem>>, vector<16xi32>,
      %add3A_1743 = arith.constant 96 : i32
      %add3A_1744 = arith.addi %mul3A_1713, %add3A_1743 : i32
      %add3A_1745 = arith.constant 0 : i32
      %add3A_1746 = arith.addi %add3A_1744, %add3A_1745 : i32
      %multiple_of3A_1747 = tpu.assume_multiple %add3A_1746, 8 : i32
      %get3A_1748 = arith.index_cast %multiple_of3A_1747 : i32 to index
      %get3A_1749 = tpu.vector_load %arg5[%get3A_1748] {strides = array<i32>} : memref<24576xi32, #tpu.memory_space<vmem>>, vector<16xi32>,
      %get3A_1750 = vector.shape_cast %get3A_1749 : vector<16xi32> to vector<16xi32>
      %add3A_1751 = arith.constant 48 : i32
      %add3A_1752 = arith.addi %add3A_1746, %add3A_1751 : i32
      %sub3A_1753 = arith.constant 8 : i32
      %sub3A_1754 = arith.subi %add3A_1752, %sub3A_1753 : i32
      %multiple_of3A_1755 = tpu.assume_multiple %sub3A_1754, 8 : i32
      %get3A_1756 = arith.index_cast %multiple_of3A_1755 : i32 to index
      %get3A_1757 = tpu.vector_load %arg5[%get3A_1756] {strides = array<i32>} : memref<24576xi32, #tpu.memory_space<vmem>>, vector<16xi32>,
      %get3A_1758 = vector.shape_cast %get3A_1757 : vector<16xi32> to vector<16xi32>
      %select_n3A_1759 = arith.select %lt3A_8, %get3A_1750, %get3A_1758 : vector<16xi1>, vector<16xi32>
      %add3A_1760 = arith.constant 0 : i32
      %add3A_1761 = vector.broadcast %add3A_1760 : i32 to vector<16xi32>
      %add3A_1762 = arith.addi %add3A_1761, %rem3A_6 : vector<16xi32>
      %mul3A_1763 = arith.constant 256 : i32
      %mul3A_1764 = vector.broadcast %mul3A_1763 : i32 to vector<16xi32>
      %mul3A_1765 = arith.muli %add3A_1762, %mul3A_1764 : vector<16xi32>
      %add3A_1766 = arith.addi %select_n3A_1759, %mul3A_1765 : vector<16xi32>
      %add3A_1767 = arith.constant 0 : i32
      %add3A_1768 = arith.addi %multiple_of3A_1711, %add3A_1767 : i32
      %add3A_1769 = arith.constant 16 : i32
      %add3A_1770 = arith.addi %add3A_1768, %add3A_1769 : i32
      %multiple_of3A_1771 = tpu.assume_multiple %add3A_1770, 16 : i32
      %swap3A_1772 = arith.index_cast %multiple_of3A_1771 : i32 to index
      %swap3A_1773 = tpu.vector_load %arg6[%swap3A_1772] {strides = array<i32>} : memref<24576xi32, #tpu.memory_space<vmem>>, vector<16xi32>,
      %swap3A_1774 = vector.shape_cast %swap3A_1773 : vector<16xi32> to vector<16xi32>
      %swap3A_1775 = vector.shape_cast %add3A_1766 : vector<16xi32> to vector<16xi32>
      tpu.vector_store %arg6[%swap3A_1772], %swap3A_1775 {strides = array<i32>} : memref<24576xi32, #tpu.memory_space<vmem>>, vector<16xi32>,
      %add3A_1776 = arith.constant 192 : i32
      %add3A_1777 = arith.addi %mul3A_1713, %add3A_1776 : i32
      %add3A_1778 = arith.constant 0 : i32
      %add3A_1779 = arith.addi %add3A_1777, %add3A_1778 : i32
      %multiple_of3A_1780 = tpu.assume_multiple %add3A_1779, 8 : i32
      %get3A_1781 = arith.index_cast %multiple_of3A_1780 : i32 to index
      %get3A_1782 = tpu.vector_load %arg5[%get3A_1781] {strides = array<i32>} : memref<24576xi32, #tpu.memory_space<vmem>>, vector<16xi32>,
      %get3A_1783 = vector.shape_cast %get3A_1782 : vector<16xi32> to vector<16xi32>
      %add3A_1784 = arith.constant 48 : i32
      %add3A_1785 = arith.addi %add3A_1779, %add3A_1784 : i32
      %sub3A_1786 = arith.constant 8 : i32
      %sub3A_1787 = arith.subi %add3A_1785, %sub3A_1786 : i32
      %multiple_of3A_1788 = tpu.assume_multiple %sub3A_1787, 8 : i32
      %get3A_1789 = arith.index_cast %multiple_of3A_1788 : i32 to index
      %get3A_1790 = tpu.vector_load %arg5[%get3A_1789] {strides = array<i32>} : memref<24576xi32, #tpu.memory_space<vmem>>, vector<16xi32>,
      %get3A_1791 = vector.shape_cast %get3A_1790 : vector<16xi32> to vector<16xi32>
      %select_n3A_1792 = arith.select %lt3A_8, %get3A_1783, %get3A_1791 : vector<16xi1>, vector<16xi32>
      %add3A_1793 = arith.constant 0 : i32
      %add3A_1794 = vector.broadcast %add3A_1793 : i32 to vector<16xi32>
      %add3A_1795 = arith.addi %add3A_1794, %rem3A_6 : vector<16xi32>
      %mul3A_1796 = arith.constant 256 : i32
      %mul3A_1797 = vector.broadcast %mul3A_1796 : i32 to vector<16xi32>
      %mul3A_1798 = arith.muli %add3A_1795, %mul3A_1797 : vector<16xi32>
      %add3A_1799 = arith.addi %select_n3A_1792, %mul3A_1798 : vector<16xi32>
      %add3A_1800 = arith.constant 0 : i32
      %add3A_1801 = arith.addi %multiple_of3A_1711, %add3A_1800 : i32
      %add3A_1802 = arith.constant 32 : i32
      %add3A_1803 = arith.addi %add3A_1801, %add3A_1802 : i32
      %multiple_of3A_1804 = tpu.assume_multiple %add3A_1803, 16 : i32
      %swap3A_1805 = arith.index_cast %multiple_of3A_1804 : i32 to index
      %swap3A_1806 = tpu.vector_load %arg6[%swap3A_1805] {strides = array<i32>} : memref<24576xi32, #tpu.memory_space<vmem>>, vector<16xi32>,
      %swap3A_1807 = vector.shape_cast %swap3A_1806 : vector<16xi32> to vector<16xi32>
      %swap3A_1808 = vector.shape_cast %add3A_1799 : vector<16xi32> to vector<16xi32>
      tpu.vector_store %arg6[%swap3A_1805], %swap3A_1808 {strides = array<i32>} : memref<24576xi32, #tpu.memory_space<vmem>>, vector<16xi32>,
      %add3A_1809 = arith.constant 288 : i32
      %add3A_1810 = arith.addi %mul3A_1713, %add3A_1809 : i32
      %add3A_1811 = arith.constant 0 : i32
      %add3A_1812 = arith.addi %add3A_1810, %add3A_1811 : i32
      %multiple_of3A_1813 = tpu.assume_multiple %add3A_1812, 8 : i32
      %get3A_1814 = arith.index_cast %multiple_of3A_1813 : i32 to index
      %get3A_1815 = tpu.vector_load %arg5[%get3A_1814] {strides = array<i32>} : memref<24576xi32, #tpu.memory_space<vmem>>, vector<16xi32>,
      %get3A_1816 = vector.shape_cast %get3A_1815 : vector<16xi32> to vector<16xi32>
      %add3A_1817 = arith.constant 48 : i32
      %add3A_1818 = arith.addi %add3A_1812, %add3A_1817 : i32
      %sub3A_1819 = arith.constant 8 : i32
      %sub3A_1820 = arith.subi %add3A_1818, %sub3A_1819 : i32
      %multiple_of3A_1821 = tpu.assume_multiple %sub3A_1820, 8 : i32
      %get3A_1822 = arith.index_cast %multiple_of3A_1821 : i32 to index
      %get3A_1823 = tpu.vector_load %arg5[%get3A_1822] {strides = array<i32>} : memref<24576xi32, #tpu.memory_space<vmem>>, vector<16xi32>,
      %get3A_1824 = vector.shape_cast %get3A_1823 : vector<16xi32> to vector<16xi32>
      %select_n3A_1825 = arith.select %lt3A_8, %get3A_1816, %get3A_1824 : vector<16xi1>, vector<16xi32>
      %add3A_1826 = arith.constant 0 : i32
      %add3A_1827 = vector.broadcast %add3A_1826 : i32 to vector<16xi32>
      %add3A_1828 = arith.addi %add3A_1827, %rem3A_6 : vector<16xi32>
      %mul3A_1829 = arith.constant 256 : i32
      %mul3A_1830 = vector.broadcast %mul3A_1829 : i32 to vector<16xi32>
      %mul3A_1831 = arith.muli %add3A_1828, %mul3A_1830 : vector<16xi32>
      %add3A_1832 = arith.addi %select_n3A_1825, %mul3A_1831 : vector<16xi32>
      %add3A_1833 = arith.constant 0 : i32
      %add3A_1834 = arith.addi %multiple_of3A_1711, %add3A_1833 : i32
      %add3A_1835 = arith.constant 48 : i32
      %add3A_1836 = arith.addi %add3A_1834, %add3A_1835 : i32
      %multiple_of3A_1837 = tpu.assume_multiple %add3A_1836, 16 : i32
      %swap3A_1838 = arith.index_cast %multiple_of3A_1837 : i32 to index
      %swap3A_1839 = tpu.vector_load %arg6[%swap3A_1838] {strides = array<i32>} : memref<24576xi32, #tpu.memory_space<vmem>>, vector<16xi32>,
      %swap3A_1840 = vector.shape_cast %swap3A_1839 : vector<16xi32> to vector<16xi32>
      %swap3A_1841 = vector.shape_cast %add3A_1832 : vector<16xi32> to vector<16xi32>
      tpu.vector_store %arg6[%swap3A_1838], %swap3A_1841 {strides = array<i32>} : memref<24576xi32, #tpu.memory_space<vmem>>, vector<16xi32>,
      %add3A_1842 = arith.constant 0 : i32
      %add3A_1843 = arith.addi %mul3A_1713, %add3A_1842 : i32
      %add3A_1844 = arith.constant 8 : i32
      %add3A_1845 = arith.addi %add3A_1843, %add3A_1844 : i32
      %multiple_of3A_1846 = tpu.assume_multiple %add3A_1845, 8 : i32
      %get3A_1847 = arith.index_cast %multiple_of3A_1846 : i32 to index
      %get3A_1848 = tpu.vector_load %arg5[%get3A_1847] {strides = array<i32>} : memref<24576xi32, #tpu.memory_space<vmem>>, vector<16xi32>,
      %get3A_1849 = vector.shape_cast %get3A_1848 : vector<16xi32> to vector<16xi32>
      %add3A_1850 = arith.constant 48 : i32
      %add3A_1851 = arith.addi %add3A_1845, %add3A_1850 : i32
      %sub3A_1852 = arith.constant 8 : i32
      %sub3A_1853 = arith.subi %add3A_1851, %sub3A_1852 : i32
      %multiple_of3A_1854 = tpu.assume_multiple %sub3A_1853, 8 : i32
      %get3A_1855 = arith.index_cast %multiple_of3A_1854 : i32 to index
      %get3A_1856 = tpu.vector_load %arg5[%get3A_1855] {strides = array<i32>} : memref<24576xi32, #tpu.memory_space<vmem>>, vector<16xi32>,
      %get3A_1857 = vector.shape_cast %get3A_1856 : vector<16xi32> to vector<16xi32>
      %select_n3A_1858 = arith.select %lt3A_8, %get3A_1849, %get3A_1857 : vector<16xi1>, vector<16xi32>
      %add3A_1859 = arith.constant 8 : i32
      %add3A_1860 = vector.broadcast %add3A_1859 : i32 to vector<16xi32>
      %add3A_1861 = arith.addi %add3A_1860, %rem3A_6 : vector<16xi32>
      %mul3A_1862 = arith.constant 256 : i32
      %mul3A_1863 = vector.broadcast %mul3A_1862 : i32 to vector<16xi32>
      %mul3A_1864 = arith.muli %add3A_1861, %mul3A_1863 : vector<16xi32>
      %add3A_1865 = arith.addi %select_n3A_1858, %mul3A_1864 : vector<16xi32>
      %add3A_1866 = arith.constant 64 : i32
      %add3A_1867 = arith.addi %multiple_of3A_1711, %add3A_1866 : i32
      %add3A_1868 = arith.constant 0 : i32
      %add3A_1869 = arith.addi %add3A_1867, %add3A_1868 : i32
      %multiple_of3A_1870 = tpu.assume_multiple %add3A_1869, 16 : i32
      %swap3A_1871 = arith.index_cast %multiple_of3A_1870 : i32 to index
      %swap3A_1872 = tpu.vector_load %arg6[%swap3A_1871] {strides = array<i32>} : memref<24576xi32, #tpu.memory_space<vmem>>, vector<16xi32>,
      %swap3A_1873 = vector.shape_cast %swap3A_1872 : vector<16xi32> to vector<16xi32>
      %swap3A_1874 = vector.shape_cast %add3A_1865 : vector<16xi32> to vector<16xi32>
      tpu.vector_store %arg6[%swap3A_1871], %swap3A_1874 {strides = array<i32>} : memref<24576xi32, #tpu.memory_space<vmem>>, vector<16xi32>,
      %add3A_1875 = arith.constant 96 : i32
      %add3A_1876 = arith.addi %mul3A_1713, %add3A_1875 : i32
      %add3A_1877 = arith.constant 8 : i32
      %add3A_1878 = arith.addi %add3A_1876, %add3A_1877 : i32
      %multiple_of3A_1879 = tpu.assume_multiple %add3A_1878, 8 : i32
      %get3A_1880 = arith.index_cast %multiple_of3A_1879 : i32 to index
      %get3A_1881 = tpu.vector_load %arg5[%get3A_1880] {strides = array<i32>} : memref<24576xi32, #tpu.memory_space<vmem>>, vector<16xi32>,
      %get3A_1882 = vector.shape_cast %get3A_1881 : vector<16xi32> to vector<16xi32>
      %add3A_1883 = arith.constant 48 : i32
      %add3A_1884 = arith.addi %add3A_1878, %add3A_1883 : i32
      %sub3A_1885 = arith.constant 8 : i32
      %sub3A_1886 = arith.subi %add3A_1884, %sub3A_1885 : i32
      %multiple_of3A_1887 = tpu.assume_multiple %sub3A_1886, 8 : i32
      %get3A_1888 = arith.index_cast %multiple_of3A_1887 : i32 to index
      %get3A_1889 = tpu.vector_load %arg5[%get3A_1888] {strides = array<i32>} : memref<24576xi32, #tpu.memory_space<vmem>>, vector<16xi32>,
      %get3A_1890 = vector.shape_cast %get3A_1889 : vector<16xi32> to vector<16xi32>
      %select_n3A_1891 = arith.select %lt3A_8, %get3A_1882, %get3A_1890 : vector<16xi1>, vector<16xi32>
      %add3A_1892 = arith.constant 8 : i32
      %add3A_1893 = vector.broadcast %add3A_1892 : i32 to vector<16xi32>
      %add3A_1894 = arith.addi %add3A_1893, %rem3A_6 : vector<16xi32>
      %mul3A_1895 = arith.constant 256 : i32
      %mul3A_1896 = vector.broadcast %mul3A_1895 : i32 to vector<16xi32>
      %mul3A_1897 = arith.muli %add3A_1894, %mul3A_1896 : vector<16xi32>
      %add3A_1898 = arith.addi %select_n3A_1891, %mul3A_1897 : vector<16xi32>
      %add3A_1899 = arith.constant 64 : i32
      %add3A_1900 = arith.addi %multiple_of3A_1711, %add3A_1899 : i32
      %add3A_1901 = arith.constant 16 : i32
      %add3A_1902 = arith.addi %add3A_1900, %add3A_1901 : i32
      %multiple_of3A_1903 = tpu.assume_multiple %add3A_1902, 16 : i32
      %swap3A_1904 = arith.index_cast %multiple_of3A_1903 : i32 to index
      %swap3A_1905 = tpu.vector_load %arg6[%swap3A_1904] {strides = array<i32>} : memref<24576xi32, #tpu.memory_space<vmem>>, vector<16xi32>,
      %swap3A_1906 = vector.shape_cast %swap3A_1905 : vector<16xi32> to vector<16xi32>
      %swap3A_1907 = vector.shape_cast %add3A_1898 : vector<16xi32> to vector<16xi32>
      tpu.vector_store %arg6[%swap3A_1904], %swap3A_1907 {strides = array<i32>} : memref<24576xi32, #tpu.memory_space<vmem>>, vector<16xi32>,
      %add3A_1908 = arith.constant 192 : i32
      %add3A_1909 = arith.addi %mul3A_1713, %add3A_1908 : i32
      %add3A_1910 = arith.constant 8 : i32
      %add3A_1911 = arith.addi %add3A_1909, %add3A_1910 : i32
      %multiple_of3A_1912 = tpu.assume_multiple %add3A_1911, 8 : i32
      %get3A_1913 = arith.index_cast %multiple_of3A_1912 : i32 to index
      %get3A_1914 = tpu.vector_load %arg5[%get3A_1913] {strides = array<i32>} : memref<24576xi32, #tpu.memory_space<vmem>>, vector<16xi32>,
      %get3A_1915 = vector.shape_cast %get3A_1914 : vector<16xi32> to vector<16xi32>
      %add3A_1916 = arith.constant 48 : i32
      %add3A_1917 = arith.addi %add3A_1911, %add3A_1916 : i32
      %sub3A_1918 = arith.constant 8 : i32
      %sub3A_1919 = arith.subi %add3A_1917, %sub3A_1918 : i32
      %multiple_of3A_1920 = tpu.assume_multiple %sub3A_1919, 8 : i32
      %get3A_1921 = arith.index_cast %multiple_of3A_1920 : i32 to index
      %get3A_1922 = tpu.vector_load %arg5[%get3A_1921] {strides = array<i32>} : memref<24576xi32, #tpu.memory_space<vmem>>, vector<16xi32>,
      %get3A_1923 = vector.shape_cast %get3A_1922 : vector<16xi32> to vector<16xi32>
      %select_n3A_1924 = arith.select %lt3A_8, %get3A_1915, %get3A_1923 : vector<16xi1>, vector<16xi32>
      %add3A_1925 = arith.constant 8 : i32
      %add3A_1926 = vector.broadcast %add3A_1925 : i32 to vector<16xi32>
      %add3A_1927 = arith.addi %add3A_1926, %rem3A_6 : vector<16xi32>
      %mul3A_1928 = arith.constant 256 : i32
      %mul3A_1929 = vector.broadcast %mul3A_1928 : i32 to vector<16xi32>
      %mul3A_1930 = arith.muli %add3A_1927, %mul3A_1929 : vector<16xi32>
      %add3A_1931 = arith.addi %select_n3A_1924, %mul3A_1930 : vector<16xi32>
      %add3A_1932 = arith.constant 64 : i32
      %add3A_1933 = arith.addi %multiple_of3A_1711, %add3A_1932 : i32
      %add3A_1934 = arith.constant 32 : i32
      %add3A_1935 = arith.addi %add3A_1933, %add3A_1934 : i32
      %multiple_of3A_1936 = tpu.assume_multiple %add3A_1935, 16 : i32
      %swap3A_1937 = arith.index_cast %multiple_of3A_1936 : i32 to index
      %swap3A_1938 = tpu.vector_load %arg6[%swap3A_1937] {strides = array<i32>} : memref<24576xi32, #tpu.memory_space<vmem>>, vector<16xi32>,
      %swap3A_1939 = vector.shape_cast %swap3A_1938 : vector<16xi32> to vector<16xi32>
      %swap3A_1940 = vector.shape_cast %add3A_1931 : vector<16xi32> to vector<16xi32>
      tpu.vector_store %arg6[%swap3A_1937], %swap3A_1940 {strides = array<i32>} : memref<24576xi32, #tpu.memory_space<vmem>>, vector<16xi32>,
      %add3A_1941 = arith.constant 288 : i32
      %add3A_1942 = arith.addi %mul3A_1713, %add3A_1941 : i32
      %add3A_1943 = arith.constant 8 : i32
      %add3A_1944 = arith.addi %add3A_1942, %add3A_1943 : i32
      %multiple_of3A_1945 = tpu.assume_multiple %add3A_1944, 8 : i32
      %get3A_1946 = arith.index_cast %multiple_of3A_1945 : i32 to index
      %get3A_1947 = tpu.vector_load %arg5[%get3A_1946] {strides = array<i32>} : memref<24576xi32, #tpu.memory_space<vmem>>, vector<16xi32>,
      %get3A_1948 = vector.shape_cast %get3A_1947 : vector<16xi32> to vector<16xi32>
      %add3A_1949 = arith.constant 48 : i32
      %add3A_1950 = arith.addi %add3A_1944, %add3A_1949 : i32
      %sub3A_1951 = arith.constant 8 : i32
      %sub3A_1952 = arith.subi %add3A_1950, %sub3A_1951 : i32
      %multiple_of3A_1953 = tpu.assume_multiple %sub3A_1952, 8 : i32
      %get3A_1954 = arith.index_cast %multiple_of3A_1953 : i32 to index
      %get3A_1955 = tpu.vector_load %arg5[%get3A_1954] {strides = array<i32>} : memref<24576xi32, #tpu.memory_space<vmem>>, vector<16xi32>,
      %get3A_1956 = vector.shape_cast %get3A_1955 : vector<16xi32> to vector<16xi32>
      %select_n3A_1957 = arith.select %lt3A_8, %get3A_1948, %get3A_1956 : vector<16xi1>, vector<16xi32>
      %add3A_1958 = arith.constant 8 : i32
      %add3A_1959 = vector.broadcast %add3A_1958 : i32 to vector<16xi32>
      %add3A_1960 = arith.addi %add3A_1959, %rem3A_6 : vector<16xi32>
      %mul3A_1961 = arith.constant 256 : i32
      %mul3A_1962 = vector.broadcast %mul3A_1961 : i32 to vector<16xi32>
      %mul3A_1963 = arith.muli %add3A_1960, %mul3A_1962 : vector<16xi32>
      %add3A_1964 = arith.addi %select_n3A_1957, %mul3A_1963 : vector<16xi32>
      %add3A_1965 = arith.constant 64 : i32
      %add3A_1966 = arith.addi %multiple_of3A_1711, %add3A_1965 : i32
      %add3A_1967 = arith.constant 48 : i32
      %add3A_1968 = arith.addi %add3A_1966, %add3A_1967 : i32
      %multiple_of3A_1969 = tpu.assume_multiple %add3A_1968, 16 : i32
      %swap3A_1970 = arith.index_cast %multiple_of3A_1969 : i32 to index
      %swap3A_1971 = tpu.vector_load %arg6[%swap3A_1970] {strides = array<i32>} : memref<24576xi32, #tpu.memory_space<vmem>>, vector<16xi32>,
      %swap3A_1972 = vector.shape_cast %swap3A_1971 : vector<16xi32> to vector<16xi32>
      %swap3A_1973 = vector.shape_cast %add3A_1964 : vector<16xi32> to vector<16xi32>
      tpu.vector_store %arg6[%swap3A_1970], %swap3A_1973 {strides = array<i32>} : memref<24576xi32, #tpu.memory_space<vmem>>, vector<16xi32>,
      %add3A_1974 = arith.constant 0 : i32
      %add3A_1975 = arith.addi %mul3A_1713, %add3A_1974 : i32
      %add3A_1976 = arith.constant 16 : i32
      %add3A_1977 = arith.addi %add3A_1975, %add3A_1976 : i32
      %multiple_of3A_1978 = tpu.assume_multiple %add3A_1977, 8 : i32
      %get3A_1979 = arith.index_cast %multiple_of3A_1978 : i32 to index
      %get3A_1980 = tpu.vector_load %arg5[%get3A_1979] {strides = array<i32>} : memref<24576xi32, #tpu.memory_space<vmem>>, vector<16xi32>,
      %get3A_1981 = vector.shape_cast %get3A_1980 : vector<16xi32> to vector<16xi32>
      %add3A_1982 = arith.constant 48 : i32
      %add3A_1983 = arith.addi %add3A_1977, %add3A_1982 : i32
      %sub3A_1984 = arith.constant 8 : i32
      %sub3A_1985 = arith.subi %add3A_1983, %sub3A_1984 : i32
      %multiple_of3A_1986 = tpu.assume_multiple %sub3A_1985, 8 : i32
      %get3A_1987 = arith.index_cast %multiple_of3A_1986 : i32 to index
      %get3A_1988 = tpu.vector_load %arg5[%get3A_1987] {strides = array<i32>} : memref<24576xi32, #tpu.memory_space<vmem>>, vector<16xi32>,
      %get3A_1989 = vector.shape_cast %get3A_1988 : vector<16xi32> to vector<16xi32>
      %select_n3A_1990 = arith.select %lt3A_8, %get3A_1981, %get3A_1989 : vector<16xi1>, vector<16xi32>
      %add3A_1991 = arith.constant 16 : i32
      %add3A_1992 = vector.broadcast %add3A_1991 : i32 to vector<16xi32>
      %add3A_1993 = arith.addi %add3A_1992, %rem3A_6 : vector<16xi32>
      %mul3A_1994 = arith.constant 256 : i32
      %mul3A_1995 = vector.broadcast %mul3A_1994 : i32 to vector<16xi32>
      %mul3A_1996 = arith.muli %add3A_1993, %mul3A_1995 : vector<16xi32>
      %add3A_1997 = arith.addi %select_n3A_1990, %mul3A_1996 : vector<16xi32>
      %add3A_1998 = arith.constant 128 : i32
      %add3A_1999 = arith.addi %multiple_of3A_1711, %add3A_1998 : i32
      %add3A_2000 = arith.constant 0 : i32
      %add3A_2001 = arith.addi %add3A_1999, %add3A_2000 : i32
      %multiple_of3A_2002 = tpu.assume_multiple %add3A_2001, 16 : i32
      %swap3A_2003 = arith.index_cast %multiple_of3A_2002 : i32 to index
      %swap3A_2004 = tpu.vector_load %arg6[%swap3A_2003] {strides = array<i32>} : memref<24576xi32, #tpu.memory_space<vmem>>, vector<16xi32>,
      %swap3A_2005 = vector.shape_cast %swap3A_2004 : vector<16xi32> to vector<16xi32>
      %swap3A_2006 = vector.shape_cast %add3A_1997 : vector<16xi32> to vector<16xi32>
      tpu.vector_store %arg6[%swap3A_2003], %swap3A_2006 {strides = array<i32>} : memref<24576xi32, #tpu.memory_space<vmem>>, vector<16xi32>,
      %add3A_2007 = arith.constant 96 : i32
      %add3A_2008 = arith.addi %mul3A_1713, %add3A_2007 : i32
      %add3A_2009 = arith.constant 16 : i32
      %add3A_2010 = arith.addi %add3A_2008, %add3A_2009 : i32
      %multiple_of3A_2011 = tpu.assume_multiple %add3A_2010, 8 : i32
      %get3A_2012 = arith.index_cast %multiple_of3A_2011 : i32 to index
      %get3A_2013 = tpu.vector_load %arg5[%get3A_2012] {strides = array<i32>} : memref<24576xi32, #tpu.memory_space<vmem>>, vector<16xi32>,
      %get3A_2014 = vector.shape_cast %get3A_2013 : vector<16xi32> to vector<16xi32>
      %add3A_2015 = arith.constant 48 : i32
      %add3A_2016 = arith.addi %add3A_2010, %add3A_2015 : i32
      %sub3A_2017 = arith.constant 8 : i32
      %sub3A_2018 = arith.subi %add3A_2016, %sub3A_2017 : i32
      %multiple_of3A_2019 = tpu.assume_multiple %sub3A_2018, 8 : i32
      %get3A_2020 = arith.index_cast %multiple_of3A_2019 : i32 to index
      %get3A_2021 = tpu.vector_load %arg5[%get3A_2020] {strides = array<i32>} : memref<24576xi32, #tpu.memory_space<vmem>>, vector<16xi32>,
      %get3A_2022 = vector.shape_cast %get3A_2021 : vector<16xi32> to vector<16xi32>
      %select_n3A_2023 = arith.select %lt3A_8, %get3A_2014, %get3A_2022 : vector<16xi1>, vector<16xi32>
      %add3A_2024 = arith.constant 16 : i32
      %add3A_2025 = vector.broadcast %add3A_2024 : i32 to vector<16xi32>
      %add3A_2026 = arith.addi %add3A_2025, %rem3A_6 : vector<16xi32>
      %mul3A_2027 = arith.constant 256 : i32
      %mul3A_2028 = vector.broadcast %mul3A_2027 : i32 to vector<16xi32>
      %mul3A_2029 = arith.muli %add3A_2026, %mul3A_2028 : vector<16xi32>
      %add3A_2030 = arith.addi %select_n3A_2023, %mul3A_2029 : vector<16xi32>
      %add3A_2031 = arith.constant 128 : i32
      %add3A_2032 = arith.addi %multiple_of3A_1711, %add3A_2031 : i32
      %add3A_2033 = arith.constant 16 : i32
      %add3A_2034 = arith.addi %add3A_2032, %add3A_2033 : i32
      %multiple_of3A_2035 = tpu.assume_multiple %add3A_2034, 16 : i32
      %swap3A_2036 = arith.index_cast %multiple_of3A_2035 : i32 to index
      %swap3A_2037 = tpu.vector_load %arg6[%swap3A_2036] {strides = array<i32>} : memref<24576xi32, #tpu.memory_space<vmem>>, vector<16xi32>,
      %swap3A_2038 = vector.shape_cast %swap3A_2037 : vector<16xi32> to vector<16xi32>
      %swap3A_2039 = vector.shape_cast %add3A_2030 : vector<16xi32> to vector<16xi32>
      tpu.vector_store %arg6[%swap3A_2036], %swap3A_2039 {strides = array<i32>} : memref<24576xi32, #tpu.memory_space<vmem>>, vector<16xi32>,
      %add3A_2040 = arith.constant 192 : i32
      %add3A_2041 = arith.addi %mul3A_1713, %add3A_2040 : i32
      %add3A_2042 = arith.constant 16 : i32
      %add3A_2043 = arith.addi %add3A_2041, %add3A_2042 : i32
      %multiple_of3A_2044 = tpu.assume_multiple %add3A_2043, 8 : i32
      %get3A_2045 = arith.index_cast %multiple_of3A_2044 : i32 to index
      %get3A_2046 = tpu.vector_load %arg5[%get3A_2045] {strides = array<i32>} : memref<24576xi32, #tpu.memory_space<vmem>>, vector<16xi32>,
      %get3A_2047 = vector.shape_cast %get3A_2046 : vector<16xi32> to vector<16xi32>
      %add3A_2048 = arith.constant 48 : i32
      %add3A_2049 = arith.addi %add3A_2043, %add3A_2048 : i32
      %sub3A_2050 = arith.constant 8 : i32
      %sub3A_2051 = arith.subi %add3A_2049, %sub3A_2050 : i32
      %multiple_of3A_2052 = tpu.assume_multiple %sub3A_2051, 8 : i32
      %get3A_2053 = arith.index_cast %multiple_of3A_2052 : i32 to index
      %get3A_2054 = tpu.vector_load %arg5[%get3A_2053] {strides = array<i32>} : memref<24576xi32, #tpu.memory_space<vmem>>, vector<16xi32>,
      %get3A_2055 = vector.shape_cast %get3A_2054 : vector<16xi32> to vector<16xi32>
      %select_n3A_2056 = arith.select %lt3A_8, %get3A_2047, %get3A_2055 : vector<16xi1>, vector<16xi32>
      %add3A_2057 = arith.constant 16 : i32
      %add3A_2058 = vector.broadcast %add3A_2057 : i32 to vector<16xi32>
      %add3A_2059 = arith.addi %add3A_2058, %rem3A_6 : vector<16xi32>
      %mul3A_2060 = arith.constant 256 : i32
      %mul3A_2061 = vector.broadcast %mul3A_2060 : i32 to vector<16xi32>
      %mul3A_2062 = arith.muli %add3A_2059, %mul3A_2061 : vector<16xi32>
      %add3A_2063 = arith.addi %select_n3A_2056, %mul3A_2062 : vector<16xi32>
      %add3A_2064 = arith.constant 128 : i32
      %add3A_2065 = arith.addi %multiple_of3A_1711, %add3A_2064 : i32
      %add3A_2066 = arith.constant 32 : i32
      %add3A_2067 = arith.addi %add3A_2065, %add3A_2066 : i32
      %multiple_of3A_2068 = tpu.assume_multiple %add3A_2067, 16 : i32
      %swap3A_2069 = arith.index_cast %multiple_of3A_2068 : i32 to index
      %swap3A_2070 = tpu.vector_load %arg6[%swap3A_2069] {strides = array<i32>} : memref<24576xi32, #tpu.memory_space<vmem>>, vector<16xi32>,
      %swap3A_2071 = vector.shape_cast %swap3A_2070 : vector<16xi32> to vector<16xi32>
      %swap3A_2072 = vector.shape_cast %add3A_2063 : vector<16xi32> to vector<16xi32>
      tpu.vector_store %arg6[%swap3A_2069], %swap3A_2072 {strides = array<i32>} : memref<24576xi32, #tpu.memory_space<vmem>>, vector<16xi32>,
      %add3A_2073 = arith.constant 288 : i32
      %add3A_2074 = arith.addi %mul3A_1713, %add3A_2073 : i32
      %add3A_2075 = arith.constant 16 : i32
      %add3A_2076 = arith.addi %add3A_2074, %add3A_2075 : i32
      %multiple_of3A_2077 = tpu.assume_multiple %add3A_2076, 8 : i32
      %get3A_2078 = arith.index_cast %multiple_of3A_2077 : i32 to index
      %get3A_2079 = tpu.vector_load %arg5[%get3A_2078] {strides = array<i32>} : memref<24576xi32, #tpu.memory_space<vmem>>, vector<16xi32>,
      %get3A_2080 = vector.shape_cast %get3A_2079 : vector<16xi32> to vector<16xi32>
      %add3A_2081 = arith.constant 48 : i32
      %add3A_2082 = arith.addi %add3A_2076, %add3A_2081 : i32
      %sub3A_2083 = arith.constant 8 : i32
      %sub3A_2084 = arith.subi %add3A_2082, %sub3A_2083 : i32
      %multiple_of3A_2085 = tpu.assume_multiple %sub3A_2084, 8 : i32
      %get3A_2086 = arith.index_cast %multiple_of3A_2085 : i32 to index
      %get3A_2087 = tpu.vector_load %arg5[%get3A_2086] {strides = array<i32>} : memref<24576xi32, #tpu.memory_space<vmem>>, vector<16xi32>,
      %get3A_2088 = vector.shape_cast %get3A_2087 : vector<16xi32> to vector<16xi32>
      %select_n3A_2089 = arith.select %lt3A_8, %get3A_2080, %get3A_2088 : vector<16xi1>, vector<16xi32>
      %add3A_2090 = arith.constant 16 : i32
      %add3A_2091 = vector.broadcast %add3A_2090 : i32 to vector<16xi32>
      %add3A_2092 = arith.addi %add3A_2091, %rem3A_6 : vector<16xi32>
      %mul3A_2093 = arith.constant 256 : i32
      %mul3A_2094 = vector.broadcast %mul3A_2093 : i32 to vector<16xi32>
      %mul3A_2095 = arith.muli %add3A_2092, %mul3A_2094 : vector<16xi32>
      %add3A_2096 = arith.addi %select_n3A_2089, %mul3A_2095 : vector<16xi32>
      %add3A_2097 = arith.constant 128 : i32
      %add3A_2098 = arith.addi %multiple_of3A_1711, %add3A_2097 : i32
      %add3A_2099 = arith.constant 48 : i32
      %add3A_2100 = arith.addi %add3A_2098, %add3A_2099 : i32
      %multiple_of3A_2101 = tpu.assume_multiple %add3A_2100, 16 : i32
      %swap3A_2102 = arith.index_cast %multiple_of3A_2101 : i32 to index
      %swap3A_2103 = tpu.vector_load %arg6[%swap3A_2102] {strides = array<i32>} : memref<24576xi32, #tpu.memory_space<vmem>>, vector<16xi32>,
      %swap3A_2104 = vector.shape_cast %swap3A_2103 : vector<16xi32> to vector<16xi32>
      %swap3A_2105 = vector.shape_cast %add3A_2096 : vector<16xi32> to vector<16xi32>
      tpu.vector_store %arg6[%swap3A_2102], %swap3A_2105 {strides = array<i32>} : memref<24576xi32, #tpu.memory_space<vmem>>, vector<16xi32>,
      %add3A_2106 = arith.constant 0 : i32
      %add3A_2107 = arith.addi %mul3A_1713, %add3A_2106 : i32
      %add3A_2108 = arith.constant 24 : i32
      %add3A_2109 = arith.addi %add3A_2107, %add3A_2108 : i32
      %multiple_of3A_2110 = tpu.assume_multiple %add3A_2109, 8 : i32
      %get3A_2111 = arith.index_cast %multiple_of3A_2110 : i32 to index
      %get3A_2112 = tpu.vector_load %arg5[%get3A_2111] {strides = array<i32>} : memref<24576xi32, #tpu.memory_space<vmem>>, vector<16xi32>,
      %get3A_2113 = vector.shape_cast %get3A_2112 : vector<16xi32> to vector<16xi32>
      %add3A_2114 = arith.constant 48 : i32
      %add3A_2115 = arith.addi %add3A_2109, %add3A_2114 : i32
      %sub3A_2116 = arith.constant 8 : i32
      %sub3A_2117 = arith.subi %add3A_2115, %sub3A_2116 : i32
      %multiple_of3A_2118 = tpu.assume_multiple %sub3A_2117, 8 : i32
      %get3A_2119 = arith.index_cast %multiple_of3A_2118 : i32 to index
      %get3A_2120 = tpu.vector_load %arg5[%get3A_2119] {strides = array<i32>} : memref<24576xi32, #tpu.memory_space<vmem>>, vector<16xi32>,
      %get3A_2121 = vector.shape_cast %get3A_2120 : vector<16xi32> to vector<16xi32>
      %select_n3A_2122 = arith.select %lt3A_8, %get3A_2113, %get3A_2121 : vector<16xi1>, vector<16xi32>
      %add3A_2123 = arith.constant 24 : i32
      %add3A_2124 = vector.broadcast %add3A_2123 : i32 to vector<16xi32>
      %add3A_2125 = arith.addi %add3A_2124, %rem3A_6 : vector<16xi32>
      %mul3A_2126 = arith.constant 256 : i32
      %mul3A_2127 = vector.broadcast %mul3A_2126 : i32 to vector<16xi32>
      %mul3A_2128 = arith.muli %add3A_2125, %mul3A_2127 : vector<16xi32>
      %add3A_2129 = arith.addi %select_n3A_2122, %mul3A_2128 : vector<16xi32>
      %add3A_2130 = arith.constant 192 : i32
      %add3A_2131 = arith.addi %multiple_of3A_1711, %add3A_2130 : i32
      %add3A_2132 = arith.constant 0 : i32
      %add3A_2133 = arith.addi %add3A_2131, %add3A_2132 : i32
      %multiple_of3A_2134 = tpu.assume_multiple %add3A_2133, 16 : i32
      %swap3A_2135 = arith.index_cast %multiple_of3A_2134 : i32 to index
      %swap3A_2136 = tpu.vector_load %arg6[%swap3A_2135] {strides = array<i32>} : memref<24576xi32, #tpu.memory_space<vmem>>, vector<16xi32>,
      %swap3A_2137 = vector.shape_cast %swap3A_2136 : vector<16xi32> to vector<16xi32>
      %swap3A_2138 = vector.shape_cast %add3A_2129 : vector<16xi32> to vector<16xi32>
      tpu.vector_store %arg6[%swap3A_2135], %swap3A_2138 {strides = array<i32>} : memref<24576xi32, #tpu.memory_space<vmem>>, vector<16xi32>,
      %add3A_2139 = arith.constant 96 : i32
      %add3A_2140 = arith.addi %mul3A_1713, %add3A_2139 : i32
      %add3A_2141 = arith.constant 24 : i32
      %add3A_2142 = arith.addi %add3A_2140, %add3A_2141 : i32
      %multiple_of3A_2143 = tpu.assume_multiple %add3A_2142, 8 : i32
      %get3A_2144 = arith.index_cast %multiple_of3A_2143 : i32 to index
      %get3A_2145 = tpu.vector_load %arg5[%get3A_2144] {strides = array<i32>} : memref<24576xi32, #tpu.memory_space<vmem>>, vector<16xi32>,
      %get3A_2146 = vector.shape_cast %get3A_2145 : vector<16xi32> to vector<16xi32>
      %add3A_2147 = arith.constant 48 : i32
      %add3A_2148 = arith.addi %add3A_2142, %add3A_2147 : i32
      %sub3A_2149 = arith.constant 8 : i32
      %sub3A_2150 = arith.subi %add3A_2148, %sub3A_2149 : i32
      %multiple_of3A_2151 = tpu.assume_multiple %sub3A_2150, 8 : i32
      %get3A_2152 = arith.index_cast %multiple_of3A_2151 : i32 to index
      %get3A_2153 = tpu.vector_load %arg5[%get3A_2152] {strides = array<i32>} : memref<24576xi32, #tpu.memory_space<vmem>>, vector<16xi32>,
      %get3A_2154 = vector.shape_cast %get3A_2153 : vector<16xi32> to vector<16xi32>
      %select_n3A_2155 = arith.select %lt3A_8, %get3A_2146, %get3A_2154 : vector<16xi1>, vector<16xi32>
      %add3A_2156 = arith.constant 24 : i32
      %add3A_2157 = vector.broadcast %add3A_2156 : i32 to vector<16xi32>
      %add3A_2158 = arith.addi %add3A_2157, %rem3A_6 : vector<16xi32>
      %mul3A_2159 = arith.constant 256 : i32
      %mul3A_2160 = vector.broadcast %mul3A_2159 : i32 to vector<16xi32>
      %mul3A_2161 = arith.muli %add3A_2158, %mul3A_2160 : vector<16xi32>
      %add3A_2162 = arith.addi %select_n3A_2155, %mul3A_2161 : vector<16xi32>
      %add3A_2163 = arith.constant 192 : i32
      %add3A_2164 = arith.addi %multiple_of3A_1711, %add3A_2163 : i32
      %add3A_2165 = arith.constant 16 : i32
      %add3A_2166 = arith.addi %add3A_2164, %add3A_2165 : i32
      %multiple_of3A_2167 = tpu.assume_multiple %add3A_2166, 16 : i32
      %swap3A_2168 = arith.index_cast %multiple_of3A_2167 : i32 to index
      %swap3A_2169 = tpu.vector_load %arg6[%swap3A_2168] {strides = array<i32>} : memref<24576xi32, #tpu.memory_space<vmem>>, vector<16xi32>,
      %swap3A_2170 = vector.shape_cast %swap3A_2169 : vector<16xi32> to vector<16xi32>
      %swap3A_2171 = vector.shape_cast %add3A_2162 : vector<16xi32> to vector<16xi32>
      tpu.vector_store %arg6[%swap3A_2168], %swap3A_2171 {strides = array<i32>} : memref<24576xi32, #tpu.memory_space<vmem>>, vector<16xi32>,
      %add3A_2172 = arith.constant 192 : i32
      %add3A_2173 = arith.addi %mul3A_1713, %add3A_2172 : i32
      %add3A_2174 = arith.constant 24 : i32
      %add3A_2175 = arith.addi %add3A_2173, %add3A_2174 : i32
      %multiple_of3A_2176 = tpu.assume_multiple %add3A_2175, 8 : i32
      %get3A_2177 = arith.index_cast %multiple_of3A_2176 : i32 to index
      %get3A_2178 = tpu.vector_load %arg5[%get3A_2177] {strides = array<i32>} : memref<24576xi32, #tpu.memory_space<vmem>>, vector<16xi32>,
      %get3A_2179 = vector.shape_cast %get3A_2178 : vector<16xi32> to vector<16xi32>
      %add3A_2180 = arith.constant 48 : i32
      %add3A_2181 = arith.addi %add3A_2175, %add3A_2180 : i32
      %sub3A_2182 = arith.constant 8 : i32
      %sub3A_2183 = arith.subi %add3A_2181, %sub3A_2182 : i32
      %multiple_of3A_2184 = tpu.assume_multiple %sub3A_2183, 8 : i32
      %get3A_2185 = arith.index_cast %multiple_of3A_2184 : i32 to index
      %get3A_2186 = tpu.vector_load %arg5[%get3A_2185] {strides = array<i32>} : memref<24576xi32, #tpu.memory_space<vmem>>, vector<16xi32>,
      %get3A_2187 = vector.shape_cast %get3A_2186 : vector<16xi32> to vector<16xi32>
      %select_n3A_2188 = arith.select %lt3A_8, %get3A_2179, %get3A_2187 : vector<16xi1>, vector<16xi32>
      %add3A_2189 = arith.constant 24 : i32
      %add3A_2190 = vector.broadcast %add3A_2189 : i32 to vector<16xi32>
      %add3A_2191 = arith.addi %add3A_2190, %rem3A_6 : vector<16xi32>
      %mul3A_2192 = arith.constant 256 : i32
      %mul3A_2193 = vector.broadcast %mul3A_2192 : i32 to vector<16xi32>
      %mul3A_2194 = arith.muli %add3A_2191, %mul3A_2193 : vector<16xi32>
      %add3A_2195 = arith.addi %select_n3A_2188, %mul3A_2194 : vector<16xi32>
      %add3A_2196 = arith.constant 192 : i32
      %add3A_2197 = arith.addi %multiple_of3A_1711, %add3A_2196 : i32
      %add3A_2198 = arith.constant 32 : i32
      %add3A_2199 = arith.addi %add3A_2197, %add3A_2198 : i32
      %multiple_of3A_2200 = tpu.assume_multiple %add3A_2199, 16 : i32
      %swap3A_2201 = arith.index_cast %multiple_of3A_2200 : i32 to index
      %swap3A_2202 = tpu.vector_load %arg6[%swap3A_2201] {strides = array<i32>} : memref<24576xi32, #tpu.memory_space<vmem>>, vector<16xi32>,
      %swap3A_2203 = vector.shape_cast %swap3A_2202 : vector<16xi32> to vector<16xi32>
      %swap3A_2204 = vector.shape_cast %add3A_2195 : vector<16xi32> to vector<16xi32>
      tpu.vector_store %arg6[%swap3A_2201], %swap3A_2204 {strides = array<i32>} : memref<24576xi32, #tpu.memory_space<vmem>>, vector<16xi32>,
      %add3A_2205 = arith.constant 288 : i32
      %add3A_2206 = arith.addi %mul3A_1713, %add3A_2205 : i32
      %add3A_2207 = arith.constant 24 : i32
      %add3A_2208 = arith.addi %add3A_2206, %add3A_2207 : i32
      %multiple_of3A_2209 = tpu.assume_multiple %add3A_2208, 8 : i32
      %get3A_2210 = arith.index_cast %multiple_of3A_2209 : i32 to index
      %get3A_2211 = tpu.vector_load %arg5[%get3A_2210] {strides = array<i32>} : memref<24576xi32, #tpu.memory_space<vmem>>, vector<16xi32>,
      %get3A_2212 = vector.shape_cast %get3A_2211 : vector<16xi32> to vector<16xi32>
      %add3A_2213 = arith.constant 48 : i32
      %add3A_2214 = arith.addi %add3A_2208, %add3A_2213 : i32
      %sub3A_2215 = arith.constant 8 : i32
      %sub3A_2216 = arith.subi %add3A_2214, %sub3A_2215 : i32
      %multiple_of3A_2217 = tpu.assume_multiple %sub3A_2216, 8 : i32
      %get3A_2218 = arith.index_cast %multiple_of3A_2217 : i32 to index
      %get3A_2219 = tpu.vector_load %arg5[%get3A_2218] {strides = array<i32>} : memref<24576xi32, #tpu.memory_space<vmem>>, vector<16xi32>,
      %get3A_2220 = vector.shape_cast %get3A_2219 : vector<16xi32> to vector<16xi32>
      %select_n3A_2221 = arith.select %lt3A_8, %get3A_2212, %get3A_2220 : vector<16xi1>, vector<16xi32>
      %add3A_2222 = arith.constant 24 : i32
      %add3A_2223 = vector.broadcast %add3A_2222 : i32 to vector<16xi32>
      %add3A_2224 = arith.addi %add3A_2223, %rem3A_6 : vector<16xi32>
      %mul3A_2225 = arith.constant 256 : i32
      %mul3A_2226 = vector.broadcast %mul3A_2225 : i32 to vector<16xi32>
      %mul3A_2227 = arith.muli %add3A_2224, %mul3A_2226 : vector<16xi32>
      %add3A_2228 = arith.addi %select_n3A_2221, %mul3A_2227 : vector<16xi32>
      %add3A_2229 = arith.constant 192 : i32
      %add3A_2230 = arith.addi %multiple_of3A_1711, %add3A_2229 : i32
      %add3A_2231 = arith.constant 48 : i32
      %add3A_2232 = arith.addi %add3A_2230, %add3A_2231 : i32
      %multiple_of3A_2233 = tpu.assume_multiple %add3A_2232, 16 : i32
      %swap3A_2234 = arith.index_cast %multiple_of3A_2233 : i32 to index
      %swap3A_2235 = tpu.vector_load %arg6[%swap3A_2234] {strides = array<i32>} : memref<24576xi32, #tpu.memory_space<vmem>>, vector<16xi32>,
      %swap3A_2236 = vector.shape_cast %swap3A_2235 : vector<16xi32> to vector<16xi32>
      %swap3A_2237 = vector.shape_cast %add3A_2228 : vector<16xi32> to vector<16xi32>
      tpu.vector_store %arg6[%swap3A_2234], %swap3A_2237 {strides = array<i32>} : memref<24576xi32, #tpu.memory_space<vmem>>, vector<16xi32>,
      %add3A_2238 = arith.constant 0 : i32
      %add3A_2239 = arith.addi %mul3A_1713, %add3A_2238 : i32
      %add3A_2240 = arith.constant 32 : i32
      %add3A_2241 = arith.addi %add3A_2239, %add3A_2240 : i32
      %multiple_of3A_2242 = tpu.assume_multiple %add3A_2241, 8 : i32
      %get3A_2243 = arith.index_cast %multiple_of3A_2242 : i32 to index
      %get3A_2244 = tpu.vector_load %arg5[%get3A_2243] {strides = array<i32>} : memref<24576xi32, #tpu.memory_space<vmem>>, vector<16xi32>,
      %get3A_2245 = vector.shape_cast %get3A_2244 : vector<16xi32> to vector<16xi32>
      %add3A_2246 = arith.constant 48 : i32
      %add3A_2247 = arith.addi %add3A_2241, %add3A_2246 : i32
      %sub3A_2248 = arith.constant 8 : i32
      %sub3A_2249 = arith.subi %add3A_2247, %sub3A_2248 : i32
      %multiple_of3A_2250 = tpu.assume_multiple %sub3A_2249, 8 : i32
      %get3A_2251 = arith.index_cast %multiple_of3A_2250 : i32 to index
      %get3A_2252 = tpu.vector_load %arg5[%get3A_2251] {strides = array<i32>} : memref<24576xi32, #tpu.memory_space<vmem>>, vector<16xi32>,
      %get3A_2253 = vector.shape_cast %get3A_2252 : vector<16xi32> to vector<16xi32>
      %select_n3A_2254 = arith.select %lt3A_8, %get3A_2245, %get3A_2253 : vector<16xi1>, vector<16xi32>
      %add3A_2255 = arith.constant 32 : i32
      %add3A_2256 = vector.broadcast %add3A_2255 : i32 to vector<16xi32>
      %add3A_2257 = arith.addi %add3A_2256, %rem3A_6 : vector<16xi32>
      %mul3A_2258 = arith.constant 256 : i32
      %mul3A_2259 = vector.broadcast %mul3A_2258 : i32 to vector<16xi32>
      %mul3A_2260 = arith.muli %add3A_2257, %mul3A_2259 : vector<16xi32>
      %add3A_2261 = arith.addi %select_n3A_2254, %mul3A_2260 : vector<16xi32>
      %add3A_2262 = arith.constant 256 : i32
      %add3A_2263 = arith.addi %multiple_of3A_1711, %add3A_2262 : i32
      %add3A_2264 = arith.constant 0 : i32
      %add3A_2265 = arith.addi %add3A_2263, %add3A_2264 : i32
      %multiple_of3A_2266 = tpu.assume_multiple %add3A_2265, 16 : i32
      %swap3A_2267 = arith.index_cast %multiple_of3A_2266 : i32 to index
      %swap3A_2268 = tpu.vector_load %arg6[%swap3A_2267] {strides = array<i32>} : memref<24576xi32, #tpu.memory_space<vmem>>, vector<16xi32>,
      %swap3A_2269 = vector.shape_cast %swap3A_2268 : vector<16xi32> to vector<16xi32>
      %swap3A_2270 = vector.shape_cast %add3A_2261 : vector<16xi32> to vector<16xi32>
      tpu.vector_store %arg6[%swap3A_2267], %swap3A_2270 {strides = array<i32>} : memref<24576xi32, #tpu.memory_space<vmem>>, vector<16xi32>,
      %add3A_2271 = arith.constant 96 : i32
      %add3A_2272 = arith.addi %mul3A_1713, %add3A_2271 : i32
      %add3A_2273 = arith.constant 32 : i32
      %add3A_2274 = arith.addi %add3A_2272, %add3A_2273 : i32
      %multiple_of3A_2275 = tpu.assume_multiple %add3A_2274, 8 : i32
      %get3A_2276 = arith.index_cast %multiple_of3A_2275 : i32 to index
      %get3A_2277 = tpu.vector_load %arg5[%get3A_2276] {strides = array<i32>} : memref<24576xi32, #tpu.memory_space<vmem>>, vector<16xi32>,
      %get3A_2278 = vector.shape_cast %get3A_2277 : vector<16xi32> to vector<16xi32>
      %add3A_2279 = arith.constant 48 : i32
      %add3A_2280 = arith.addi %add3A_2274, %add3A_2279 : i32
      %sub3A_2281 = arith.constant 8 : i32
      %sub3A_2282 = arith.subi %add3A_2280, %sub3A_2281 : i32
      %multiple_of3A_2283 = tpu.assume_multiple %sub3A_2282, 8 : i32
      %get3A_2284 = arith.index_cast %multiple_of3A_2283 : i32 to index
      %get3A_2285 = tpu.vector_load %arg5[%get3A_2284] {strides = array<i32>} : memref<24576xi32, #tpu.memory_space<vmem>>, vector<16xi32>,
      %get3A_2286 = vector.shape_cast %get3A_2285 : vector<16xi32> to vector<16xi32>
      %select_n3A_2287 = arith.select %lt3A_8, %get3A_2278, %get3A_2286 : vector<16xi1>, vector<16xi32>
      %add3A_2288 = arith.constant 32 : i32
      %add3A_2289 = vector.broadcast %add3A_2288 : i32 to vector<16xi32>
      %add3A_2290 = arith.addi %add3A_2289, %rem3A_6 : vector<16xi32>
      %mul3A_2291 = arith.constant 256 : i32
      %mul3A_2292 = vector.broadcast %mul3A_2291 : i32 to vector<16xi32>
      %mul3A_2293 = arith.muli %add3A_2290, %mul3A_2292 : vector<16xi32>
      %add3A_2294 = arith.addi %select_n3A_2287, %mul3A_2293 : vector<16xi32>
      %add3A_2295 = arith.constant 256 : i32
      %add3A_2296 = arith.addi %multiple_of3A_1711, %add3A_2295 : i32
      %add3A_2297 = arith.constant 16 : i32
      %add3A_2298 = arith.addi %add3A_2296, %add3A_2297 : i32
      %multiple_of3A_2299 = tpu.assume_multiple %add3A_2298, 16 : i32
      %swap3A_2300 = arith.index_cast %multiple_of3A_2299 : i32 to index
      %swap3A_2301 = tpu.vector_load %arg6[%swap3A_2300] {strides = array<i32>} : memref<24576xi32, #tpu.memory_space<vmem>>, vector<16xi32>,
      %swap3A_2302 = vector.shape_cast %swap3A_2301 : vector<16xi32> to vector<16xi32>
      %swap3A_2303 = vector.shape_cast %add3A_2294 : vector<16xi32> to vector<16xi32>
      tpu.vector_store %arg6[%swap3A_2300], %swap3A_2303 {strides = array<i32>} : memref<24576xi32, #tpu.memory_space<vmem>>, vector<16xi32>,
      %add3A_2304 = arith.constant 192 : i32
      %add3A_2305 = arith.addi %mul3A_1713, %add3A_2304 : i32
      %add3A_2306 = arith.constant 32 : i32
      %add3A_2307 = arith.addi %add3A_2305, %add3A_2306 : i32
      %multiple_of3A_2308 = tpu.assume_multiple %add3A_2307, 8 : i32
      %get3A_2309 = arith.index_cast %multiple_of3A_2308 : i32 to index
      %get3A_2310 = tpu.vector_load %arg5[%get3A_2309] {strides = array<i32>} : memref<24576xi32, #tpu.memory_space<vmem>>, vector<16xi32>,
      %get3A_2311 = vector.shape_cast %get3A_2310 : vector<16xi32> to vector<16xi32>
      %add3A_2312 = arith.constant 48 : i32
      %add3A_2313 = arith.addi %add3A_2307, %add3A_2312 : i32
      %sub3A_2314 = arith.constant 8 : i32
      %sub3A_2315 = arith.subi %add3A_2313, %sub3A_2314 : i32
      %multiple_of3A_2316 = tpu.assume_multiple %sub3A_2315, 8 : i32
      %get3A_2317 = arith.index_cast %multiple_of3A_2316 : i32 to index
      %get3A_2318 = tpu.vector_load %arg5[%get3A_2317] {strides = array<i32>} : memref<24576xi32, #tpu.memory_space<vmem>>, vector<16xi32>,
      %get3A_2319 = vector.shape_cast %get3A_2318 : vector<16xi32> to vector<16xi32>
      %select_n3A_2320 = arith.select %lt3A_8, %get3A_2311, %get3A_2319 : vector<16xi1>, vector<16xi32>
      %add3A_2321 = arith.constant 32 : i32
      %add3A_2322 = vector.broadcast %add3A_2321 : i32 to vector<16xi32>
      %add3A_2323 = arith.addi %add3A_2322, %rem3A_6 : vector<16xi32>
      %mul3A_2324 = arith.constant 256 : i32
      %mul3A_2325 = vector.broadcast %mul3A_2324 : i32 to vector<16xi32>
      %mul3A_2326 = arith.muli %add3A_2323, %mul3A_2325 : vector<16xi32>
      %add3A_2327 = arith.addi %select_n3A_2320, %mul3A_2326 : vector<16xi32>
      %add3A_2328 = arith.constant 256 : i32
      %add3A_2329 = arith.addi %multiple_of3A_1711, %add3A_2328 : i32
      %add3A_2330 = arith.constant 32 : i32
      %add3A_2331 = arith.addi %add3A_2329, %add3A_2330 : i32
      %multiple_of3A_2332 = tpu.assume_multiple %add3A_2331, 16 : i32
      %swap3A_2333 = arith.index_cast %multiple_of3A_2332 : i32 to index
      %swap3A_2334 = tpu.vector_load %arg6[%swap3A_2333] {strides = array<i32>} : memref<24576xi32, #tpu.memory_space<vmem>>, vector<16xi32>,
      %swap3A_2335 = vector.shape_cast %swap3A_2334 : vector<16xi32> to vector<16xi32>
      %swap3A_2336 = vector.shape_cast %add3A_2327 : vector<16xi32> to vector<16xi32>
      tpu.vector_store %arg6[%swap3A_2333], %swap3A_2336 {strides = array<i32>} : memref<24576xi32, #tpu.memory_space<vmem>>, vector<16xi32>,
      %add3A_2337 = arith.constant 288 : i32
      %add3A_2338 = arith.addi %mul3A_1713, %add3A_2337 : i32
      %add3A_2339 = arith.constant 32 : i32
      %add3A_2340 = arith.addi %add3A_2338, %add3A_2339 : i32
      %multiple_of3A_2341 = tpu.assume_multiple %add3A_2340, 8 : i32
      %get3A_2342 = arith.index_cast %multiple_of3A_2341 : i32 to index
      %get3A_2343 = tpu.vector_load %arg5[%get3A_2342] {strides = array<i32>} : memref<24576xi32, #tpu.memory_space<vmem>>, vector<16xi32>,
      %get3A_2344 = vector.shape_cast %get3A_2343 : vector<16xi32> to vector<16xi32>
      %add3A_2345 = arith.constant 48 : i32
      %add3A_2346 = arith.addi %add3A_2340, %add3A_2345 : i32
      %sub3A_2347 = arith.constant 8 : i32
      %sub3A_2348 = arith.subi %add3A_2346, %sub3A_2347 : i32
      %multiple_of3A_2349 = tpu.assume_multiple %sub3A_2348, 8 : i32
      %get3A_2350 = arith.index_cast %multiple_of3A_2349 : i32 to index
      %get3A_2351 = tpu.vector_load %arg5[%get3A_2350] {strides = array<i32>} : memref<24576xi32, #tpu.memory_space<vmem>>, vector<16xi32>,
      %get3A_2352 = vector.shape_cast %get3A_2351 : vector<16xi32> to vector<16xi32>
      %select_n3A_2353 = arith.select %lt3A_8, %get3A_2344, %get3A_2352 : vector<16xi1>, vector<16xi32>
      %add3A_2354 = arith.constant 32 : i32
      %add3A_2355 = vector.broadcast %add3A_2354 : i32 to vector<16xi32>
      %add3A_2356 = arith.addi %add3A_2355, %rem3A_6 : vector<16xi32>
      %mul3A_2357 = arith.constant 256 : i32
      %mul3A_2358 = vector.broadcast %mul3A_2357 : i32 to vector<16xi32>
      %mul3A_2359 = arith.muli %add3A_2356, %mul3A_2358 : vector<16xi32>
      %add3A_2360 = arith.addi %select_n3A_2353, %mul3A_2359 : vector<16xi32>
      %add3A_2361 = arith.constant 256 : i32
      %add3A_2362 = arith.addi %multiple_of3A_1711, %add3A_2361 : i32
      %add3A_2363 = arith.constant 48 : i32
      %add3A_2364 = arith.addi %add3A_2362, %add3A_2363 : i32
      %multiple_of3A_2365 = tpu.assume_multiple %add3A_2364, 16 : i32
      %swap3A_2366 = arith.index_cast %multiple_of3A_2365 : i32 to index
      %swap3A_2367 = tpu.vector_load %arg6[%swap3A_2366] {strides = array<i32>} : memref<24576xi32, #tpu.memory_space<vmem>>, vector<16xi32>,
      %swap3A_2368 = vector.shape_cast %swap3A_2367 : vector<16xi32> to vector<16xi32>
      %swap3A_2369 = vector.shape_cast %add3A_2360 : vector<16xi32> to vector<16xi32>
      tpu.vector_store %arg6[%swap3A_2366], %swap3A_2369 {strides = array<i32>} : memref<24576xi32, #tpu.memory_space<vmem>>, vector<16xi32>,
      %add3A_2370 = arith.constant 0 : i32
      %add3A_2371 = arith.addi %mul3A_1713, %add3A_2370 : i32
      %add3A_2372 = arith.constant 40 : i32
      %add3A_2373 = arith.addi %add3A_2371, %add3A_2372 : i32
      %multiple_of3A_2374 = tpu.assume_multiple %add3A_2373, 8 : i32
      %get3A_2375 = arith.index_cast %multiple_of3A_2374 : i32 to index
      %get3A_2376 = tpu.vector_load %arg5[%get3A_2375] {strides = array<i32>} : memref<24576xi32, #tpu.memory_space<vmem>>, vector<16xi32>,
      %get3A_2377 = vector.shape_cast %get3A_2376 : vector<16xi32> to vector<16xi32>
      %add3A_2378 = arith.constant 48 : i32
      %add3A_2379 = arith.addi %add3A_2373, %add3A_2378 : i32
      %sub3A_2380 = arith.constant 8 : i32
      %sub3A_2381 = arith.subi %add3A_2379, %sub3A_2380 : i32
      %multiple_of3A_2382 = tpu.assume_multiple %sub3A_2381, 8 : i32
      %get3A_2383 = arith.index_cast %multiple_of3A_2382 : i32 to index
      %get3A_2384 = tpu.vector_load %arg5[%get3A_2383] {strides = array<i32>} : memref<24576xi32, #tpu.memory_space<vmem>>, vector<16xi32>,
      %get3A_2385 = vector.shape_cast %get3A_2384 : vector<16xi32> to vector<16xi32>
      %select_n3A_2386 = arith.select %lt3A_8, %get3A_2377, %get3A_2385 : vector<16xi1>, vector<16xi32>
      %add3A_2387 = arith.constant 40 : i32
      %add3A_2388 = vector.broadcast %add3A_2387 : i32 to vector<16xi32>
      %add3A_2389 = arith.addi %add3A_2388, %rem3A_6 : vector<16xi32>
      %mul3A_2390 = arith.constant 256 : i32
      %mul3A_2391 = vector.broadcast %mul3A_2390 : i32 to vector<16xi32>
      %mul3A_2392 = arith.muli %add3A_2389, %mul3A_2391 : vector<16xi32>
      %add3A_2393 = arith.addi %select_n3A_2386, %mul3A_2392 : vector<16xi32>
      %add3A_2394 = arith.constant 320 : i32
      %add3A_2395 = arith.addi %multiple_of3A_1711, %add3A_2394 : i32
      %add3A_2396 = arith.constant 0 : i32
      %add3A_2397 = arith.addi %add3A_2395, %add3A_2396 : i32
      %multiple_of3A_2398 = tpu.assume_multiple %add3A_2397, 16 : i32
      %swap3A_2399 = arith.index_cast %multiple_of3A_2398 : i32 to index
      %swap3A_2400 = tpu.vector_load %arg6[%swap3A_2399] {strides = array<i32>} : memref<24576xi32, #tpu.memory_space<vmem>>, vector<16xi32>,
      %swap3A_2401 = vector.shape_cast %swap3A_2400 : vector<16xi32> to vector<16xi32>
      %swap3A_2402 = vector.shape_cast %add3A_2393 : vector<16xi32> to vector<16xi32>
      tpu.vector_store %arg6[%swap3A_2399], %swap3A_2402 {strides = array<i32>} : memref<24576xi32, #tpu.memory_space<vmem>>, vector<16xi32>,
      %add3A_2403 = arith.constant 96 : i32
      %add3A_2404 = arith.addi %mul3A_1713, %add3A_2403 : i32
      %add3A_2405 = arith.constant 40 : i32
      %add3A_2406 = arith.addi %add3A_2404, %add3A_2405 : i32
      %multiple_of3A_2407 = tpu.assume_multiple %add3A_2406, 8 : i32
      %get3A_2408 = arith.index_cast %multiple_of3A_2407 : i32 to index
      %get3A_2409 = tpu.vector_load %arg5[%get3A_2408] {strides = array<i32>} : memref<24576xi32, #tpu.memory_space<vmem>>, vector<16xi32>,
      %get3A_2410 = vector.shape_cast %get3A_2409 : vector<16xi32> to vector<16xi32>
      %add3A_2411 = arith.constant 48 : i32
      %add3A_2412 = arith.addi %add3A_2406, %add3A_2411 : i32
      %sub3A_2413 = arith.constant 8 : i32
      %sub3A_2414 = arith.subi %add3A_2412, %sub3A_2413 : i32
      %multiple_of3A_2415 = tpu.assume_multiple %sub3A_2414, 8 : i32
      %get3A_2416 = arith.index_cast %multiple_of3A_2415 : i32 to index
      %get3A_2417 = tpu.vector_load %arg5[%get3A_2416] {strides = array<i32>} : memref<24576xi32, #tpu.memory_space<vmem>>, vector<16xi32>,
      %get3A_2418 = vector.shape_cast %get3A_2417 : vector<16xi32> to vector<16xi32>
      %select_n3A_2419 = arith.select %lt3A_8, %get3A_2410, %get3A_2418 : vector<16xi1>, vector<16xi32>
      %add3A_2420 = arith.constant 40 : i32
      %add3A_2421 = vector.broadcast %add3A_2420 : i32 to vector<16xi32>
      %add3A_2422 = arith.addi %add3A_2421, %rem3A_6 : vector<16xi32>
      %mul3A_2423 = arith.constant 256 : i32
      %mul3A_2424 = vector.broadcast %mul3A_2423 : i32 to vector<16xi32>
      %mul3A_2425 = arith.muli %add3A_2422, %mul3A_2424 : vector<16xi32>
      %add3A_2426 = arith.addi %select_n3A_2419, %mul3A_2425 : vector<16xi32>
      %add3A_2427 = arith.constant 320 : i32
      %add3A_2428 = arith.addi %multiple_of3A_1711, %add3A_2427 : i32
      %add3A_2429 = arith.constant 16 : i32
      %add3A_2430 = arith.addi %add3A_2428, %add3A_2429 : i32
      %multiple_of3A_2431 = tpu.assume_multiple %add3A_2430, 16 : i32
      %swap3A_2432 = arith.index_cast %multiple_of3A_2431 : i32 to index
      %swap3A_2433 = tpu.vector_load %arg6[%swap3A_2432] {strides = array<i32>} : memref<24576xi32, #tpu.memory_space<vmem>>, vector<16xi32>,
      %swap3A_2434 = vector.shape_cast %swap3A_2433 : vector<16xi32> to vector<16xi32>
      %swap3A_2435 = vector.shape_cast %add3A_2426 : vector<16xi32> to vector<16xi32>
      tpu.vector_store %arg6[%swap3A_2432], %swap3A_2435 {strides = array<i32>} : memref<24576xi32, #tpu.memory_space<vmem>>, vector<16xi32>,
      %add3A_2436 = arith.constant 192 : i32
      %add3A_2437 = arith.addi %mul3A_1713, %add3A_2436 : i32
      %add3A_2438 = arith.constant 40 : i32
      %add3A_2439 = arith.addi %add3A_2437, %add3A_2438 : i32
      %multiple_of3A_2440 = tpu.assume_multiple %add3A_2439, 8 : i32
      %get3A_2441 = arith.index_cast %multiple_of3A_2440 : i32 to index
      %get3A_2442 = tpu.vector_load %arg5[%get3A_2441] {strides = array<i32>} : memref<24576xi32, #tpu.memory_space<vmem>>, vector<16xi32>,
      %get3A_2443 = vector.shape_cast %get3A_2442 : vector<16xi32> to vector<16xi32>
      %add3A_2444 = arith.constant 48 : i32
      %add3A_2445 = arith.addi %add3A_2439, %add3A_2444 : i32
      %sub3A_2446 = arith.constant 8 : i32
      %sub3A_2447 = arith.subi %add3A_2445, %sub3A_2446 : i32
      %multiple_of3A_2448 = tpu.assume_multiple %sub3A_2447, 8 : i32
      %get3A_2449 = arith.index_cast %multiple_of3A_2448 : i32 to index
      %get3A_2450 = tpu.vector_load %arg5[%get3A_2449] {strides = array<i32>} : memref<24576xi32, #tpu.memory_space<vmem>>, vector<16xi32>,
      %get3A_2451 = vector.shape_cast %get3A_2450 : vector<16xi32> to vector<16xi32>
      %select_n3A_2452 = arith.select %lt3A_8, %get3A_2443, %get3A_2451 : vector<16xi1>, vector<16xi32>
      %add3A_2453 = arith.constant 40 : i32
      %add3A_2454 = vector.broadcast %add3A_2453 : i32 to vector<16xi32>
      %add3A_2455 = arith.addi %add3A_2454, %rem3A_6 : vector<16xi32>
      %mul3A_2456 = arith.constant 256 : i32
      %mul3A_2457 = vector.broadcast %mul3A_2456 : i32 to vector<16xi32>
      %mul3A_2458 = arith.muli %add3A_2455, %mul3A_2457 : vector<16xi32>
      %add3A_2459 = arith.addi %select_n3A_2452, %mul3A_2458 : vector<16xi32>
      %add3A_2460 = arith.constant 320 : i32
      %add3A_2461 = arith.addi %multiple_of3A_1711, %add3A_2460 : i32
      %add3A_2462 = arith.constant 32 : i32
      %add3A_2463 = arith.addi %add3A_2461, %add3A_2462 : i32
      %multiple_of3A_2464 = tpu.assume_multiple %add3A_2463, 16 : i32
      %swap3A_2465 = arith.index_cast %multiple_of3A_2464 : i32 to index
      %swap3A_2466 = tpu.vector_load %arg6[%swap3A_2465] {strides = array<i32>} : memref<24576xi32, #tpu.memory_space<vmem>>, vector<16xi32>,
      %swap3A_2467 = vector.shape_cast %swap3A_2466 : vector<16xi32> to vector<16xi32>
      %swap3A_2468 = vector.shape_cast %add3A_2459 : vector<16xi32> to vector<16xi32>
      tpu.vector_store %arg6[%swap3A_2465], %swap3A_2468 {strides = array<i32>} : memref<24576xi32, #tpu.memory_space<vmem>>, vector<16xi32>,
      %add3A_2469 = arith.constant 288 : i32
      %add3A_2470 = arith.addi %mul3A_1713, %add3A_2469 : i32
      %add3A_2471 = arith.constant 40 : i32
      %add3A_2472 = arith.addi %add3A_2470, %add3A_2471 : i32
      %multiple_of3A_2473 = tpu.assume_multiple %add3A_2472, 8 : i32
      %get3A_2474 = arith.index_cast %multiple_of3A_2473 : i32 to index
      %get3A_2475 = tpu.vector_load %arg5[%get3A_2474] {strides = array<i32>} : memref<24576xi32, #tpu.memory_space<vmem>>, vector<16xi32>,
      %get3A_2476 = vector.shape_cast %get3A_2475 : vector<16xi32> to vector<16xi32>
      %add3A_2477 = arith.constant 48 : i32
      %add3A_2478 = arith.addi %add3A_2472, %add3A_2477 : i32
      %sub3A_2479 = arith.constant 8 : i32
      %sub3A_2480 = arith.subi %add3A_2478, %sub3A_2479 : i32
      %multiple_of3A_2481 = tpu.assume_multiple %sub3A_2480, 8 : i32
      %get3A_2482 = arith.index_cast %multiple_of3A_2481 : i32 to index
      %get3A_2483 = tpu.vector_load %arg5[%get3A_2482] {strides = array<i32>} : memref<24576xi32, #tpu.memory_space<vmem>>, vector<16xi32>,
      %get3A_2484 = vector.shape_cast %get3A_2483 : vector<16xi32> to vector<16xi32>
      %select_n3A_2485 = arith.select %lt3A_8, %get3A_2476, %get3A_2484 : vector<16xi1>, vector<16xi32>
      %add3A_2486 = arith.constant 40 : i32
      %add3A_2487 = vector.broadcast %add3A_2486 : i32 to vector<16xi32>
      %add3A_2488 = arith.addi %add3A_2487, %rem3A_6 : vector<16xi32>
      %mul3A_2489 = arith.constant 256 : i32
      %mul3A_2490 = vector.broadcast %mul3A_2489 : i32 to vector<16xi32>
      %mul3A_2491 = arith.muli %add3A_2488, %mul3A_2490 : vector<16xi32>
      %add3A_2492 = arith.addi %select_n3A_2485, %mul3A_2491 : vector<16xi32>
      %add3A_2493 = arith.constant 320 : i32
      %add3A_2494 = arith.addi %multiple_of3A_1711, %add3A_2493 : i32
      %add3A_2495 = arith.constant 48 : i32
      %add3A_2496 = arith.addi %add3A_2494, %add3A_2495 : i32
      %multiple_of3A_2497 = tpu.assume_multiple %add3A_2496, 16 : i32
      %swap3A_2498 = arith.index_cast %multiple_of3A_2497 : i32 to index
      %swap3A_2499 = tpu.vector_load %arg6[%swap3A_2498] {strides = array<i32>} : memref<24576xi32, #tpu.memory_space<vmem>>, vector<16xi32>,
      %swap3A_2500 = vector.shape_cast %swap3A_2499 : vector<16xi32> to vector<16xi32>
      %swap3A_2501 = vector.shape_cast %add3A_2492 : vector<16xi32> to vector<16xi32>
      tpu.vector_store %arg6[%swap3A_2498], %swap3A_2501 {strides = array<i32>} : memref<24576xi32, #tpu.memory_space<vmem>>, vector<16xi32>,
    }
    %scan3A_13 = arith.constant 64 : i32
    %dma_start3A = arith.constant 0 : i32
    %dma_start3A_14 = arith.constant 0 : i32
    %dma_start3A_15 = tpu.memref_slice %arg7[%dma_start3A, %dma_start3A_14] : memref<1536x16xf32, #tpu.memory_space<vmem>> -> memref<256x16xf32, #tpu.memory_space<vmem>>
    %dma_start3A_16 = arith.constant 0 : i32
    %dma_start3A_17 = tpu.memref_slice %arg6[%dma_start3A_16] : memref<24576xi32, #tpu.memory_space<vmem>> -> memref<256xi32, #tpu.memory_space<vmem>>
    %dma_start3A_18 = arith.constant 0 : i32
    %dma_start3A_19 = arith.constant 0 : i32
    %dma_start3A_20 = tpu.memref_slice %arg9[%dma_start3A_18, %dma_start3A_19] : memref<12288x16xf32, #tpu.memory_space<vmem_shared>> -> memref<12288x16xf32, #tpu.memory_space<vmem_shared>>
    tpu.enqueue_indirect_dma source(%dma_start3A_20 : memref<12288x16xf32, #tpu.memory_space<vmem_shared>>) target(%dma_start3A_15 : memref<256x16xf32, #tpu.memory_space<vmem>>) offsets(%dma_start3A_17 : memref<256xi32, #tpu.memory_space<vmem>>) semaphore(%arg10 : memref<!tpu.dma_semaphore, #tpu.memory_space<semaphore_mem>>)
    %dma_start3A_21 = arith.constant 256 : i32
    %dma_start3A_22 = arith.constant 0 : i32
    %dma_start3A_23 = tpu.memref_slice %arg7[%dma_start3A_21, %dma_start3A_22] : memref<1536x16xf32, #tpu.memory_space<vmem>> -> memref<256x16xf32, #tpu.memory_space<vmem>>
    %dma_start3A_24 = arith.constant 256 : i32
    %dma_start3A_25 = tpu.memref_slice %arg6[%dma_start3A_24] : memref<24576xi32, #tpu.memory_space<vmem>> -> memref<256xi32, #tpu.memory_space<vmem>>
    %dma_start3A_26 = arith.constant 0 : i32
    %dma_start3A_27 = arith.constant 0 : i32
    %dma_start3A_28 = tpu.memref_slice %arg9[%dma_start3A_26, %dma_start3A_27] : memref<12288x16xf32, #tpu.memory_space<vmem_shared>> -> memref<12288x16xf32, #tpu.memory_space<vmem_shared>>
    tpu.enqueue_indirect_dma source(%dma_start3A_28 : memref<12288x16xf32, #tpu.memory_space<vmem_shared>>) target(%dma_start3A_23 : memref<256x16xf32, #tpu.memory_space<vmem>>) offsets(%dma_start3A_25 : memref<256xi32, #tpu.memory_space<vmem>>) semaphore(%arg10 : memref<!tpu.dma_semaphore, #tpu.memory_space<semaphore_mem>>)
    %dma_start3A_29 = arith.constant 512 : i32
    %dma_start3A_30 = arith.constant 0 : i32
    %dma_start3A_31 = tpu.memref_slice %arg7[%dma_start3A_29, %dma_start3A_30] : memref<1536x16xf32, #tpu.memory_space<vmem>> -> memref<256x16xf32, #tpu.memory_space<vmem>>
    %dma_start3A_32 = arith.constant 512 : i32
    %dma_start3A_33 = tpu.memref_slice %arg6[%dma_start3A_32] : memref<24576xi32, #tpu.memory_space<vmem>> -> memref<256xi32, #tpu.memory_space<vmem>>
    %dma_start3A_34 = arith.constant 0 : i32
    %dma_start3A_35 = arith.constant 0 : i32
    %dma_start3A_36 = tpu.memref_slice %arg9[%dma_start3A_34, %dma_start3A_35] : memref<12288x16xf32, #tpu.memory_space<vmem_shared>> -> memref<12288x16xf32, #tpu.memory_space<vmem_shared>>
    tpu.enqueue_indirect_dma source(%dma_start3A_36 : memref<12288x16xf32, #tpu.memory_space<vmem_shared>>) target(%dma_start3A_31 : memref<256x16xf32, #tpu.memory_space<vmem>>) offsets(%dma_start3A_33 : memref<256xi32, #tpu.memory_space<vmem>>) semaphore(%arg10 : memref<!tpu.dma_semaphore, #tpu.memory_space<semaphore_mem>>)
    %dma_start3A_37 = arith.constant 768 : i32
    %dma_start3A_38 = arith.constant 0 : i32
    %dma_start3A_39 = tpu.memref_slice %arg7[%dma_start3A_37, %dma_start3A_38] : memref<1536x16xf32, #tpu.memory_space<vmem>> -> memref<256x16xf32, #tpu.memory_space<vmem>>
    %dma_start3A_40 = arith.constant 768 : i32
    %dma_start3A_41 = tpu.memref_slice %arg6[%dma_start3A_40] : memref<24576xi32, #tpu.memory_space<vmem>> -> memref<256xi32, #tpu.memory_space<vmem>>
    %dma_start3A_42 = arith.constant 0 : i32
    %dma_start3A_43 = arith.constant 0 : i32
    %dma_start3A_44 = tpu.memref_slice %arg9[%dma_start3A_42, %dma_start3A_43] : memref<12288x16xf32, #tpu.memory_space<vmem_shared>> -> memref<12288x16xf32, #tpu.memory_space<vmem_shared>>
    tpu.enqueue_indirect_dma source(%dma_start3A_44 : memref<12288x16xf32, #tpu.memory_space<vmem_shared>>) target(%dma_start3A_39 : memref<256x16xf32, #tpu.memory_space<vmem>>) offsets(%dma_start3A_41 : memref<256xi32, #tpu.memory_space<vmem>>) semaphore(%arg10 : memref<!tpu.dma_semaphore, #tpu.memory_space<semaphore_mem>>)
    %dma_start3A_45 = arith.constant 1024 : i32
    %dma_start3A_46 = arith.constant 0 : i32
    %dma_start3A_47 = tpu.memref_slice %arg7[%dma_start3A_45, %dma_start3A_46] : memref<1536x16xf32, #tpu.memory_space<vmem>> -> memref<256x16xf32, #tpu.memory_space<vmem>>
    %dma_start3A_48 = arith.constant 1024 : i32
    %dma_start3A_49 = tpu.memref_slice %arg6[%dma_start3A_48] : memref<24576xi32, #tpu.memory_space<vmem>> -> memref<256xi32, #tpu.memory_space<vmem>>
    %dma_start3A_50 = arith.constant 0 : i32
    %dma_start3A_51 = arith.constant 0 : i32
    %dma_start3A_52 = tpu.memref_slice %arg9[%dma_start3A_50, %dma_start3A_51] : memref<12288x16xf32, #tpu.memory_space<vmem_shared>> -> memref<12288x16xf32, #tpu.memory_space<vmem_shared>>
    tpu.enqueue_indirect_dma source(%dma_start3A_52 : memref<12288x16xf32, #tpu.memory_space<vmem_shared>>) target(%dma_start3A_47 : memref<256x16xf32, #tpu.memory_space<vmem>>) offsets(%dma_start3A_49 : memref<256xi32, #tpu.memory_space<vmem>>) semaphore(%arg10 : memref<!tpu.dma_semaphore, #tpu.memory_space<semaphore_mem>>)
    %dma_start3A_53 = arith.constant 1280 : i32
    %dma_start3A_54 = arith.constant 0 : i32
    %dma_start3A_55 = tpu.memref_slice %arg7[%dma_start3A_53, %dma_start3A_54] : memref<1536x16xf32, #tpu.memory_space<vmem>> -> memref<256x16xf32, #tpu.memory_space<vmem>>
    %dma_start3A_56 = arith.constant 1280 : i32
    %dma_start3A_57 = tpu.memref_slice %arg6[%dma_start3A_56] : memref<24576xi32, #tpu.memory_space<vmem>> -> memref<256xi32, #tpu.memory_space<vmem>>
    %dma_start3A_58 = arith.constant 0 : i32
    %dma_start3A_59 = arith.constant 0 : i32
    %dma_start3A_60 = tpu.memref_slice %arg9[%dma_start3A_58, %dma_start3A_59] : memref<12288x16xf32, #tpu.memory_space<vmem_shared>> -> memref<12288x16xf32, #tpu.memory_space<vmem_shared>>
    tpu.enqueue_indirect_dma source(%dma_start3A_60 : memref<12288x16xf32, #tpu.memory_space<vmem_shared>>) target(%dma_start3A_55 : memref<256x16xf32, #tpu.memory_space<vmem>>) offsets(%dma_start3A_57 : memref<256xi32, #tpu.memory_space<vmem>>) semaphore(%arg10 : memref<!tpu.dma_semaphore, #tpu.memory_space<semaphore_mem>>)
    %dma_start3A_61 = arith.constant 0 : i32
    %dma_start3A_62 = arith.constant 0 : i32
    %dma_start3A_63 = tpu.memref_slice %arg8[%dma_start3A_61, %dma_start3A_62] : memref<1536x16xf32, #tpu.memory_space<vmem>> -> memref<256x16xf32, #tpu.memory_space<vmem>>
    %dma_start3A_64 = arith.constant 1536 : i32
    %dma_start3A_65 = tpu.memref_slice %arg6[%dma_start3A_64] : memref<24576xi32, #tpu.memory_space<vmem>> -> memref<256xi32, #tpu.memory_space<vmem>>
    %dma_start3A_66 = arith.constant 0 : i32
    %dma_start3A_67 = arith.constant 0 : i32
    %dma_start3A_68 = tpu.memref_slice %arg9[%dma_start3A_66, %dma_start3A_67] : memref<12288x16xf32, #tpu.memory_space<vmem_shared>> -> memref<12288x16xf32, #tpu.memory_space<vmem_shared>>
    tpu.enqueue_indirect_dma source(%dma_start3A_68 : memref<12288x16xf32, #tpu.memory_space<vmem_shared>>) target(%dma_start3A_63 : memref<256x16xf32, #tpu.memory_space<vmem>>) offsets(%dma_start3A_65 : memref<256xi32, #tpu.memory_space<vmem>>) semaphore(%arg11 : memref<!tpu.dma_semaphore, #tpu.memory_space<semaphore_mem>>)
    %dma_start3A_69 = arith.constant 256 : i32
    %dma_start3A_70 = arith.constant 0 : i32
    %dma_start3A_71 = tpu.memref_slice %arg8[%dma_start3A_69, %dma_start3A_70] : memref<1536x16xf32, #tpu.memory_space<vmem>> -> memref<256x16xf32, #tpu.memory_space<vmem>>
    %dma_start3A_72 = arith.constant 1792 : i32
    %dma_start3A_73 = tpu.memref_slice %arg6[%dma_start3A_72] : memref<24576xi32, #tpu.memory_space<vmem>> -> memref<256xi32, #tpu.memory_space<vmem>>
    %dma_start3A_74 = arith.constant 0 : i32
    %dma_start3A_75 = arith.constant 0 : i32
    %dma_start3A_76 = tpu.memref_slice %arg9[%dma_start3A_74, %dma_start3A_75] : memref<12288x16xf32, #tpu.memory_space<vmem_shared>> -> memref<12288x16xf32, #tpu.memory_space<vmem_shared>>
    tpu.enqueue_indirect_dma source(%dma_start3A_76 : memref<12288x16xf32, #tpu.memory_space<vmem_shared>>) target(%dma_start3A_71 : memref<256x16xf32, #tpu.memory_space<vmem>>) offsets(%dma_start3A_73 : memref<256xi32, #tpu.memory_space<vmem>>) semaphore(%arg11 : memref<!tpu.dma_semaphore, #tpu.memory_space<semaphore_mem>>)
    %dma_start3A_77 = arith.constant 512 : i32
    %dma_start3A_78 = arith.constant 0 : i32
    %dma_start3A_79 = tpu.memref_slice %arg8[%dma_start3A_77, %dma_start3A_78] : memref<1536x16xf32, #tpu.memory_space<vmem>> -> memref<256x16xf32, #tpu.memory_space<vmem>>
    %dma_start3A_80 = arith.constant 2048 : i32
    %dma_start3A_81 = tpu.memref_slice %arg6[%dma_start3A_80] : memref<24576xi32, #tpu.memory_space<vmem>> -> memref<256xi32, #tpu.memory_space<vmem>>
    %dma_start3A_82 = arith.constant 0 : i32
    %dma_start3A_83 = arith.constant 0 : i32
    %dma_start3A_84 = tpu.memref_slice %arg9[%dma_start3A_82, %dma_start3A_83] : memref<12288x16xf32, #tpu.memory_space<vmem_shared>> -> memref<12288x16xf32, #tpu.memory_space<vmem_shared>>
    tpu.enqueue_indirect_dma source(%dma_start3A_84 : memref<12288x16xf32, #tpu.memory_space<vmem_shared>>) target(%dma_start3A_79 : memref<256x16xf32, #tpu.memory_space<vmem>>) offsets(%dma_start3A_81 : memref<256xi32, #tpu.memory_space<vmem>>) semaphore(%arg11 : memref<!tpu.dma_semaphore, #tpu.memory_space<semaphore_mem>>)
    %dma_start3A_85 = arith.constant 768 : i32
    %dma_start3A_86 = arith.constant 0 : i32
    %dma_start3A_87 = tpu.memref_slice %arg8[%dma_start3A_85, %dma_start3A_86] : memref<1536x16xf32, #tpu.memory_space<vmem>> -> memref<256x16xf32, #tpu.memory_space<vmem>>
    %dma_start3A_88 = arith.constant 2304 : i32
    %dma_start3A_89 = tpu.memref_slice %arg6[%dma_start3A_88] : memref<24576xi32, #tpu.memory_space<vmem>> -> memref<256xi32, #tpu.memory_space<vmem>>
    %dma_start3A_90 = arith.constant 0 : i32
    %dma_start3A_91 = arith.constant 0 : i32
    %dma_start3A_92 = tpu.memref_slice %arg9[%dma_start3A_90, %dma_start3A_91] : memref<12288x16xf32, #tpu.memory_space<vmem_shared>> -> memref<12288x16xf32, #tpu.memory_space<vmem_shared>>
    tpu.enqueue_indirect_dma source(%dma_start3A_92 : memref<12288x16xf32, #tpu.memory_space<vmem_shared>>) target(%dma_start3A_87 : memref<256x16xf32, #tpu.memory_space<vmem>>) offsets(%dma_start3A_89 : memref<256xi32, #tpu.memory_space<vmem>>) semaphore(%arg11 : memref<!tpu.dma_semaphore, #tpu.memory_space<semaphore_mem>>)
    %dma_start3A_93 = arith.constant 1024 : i32
    %dma_start3A_94 = arith.constant 0 : i32
    %dma_start3A_95 = tpu.memref_slice %arg8[%dma_start3A_93, %dma_start3A_94] : memref<1536x16xf32, #tpu.memory_space<vmem>> -> memref<256x16xf32, #tpu.memory_space<vmem>>
    %dma_start3A_96 = arith.constant 2560 : i32
    %dma_start3A_97 = tpu.memref_slice %arg6[%dma_start3A_96] : memref<24576xi32, #tpu.memory_space<vmem>> -> memref<256xi32, #tpu.memory_space<vmem>>
    %dma_start3A_98 = arith.constant 0 : i32
    %dma_start3A_99 = arith.constant 0 : i32
    %dma_start3A_100 = tpu.memref_slice %arg9[%dma_start3A_98, %dma_start3A_99] : memref<12288x16xf32, #tpu.memory_space<vmem_shared>> -> memref<12288x16xf32, #tpu.memory_space<vmem_shared>>
    tpu.enqueue_indirect_dma source(%dma_start3A_100 : memref<12288x16xf32, #tpu.memory_space<vmem_shared>>) target(%dma_start3A_95 : memref<256x16xf32, #tpu.memory_space<vmem>>) offsets(%dma_start3A_97 : memref<256xi32, #tpu.memory_space<vmem>>) semaphore(%arg11 : memref<!tpu.dma_semaphore, #tpu.memory_space<semaphore_mem>>)
    %dma_start3A_101 = arith.constant 1280 : i32
    %dma_start3A_102 = arith.constant 0 : i32
    %dma_start3A_103 = tpu.memref_slice %arg8[%dma_start3A_101, %dma_start3A_102] : memref<1536x16xf32, #tpu.memory_space<vmem>> -> memref<256x16xf32, #tpu.memory_space<vmem>>
    %dma_start3A_104 = arith.constant 2816 : i32
    %dma_start3A_105 = tpu.memref_slice %arg6[%dma_start3A_104] : memref<24576xi32, #tpu.memory_space<vmem>> -> memref<256xi32, #tpu.memory_space<vmem>>
    %dma_start3A_106 = arith.constant 0 : i32
    %dma_start3A_107 = arith.constant 0 : i32
    %dma_start3A_108 = tpu.memref_slice %arg9[%dma_start3A_106, %dma_start3A_107] : memref<12288x16xf32, #tpu.memory_space<vmem_shared>> -> memref<12288x16xf32, #tpu.memory_space<vmem_shared>>
    tpu.enqueue_indirect_dma source(%dma_start3A_108 : memref<12288x16xf32, #tpu.memory_space<vmem_shared>>) target(%dma_start3A_103 : memref<256x16xf32, #tpu.memory_space<vmem>>) offsets(%dma_start3A_105 : memref<256xi32, #tpu.memory_space<vmem>>) semaphore(%arg11 : memref<!tpu.dma_semaphore, #tpu.memory_space<semaphore_mem>>)
    %dma_wait3A = arith.constant 0 : i32
    %dma_wait3A_109 = arith.constant 0 : i32
    %dma_wait3A_110 = tpu.memref_slice %arg7[%dma_wait3A, %dma_wait3A_109] : memref<1536x16xf32, #tpu.memory_space<vmem>> -> memref<256x16xf32, #tpu.memory_space<vmem>>
    %dma_wait3A_111 = arith.constant 0 : i32
    %dma_wait3A_112 = tpu.memref_slice %arg6[%dma_wait3A_111] : memref<24576xi32, #tpu.memory_space<vmem>> -> memref<256xi32, #tpu.memory_space<vmem>>
    %dma_wait3A_113 = arith.constant 0 : i32
    %dma_wait3A_114 = arith.constant 0 : i32
    %dma_wait3A_115 = tpu.memref_slice %arg9[%dma_wait3A_113, %dma_wait3A_114] : memref<12288x16xf32, #tpu.memory_space<vmem_shared>> -> memref<12288x16xf32, #tpu.memory_space<vmem_shared>>
    tpu.wait_indirect_dma semaphore(%arg10 : memref<!tpu.dma_semaphore, #tpu.memory_space<semaphore_mem>>) src(%dma_wait3A_115 : memref<12288x16xf32, #tpu.memory_space<vmem_shared>>) dst(%dma_wait3A_110 : memref<256x16xf32, #tpu.memory_space<vmem>>)
    %dma_wait3A_116 = arith.constant 256 : i32
    %dma_wait3A_117 = arith.constant 0 : i32
    %dma_wait3A_118 = tpu.memref_slice %arg7[%dma_wait3A_116, %dma_wait3A_117] : memref<1536x16xf32, #tpu.memory_space<vmem>> -> memref<256x16xf32, #tpu.memory_space<vmem>>
    %dma_wait3A_119 = arith.constant 256 : i32
    %dma_wait3A_120 = tpu.memref_slice %arg6[%dma_wait3A_119] : memref<24576xi32, #tpu.memory_space<vmem>> -> memref<256xi32, #tpu.memory_space<vmem>>
    %dma_wait3A_121 = arith.constant 0 : i32
    %dma_wait3A_122 = arith.constant 0 : i32
    %dma_wait3A_123 = tpu.memref_slice %arg9[%dma_wait3A_121, %dma_wait3A_122] : memref<12288x16xf32, #tpu.memory_space<vmem_shared>> -> memref<12288x16xf32, #tpu.memory_space<vmem_shared>>
    tpu.wait_indirect_dma semaphore(%arg10 : memref<!tpu.dma_semaphore, #tpu.memory_space<semaphore_mem>>) src(%dma_wait3A_123 : memref<12288x16xf32, #tpu.memory_space<vmem_shared>>) dst(%dma_wait3A_118 : memref<256x16xf32, #tpu.memory_space<vmem>>)
    %dma_wait3A_124 = arith.constant 512 : i32
    %dma_wait3A_125 = arith.constant 0 : i32
    %dma_wait3A_126 = tpu.memref_slice %arg7[%dma_wait3A_124, %dma_wait3A_125] : memref<1536x16xf32, #tpu.memory_space<vmem>> -> memref<256x16xf32, #tpu.memory_space<vmem>>
    %dma_wait3A_127 = arith.constant 512 : i32
    %dma_wait3A_128 = tpu.memref_slice %arg6[%dma_wait3A_127] : memref<24576xi32, #tpu.memory_space<vmem>> -> memref<256xi32, #tpu.memory_space<vmem>>
    %dma_wait3A_129 = arith.constant 0 : i32
    %dma_wait3A_130 = arith.constant 0 : i32
    %dma_wait3A_131 = tpu.memref_slice %arg9[%dma_wait3A_129, %dma_wait3A_130] : memref<12288x16xf32, #tpu.memory_space<vmem_shared>> -> memref<12288x16xf32, #tpu.memory_space<vmem_shared>>
    tpu.wait_indirect_dma semaphore(%arg10 : memref<!tpu.dma_semaphore, #tpu.memory_space<semaphore_mem>>) src(%dma_wait3A_131 : memref<12288x16xf32, #tpu.memory_space<vmem_shared>>) dst(%dma_wait3A_126 : memref<256x16xf32, #tpu.memory_space<vmem>>)
    %dma_wait3A_132 = arith.constant 768 : i32
    %dma_wait3A_133 = arith.constant 0 : i32
    %dma_wait3A_134 = tpu.memref_slice %arg7[%dma_wait3A_132, %dma_wait3A_133] : memref<1536x16xf32, #tpu.memory_space<vmem>> -> memref<256x16xf32, #tpu.memory_space<vmem>>
    %dma_wait3A_135 = arith.constant 768 : i32
    %dma_wait3A_136 = tpu.memref_slice %arg6[%dma_wait3A_135] : memref<24576xi32, #tpu.memory_space<vmem>> -> memref<256xi32, #tpu.memory_space<vmem>>
    %dma_wait3A_137 = arith.constant 0 : i32
    %dma_wait3A_138 = arith.constant 0 : i32
    %dma_wait3A_139 = tpu.memref_slice %arg9[%dma_wait3A_137, %dma_wait3A_138] : memref<12288x16xf32, #tpu.memory_space<vmem_shared>> -> memref<12288x16xf32, #tpu.memory_space<vmem_shared>>
    tpu.wait_indirect_dma semaphore(%arg10 : memref<!tpu.dma_semaphore, #tpu.memory_space<semaphore_mem>>) src(%dma_wait3A_139 : memref<12288x16xf32, #tpu.memory_space<vmem_shared>>) dst(%dma_wait3A_134 : memref<256x16xf32, #tpu.memory_space<vmem>>)
    %dma_wait3A_140 = arith.constant 1024 : i32
    %dma_wait3A_141 = arith.constant 0 : i32
    %dma_wait3A_142 = tpu.memref_slice %arg7[%dma_wait3A_140, %dma_wait3A_141] : memref<1536x16xf32, #tpu.memory_space<vmem>> -> memref<256x16xf32, #tpu.memory_space<vmem>>
    %dma_wait3A_143 = arith.constant 1024 : i32
    %dma_wait3A_144 = tpu.memref_slice %arg6[%dma_wait3A_143] : memref<24576xi32, #tpu.memory_space<vmem>> -> memref<256xi32, #tpu.memory_space<vmem>>
    %dma_wait3A_145 = arith.constant 0 : i32
    %dma_wait3A_146 = arith.constant 0 : i32
    %dma_wait3A_147 = tpu.memref_slice %arg9[%dma_wait3A_145, %dma_wait3A_146] : memref<12288x16xf32, #tpu.memory_space<vmem_shared>> -> memref<12288x16xf32, #tpu.memory_space<vmem_shared>>
    tpu.wait_indirect_dma semaphore(%arg10 : memref<!tpu.dma_semaphore, #tpu.memory_space<semaphore_mem>>) src(%dma_wait3A_147 : memref<12288x16xf32, #tpu.memory_space<vmem_shared>>) dst(%dma_wait3A_142 : memref<256x16xf32, #tpu.memory_space<vmem>>)
    %dma_wait3A_148 = arith.constant 1280 : i32
    %dma_wait3A_149 = arith.constant 0 : i32
    %dma_wait3A_150 = tpu.memref_slice %arg7[%dma_wait3A_148, %dma_wait3A_149] : memref<1536x16xf32, #tpu.memory_space<vmem>> -> memref<256x16xf32, #tpu.memory_space<vmem>>
    %dma_wait3A_151 = arith.constant 1280 : i32
    %dma_wait3A_152 = tpu.memref_slice %arg6[%dma_wait3A_151] : memref<24576xi32, #tpu.memory_space<vmem>> -> memref<256xi32, #tpu.memory_space<vmem>>
    %dma_wait3A_153 = arith.constant 0 : i32
    %dma_wait3A_154 = arith.constant 0 : i32
    %dma_wait3A_155 = tpu.memref_slice %arg9[%dma_wait3A_153, %dma_wait3A_154] : memref<12288x16xf32, #tpu.memory_space<vmem_shared>> -> memref<12288x16xf32, #tpu.memory_space<vmem_shared>>
    tpu.wait_indirect_dma semaphore(%arg10 : memref<!tpu.dma_semaphore, #tpu.memory_space<semaphore_mem>>) src(%dma_wait3A_155 : memref<12288x16xf32, #tpu.memory_space<vmem_shared>>) dst(%dma_wait3A_150 : memref<256x16xf32, #tpu.memory_space<vmem>>)
    %add3A_156 = arith.constant 0 : i32
    %add3A_157 = arith.addi %multiple_of3A, %add3A_156 : i32
    %dma_start3A_158 = arith.constant 0 : i32
    %dma_start3A_159 = tpu.memref_slice %arg4[%add3A_157, %dma_start3A_158] : memref<786432x16xf32, #tpu.memory_space<hbm>> -> memref<1536x16xf32, #tpu.memory_space<hbm>>
    %dma_start3A_160 = arith.constant 0 : i32
    %dma_start3A_161 = tpu.memref_slice %arg4[%add3A_157, %dma_start3A_160] : memref<786432x16xf32, #tpu.memory_space<hbm>> -> memref<1536x16xf32, #tpu.memory_space<hbm>>
    tpu.enqueue_dma source(%arg7 : memref<1536x16xf32, #tpu.memory_space<vmem>>) target(%dma_start3A_161 : memref<1536x16xf32, #tpu.memory_space<hbm>>) target_semaphore(%arg12 : memref<!tpu.dma_semaphore, #tpu.memory_space<semaphore_mem>>)
    %dma_wait3A_162 = arith.constant 0 : i32
    %dma_wait3A_163 = tpu.memref_slice %arg4[%add3A_157, %dma_wait3A_162] : memref<786432x16xf32, #tpu.memory_space<hbm>> -> memref<1536x16xf32, #tpu.memory_space<hbm>>
    %dma_wait3A_164 = arith.constant 0 : i32
    %dma_wait3A_165 = tpu.memref_slice %arg4[%add3A_157, %dma_wait3A_164] : memref<786432x16xf32, #tpu.memory_space<hbm>> -> memref<1536x16xf32, #tpu.memory_space<hbm>>
    tpu.wait_dma2 semaphore(%arg12 : memref<!tpu.dma_semaphore, #tpu.memory_space<semaphore_mem>>) src(%arg7 : memref<1536x16xf32, #tpu.memory_space<vmem>>) dst(%dma_wait3A_165 : memref<1536x16xf32, #tpu.memory_space<hbm>>)
    %dma_start3A_166 = arith.constant 0 : i32
    %dma_start3A_167 = arith.constant 0 : i32
    %dma_start3A_168 = tpu.memref_slice %arg7[%dma_start3A_166, %dma_start3A_167] : memref<1536x16xf32, #tpu.memory_space<vmem>> -> memref<256x16xf32, #tpu.memory_space<vmem>>
    %dma_start3A_169 = arith.constant 3072 : i32
    %dma_start3A_170 = tpu.memref_slice %arg6[%dma_start3A_169] : memref<24576xi32, #tpu.memory_space<vmem>> -> memref<256xi32, #tpu.memory_space<vmem>>
    %dma_start3A_171 = arith.constant 0 : i32
    %dma_start3A_172 = arith.constant 0 : i32
    %dma_start3A_173 = tpu.memref_slice %arg9[%dma_start3A_171, %dma_start3A_172] : memref<12288x16xf32, #tpu.memory_space<vmem_shared>> -> memref<12288x16xf32, #tpu.memory_space<vmem_shared>>
    tpu.enqueue_indirect_dma source(%dma_start3A_173 : memref<12288x16xf32, #tpu.memory_space<vmem_shared>>) target(%dma_start3A_168 : memref<256x16xf32, #tpu.memory_space<vmem>>) offsets(%dma_start3A_170 : memref<256xi32, #tpu.memory_space<vmem>>) semaphore(%arg10 : memref<!tpu.dma_semaphore, #tpu.memory_space<semaphore_mem>>)
    %dma_start3A_174 = arith.constant 256 : i32
    %dma_start3A_175 = arith.constant 0 : i32
    %dma_start3A_176 = tpu.memref_slice %arg7[%dma_start3A_174, %dma_start3A_175] : memref<1536x16xf32, #tpu.memory_space<vmem>> -> memref<256x16xf32, #tpu.memory_space<vmem>>
    %dma_start3A_177 = arith.constant 3328 : i32
    %dma_start3A_178 = tpu.memref_slice %arg6[%dma_start3A_177] : memref<24576xi32, #tpu.memory_space<vmem>> -> memref<256xi32, #tpu.memory_space<vmem>>
    %dma_start3A_179 = arith.constant 0 : i32
    %dma_start3A_180 = arith.constant 0 : i32
    %dma_start3A_181 = tpu.memref_slice %arg9[%dma_start3A_179, %dma_start3A_180] : memref<12288x16xf32, #tpu.memory_space<vmem_shared>> -> memref<12288x16xf32, #tpu.memory_space<vmem_shared>>
    tpu.enqueue_indirect_dma source(%dma_start3A_181 : memref<12288x16xf32, #tpu.memory_space<vmem_shared>>) target(%dma_start3A_176 : memref<256x16xf32, #tpu.memory_space<vmem>>) offsets(%dma_start3A_178 : memref<256xi32, #tpu.memory_space<vmem>>) semaphore(%arg10 : memref<!tpu.dma_semaphore, #tpu.memory_space<semaphore_mem>>)
    %dma_start3A_182 = arith.constant 512 : i32
    %dma_start3A_183 = arith.constant 0 : i32
    %dma_start3A_184 = tpu.memref_slice %arg7[%dma_start3A_182, %dma_start3A_183] : memref<1536x16xf32, #tpu.memory_space<vmem>> -> memref<256x16xf32, #tpu.memory_space<vmem>>
    %dma_start3A_185 = arith.constant 3584 : i32
    %dma_start3A_186 = tpu.memref_slice %arg6[%dma_start3A_185] : memref<24576xi32, #tpu.memory_space<vmem>> -> memref<256xi32, #tpu.memory_space<vmem>>
    %dma_start3A_187 = arith.constant 0 : i32
    %dma_start3A_188 = arith.constant 0 : i32
    %dma_start3A_189 = tpu.memref_slice %arg9[%dma_start3A_187, %dma_start3A_188] : memref<12288x16xf32, #tpu.memory_space<vmem_shared>> -> memref<12288x16xf32, #tpu.memory_space<vmem_shared>>
    tpu.enqueue_indirect_dma source(%dma_start3A_189 : memref<12288x16xf32, #tpu.memory_space<vmem_shared>>) target(%dma_start3A_184 : memref<256x16xf32, #tpu.memory_space<vmem>>) offsets(%dma_start3A_186 : memref<256xi32, #tpu.memory_space<vmem>>) semaphore(%arg10 : memref<!tpu.dma_semaphore, #tpu.memory_space<semaphore_mem>>)
    %dma_start3A_190 = arith.constant 768 : i32
    %dma_start3A_191 = arith.constant 0 : i32
    %dma_start3A_192 = tpu.memref_slice %arg7[%dma_start3A_190, %dma_start3A_191] : memref<1536x16xf32, #tpu.memory_space<vmem>> -> memref<256x16xf32, #tpu.memory_space<vmem>>
    %dma_start3A_193 = arith.constant 3840 : i32
    %dma_start3A_194 = tpu.memref_slice %arg6[%dma_start3A_193] : memref<24576xi32, #tpu.memory_space<vmem>> -> memref<256xi32, #tpu.memory_space<vmem>>
    %dma_start3A_195 = arith.constant 0 : i32
    %dma_start3A_196 = arith.constant 0 : i32
    %dma_start3A_197 = tpu.memref_slice %arg9[%dma_start3A_195, %dma_start3A_196] : memref<12288x16xf32, #tpu.memory_space<vmem_shared>> -> memref<12288x16xf32, #tpu.memory_space<vmem_shared>>
    tpu.enqueue_indirect_dma source(%dma_start3A_197 : memref<12288x16xf32, #tpu.memory_space<vmem_shared>>) target(%dma_start3A_192 : memref<256x16xf32, #tpu.memory_space<vmem>>) offsets(%dma_start3A_194 : memref<256xi32, #tpu.memory_space<vmem>>) semaphore(%arg10 : memref<!tpu.dma_semaphore, #tpu.memory_space<semaphore_mem>>)
    %dma_start3A_198 = arith.constant 1024 : i32
    %dma_start3A_199 = arith.constant 0 : i32
    %dma_start3A_200 = tpu.memref_slice %arg7[%dma_start3A_198, %dma_start3A_199] : memref<1536x16xf32, #tpu.memory_space<vmem>> -> memref<256x16xf32, #tpu.memory_space<vmem>>
    %dma_start3A_201 = arith.constant 4096 : i32
    %dma_start3A_202 = tpu.memref_slice %arg6[%dma_start3A_201] : memref<24576xi32, #tpu.memory_space<vmem>> -> memref<256xi32, #tpu.memory_space<vmem>>
    %dma_start3A_203 = arith.constant 0 : i32
    %dma_start3A_204 = arith.constant 0 : i32
    %dma_start3A_205 = tpu.memref_slice %arg9[%dma_start3A_203, %dma_start3A_204] : memref<12288x16xf32, #tpu.memory_space<vmem_shared>> -> memref<12288x16xf32, #tpu.memory_space<vmem_shared>>
    tpu.enqueue_indirect_dma source(%dma_start3A_205 : memref<12288x16xf32, #tpu.memory_space<vmem_shared>>) target(%dma_start3A_200 : memref<256x16xf32, #tpu.memory_space<vmem>>) offsets(%dma_start3A_202 : memref<256xi32, #tpu.memory_space<vmem>>) semaphore(%arg10 : memref<!tpu.dma_semaphore, #tpu.memory_space<semaphore_mem>>)
    %dma_start3A_206 = arith.constant 1280 : i32
    %dma_start3A_207 = arith.constant 0 : i32
    %dma_start3A_208 = tpu.memref_slice %arg7[%dma_start3A_206, %dma_start3A_207] : memref<1536x16xf32, #tpu.memory_space<vmem>> -> memref<256x16xf32, #tpu.memory_space<vmem>>
    %dma_start3A_209 = arith.constant 4352 : i32
    %dma_start3A_210 = tpu.memref_slice %arg6[%dma_start3A_209] : memref<24576xi32, #tpu.memory_space<vmem>> -> memref<256xi32, #tpu.memory_space<vmem>>
    %dma_start3A_211 = arith.constant 0 : i32
    %dma_start3A_212 = arith.constant 0 : i32
    %dma_start3A_213 = tpu.memref_slice %arg9[%dma_start3A_211, %dma_start3A_212] : memref<12288x16xf32, #tpu.memory_space<vmem_shared>> -> memref<12288x16xf32, #tpu.memory_space<vmem_shared>>
    tpu.enqueue_indirect_dma source(%dma_start3A_213 : memref<12288x16xf32, #tpu.memory_space<vmem_shared>>) target(%dma_start3A_208 : memref<256x16xf32, #tpu.memory_space<vmem>>) offsets(%dma_start3A_210 : memref<256xi32, #tpu.memory_space<vmem>>) semaphore(%arg10 : memref<!tpu.dma_semaphore, #tpu.memory_space<semaphore_mem>>)
    %dma_wait3A_214 = arith.constant 0 : i32
    %dma_wait3A_215 = arith.constant 0 : i32
    %dma_wait3A_216 = tpu.memref_slice %arg8[%dma_wait3A_214, %dma_wait3A_215] : memref<1536x16xf32, #tpu.memory_space<vmem>> -> memref<256x16xf32, #tpu.memory_space<vmem>>
    %dma_wait3A_217 = arith.constant 1536 : i32
    %dma_wait3A_218 = tpu.memref_slice %arg6[%dma_wait3A_217] : memref<24576xi32, #tpu.memory_space<vmem>> -> memref<256xi32, #tpu.memory_space<vmem>>
    %dma_wait3A_219 = arith.constant 0 : i32
    %dma_wait3A_220 = arith.constant 0 : i32
    %dma_wait3A_221 = tpu.memref_slice %arg9[%dma_wait3A_219, %dma_wait3A_220] : memref<12288x16xf32, #tpu.memory_space<vmem_shared>> -> memref<12288x16xf32, #tpu.memory_space<vmem_shared>>
    tpu.wait_indirect_dma semaphore(%arg11 : memref<!tpu.dma_semaphore, #tpu.memory_space<semaphore_mem>>) src(%dma_wait3A_221 : memref<12288x16xf32, #tpu.memory_space<vmem_shared>>) dst(%dma_wait3A_216 : memref<256x16xf32, #tpu.memory_space<vmem>>)
    %dma_wait3A_222 = arith.constant 256 : i32
    %dma_wait3A_223 = arith.constant 0 : i32
    %dma_wait3A_224 = tpu.memref_slice %arg8[%dma_wait3A_222, %dma_wait3A_223] : memref<1536x16xf32, #tpu.memory_space<vmem>> -> memref<256x16xf32, #tpu.memory_space<vmem>>
    %dma_wait3A_225 = arith.constant 1792 : i32
    %dma_wait3A_226 = tpu.memref_slice %arg6[%dma_wait3A_225] : memref<24576xi32, #tpu.memory_space<vmem>> -> memref<256xi32, #tpu.memory_space<vmem>>
    %dma_wait3A_227 = arith.constant 0 : i32
    %dma_wait3A_228 = arith.constant 0 : i32
    %dma_wait3A_229 = tpu.memref_slice %arg9[%dma_wait3A_227, %dma_wait3A_228] : memref<12288x16xf32, #tpu.memory_space<vmem_shared>> -> memref<12288x16xf32, #tpu.memory_space<vmem_shared>>
    tpu.wait_indirect_dma semaphore(%arg11 : memref<!tpu.dma_semaphore, #tpu.memory_space<semaphore_mem>>) src(%dma_wait3A_229 : memref<12288x16xf32, #tpu.memory_space<vmem_shared>>) dst(%dma_wait3A_224 : memref<256x16xf32, #tpu.memory_space<vmem>>)
    %dma_wait3A_230 = arith.constant 512 : i32
    %dma_wait3A_231 = arith.constant 0 : i32
    %dma_wait3A_232 = tpu.memref_slice %arg8[%dma_wait3A_230, %dma_wait3A_231] : memref<1536x16xf32, #tpu.memory_space<vmem>> -> memref<256x16xf32, #tpu.memory_space<vmem>>
    %dma_wait3A_233 = arith.constant 2048 : i32
    %dma_wait3A_234 = tpu.memref_slice %arg6[%dma_wait3A_233] : memref<24576xi32, #tpu.memory_space<vmem>> -> memref<256xi32, #tpu.memory_space<vmem>>
    %dma_wait3A_235 = arith.constant 0 : i32
    %dma_wait3A_236 = arith.constant 0 : i32
    %dma_wait3A_237 = tpu.memref_slice %arg9[%dma_wait3A_235, %dma_wait3A_236] : memref<12288x16xf32, #tpu.memory_space<vmem_shared>> -> memref<12288x16xf32, #tpu.memory_space<vmem_shared>>
    tpu.wait_indirect_dma semaphore(%arg11 : memref<!tpu.dma_semaphore, #tpu.memory_space<semaphore_mem>>) src(%dma_wait3A_237 : memref<12288x16xf32, #tpu.memory_space<vmem_shared>>) dst(%dma_wait3A_232 : memref<256x16xf32, #tpu.memory_space<vmem>>)
    %dma_wait3A_238 = arith.constant 768 : i32
    %dma_wait3A_239 = arith.constant 0 : i32
    %dma_wait3A_240 = tpu.memref_slice %arg8[%dma_wait3A_238, %dma_wait3A_239] : memref<1536x16xf32, #tpu.memory_space<vmem>> -> memref<256x16xf32, #tpu.memory_space<vmem>>
    %dma_wait3A_241 = arith.constant 2304 : i32
    %dma_wait3A_242 = tpu.memref_slice %arg6[%dma_wait3A_241] : memref<24576xi32, #tpu.memory_space<vmem>> -> memref<256xi32, #tpu.memory_space<vmem>>
    %dma_wait3A_243 = arith.constant 0 : i32
    %dma_wait3A_244 = arith.constant 0 : i32
    %dma_wait3A_245 = tpu.memref_slice %arg9[%dma_wait3A_243, %dma_wait3A_244] : memref<12288x16xf32, #tpu.memory_space<vmem_shared>> -> memref<12288x16xf32, #tpu.memory_space<vmem_shared>>
    tpu.wait_indirect_dma semaphore(%arg11 : memref<!tpu.dma_semaphore, #tpu.memory_space<semaphore_mem>>) src(%dma_wait3A_245 : memref<12288x16xf32, #tpu.memory_space<vmem_shared>>) dst(%dma_wait3A_240 : memref<256x16xf32, #tpu.memory_space<vmem>>)
    %dma_wait3A_246 = arith.constant 1024 : i32
    %dma_wait3A_247 = arith.constant 0 : i32
    %dma_wait3A_248 = tpu.memref_slice %arg8[%dma_wait3A_246, %dma_wait3A_247] : memref<1536x16xf32, #tpu.memory_space<vmem>> -> memref<256x16xf32, #tpu.memory_space<vmem>>
    %dma_wait3A_249 = arith.constant 2560 : i32
    %dma_wait3A_250 = tpu.memref_slice %arg6[%dma_wait3A_249] : memref<24576xi32, #tpu.memory_space<vmem>> -> memref<256xi32, #tpu.memory_space<vmem>>
    %dma_wait3A_251 = arith.constant 0 : i32
    %dma_wait3A_252 = arith.constant 0 : i32
    %dma_wait3A_253 = tpu.memref_slice %arg9[%dma_wait3A_251, %dma_wait3A_252] : memref<12288x16xf32, #tpu.memory_space<vmem_shared>> -> memref<12288x16xf32, #tpu.memory_space<vmem_shared>>
    tpu.wait_indirect_dma semaphore(%arg11 : memref<!tpu.dma_semaphore, #tpu.memory_space<semaphore_mem>>) src(%dma_wait3A_253 : memref<12288x16xf32, #tpu.memory_space<vmem_shared>>) dst(%dma_wait3A_248 : memref<256x16xf32, #tpu.memory_space<vmem>>)
    %dma_wait3A_254 = arith.constant 1280 : i32
    %dma_wait3A_255 = arith.constant 0 : i32
    %dma_wait3A_256 = tpu.memref_slice %arg8[%dma_wait3A_254, %dma_wait3A_255] : memref<1536x16xf32, #tpu.memory_space<vmem>> -> memref<256x16xf32, #tpu.memory_space<vmem>>
    %dma_wait3A_257 = arith.constant 2816 : i32
    %dma_wait3A_258 = tpu.memref_slice %arg6[%dma_wait3A_257] : memref<24576xi32, #tpu.memory_space<vmem>> -> memref<256xi32, #tpu.memory_space<vmem>>
    %dma_wait3A_259 = arith.constant 0 : i32
    %dma_wait3A_260 = arith.constant 0 : i32
    %dma_wait3A_261 = tpu.memref_slice %arg9[%dma_wait3A_259, %dma_wait3A_260] : memref<12288x16xf32, #tpu.memory_space<vmem_shared>> -> memref<12288x16xf32, #tpu.memory_space<vmem_shared>>
    tpu.wait_indirect_dma semaphore(%arg11 : memref<!tpu.dma_semaphore, #tpu.memory_space<semaphore_mem>>) src(%dma_wait3A_261 : memref<12288x16xf32, #tpu.memory_space<vmem_shared>>) dst(%dma_wait3A_256 : memref<256x16xf32, #tpu.memory_space<vmem>>)
    %add3A_262 = arith.constant 1536 : i32
    %add3A_263 = arith.addi %multiple_of3A, %add3A_262 : i32
    %dma_start3A_264 = arith.constant 0 : i32
    %dma_start3A_265 = tpu.memref_slice %arg4[%add3A_263, %dma_start3A_264] : memref<786432x16xf32, #tpu.memory_space<hbm>> -> memref<1536x16xf32, #tpu.memory_space<hbm>>
    %dma_start3A_266 = arith.constant 0 : i32
    %dma_start3A_267 = tpu.memref_slice %arg4[%add3A_263, %dma_start3A_266] : memref<786432x16xf32, #tpu.memory_space<hbm>> -> memref<1536x16xf32, #tpu.memory_space<hbm>>
    tpu.enqueue_dma source(%arg8 : memref<1536x16xf32, #tpu.memory_space<vmem>>) target(%dma_start3A_267 : memref<1536x16xf32, #tpu.memory_space<hbm>>) target_semaphore(%arg13 : memref<!tpu.dma_semaphore, #tpu.memory_space<semaphore_mem>>)
    %dma_wait3A_268 = arith.constant 0 : i32
    %dma_wait3A_269 = tpu.memref_slice %arg4[%add3A_263, %dma_wait3A_268] : memref<786432x16xf32, #tpu.memory_space<hbm>> -> memref<1536x16xf32, #tpu.memory_space<hbm>>
    %dma_wait3A_270 = arith.constant 0 : i32
    %dma_wait3A_271 = tpu.memref_slice %arg4[%add3A_263, %dma_wait3A_270] : memref<786432x16xf32, #tpu.memory_space<hbm>> -> memref<1536x16xf32, #tpu.memory_space<hbm>>
    tpu.wait_dma2 semaphore(%arg13 : memref<!tpu.dma_semaphore, #tpu.memory_space<semaphore_mem>>) src(%arg8 : memref<1536x16xf32, #tpu.memory_space<vmem>>) dst(%dma_wait3A_271 : memref<1536x16xf32, #tpu.memory_space<hbm>>)
    %dma_start3A_272 = arith.constant 0 : i32
    %dma_start3A_273 = arith.constant 0 : i32
    %dma_start3A_274 = tpu.memref_slice %arg8[%dma_start3A_272, %dma_start3A_273] : memref<1536x16xf32, #tpu.memory_space<vmem>> -> memref<256x16xf32, #tpu.memory_space<vmem>>
    %dma_start3A_275 = arith.constant 4608 : i32
    %dma_start3A_276 = tpu.memref_slice %arg6[%dma_start3A_275] : memref<24576xi32, #tpu.memory_space<vmem>> -> memref<256xi32, #tpu.memory_space<vmem>>
    %dma_start3A_277 = arith.constant 0 : i32
    %dma_start3A_278 = arith.constant 0 : i32
    %dma_start3A_279 = tpu.memref_slice %arg9[%dma_start3A_277, %dma_start3A_278] : memref<12288x16xf32, #tpu.memory_space<vmem_shared>> -> memref<12288x16xf32, #tpu.memory_space<vmem_shared>>
    tpu.enqueue_indirect_dma source(%dma_start3A_279 : memref<12288x16xf32, #tpu.memory_space<vmem_shared>>) target(%dma_start3A_274 : memref<256x16xf32, #tpu.memory_space<vmem>>) offsets(%dma_start3A_276 : memref<256xi32, #tpu.memory_space<vmem>>) semaphore(%arg11 : memref<!tpu.dma_semaphore, #tpu.memory_space<semaphore_mem>>)
    %dma_start3A_280 = arith.constant 256 : i32
    %dma_start3A_281 = arith.constant 0 : i32
    %dma_start3A_282 = tpu.memref_slice %arg8[%dma_start3A_280, %dma_start3A_281] : memref<1536x16xf32, #tpu.memory_space<vmem>> -> memref<256x16xf32, #tpu.memory_space<vmem>>
    %dma_start3A_283 = arith.constant 4864 : i32
    %dma_start3A_284 = tpu.memref_slice %arg6[%dma_start3A_283] : memref<24576xi32, #tpu.memory_space<vmem>> -> memref<256xi32, #tpu.memory_space<vmem>>
    %dma_start3A_285 = arith.constant 0 : i32
    %dma_start3A_286 = arith.constant 0 : i32
    %dma_start3A_287 = tpu.memref_slice %arg9[%dma_start3A_285, %dma_start3A_286] : memref<12288x16xf32, #tpu.memory_space<vmem_shared>> -> memref<12288x16xf32, #tpu.memory_space<vmem_shared>>
    tpu.enqueue_indirect_dma source(%dma_start3A_287 : memref<12288x16xf32, #tpu.memory_space<vmem_shared>>) target(%dma_start3A_282 : memref<256x16xf32, #tpu.memory_space<vmem>>) offsets(%dma_start3A_284 : memref<256xi32, #tpu.memory_space<vmem>>) semaphore(%arg11 : memref<!tpu.dma_semaphore, #tpu.memory_space<semaphore_mem>>)
    %dma_start3A_288 = arith.constant 512 : i32
    %dma_start3A_289 = arith.constant 0 : i32
    %dma_start3A_290 = tpu.memref_slice %arg8[%dma_start3A_288, %dma_start3A_289] : memref<1536x16xf32, #tpu.memory_space<vmem>> -> memref<256x16xf32, #tpu.memory_space<vmem>>
    %dma_start3A_291 = arith.constant 5120 : i32
    %dma_start3A_292 = tpu.memref_slice %arg6[%dma_start3A_291] : memref<24576xi32, #tpu.memory_space<vmem>> -> memref<256xi32, #tpu.memory_space<vmem>>
    %dma_start3A_293 = arith.constant 0 : i32
    %dma_start3A_294 = arith.constant 0 : i32
    %dma_start3A_295 = tpu.memref_slice %arg9[%dma_start3A_293, %dma_start3A_294] : memref<12288x16xf32, #tpu.memory_space<vmem_shared>> -> memref<12288x16xf32, #tpu.memory_space<vmem_shared>>
    tpu.enqueue_indirect_dma source(%dma_start3A_295 : memref<12288x16xf32, #tpu.memory_space<vmem_shared>>) target(%dma_start3A_290 : memref<256x16xf32, #tpu.memory_space<vmem>>) offsets(%dma_start3A_292 : memref<256xi32, #tpu.memory_space<vmem>>) semaphore(%arg11 : memref<!tpu.dma_semaphore, #tpu.memory_space<semaphore_mem>>)
    %dma_start3A_296 = arith.constant 768 : i32
    %dma_start3A_297 = arith.constant 0 : i32
    %dma_start3A_298 = tpu.memref_slice %arg8[%dma_start3A_296, %dma_start3A_297] : memref<1536x16xf32, #tpu.memory_space<vmem>> -> memref<256x16xf32, #tpu.memory_space<vmem>>
    %dma_start3A_299 = arith.constant 5376 : i32
    %dma_start3A_300 = tpu.memref_slice %arg6[%dma_start3A_299] : memref<24576xi32, #tpu.memory_space<vmem>> -> memref<256xi32, #tpu.memory_space<vmem>>
    %dma_start3A_301 = arith.constant 0 : i32
    %dma_start3A_302 = arith.constant 0 : i32
    %dma_start3A_303 = tpu.memref_slice %arg9[%dma_start3A_301, %dma_start3A_302] : memref<12288x16xf32, #tpu.memory_space<vmem_shared>> -> memref<12288x16xf32, #tpu.memory_space<vmem_shared>>
    tpu.enqueue_indirect_dma source(%dma_start3A_303 : memref<12288x16xf32, #tpu.memory_space<vmem_shared>>) target(%dma_start3A_298 : memref<256x16xf32, #tpu.memory_space<vmem>>) offsets(%dma_start3A_300 : memref<256xi32, #tpu.memory_space<vmem>>) semaphore(%arg11 : memref<!tpu.dma_semaphore, #tpu.memory_space<semaphore_mem>>)
    %dma_start3A_304 = arith.constant 1024 : i32
    %dma_start3A_305 = arith.constant 0 : i32
    %dma_start3A_306 = tpu.memref_slice %arg8[%dma_start3A_304, %dma_start3A_305] : memref<1536x16xf32, #tpu.memory_space<vmem>> -> memref<256x16xf32, #tpu.memory_space<vmem>>
    %dma_start3A_307 = arith.constant 5632 : i32
    %dma_start3A_308 = tpu.memref_slice %arg6[%dma_start3A_307] : memref<24576xi32, #tpu.memory_space<vmem>> -> memref<256xi32, #tpu.memory_space<vmem>>
    %dma_start3A_309 = arith.constant 0 : i32
    %dma_start3A_310 = arith.constant 0 : i32
    %dma_start3A_311 = tpu.memref_slice %arg9[%dma_start3A_309, %dma_start3A_310] : memref<12288x16xf32, #tpu.memory_space<vmem_shared>> -> memref<12288x16xf32, #tpu.memory_space<vmem_shared>>
    tpu.enqueue_indirect_dma source(%dma_start3A_311 : memref<12288x16xf32, #tpu.memory_space<vmem_shared>>) target(%dma_start3A_306 : memref<256x16xf32, #tpu.memory_space<vmem>>) offsets(%dma_start3A_308 : memref<256xi32, #tpu.memory_space<vmem>>) semaphore(%arg11 : memref<!tpu.dma_semaphore, #tpu.memory_space<semaphore_mem>>)
    %dma_start3A_312 = arith.constant 1280 : i32
    %dma_start3A_313 = arith.constant 0 : i32
    %dma_start3A_314 = tpu.memref_slice %arg8[%dma_start3A_312, %dma_start3A_313] : memref<1536x16xf32, #tpu.memory_space<vmem>> -> memref<256x16xf32, #tpu.memory_space<vmem>>
    %dma_start3A_315 = arith.constant 5888 : i32
    %dma_start3A_316 = tpu.memref_slice %arg6[%dma_start3A_315] : memref<24576xi32, #tpu.memory_space<vmem>> -> memref<256xi32, #tpu.memory_space<vmem>>
    %dma_start3A_317 = arith.constant 0 : i32
    %dma_start3A_318 = arith.constant 0 : i32
    %dma_start3A_319 = tpu.memref_slice %arg9[%dma_start3A_317, %dma_start3A_318] : memref<12288x16xf32, #tpu.memory_space<vmem_shared>> -> memref<12288x16xf32, #tpu.memory_space<vmem_shared>>
    tpu.enqueue_indirect_dma source(%dma_start3A_319 : memref<12288x16xf32, #tpu.memory_space<vmem_shared>>) target(%dma_start3A_314 : memref<256x16xf32, #tpu.memory_space<vmem>>) offsets(%dma_start3A_316 : memref<256xi32, #tpu.memory_space<vmem>>) semaphore(%arg11 : memref<!tpu.dma_semaphore, #tpu.memory_space<semaphore_mem>>)
    %dma_wait3A_320 = arith.constant 0 : i32
    %dma_wait3A_321 = arith.constant 0 : i32
    %dma_wait3A_322 = tpu.memref_slice %arg7[%dma_wait3A_320, %dma_wait3A_321] : memref<1536x16xf32, #tpu.memory_space<vmem>> -> memref<256x16xf32, #tpu.memory_space<vmem>>
    %dma_wait3A_323 = arith.constant 3072 : i32
    %dma_wait3A_324 = tpu.memref_slice %arg6[%dma_wait3A_323] : memref<24576xi32, #tpu.memory_space<vmem>> -> memref<256xi32, #tpu.memory_space<vmem>>
    %dma_wait3A_325 = arith.constant 0 : i32
    %dma_wait3A_326 = arith.constant 0 : i32
    %dma_wait3A_327 = tpu.memref_slice %arg9[%dma_wait3A_325, %dma_wait3A_326] : memref<12288x16xf32, #tpu.memory_space<vmem_shared>> -> memref<12288x16xf32, #tpu.memory_space<vmem_shared>>
    tpu.wait_indirect_dma semaphore(%arg10 : memref<!tpu.dma_semaphore, #tpu.memory_space<semaphore_mem>>) src(%dma_wait3A_327 : memref<12288x16xf32, #tpu.memory_space<vmem_shared>>) dst(%dma_wait3A_322 : memref<256x16xf32, #tpu.memory_space<vmem>>)
    %dma_wait3A_328 = arith.constant 256 : i32
    %dma_wait3A_329 = arith.constant 0 : i32
    %dma_wait3A_330 = tpu.memref_slice %arg7[%dma_wait3A_328, %dma_wait3A_329] : memref<1536x16xf32, #tpu.memory_space<vmem>> -> memref<256x16xf32, #tpu.memory_space<vmem>>
    %dma_wait3A_331 = arith.constant 3328 : i32
    %dma_wait3A_332 = tpu.memref_slice %arg6[%dma_wait3A_331] : memref<24576xi32, #tpu.memory_space<vmem>> -> memref<256xi32, #tpu.memory_space<vmem>>
    %dma_wait3A_333 = arith.constant 0 : i32
    %dma_wait3A_334 = arith.constant 0 : i32
    %dma_wait3A_335 = tpu.memref_slice %arg9[%dma_wait3A_333, %dma_wait3A_334] : memref<12288x16xf32, #tpu.memory_space<vmem_shared>> -> memref<12288x16xf32, #tpu.memory_space<vmem_shared>>
    tpu.wait_indirect_dma semaphore(%arg10 : memref<!tpu.dma_semaphore, #tpu.memory_space<semaphore_mem>>) src(%dma_wait3A_335 : memref<12288x16xf32, #tpu.memory_space<vmem_shared>>) dst(%dma_wait3A_330 : memref<256x16xf32, #tpu.memory_space<vmem>>)
    %dma_wait3A_336 = arith.constant 512 : i32
    %dma_wait3A_337 = arith.constant 0 : i32
    %dma_wait3A_338 = tpu.memref_slice %arg7[%dma_wait3A_336, %dma_wait3A_337] : memref<1536x16xf32, #tpu.memory_space<vmem>> -> memref<256x16xf32, #tpu.memory_space<vmem>>
    %dma_wait3A_339 = arith.constant 3584 : i32
    %dma_wait3A_340 = tpu.memref_slice %arg6[%dma_wait3A_339] : memref<24576xi32, #tpu.memory_space<vmem>> -> memref<256xi32, #tpu.memory_space<vmem>>
    %dma_wait3A_341 = arith.constant 0 : i32
    %dma_wait3A_342 = arith.constant 0 : i32
    %dma_wait3A_343 = tpu.memref_slice %arg9[%dma_wait3A_341, %dma_wait3A_342] : memref<12288x16xf32, #tpu.memory_space<vmem_shared>> -> memref<12288x16xf32, #tpu.memory_space<vmem_shared>>
    tpu.wait_indirect_dma semaphore(%arg10 : memref<!tpu.dma_semaphore, #tpu.memory_space<semaphore_mem>>) src(%dma_wait3A_343 : memref<12288x16xf32, #tpu.memory_space<vmem_shared>>) dst(%dma_wait3A_338 : memref<256x16xf32, #tpu.memory_space<vmem>>)
    %dma_wait3A_344 = arith.constant 768 : i32
    %dma_wait3A_345 = arith.constant 0 : i32
    %dma_wait3A_346 = tpu.memref_slice %arg7[%dma_wait3A_344, %dma_wait3A_345] : memref<1536x16xf32, #tpu.memory_space<vmem>> -> memref<256x16xf32, #tpu.memory_space<vmem>>
    %dma_wait3A_347 = arith.constant 3840 : i32
    %dma_wait3A_348 = tpu.memref_slice %arg6[%dma_wait3A_347] : memref<24576xi32, #tpu.memory_space<vmem>> -> memref<256xi32, #tpu.memory_space<vmem>>
    %dma_wait3A_349 = arith.constant 0 : i32
    %dma_wait3A_350 = arith.constant 0 : i32
    %dma_wait3A_351 = tpu.memref_slice %arg9[%dma_wait3A_349, %dma_wait3A_350] : memref<12288x16xf32, #tpu.memory_space<vmem_shared>> -> memref<12288x16xf32, #tpu.memory_space<vmem_shared>>
    tpu.wait_indirect_dma semaphore(%arg10 : memref<!tpu.dma_semaphore, #tpu.memory_space<semaphore_mem>>) src(%dma_wait3A_351 : memref<12288x16xf32, #tpu.memory_space<vmem_shared>>) dst(%dma_wait3A_346 : memref<256x16xf32, #tpu.memory_space<vmem>>)
    %dma_wait3A_352 = arith.constant 1024 : i32
    %dma_wait3A_353 = arith.constant 0 : i32
    %dma_wait3A_354 = tpu.memref_slice %arg7[%dma_wait3A_352, %dma_wait3A_353] : memref<1536x16xf32, #tpu.memory_space<vmem>> -> memref<256x16xf32, #tpu.memory_space<vmem>>
    %dma_wait3A_355 = arith.constant 4096 : i32
    %dma_wait3A_356 = tpu.memref_slice %arg6[%dma_wait3A_355] : memref<24576xi32, #tpu.memory_space<vmem>> -> memref<256xi32, #tpu.memory_space<vmem>>
    %dma_wait3A_357 = arith.constant 0 : i32
    %dma_wait3A_358 = arith.constant 0 : i32
    %dma_wait3A_359 = tpu.memref_slice %arg9[%dma_wait3A_357, %dma_wait3A_358] : memref<12288x16xf32, #tpu.memory_space<vmem_shared>> -> memref<12288x16xf32, #tpu.memory_space<vmem_shared>>
    tpu.wait_indirect_dma semaphore(%arg10 : memref<!tpu.dma_semaphore, #tpu.memory_space<semaphore_mem>>) src(%dma_wait3A_359 : memref<12288x16xf32, #tpu.memory_space<vmem_shared>>) dst(%dma_wait3A_354 : memref<256x16xf32, #tpu.memory_space<vmem>>)
    %dma_wait3A_360 = arith.constant 1280 : i32
    %dma_wait3A_361 = arith.constant 0 : i32
    %dma_wait3A_362 = tpu.memref_slice %arg7[%dma_wait3A_360, %dma_wait3A_361] : memref<1536x16xf32, #tpu.memory_space<vmem>> -> memref<256x16xf32, #tpu.memory_space<vmem>>
    %dma_wait3A_363 = arith.constant 4352 : i32
    %dma_wait3A_364 = tpu.memref_slice %arg6[%dma_wait3A_363] : memref<24576xi32, #tpu.memory_space<vmem>> -> memref<256xi32, #tpu.memory_space<vmem>>
    %dma_wait3A_365 = arith.constant 0 : i32
    %dma_wait3A_366 = arith.constant 0 : i32
    %dma_wait3A_367 = tpu.memref_slice %arg9[%dma_wait3A_365, %dma_wait3A_366] : memref<12288x16xf32, #tpu.memory_space<vmem_shared>> -> memref<12288x16xf32, #tpu.memory_space<vmem_shared>>
    tpu.wait_indirect_dma semaphore(%arg10 : memref<!tpu.dma_semaphore, #tpu.memory_space<semaphore_mem>>) src(%dma_wait3A_367 : memref<12288x16xf32, #tpu.memory_space<vmem_shared>>) dst(%dma_wait3A_362 : memref<256x16xf32, #tpu.memory_space<vmem>>)
    %add3A_368 = arith.constant 3072 : i32
    %add3A_369 = arith.addi %multiple_of3A, %add3A_368 : i32
    %dma_start3A_370 = arith.constant 0 : i32
    %dma_start3A_371 = tpu.memref_slice %arg4[%add3A_369, %dma_start3A_370] : memref<786432x16xf32, #tpu.memory_space<hbm>> -> memref<1536x16xf32, #tpu.memory_space<hbm>>
    %dma_start3A_372 = arith.constant 0 : i32
    %dma_start3A_373 = tpu.memref_slice %arg4[%add3A_369, %dma_start3A_372] : memref<786432x16xf32, #tpu.memory_space<hbm>> -> memref<1536x16xf32, #tpu.memory_space<hbm>>
    tpu.enqueue_dma source(%arg7 : memref<1536x16xf32, #tpu.memory_space<vmem>>) target(%dma_start3A_373 : memref<1536x16xf32, #tpu.memory_space<hbm>>) target_semaphore(%arg12 : memref<!tpu.dma_semaphore, #tpu.memory_space<semaphore_mem>>)
    %dma_wait3A_374 = arith.constant 0 : i32
    %dma_wait3A_375 = tpu.memref_slice %arg4[%add3A_369, %dma_wait3A_374] : memref<786432x16xf32, #tpu.memory_space<hbm>> -> memref<1536x16xf32, #tpu.memory_space<hbm>>
    %dma_wait3A_376 = arith.constant 0 : i32
    %dma_wait3A_377 = tpu.memref_slice %arg4[%add3A_369, %dma_wait3A_376] : memref<786432x16xf32, #tpu.memory_space<hbm>> -> memref<1536x16xf32, #tpu.memory_space<hbm>>
    tpu.wait_dma2 semaphore(%arg12 : memref<!tpu.dma_semaphore, #tpu.memory_space<semaphore_mem>>) src(%arg7 : memref<1536x16xf32, #tpu.memory_space<vmem>>) dst(%dma_wait3A_377 : memref<1536x16xf32, #tpu.memory_space<hbm>>)
    %dma_start3A_378 = arith.constant 0 : i32
    %dma_start3A_379 = arith.constant 0 : i32
    %dma_start3A_380 = tpu.memref_slice %arg7[%dma_start3A_378, %dma_start3A_379] : memref<1536x16xf32, #tpu.memory_space<vmem>> -> memref<256x16xf32, #tpu.memory_space<vmem>>
    %dma_start3A_381 = arith.constant 6144 : i32
    %dma_start3A_382 = tpu.memref_slice %arg6[%dma_start3A_381] : memref<24576xi32, #tpu.memory_space<vmem>> -> memref<256xi32, #tpu.memory_space<vmem>>
    %dma_start3A_383 = arith.constant 0 : i32
    %dma_start3A_384 = arith.constant 0 : i32
    %dma_start3A_385 = tpu.memref_slice %arg9[%dma_start3A_383, %dma_start3A_384] : memref<12288x16xf32, #tpu.memory_space<vmem_shared>> -> memref<12288x16xf32, #tpu.memory_space<vmem_shared>>
    tpu.enqueue_indirect_dma source(%dma_start3A_385 : memref<12288x16xf32, #tpu.memory_space<vmem_shared>>) target(%dma_start3A_380 : memref<256x16xf32, #tpu.memory_space<vmem>>) offsets(%dma_start3A_382 : memref<256xi32, #tpu.memory_space<vmem>>) semaphore(%arg10 : memref<!tpu.dma_semaphore, #tpu.memory_space<semaphore_mem>>)
    %dma_start3A_386 = arith.constant 256 : i32
    %dma_start3A_387 = arith.constant 0 : i32
    %dma_start3A_388 = tpu.memref_slice %arg7[%dma_start3A_386, %dma_start3A_387] : memref<1536x16xf32, #tpu.memory_space<vmem>> -> memref<256x16xf32, #tpu.memory_space<vmem>>
    %dma_start3A_389 = arith.constant 6400 : i32
    %dma_start3A_390 = tpu.memref_slice %arg6[%dma_start3A_389] : memref<24576xi32, #tpu.memory_space<vmem>> -> memref<256xi32, #tpu.memory_space<vmem>>
    %dma_start3A_391 = arith.constant 0 : i32
    %dma_start3A_392 = arith.constant 0 : i32
    %dma_start3A_393 = tpu.memref_slice %arg9[%dma_start3A_391, %dma_start3A_392] : memref<12288x16xf32, #tpu.memory_space<vmem_shared>> -> memref<12288x16xf32, #tpu.memory_space<vmem_shared>>
    tpu.enqueue_indirect_dma source(%dma_start3A_393 : memref<12288x16xf32, #tpu.memory_space<vmem_shared>>) target(%dma_start3A_388 : memref<256x16xf32, #tpu.memory_space<vmem>>) offsets(%dma_start3A_390 : memref<256xi32, #tpu.memory_space<vmem>>) semaphore(%arg10 : memref<!tpu.dma_semaphore, #tpu.memory_space<semaphore_mem>>)
    %dma_start3A_394 = arith.constant 512 : i32
    %dma_start3A_395 = arith.constant 0 : i32
    %dma_start3A_396 = tpu.memref_slice %arg7[%dma_start3A_394, %dma_start3A_395] : memref<1536x16xf32, #tpu.memory_space<vmem>> -> memref<256x16xf32, #tpu.memory_space<vmem>>
    %dma_start3A_397 = arith.constant 6656 : i32
    %dma_start3A_398 = tpu.memref_slice %arg6[%dma_start3A_397] : memref<24576xi32, #tpu.memory_space<vmem>> -> memref<256xi32, #tpu.memory_space<vmem>>
    %dma_start3A_399 = arith.constant 0 : i32
    %dma_start3A_400 = arith.constant 0 : i32
    %dma_start3A_401 = tpu.memref_slice %arg9[%dma_start3A_399, %dma_start3A_400] : memref<12288x16xf32, #tpu.memory_space<vmem_shared>> -> memref<12288x16xf32, #tpu.memory_space<vmem_shared>>
    tpu.enqueue_indirect_dma source(%dma_start3A_401 : memref<12288x16xf32, #tpu.memory_space<vmem_shared>>) target(%dma_start3A_396 : memref<256x16xf32, #tpu.memory_space<vmem>>) offsets(%dma_start3A_398 : memref<256xi32, #tpu.memory_space<vmem>>) semaphore(%arg10 : memref<!tpu.dma_semaphore, #tpu.memory_space<semaphore_mem>>)
    %dma_start3A_402 = arith.constant 768 : i32
    %dma_start3A_403 = arith.constant 0 : i32
    %dma_start3A_404 = tpu.memref_slice %arg7[%dma_start3A_402, %dma_start3A_403] : memref<1536x16xf32, #tpu.memory_space<vmem>> -> memref<256x16xf32, #tpu.memory_space<vmem>>
    %dma_start3A_405 = arith.constant 6912 : i32
    %dma_start3A_406 = tpu.memref_slice %arg6[%dma_start3A_405] : memref<24576xi32, #tpu.memory_space<vmem>> -> memref<256xi32, #tpu.memory_space<vmem>>
    %dma_start3A_407 = arith.constant 0 : i32
    %dma_start3A_408 = arith.constant 0 : i32
    %dma_start3A_409 = tpu.memref_slice %arg9[%dma_start3A_407, %dma_start3A_408] : memref<12288x16xf32, #tpu.memory_space<vmem_shared>> -> memref<12288x16xf32, #tpu.memory_space<vmem_shared>>
    tpu.enqueue_indirect_dma source(%dma_start3A_409 : memref<12288x16xf32, #tpu.memory_space<vmem_shared>>) target(%dma_start3A_404 : memref<256x16xf32, #tpu.memory_space<vmem>>) offsets(%dma_start3A_406 : memref<256xi32, #tpu.memory_space<vmem>>) semaphore(%arg10 : memref<!tpu.dma_semaphore, #tpu.memory_space<semaphore_mem>>)
    %dma_start3A_410 = arith.constant 1024 : i32
    %dma_start3A_411 = arith.constant 0 : i32
    %dma_start3A_412 = tpu.memref_slice %arg7[%dma_start3A_410, %dma_start3A_411] : memref<1536x16xf32, #tpu.memory_space<vmem>> -> memref<256x16xf32, #tpu.memory_space<vmem>>
    %dma_start3A_413 = arith.constant 7168 : i32
    %dma_start3A_414 = tpu.memref_slice %arg6[%dma_start3A_413] : memref<24576xi32, #tpu.memory_space<vmem>> -> memref<256xi32, #tpu.memory_space<vmem>>
    %dma_start3A_415 = arith.constant 0 : i32
    %dma_start3A_416 = arith.constant 0 : i32
    %dma_start3A_417 = tpu.memref_slice %arg9[%dma_start3A_415, %dma_start3A_416] : memref<12288x16xf32, #tpu.memory_space<vmem_shared>> -> memref<12288x16xf32, #tpu.memory_space<vmem_shared>>
    tpu.enqueue_indirect_dma source(%dma_start3A_417 : memref<12288x16xf32, #tpu.memory_space<vmem_shared>>) target(%dma_start3A_412 : memref<256x16xf32, #tpu.memory_space<vmem>>) offsets(%dma_start3A_414 : memref<256xi32, #tpu.memory_space<vmem>>) semaphore(%arg10 : memref<!tpu.dma_semaphore, #tpu.memory_space<semaphore_mem>>)
    %dma_start3A_418 = arith.constant 1280 : i32
    %dma_start3A_419 = arith.constant 0 : i32
    %dma_start3A_420 = tpu.memref_slice %arg7[%dma_start3A_418, %dma_start3A_419] : memref<1536x16xf32, #tpu.memory_space<vmem>> -> memref<256x16xf32, #tpu.memory_space<vmem>>
    %dma_start3A_421 = arith.constant 7424 : i32
    %dma_start3A_422 = tpu.memref_slice %arg6[%dma_start3A_421] : memref<24576xi32, #tpu.memory_space<vmem>> -> memref<256xi32, #tpu.memory_space<vmem>>
    %dma_start3A_423 = arith.constant 0 : i32
    %dma_start3A_424 = arith.constant 0 : i32
    %dma_start3A_425 = tpu.memref_slice %arg9[%dma_start3A_423, %dma_start3A_424] : memref<12288x16xf32, #tpu.memory_space<vmem_shared>> -> memref<12288x16xf32, #tpu.memory_space<vmem_shared>>
    tpu.enqueue_indirect_dma source(%dma_start3A_425 : memref<12288x16xf32, #tpu.memory_space<vmem_shared>>) target(%dma_start3A_420 : memref<256x16xf32, #tpu.memory_space<vmem>>) offsets(%dma_start3A_422 : memref<256xi32, #tpu.memory_space<vmem>>) semaphore(%arg10 : memref<!tpu.dma_semaphore, #tpu.memory_space<semaphore_mem>>)
    %dma_wait3A_426 = arith.constant 0 : i32
    %dma_wait3A_427 = arith.constant 0 : i32
    %dma_wait3A_428 = tpu.memref_slice %arg8[%dma_wait3A_426, %dma_wait3A_427] : memref<1536x16xf32, #tpu.memory_space<vmem>> -> memref<256x16xf32, #tpu.memory_space<vmem>>
    %dma_wait3A_429 = arith.constant 4608 : i32
    %dma_wait3A_430 = tpu.memref_slice %arg6[%dma_wait3A_429] : memref<24576xi32, #tpu.memory_space<vmem>> -> memref<256xi32, #tpu.memory_space<vmem>>
    %dma_wait3A_431 = arith.constant 0 : i32
    %dma_wait3A_432 = arith.constant 0 : i32
    %dma_wait3A_433 = tpu.memref_slice %arg9[%dma_wait3A_431, %dma_wait3A_432] : memref<12288x16xf32, #tpu.memory_space<vmem_shared>> -> memref<12288x16xf32, #tpu.memory_space<vmem_shared>>
    tpu.wait_indirect_dma semaphore(%arg11 : memref<!tpu.dma_semaphore, #tpu.memory_space<semaphore_mem>>) src(%dma_wait3A_433 : memref<12288x16xf32, #tpu.memory_space<vmem_shared>>) dst(%dma_wait3A_428 : memref<256x16xf32, #tpu.memory_space<vmem>>)
    %dma_wait3A_434 = arith.constant 256 : i32
    %dma_wait3A_435 = arith.constant 0 : i32
    %dma_wait3A_436 = tpu.memref_slice %arg8[%dma_wait3A_434, %dma_wait3A_435] : memref<1536x16xf32, #tpu.memory_space<vmem>> -> memref<256x16xf32, #tpu.memory_space<vmem>>
    %dma_wait3A_437 = arith.constant 4864 : i32
    %dma_wait3A_438 = tpu.memref_slice %arg6[%dma_wait3A_437] : memref<24576xi32, #tpu.memory_space<vmem>> -> memref<256xi32, #tpu.memory_space<vmem>>
    %dma_wait3A_439 = arith.constant 0 : i32
    %dma_wait3A_440 = arith.constant 0 : i32
    %dma_wait3A_441 = tpu.memref_slice %arg9[%dma_wait3A_439, %dma_wait3A_440] : memref<12288x16xf32, #tpu.memory_space<vmem_shared>> -> memref<12288x16xf32, #tpu.memory_space<vmem_shared>>
    tpu.wait_indirect_dma semaphore(%arg11 : memref<!tpu.dma_semaphore, #tpu.memory_space<semaphore_mem>>) src(%dma_wait3A_441 : memref<12288x16xf32, #tpu.memory_space<vmem_shared>>) dst(%dma_wait3A_436 : memref<256x16xf32, #tpu.memory_space<vmem>>)
    %dma_wait3A_442 = arith.constant 512 : i32
    %dma_wait3A_443 = arith.constant 0 : i32
    %dma_wait3A_444 = tpu.memref_slice %arg8[%dma_wait3A_442, %dma_wait3A_443] : memref<1536x16xf32, #tpu.memory_space<vmem>> -> memref<256x16xf32, #tpu.memory_space<vmem>>
    %dma_wait3A_445 = arith.constant 5120 : i32
    %dma_wait3A_446 = tpu.memref_slice %arg6[%dma_wait3A_445] : memref<24576xi32, #tpu.memory_space<vmem>> -> memref<256xi32, #tpu.memory_space<vmem>>
    %dma_wait3A_447 = arith.constant 0 : i32
    %dma_wait3A_448 = arith.constant 0 : i32
    %dma_wait3A_449 = tpu.memref_slice %arg9[%dma_wait3A_447, %dma_wait3A_448] : memref<12288x16xf32, #tpu.memory_space<vmem_shared>> -> memref<12288x16xf32, #tpu.memory_space<vmem_shared>>
    tpu.wait_indirect_dma semaphore(%arg11 : memref<!tpu.dma_semaphore, #tpu.memory_space<semaphore_mem>>) src(%dma_wait3A_449 : memref<12288x16xf32, #tpu.memory_space<vmem_shared>>) dst(%dma_wait3A_444 : memref<256x16xf32, #tpu.memory_space<vmem>>)
    %dma_wait3A_450 = arith.constant 768 : i32
    %dma_wait3A_451 = arith.constant 0 : i32
    %dma_wait3A_452 = tpu.memref_slice %arg8[%dma_wait3A_450, %dma_wait3A_451] : memref<1536x16xf32, #tpu.memory_space<vmem>> -> memref<256x16xf32, #tpu.memory_space<vmem>>
    %dma_wait3A_453 = arith.constant 5376 : i32
    %dma_wait3A_454 = tpu.memref_slice %arg6[%dma_wait3A_453] : memref<24576xi32, #tpu.memory_space<vmem>> -> memref<256xi32, #tpu.memory_space<vmem>>
    %dma_wait3A_455 = arith.constant 0 : i32
    %dma_wait3A_456 = arith.constant 0 : i32
    %dma_wait3A_457 = tpu.memref_slice %arg9[%dma_wait3A_455, %dma_wait3A_456] : memref<12288x16xf32, #tpu.memory_space<vmem_shared>> -> memref<12288x16xf32, #tpu.memory_space<vmem_shared>>
    tpu.wait_indirect_dma semaphore(%arg11 : memref<!tpu.dma_semaphore, #tpu.memory_space<semaphore_mem>>) src(%dma_wait3A_457 : memref<12288x16xf32, #tpu.memory_space<vmem_shared>>) dst(%dma_wait3A_452 : memref<256x16xf32, #tpu.memory_space<vmem>>)
    %dma_wait3A_458 = arith.constant 1024 : i32
    %dma_wait3A_459 = arith.constant 0 : i32
    %dma_wait3A_460 = tpu.memref_slice %arg8[%dma_wait3A_458, %dma_wait3A_459] : memref<1536x16xf32, #tpu.memory_space<vmem>> -> memref<256x16xf32, #tpu.memory_space<vmem>>
    %dma_wait3A_461 = arith.constant 5632 : i32
    %dma_wait3A_462 = tpu.memref_slice %arg6[%dma_wait3A_461] : memref<24576xi32, #tpu.memory_space<vmem>> -> memref<256xi32, #tpu.memory_space<vmem>>
    %dma_wait3A_463 = arith.constant 0 : i32
    %dma_wait3A_464 = arith.constant 0 : i32
    %dma_wait3A_465 = tpu.memref_slice %arg9[%dma_wait3A_463, %dma_wait3A_464] : memref<12288x16xf32, #tpu.memory_space<vmem_shared>> -> memref<12288x16xf32, #tpu.memory_space<vmem_shared>>
    tpu.wait_indirect_dma semaphore(%arg11 : memref<!tpu.dma_semaphore, #tpu.memory_space<semaphore_mem>>) src(%dma_wait3A_465 : memref<12288x16xf32, #tpu.memory_space<vmem_shared>>) dst(%dma_wait3A_460 : memref<256x16xf32, #tpu.memory_space<vmem>>)
    %dma_wait3A_466 = arith.constant 1280 : i32
    %dma_wait3A_467 = arith.constant 0 : i32
    %dma_wait3A_468 = tpu.memref_slice %arg8[%dma_wait3A_466, %dma_wait3A_467] : memref<1536x16xf32, #tpu.memory_space<vmem>> -> memref<256x16xf32, #tpu.memory_space<vmem>>
    %dma_wait3A_469 = arith.constant 5888 : i32
    %dma_wait3A_470 = tpu.memref_slice %arg6[%dma_wait3A_469] : memref<24576xi32, #tpu.memory_space<vmem>> -> memref<256xi32, #tpu.memory_space<vmem>>
    %dma_wait3A_471 = arith.constant 0 : i32
    %dma_wait3A_472 = arith.constant 0 : i32
    %dma_wait3A_473 = tpu.memref_slice %arg9[%dma_wait3A_471, %dma_wait3A_472] : memref<12288x16xf32, #tpu.memory_space<vmem_shared>> -> memref<12288x16xf32, #tpu.memory_space<vmem_shared>>
    tpu.wait_indirect_dma semaphore(%arg11 : memref<!tpu.dma_semaphore, #tpu.memory_space<semaphore_mem>>) src(%dma_wait3A_473 : memref<12288x16xf32, #tpu.memory_space<vmem_shared>>) dst(%dma_wait3A_468 : memref<256x16xf32, #tpu.memory_space<vmem>>)
    %add3A_474 = arith.constant 4608 : i32
    %add3A_475 = arith.addi %multiple_of3A, %add3A_474 : i32
    %dma_start3A_476 = arith.constant 0 : i32
    %dma_start3A_477 = tpu.memref_slice %arg4[%add3A_475, %dma_start3A_476] : memref<786432x16xf32, #tpu.memory_space<hbm>> -> memref<1536x16xf32, #tpu.memory_space<hbm>>
    %dma_start3A_478 = arith.constant 0 : i32
    %dma_start3A_479 = tpu.memref_slice %arg4[%add3A_475, %dma_start3A_478] : memref<786432x16xf32, #tpu.memory_space<hbm>> -> memref<1536x16xf32, #tpu.memory_space<hbm>>
    tpu.enqueue_dma source(%arg8 : memref<1536x16xf32, #tpu.memory_space<vmem>>) target(%dma_start3A_479 : memref<1536x16xf32, #tpu.memory_space<hbm>>) target_semaphore(%arg13 : memref<!tpu.dma_semaphore, #tpu.memory_space<semaphore_mem>>)
    %dma_wait3A_480 = arith.constant 0 : i32
    %dma_wait3A_481 = tpu.memref_slice %arg4[%add3A_475, %dma_wait3A_480] : memref<786432x16xf32, #tpu.memory_space<hbm>> -> memref<1536x16xf32, #tpu.memory_space<hbm>>
    %dma_wait3A_482 = arith.constant 0 : i32
    %dma_wait3A_483 = tpu.memref_slice %arg4[%add3A_475, %dma_wait3A_482] : memref<786432x16xf32, #tpu.memory_space<hbm>> -> memref<1536x16xf32, #tpu.memory_space<hbm>>
    tpu.wait_dma2 semaphore(%arg13 : memref<!tpu.dma_semaphore, #tpu.memory_space<semaphore_mem>>) src(%arg8 : memref<1536x16xf32, #tpu.memory_space<vmem>>) dst(%dma_wait3A_483 : memref<1536x16xf32, #tpu.memory_space<hbm>>)
    %dma_start3A_484 = arith.constant 0 : i32
    %dma_start3A_485 = arith.constant 0 : i32
    %dma_start3A_486 = tpu.memref_slice %arg8[%dma_start3A_484, %dma_start3A_485] : memref<1536x16xf32, #tpu.memory_space<vmem>> -> memref<256x16xf32, #tpu.memory_space<vmem>>
    %dma_start3A_487 = arith.constant 7680 : i32
    %dma_start3A_488 = tpu.memref_slice %arg6[%dma_start3A_487] : memref<24576xi32, #tpu.memory_space<vmem>> -> memref<256xi32, #tpu.memory_space<vmem>>
    %dma_start3A_489 = arith.constant 0 : i32
    %dma_start3A_490 = arith.constant 0 : i32
    %dma_start3A_491 = tpu.memref_slice %arg9[%dma_start3A_489, %dma_start3A_490] : memref<12288x16xf32, #tpu.memory_space<vmem_shared>> -> memref<12288x16xf32, #tpu.memory_space<vmem_shared>>
    tpu.enqueue_indirect_dma source(%dma_start3A_491 : memref<12288x16xf32, #tpu.memory_space<vmem_shared>>) target(%dma_start3A_486 : memref<256x16xf32, #tpu.memory_space<vmem>>) offsets(%dma_start3A_488 : memref<256xi32, #tpu.memory_space<vmem>>) semaphore(%arg11 : memref<!tpu.dma_semaphore, #tpu.memory_space<semaphore_mem>>)
    %dma_start3A_492 = arith.constant 256 : i32
    %dma_start3A_493 = arith.constant 0 : i32
    %dma_start3A_494 = tpu.memref_slice %arg8[%dma_start3A_492, %dma_start3A_493] : memref<1536x16xf32, #tpu.memory_space<vmem>> -> memref<256x16xf32, #tpu.memory_space<vmem>>
    %dma_start3A_495 = arith.constant 7936 : i32
    %dma_start3A_496 = tpu.memref_slice %arg6[%dma_start3A_495] : memref<24576xi32, #tpu.memory_space<vmem>> -> memref<256xi32, #tpu.memory_space<vmem>>
    %dma_start3A_497 = arith.constant 0 : i32
    %dma_start3A_498 = arith.constant 0 : i32
    %dma_start3A_499 = tpu.memref_slice %arg9[%dma_start3A_497, %dma_start3A_498] : memref<12288x16xf32, #tpu.memory_space<vmem_shared>> -> memref<12288x16xf32, #tpu.memory_space<vmem_shared>>
    tpu.enqueue_indirect_dma source(%dma_start3A_499 : memref<12288x16xf32, #tpu.memory_space<vmem_shared>>) target(%dma_start3A_494 : memref<256x16xf32, #tpu.memory_space<vmem>>) offsets(%dma_start3A_496 : memref<256xi32, #tpu.memory_space<vmem>>) semaphore(%arg11 : memref<!tpu.dma_semaphore, #tpu.memory_space<semaphore_mem>>)
    %dma_start3A_500 = arith.constant 512 : i32
    %dma_start3A_501 = arith.constant 0 : i32
    %dma_start3A_502 = tpu.memref_slice %arg8[%dma_start3A_500, %dma_start3A_501] : memref<1536x16xf32, #tpu.memory_space<vmem>> -> memref<256x16xf32, #tpu.memory_space<vmem>>
    %dma_start3A_503 = arith.constant 8192 : i32
    %dma_start3A_504 = tpu.memref_slice %arg6[%dma_start3A_503] : memref<24576xi32, #tpu.memory_space<vmem>> -> memref<256xi32, #tpu.memory_space<vmem>>
    %dma_start3A_505 = arith.constant 0 : i32
    %dma_start3A_506 = arith.constant 0 : i32
    %dma_start3A_507 = tpu.memref_slice %arg9[%dma_start3A_505, %dma_start3A_506] : memref<12288x16xf32, #tpu.memory_space<vmem_shared>> -> memref<12288x16xf32, #tpu.memory_space<vmem_shared>>
    tpu.enqueue_indirect_dma source(%dma_start3A_507 : memref<12288x16xf32, #tpu.memory_space<vmem_shared>>) target(%dma_start3A_502 : memref<256x16xf32, #tpu.memory_space<vmem>>) offsets(%dma_start3A_504 : memref<256xi32, #tpu.memory_space<vmem>>) semaphore(%arg11 : memref<!tpu.dma_semaphore, #tpu.memory_space<semaphore_mem>>)
    %dma_start3A_508 = arith.constant 768 : i32
    %dma_start3A_509 = arith.constant 0 : i32
    %dma_start3A_510 = tpu.memref_slice %arg8[%dma_start3A_508, %dma_start3A_509] : memref<1536x16xf32, #tpu.memory_space<vmem>> -> memref<256x16xf32, #tpu.memory_space<vmem>>
    %dma_start3A_511 = arith.constant 8448 : i32
    %dma_start3A_512 = tpu.memref_slice %arg6[%dma_start3A_511] : memref<24576xi32, #tpu.memory_space<vmem>> -> memref<256xi32, #tpu.memory_space<vmem>>
    %dma_start3A_513 = arith.constant 0 : i32
    %dma_start3A_514 = arith.constant 0 : i32
    %dma_start3A_515 = tpu.memref_slice %arg9[%dma_start3A_513, %dma_start3A_514] : memref<12288x16xf32, #tpu.memory_space<vmem_shared>> -> memref<12288x16xf32, #tpu.memory_space<vmem_shared>>
    tpu.enqueue_indirect_dma source(%dma_start3A_515 : memref<12288x16xf32, #tpu.memory_space<vmem_shared>>) target(%dma_start3A_510 : memref<256x16xf32, #tpu.memory_space<vmem>>) offsets(%dma_start3A_512 : memref<256xi32, #tpu.memory_space<vmem>>) semaphore(%arg11 : memref<!tpu.dma_semaphore, #tpu.memory_space<semaphore_mem>>)
    %dma_start3A_516 = arith.constant 1024 : i32
    %dma_start3A_517 = arith.constant 0 : i32
    %dma_start3A_518 = tpu.memref_slice %arg8[%dma_start3A_516, %dma_start3A_517] : memref<1536x16xf32, #tpu.memory_space<vmem>> -> memref<256x16xf32, #tpu.memory_space<vmem>>
    %dma_start3A_519 = arith.constant 8704 : i32
    %dma_start3A_520 = tpu.memref_slice %arg6[%dma_start3A_519] : memref<24576xi32, #tpu.memory_space<vmem>> -> memref<256xi32, #tpu.memory_space<vmem>>
    %dma_start3A_521 = arith.constant 0 : i32
    %dma_start3A_522 = arith.constant 0 : i32
    %dma_start3A_523 = tpu.memref_slice %arg9[%dma_start3A_521, %dma_start3A_522] : memref<12288x16xf32, #tpu.memory_space<vmem_shared>> -> memref<12288x16xf32, #tpu.memory_space<vmem_shared>>
    tpu.enqueue_indirect_dma source(%dma_start3A_523 : memref<12288x16xf32, #tpu.memory_space<vmem_shared>>) target(%dma_start3A_518 : memref<256x16xf32, #tpu.memory_space<vmem>>) offsets(%dma_start3A_520 : memref<256xi32, #tpu.memory_space<vmem>>) semaphore(%arg11 : memref<!tpu.dma_semaphore, #tpu.memory_space<semaphore_mem>>)
    %dma_start3A_524 = arith.constant 1280 : i32
    %dma_start3A_525 = arith.constant 0 : i32
    %dma_start3A_526 = tpu.memref_slice %arg8[%dma_start3A_524, %dma_start3A_525] : memref<1536x16xf32, #tpu.memory_space<vmem>> -> memref<256x16xf32, #tpu.memory_space<vmem>>
    %dma_start3A_527 = arith.constant 8960 : i32
    %dma_start3A_528 = tpu.memref_slice %arg6[%dma_start3A_527] : memref<24576xi32, #tpu.memory_space<vmem>> -> memref<256xi32, #tpu.memory_space<vmem>>
    %dma_start3A_529 = arith.constant 0 : i32
    %dma_start3A_530 = arith.constant 0 : i32
    %dma_start3A_531 = tpu.memref_slice %arg9[%dma_start3A_529, %dma_start3A_530] : memref<12288x16xf32, #tpu.memory_space<vmem_shared>> -> memref<12288x16xf32, #tpu.memory_space<vmem_shared>>
    tpu.enqueue_indirect_dma source(%dma_start3A_531 : memref<12288x16xf32, #tpu.memory_space<vmem_shared>>) target(%dma_start3A_526 : memref<256x16xf32, #tpu.memory_space<vmem>>) offsets(%dma_start3A_528 : memref<256xi32, #tpu.memory_space<vmem>>) semaphore(%arg11 : memref<!tpu.dma_semaphore, #tpu.memory_space<semaphore_mem>>)
    %dma_wait3A_532 = arith.constant 0 : i32
    %dma_wait3A_533 = arith.constant 0 : i32
    %dma_wait3A_534 = tpu.memref_slice %arg7[%dma_wait3A_532, %dma_wait3A_533] : memref<1536x16xf32, #tpu.memory_space<vmem>> -> memref<256x16xf32, #tpu.memory_space<vmem>>
    %dma_wait3A_535 = arith.constant 6144 : i32
    %dma_wait3A_536 = tpu.memref_slice %arg6[%dma_wait3A_535] : memref<24576xi32, #tpu.memory_space<vmem>> -> memref<256xi32, #tpu.memory_space<vmem>>
    %dma_wait3A_537 = arith.constant 0 : i32
    %dma_wait3A_538 = arith.constant 0 : i32
    %dma_wait3A_539 = tpu.memref_slice %arg9[%dma_wait3A_537, %dma_wait3A_538] : memref<12288x16xf32, #tpu.memory_space<vmem_shared>> -> memref<12288x16xf32, #tpu.memory_space<vmem_shared>>
    tpu.wait_indirect_dma semaphore(%arg10 : memref<!tpu.dma_semaphore, #tpu.memory_space<semaphore_mem>>) src(%dma_wait3A_539 : memref<12288x16xf32, #tpu.memory_space<vmem_shared>>) dst(%dma_wait3A_534 : memref<256x16xf32, #tpu.memory_space<vmem>>)
    %dma_wait3A_540 = arith.constant 256 : i32
    %dma_wait3A_541 = arith.constant 0 : i32
    %dma_wait3A_542 = tpu.memref_slice %arg7[%dma_wait3A_540, %dma_wait3A_541] : memref<1536x16xf32, #tpu.memory_space<vmem>> -> memref<256x16xf32, #tpu.memory_space<vmem>>
    %dma_wait3A_543 = arith.constant 6400 : i32
    %dma_wait3A_544 = tpu.memref_slice %arg6[%dma_wait3A_543] : memref<24576xi32, #tpu.memory_space<vmem>> -> memref<256xi32, #tpu.memory_space<vmem>>
    %dma_wait3A_545 = arith.constant 0 : i32
    %dma_wait3A_546 = arith.constant 0 : i32
    %dma_wait3A_547 = tpu.memref_slice %arg9[%dma_wait3A_545, %dma_wait3A_546] : memref<12288x16xf32, #tpu.memory_space<vmem_shared>> -> memref<12288x16xf32, #tpu.memory_space<vmem_shared>>
    tpu.wait_indirect_dma semaphore(%arg10 : memref<!tpu.dma_semaphore, #tpu.memory_space<semaphore_mem>>) src(%dma_wait3A_547 : memref<12288x16xf32, #tpu.memory_space<vmem_shared>>) dst(%dma_wait3A_542 : memref<256x16xf32, #tpu.memory_space<vmem>>)
    %dma_wait3A_548 = arith.constant 512 : i32
    %dma_wait3A_549 = arith.constant 0 : i32
    %dma_wait3A_550 = tpu.memref_slice %arg7[%dma_wait3A_548, %dma_wait3A_549] : memref<1536x16xf32, #tpu.memory_space<vmem>> -> memref<256x16xf32, #tpu.memory_space<vmem>>
    %dma_wait3A_551 = arith.constant 6656 : i32
    %dma_wait3A_552 = tpu.memref_slice %arg6[%dma_wait3A_551] : memref<24576xi32, #tpu.memory_space<vmem>> -> memref<256xi32, #tpu.memory_space<vmem>>
    %dma_wait3A_553 = arith.constant 0 : i32
    %dma_wait3A_554 = arith.constant 0 : i32
    %dma_wait3A_555 = tpu.memref_slice %arg9[%dma_wait3A_553, %dma_wait3A_554] : memref<12288x16xf32, #tpu.memory_space<vmem_shared>> -> memref<12288x16xf32, #tpu.memory_space<vmem_shared>>
    tpu.wait_indirect_dma semaphore(%arg10 : memref<!tpu.dma_semaphore, #tpu.memory_space<semaphore_mem>>) src(%dma_wait3A_555 : memref<12288x16xf32, #tpu.memory_space<vmem_shared>>) dst(%dma_wait3A_550 : memref<256x16xf32, #tpu.memory_space<vmem>>)
    %dma_wait3A_556 = arith.constant 768 : i32
    %dma_wait3A_557 = arith.constant 0 : i32
    %dma_wait3A_558 = tpu.memref_slice %arg7[%dma_wait3A_556, %dma_wait3A_557] : memref<1536x16xf32, #tpu.memory_space<vmem>> -> memref<256x16xf32, #tpu.memory_space<vmem>>
    %dma_wait3A_559 = arith.constant 6912 : i32
    %dma_wait3A_560 = tpu.memref_slice %arg6[%dma_wait3A_559] : memref<24576xi32, #tpu.memory_space<vmem>> -> memref<256xi32, #tpu.memory_space<vmem>>
    %dma_wait3A_561 = arith.constant 0 : i32
    %dma_wait3A_562 = arith.constant 0 : i32
    %dma_wait3A_563 = tpu.memref_slice %arg9[%dma_wait3A_561, %dma_wait3A_562] : memref<12288x16xf32, #tpu.memory_space<vmem_shared>> -> memref<12288x16xf32, #tpu.memory_space<vmem_shared>>
    tpu.wait_indirect_dma semaphore(%arg10 : memref<!tpu.dma_semaphore, #tpu.memory_space<semaphore_mem>>) src(%dma_wait3A_563 : memref<12288x16xf32, #tpu.memory_space<vmem_shared>>) dst(%dma_wait3A_558 : memref<256x16xf32, #tpu.memory_space<vmem>>)
    %dma_wait3A_564 = arith.constant 1024 : i32
    %dma_wait3A_565 = arith.constant 0 : i32
    %dma_wait3A_566 = tpu.memref_slice %arg7[%dma_wait3A_564, %dma_wait3A_565] : memref<1536x16xf32, #tpu.memory_space<vmem>> -> memref<256x16xf32, #tpu.memory_space<vmem>>
    %dma_wait3A_567 = arith.constant 7168 : i32
    %dma_wait3A_568 = tpu.memref_slice %arg6[%dma_wait3A_567] : memref<24576xi32, #tpu.memory_space<vmem>> -> memref<256xi32, #tpu.memory_space<vmem>>
    %dma_wait3A_569 = arith.constant 0 : i32
    %dma_wait3A_570 = arith.constant 0 : i32
    %dma_wait3A_571 = tpu.memref_slice %arg9[%dma_wait3A_569, %dma_wait3A_570] : memref<12288x16xf32, #tpu.memory_space<vmem_shared>> -> memref<12288x16xf32, #tpu.memory_space<vmem_shared>>
    tpu.wait_indirect_dma semaphore(%arg10 : memref<!tpu.dma_semaphore, #tpu.memory_space<semaphore_mem>>) src(%dma_wait3A_571 : memref<12288x16xf32, #tpu.memory_space<vmem_shared>>) dst(%dma_wait3A_566 : memref<256x16xf32, #tpu.memory_space<vmem>>)
    %dma_wait3A_572 = arith.constant 1280 : i32
    %dma_wait3A_573 = arith.constant 0 : i32
    %dma_wait3A_574 = tpu.memref_slice %arg7[%dma_wait3A_572, %dma_wait3A_573] : memref<1536x16xf32, #tpu.memory_space<vmem>> -> memref<256x16xf32, #tpu.memory_space<vmem>>
    %dma_wait3A_575 = arith.constant 7424 : i32
    %dma_wait3A_576 = tpu.memref_slice %arg6[%dma_wait3A_575] : memref<24576xi32, #tpu.memory_space<vmem>> -> memref<256xi32, #tpu.memory_space<vmem>>
    %dma_wait3A_577 = arith.constant 0 : i32
    %dma_wait3A_578 = arith.constant 0 : i32
    %dma_wait3A_579 = tpu.memref_slice %arg9[%dma_wait3A_577, %dma_wait3A_578] : memref<12288x16xf32, #tpu.memory_space<vmem_shared>> -> memref<12288x16xf32, #tpu.memory_space<vmem_shared>>
    tpu.wait_indirect_dma semaphore(%arg10 : memref<!tpu.dma_semaphore, #tpu.memory_space<semaphore_mem>>) src(%dma_wait3A_579 : memref<12288x16xf32, #tpu.memory_space<vmem_shared>>) dst(%dma_wait3A_574 : memref<256x16xf32, #tpu.memory_space<vmem>>)
    %add3A_580 = arith.constant 6144 : i32
    %add3A_581 = arith.addi %multiple_of3A, %add3A_580 : i32
    %dma_start3A_582 = arith.constant 0 : i32
    %dma_start3A_583 = tpu.memref_slice %arg4[%add3A_581, %dma_start3A_582] : memref<786432x16xf32, #tpu.memory_space<hbm>> -> memref<1536x16xf32, #tpu.memory_space<hbm>>
    %dma_start3A_584 = arith.constant 0 : i32
    %dma_start3A_585 = tpu.memref_slice %arg4[%add3A_581, %dma_start3A_584] : memref<786432x16xf32, #tpu.memory_space<hbm>> -> memref<1536x16xf32, #tpu.memory_space<hbm>>
    tpu.enqueue_dma source(%arg7 : memref<1536x16xf32, #tpu.memory_space<vmem>>) target(%dma_start3A_585 : memref<1536x16xf32, #tpu.memory_space<hbm>>) target_semaphore(%arg12 : memref<!tpu.dma_semaphore, #tpu.memory_space<semaphore_mem>>)
    %dma_wait3A_586 = arith.constant 0 : i32
    %dma_wait3A_587 = tpu.memref_slice %arg4[%add3A_581, %dma_wait3A_586] : memref<786432x16xf32, #tpu.memory_space<hbm>> -> memref<1536x16xf32, #tpu.memory_space<hbm>>
    %dma_wait3A_588 = arith.constant 0 : i32
    %dma_wait3A_589 = tpu.memref_slice %arg4[%add3A_581, %dma_wait3A_588] : memref<786432x16xf32, #tpu.memory_space<hbm>> -> memref<1536x16xf32, #tpu.memory_space<hbm>>
    tpu.wait_dma2 semaphore(%arg12 : memref<!tpu.dma_semaphore, #tpu.memory_space<semaphore_mem>>) src(%arg7 : memref<1536x16xf32, #tpu.memory_space<vmem>>) dst(%dma_wait3A_589 : memref<1536x16xf32, #tpu.memory_space<hbm>>)
    %dma_start3A_590 = arith.constant 0 : i32
    %dma_start3A_591 = arith.constant 0 : i32
    %dma_start3A_592 = tpu.memref_slice %arg7[%dma_start3A_590, %dma_start3A_591] : memref<1536x16xf32, #tpu.memory_space<vmem>> -> memref<256x16xf32, #tpu.memory_space<vmem>>
    %dma_start3A_593 = arith.constant 9216 : i32
    %dma_start3A_594 = tpu.memref_slice %arg6[%dma_start3A_593] : memref<24576xi32, #tpu.memory_space<vmem>> -> memref<256xi32, #tpu.memory_space<vmem>>
    %dma_start3A_595 = arith.constant 0 : i32
    %dma_start3A_596 = arith.constant 0 : i32
    %dma_start3A_597 = tpu.memref_slice %arg9[%dma_start3A_595, %dma_start3A_596] : memref<12288x16xf32, #tpu.memory_space<vmem_shared>> -> memref<12288x16xf32, #tpu.memory_space<vmem_shared>>
    tpu.enqueue_indirect_dma source(%dma_start3A_597 : memref<12288x16xf32, #tpu.memory_space<vmem_shared>>) target(%dma_start3A_592 : memref<256x16xf32, #tpu.memory_space<vmem>>) offsets(%dma_start3A_594 : memref<256xi32, #tpu.memory_space<vmem>>) semaphore(%arg10 : memref<!tpu.dma_semaphore, #tpu.memory_space<semaphore_mem>>)
    %dma_start3A_598 = arith.constant 256 : i32
    %dma_start3A_599 = arith.constant 0 : i32
    %dma_start3A_600 = tpu.memref_slice %arg7[%dma_start3A_598, %dma_start3A_599] : memref<1536x16xf32, #tpu.memory_space<vmem>> -> memref<256x16xf32, #tpu.memory_space<vmem>>
    %dma_start3A_601 = arith.constant 9472 : i32
    %dma_start3A_602 = tpu.memref_slice %arg6[%dma_start3A_601] : memref<24576xi32, #tpu.memory_space<vmem>> -> memref<256xi32, #tpu.memory_space<vmem>>
    %dma_start3A_603 = arith.constant 0 : i32
    %dma_start3A_604 = arith.constant 0 : i32
    %dma_start3A_605 = tpu.memref_slice %arg9[%dma_start3A_603, %dma_start3A_604] : memref<12288x16xf32, #tpu.memory_space<vmem_shared>> -> memref<12288x16xf32, #tpu.memory_space<vmem_shared>>
    tpu.enqueue_indirect_dma source(%dma_start3A_605 : memref<12288x16xf32, #tpu.memory_space<vmem_shared>>) target(%dma_start3A_600 : memref<256x16xf32, #tpu.memory_space<vmem>>) offsets(%dma_start3A_602 : memref<256xi32, #tpu.memory_space<vmem>>) semaphore(%arg10 : memref<!tpu.dma_semaphore, #tpu.memory_space<semaphore_mem>>)
    %dma_start3A_606 = arith.constant 512 : i32
    %dma_start3A_607 = arith.constant 0 : i32
    %dma_start3A_608 = tpu.memref_slice %arg7[%dma_start3A_606, %dma_start3A_607] : memref<1536x16xf32, #tpu.memory_space<vmem>> -> memref<256x16xf32, #tpu.memory_space<vmem>>
    %dma_start3A_609 = arith.constant 9728 : i32
    %dma_start3A_610 = tpu.memref_slice %arg6[%dma_start3A_609] : memref<24576xi32, #tpu.memory_space<vmem>> -> memref<256xi32, #tpu.memory_space<vmem>>
    %dma_start3A_611 = arith.constant 0 : i32
    %dma_start3A_612 = arith.constant 0 : i32
    %dma_start3A_613 = tpu.memref_slice %arg9[%dma_start3A_611, %dma_start3A_612] : memref<12288x16xf32, #tpu.memory_space<vmem_shared>> -> memref<12288x16xf32, #tpu.memory_space<vmem_shared>>
    tpu.enqueue_indirect_dma source(%dma_start3A_613 : memref<12288x16xf32, #tpu.memory_space<vmem_shared>>) target(%dma_start3A_608 : memref<256x16xf32, #tpu.memory_space<vmem>>) offsets(%dma_start3A_610 : memref<256xi32, #tpu.memory_space<vmem>>) semaphore(%arg10 : memref<!tpu.dma_semaphore, #tpu.memory_space<semaphore_mem>>)
    %dma_start3A_614 = arith.constant 768 : i32
    %dma_start3A_615 = arith.constant 0 : i32
    %dma_start3A_616 = tpu.memref_slice %arg7[%dma_start3A_614, %dma_start3A_615] : memref<1536x16xf32, #tpu.memory_space<vmem>> -> memref<256x16xf32, #tpu.memory_space<vmem>>
    %dma_start3A_617 = arith.constant 9984 : i32
    %dma_start3A_618 = tpu.memref_slice %arg6[%dma_start3A_617] : memref<24576xi32, #tpu.memory_space<vmem>> -> memref<256xi32, #tpu.memory_space<vmem>>
    %dma_start3A_619 = arith.constant 0 : i32
    %dma_start3A_620 = arith.constant 0 : i32
    %dma_start3A_621 = tpu.memref_slice %arg9[%dma_start3A_619, %dma_start3A_620] : memref<12288x16xf32, #tpu.memory_space<vmem_shared>> -> memref<12288x16xf32, #tpu.memory_space<vmem_shared>>
    tpu.enqueue_indirect_dma source(%dma_start3A_621 : memref<12288x16xf32, #tpu.memory_space<vmem_shared>>) target(%dma_start3A_616 : memref<256x16xf32, #tpu.memory_space<vmem>>) offsets(%dma_start3A_618 : memref<256xi32, #tpu.memory_space<vmem>>) semaphore(%arg10 : memref<!tpu.dma_semaphore, #tpu.memory_space<semaphore_mem>>)
    %dma_start3A_622 = arith.constant 1024 : i32
    %dma_start3A_623 = arith.constant 0 : i32
    %dma_start3A_624 = tpu.memref_slice %arg7[%dma_start3A_622, %dma_start3A_623] : memref<1536x16xf32, #tpu.memory_space<vmem>> -> memref<256x16xf32, #tpu.memory_space<vmem>>
    %dma_start3A_625 = arith.constant 10240 : i32
    %dma_start3A_626 = tpu.memref_slice %arg6[%dma_start3A_625] : memref<24576xi32, #tpu.memory_space<vmem>> -> memref<256xi32, #tpu.memory_space<vmem>>
    %dma_start3A_627 = arith.constant 0 : i32
    %dma_start3A_628 = arith.constant 0 : i32
    %dma_start3A_629 = tpu.memref_slice %arg9[%dma_start3A_627, %dma_start3A_628] : memref<12288x16xf32, #tpu.memory_space<vmem_shared>> -> memref<12288x16xf32, #tpu.memory_space<vmem_shared>>
    tpu.enqueue_indirect_dma source(%dma_start3A_629 : memref<12288x16xf32, #tpu.memory_space<vmem_shared>>) target(%dma_start3A_624 : memref<256x16xf32, #tpu.memory_space<vmem>>) offsets(%dma_start3A_626 : memref<256xi32, #tpu.memory_space<vmem>>) semaphore(%arg10 : memref<!tpu.dma_semaphore, #tpu.memory_space<semaphore_mem>>)
    %dma_start3A_630 = arith.constant 1280 : i32
    %dma_start3A_631 = arith.constant 0 : i32
    %dma_start3A_632 = tpu.memref_slice %arg7[%dma_start3A_630, %dma_start3A_631] : memref<1536x16xf32, #tpu.memory_space<vmem>> -> memref<256x16xf32, #tpu.memory_space<vmem>>
    %dma_start3A_633 = arith.constant 10496 : i32
    %dma_start3A_634 = tpu.memref_slice %arg6[%dma_start3A_633] : memref<24576xi32, #tpu.memory_space<vmem>> -> memref<256xi32, #tpu.memory_space<vmem>>
    %dma_start3A_635 = arith.constant 0 : i32
    %dma_start3A_636 = arith.constant 0 : i32
    %dma_start3A_637 = tpu.memref_slice %arg9[%dma_start3A_635, %dma_start3A_636] : memref<12288x16xf32, #tpu.memory_space<vmem_shared>> -> memref<12288x16xf32, #tpu.memory_space<vmem_shared>>
    tpu.enqueue_indirect_dma source(%dma_start3A_637 : memref<12288x16xf32, #tpu.memory_space<vmem_shared>>) target(%dma_start3A_632 : memref<256x16xf32, #tpu.memory_space<vmem>>) offsets(%dma_start3A_634 : memref<256xi32, #tpu.memory_space<vmem>>) semaphore(%arg10 : memref<!tpu.dma_semaphore, #tpu.memory_space<semaphore_mem>>)
    %dma_wait3A_638 = arith.constant 0 : i32
    %dma_wait3A_639 = arith.constant 0 : i32
    %dma_wait3A_640 = tpu.memref_slice %arg8[%dma_wait3A_638, %dma_wait3A_639] : memref<1536x16xf32, #tpu.memory_space<vmem>> -> memref<256x16xf32, #tpu.memory_space<vmem>>
    %dma_wait3A_641 = arith.constant 7680 : i32
    %dma_wait3A_642 = tpu.memref_slice %arg6[%dma_wait3A_641] : memref<24576xi32, #tpu.memory_space<vmem>> -> memref<256xi32, #tpu.memory_space<vmem>>
    %dma_wait3A_643 = arith.constant 0 : i32
    %dma_wait3A_644 = arith.constant 0 : i32
    %dma_wait3A_645 = tpu.memref_slice %arg9[%dma_wait3A_643, %dma_wait3A_644] : memref<12288x16xf32, #tpu.memory_space<vmem_shared>> -> memref<12288x16xf32, #tpu.memory_space<vmem_shared>>
    tpu.wait_indirect_dma semaphore(%arg11 : memref<!tpu.dma_semaphore, #tpu.memory_space<semaphore_mem>>) src(%dma_wait3A_645 : memref<12288x16xf32, #tpu.memory_space<vmem_shared>>) dst(%dma_wait3A_640 : memref<256x16xf32, #tpu.memory_space<vmem>>)
    %dma_wait3A_646 = arith.constant 256 : i32
    %dma_wait3A_647 = arith.constant 0 : i32
    %dma_wait3A_648 = tpu.memref_slice %arg8[%dma_wait3A_646, %dma_wait3A_647] : memref<1536x16xf32, #tpu.memory_space<vmem>> -> memref<256x16xf32, #tpu.memory_space<vmem>>
    %dma_wait3A_649 = arith.constant 7936 : i32
    %dma_wait3A_650 = tpu.memref_slice %arg6[%dma_wait3A_649] : memref<24576xi32, #tpu.memory_space<vmem>> -> memref<256xi32, #tpu.memory_space<vmem>>
    %dma_wait3A_651 = arith.constant 0 : i32
    %dma_wait3A_652 = arith.constant 0 : i32
    %dma_wait3A_653 = tpu.memref_slice %arg9[%dma_wait3A_651, %dma_wait3A_652] : memref<12288x16xf32, #tpu.memory_space<vmem_shared>> -> memref<12288x16xf32, #tpu.memory_space<vmem_shared>>
    tpu.wait_indirect_dma semaphore(%arg11 : memref<!tpu.dma_semaphore, #tpu.memory_space<semaphore_mem>>) src(%dma_wait3A_653 : memref<12288x16xf32, #tpu.memory_space<vmem_shared>>) dst(%dma_wait3A_648 : memref<256x16xf32, #tpu.memory_space<vmem>>)
    %dma_wait3A_654 = arith.constant 512 : i32
    %dma_wait3A_655 = arith.constant 0 : i32
    %dma_wait3A_656 = tpu.memref_slice %arg8[%dma_wait3A_654, %dma_wait3A_655] : memref<1536x16xf32, #tpu.memory_space<vmem>> -> memref<256x16xf32, #tpu.memory_space<vmem>>
    %dma_wait3A_657 = arith.constant 8192 : i32
    %dma_wait3A_658 = tpu.memref_slice %arg6[%dma_wait3A_657] : memref<24576xi32, #tpu.memory_space<vmem>> -> memref<256xi32, #tpu.memory_space<vmem>>
    %dma_wait3A_659 = arith.constant 0 : i32
    %dma_wait3A_660 = arith.constant 0 : i32
    %dma_wait3A_661 = tpu.memref_slice %arg9[%dma_wait3A_659, %dma_wait3A_660] : memref<12288x16xf32, #tpu.memory_space<vmem_shared>> -> memref<12288x16xf32, #tpu.memory_space<vmem_shared>>
    tpu.wait_indirect_dma semaphore(%arg11 : memref<!tpu.dma_semaphore, #tpu.memory_space<semaphore_mem>>) src(%dma_wait3A_661 : memref<12288x16xf32, #tpu.memory_space<vmem_shared>>) dst(%dma_wait3A_656 : memref<256x16xf32, #tpu.memory_space<vmem>>)
    %dma_wait3A_662 = arith.constant 768 : i32
    %dma_wait3A_663 = arith.constant 0 : i32
    %dma_wait3A_664 = tpu.memref_slice %arg8[%dma_wait3A_662, %dma_wait3A_663] : memref<1536x16xf32, #tpu.memory_space<vmem>> -> memref<256x16xf32, #tpu.memory_space<vmem>>
    %dma_wait3A_665 = arith.constant 8448 : i32
    %dma_wait3A_666 = tpu.memref_slice %arg6[%dma_wait3A_665] : memref<24576xi32, #tpu.memory_space<vmem>> -> memref<256xi32, #tpu.memory_space<vmem>>
    %dma_wait3A_667 = arith.constant 0 : i32
    %dma_wait3A_668 = arith.constant 0 : i32
    %dma_wait3A_669 = tpu.memref_slice %arg9[%dma_wait3A_667, %dma_wait3A_668] : memref<12288x16xf32, #tpu.memory_space<vmem_shared>> -> memref<12288x16xf32, #tpu.memory_space<vmem_shared>>
    tpu.wait_indirect_dma semaphore(%arg11 : memref<!tpu.dma_semaphore, #tpu.memory_space<semaphore_mem>>) src(%dma_wait3A_669 : memref<12288x16xf32, #tpu.memory_space<vmem_shared>>) dst(%dma_wait3A_664 : memref<256x16xf32, #tpu.memory_space<vmem>>)
    %dma_wait3A_670 = arith.constant 1024 : i32
    %dma_wait3A_671 = arith.constant 0 : i32
    %dma_wait3A_672 = tpu.memref_slice %arg8[%dma_wait3A_670, %dma_wait3A_671] : memref<1536x16xf32, #tpu.memory_space<vmem>> -> memref<256x16xf32, #tpu.memory_space<vmem>>
    %dma_wait3A_673 = arith.constant 8704 : i32
    %dma_wait3A_674 = tpu.memref_slice %arg6[%dma_wait3A_673] : memref<24576xi32, #tpu.memory_space<vmem>> -> memref<256xi32, #tpu.memory_space<vmem>>
    %dma_wait3A_675 = arith.constant 0 : i32
    %dma_wait3A_676 = arith.constant 0 : i32
    %dma_wait3A_677 = tpu.memref_slice %arg9[%dma_wait3A_675, %dma_wait3A_676] : memref<12288x16xf32, #tpu.memory_space<vmem_shared>> -> memref<12288x16xf32, #tpu.memory_space<vmem_shared>>
    tpu.wait_indirect_dma semaphore(%arg11 : memref<!tpu.dma_semaphore, #tpu.memory_space<semaphore_mem>>) src(%dma_wait3A_677 : memref<12288x16xf32, #tpu.memory_space<vmem_shared>>) dst(%dma_wait3A_672 : memref<256x16xf32, #tpu.memory_space<vmem>>)
    %dma_wait3A_678 = arith.constant 1280 : i32
    %dma_wait3A_679 = arith.constant 0 : i32
    %dma_wait3A_680 = tpu.memref_slice %arg8[%dma_wait3A_678, %dma_wait3A_679] : memref<1536x16xf32, #tpu.memory_space<vmem>> -> memref<256x16xf32, #tpu.memory_space<vmem>>
    %dma_wait3A_681 = arith.constant 8960 : i32
    %dma_wait3A_682 = tpu.memref_slice %arg6[%dma_wait3A_681] : memref<24576xi32, #tpu.memory_space<vmem>> -> memref<256xi32, #tpu.memory_space<vmem>>
    %dma_wait3A_683 = arith.constant 0 : i32
    %dma_wait3A_684 = arith.constant 0 : i32
    %dma_wait3A_685 = tpu.memref_slice %arg9[%dma_wait3A_683, %dma_wait3A_684] : memref<12288x16xf32, #tpu.memory_space<vmem_shared>> -> memref<12288x16xf32, #tpu.memory_space<vmem_shared>>
    tpu.wait_indirect_dma semaphore(%arg11 : memref<!tpu.dma_semaphore, #tpu.memory_space<semaphore_mem>>) src(%dma_wait3A_685 : memref<12288x16xf32, #tpu.memory_space<vmem_shared>>) dst(%dma_wait3A_680 : memref<256x16xf32, #tpu.memory_space<vmem>>)
    %add3A_686 = arith.constant 7680 : i32
    %add3A_687 = arith.addi %multiple_of3A, %add3A_686 : i32
    %dma_start3A_688 = arith.constant 0 : i32
    %dma_start3A_689 = tpu.memref_slice %arg4[%add3A_687, %dma_start3A_688] : memref<786432x16xf32, #tpu.memory_space<hbm>> -> memref<1536x16xf32, #tpu.memory_space<hbm>>
    %dma_start3A_690 = arith.constant 0 : i32
    %dma_start3A_691 = tpu.memref_slice %arg4[%add3A_687, %dma_start3A_690] : memref<786432x16xf32, #tpu.memory_space<hbm>> -> memref<1536x16xf32, #tpu.memory_space<hbm>>
    tpu.enqueue_dma source(%arg8 : memref<1536x16xf32, #tpu.memory_space<vmem>>) target(%dma_start3A_691 : memref<1536x16xf32, #tpu.memory_space<hbm>>) target_semaphore(%arg13 : memref<!tpu.dma_semaphore, #tpu.memory_space<semaphore_mem>>)
    %dma_wait3A_692 = arith.constant 0 : i32
    %dma_wait3A_693 = tpu.memref_slice %arg4[%add3A_687, %dma_wait3A_692] : memref<786432x16xf32, #tpu.memory_space<hbm>> -> memref<1536x16xf32, #tpu.memory_space<hbm>>
    %dma_wait3A_694 = arith.constant 0 : i32
    %dma_wait3A_695 = tpu.memref_slice %arg4[%add3A_687, %dma_wait3A_694] : memref<786432x16xf32, #tpu.memory_space<hbm>> -> memref<1536x16xf32, #tpu.memory_space<hbm>>
    tpu.wait_dma2 semaphore(%arg13 : memref<!tpu.dma_semaphore, #tpu.memory_space<semaphore_mem>>) src(%arg8 : memref<1536x16xf32, #tpu.memory_space<vmem>>) dst(%dma_wait3A_695 : memref<1536x16xf32, #tpu.memory_space<hbm>>)
    %dma_start3A_696 = arith.constant 0 : i32
    %dma_start3A_697 = arith.constant 0 : i32
    %dma_start3A_698 = tpu.memref_slice %arg8[%dma_start3A_696, %dma_start3A_697] : memref<1536x16xf32, #tpu.memory_space<vmem>> -> memref<256x16xf32, #tpu.memory_space<vmem>>
    %dma_start3A_699 = arith.constant 10752 : i32
    %dma_start3A_700 = tpu.memref_slice %arg6[%dma_start3A_699] : memref<24576xi32, #tpu.memory_space<vmem>> -> memref<256xi32, #tpu.memory_space<vmem>>
    %dma_start3A_701 = arith.constant 0 : i32
    %dma_start3A_702 = arith.constant 0 : i32
    %dma_start3A_703 = tpu.memref_slice %arg9[%dma_start3A_701, %dma_start3A_702] : memref<12288x16xf32, #tpu.memory_space<vmem_shared>> -> memref<12288x16xf32, #tpu.memory_space<vmem_shared>>
    tpu.enqueue_indirect_dma source(%dma_start3A_703 : memref<12288x16xf32, #tpu.memory_space<vmem_shared>>) target(%dma_start3A_698 : memref<256x16xf32, #tpu.memory_space<vmem>>) offsets(%dma_start3A_700 : memref<256xi32, #tpu.memory_space<vmem>>) semaphore(%arg11 : memref<!tpu.dma_semaphore, #tpu.memory_space<semaphore_mem>>)
    %dma_start3A_704 = arith.constant 256 : i32
    %dma_start3A_705 = arith.constant 0 : i32
    %dma_start3A_706 = tpu.memref_slice %arg8[%dma_start3A_704, %dma_start3A_705] : memref<1536x16xf32, #tpu.memory_space<vmem>> -> memref<256x16xf32, #tpu.memory_space<vmem>>
    %dma_start3A_707 = arith.constant 11008 : i32
    %dma_start3A_708 = tpu.memref_slice %arg6[%dma_start3A_707] : memref<24576xi32, #tpu.memory_space<vmem>> -> memref<256xi32, #tpu.memory_space<vmem>>
    %dma_start3A_709 = arith.constant 0 : i32
    %dma_start3A_710 = arith.constant 0 : i32
    %dma_start3A_711 = tpu.memref_slice %arg9[%dma_start3A_709, %dma_start3A_710] : memref<12288x16xf32, #tpu.memory_space<vmem_shared>> -> memref<12288x16xf32, #tpu.memory_space<vmem_shared>>
    tpu.enqueue_indirect_dma source(%dma_start3A_711 : memref<12288x16xf32, #tpu.memory_space<vmem_shared>>) target(%dma_start3A_706 : memref<256x16xf32, #tpu.memory_space<vmem>>) offsets(%dma_start3A_708 : memref<256xi32, #tpu.memory_space<vmem>>) semaphore(%arg11 : memref<!tpu.dma_semaphore, #tpu.memory_space<semaphore_mem>>)
    %dma_start3A_712 = arith.constant 512 : i32
    %dma_start3A_713 = arith.constant 0 : i32
    %dma_start3A_714 = tpu.memref_slice %arg8[%dma_start3A_712, %dma_start3A_713] : memref<1536x16xf32, #tpu.memory_space<vmem>> -> memref<256x16xf32, #tpu.memory_space<vmem>>
    %dma_start3A_715 = arith.constant 11264 : i32
    %dma_start3A_716 = tpu.memref_slice %arg6[%dma_start3A_715] : memref<24576xi32, #tpu.memory_space<vmem>> -> memref<256xi32, #tpu.memory_space<vmem>>
    %dma_start3A_717 = arith.constant 0 : i32
    %dma_start3A_718 = arith.constant 0 : i32
    %dma_start3A_719 = tpu.memref_slice %arg9[%dma_start3A_717, %dma_start3A_718] : memref<12288x16xf32, #tpu.memory_space<vmem_shared>> -> memref<12288x16xf32, #tpu.memory_space<vmem_shared>>
    tpu.enqueue_indirect_dma source(%dma_start3A_719 : memref<12288x16xf32, #tpu.memory_space<vmem_shared>>) target(%dma_start3A_714 : memref<256x16xf32, #tpu.memory_space<vmem>>) offsets(%dma_start3A_716 : memref<256xi32, #tpu.memory_space<vmem>>) semaphore(%arg11 : memref<!tpu.dma_semaphore, #tpu.memory_space<semaphore_mem>>)
    %dma_start3A_720 = arith.constant 768 : i32
    %dma_start3A_721 = arith.constant 0 : i32
    %dma_start3A_722 = tpu.memref_slice %arg8[%dma_start3A_720, %dma_start3A_721] : memref<1536x16xf32, #tpu.memory_space<vmem>> -> memref<256x16xf32, #tpu.memory_space<vmem>>
    %dma_start3A_723 = arith.constant 11520 : i32
    %dma_start3A_724 = tpu.memref_slice %arg6[%dma_start3A_723] : memref<24576xi32, #tpu.memory_space<vmem>> -> memref<256xi32, #tpu.memory_space<vmem>>
    %dma_start3A_725 = arith.constant 0 : i32
    %dma_start3A_726 = arith.constant 0 : i32
    %dma_start3A_727 = tpu.memref_slice %arg9[%dma_start3A_725, %dma_start3A_726] : memref<12288x16xf32, #tpu.memory_space<vmem_shared>> -> memref<12288x16xf32, #tpu.memory_space<vmem_shared>>
    tpu.enqueue_indirect_dma source(%dma_start3A_727 : memref<12288x16xf32, #tpu.memory_space<vmem_shared>>) target(%dma_start3A_722 : memref<256x16xf32, #tpu.memory_space<vmem>>) offsets(%dma_start3A_724 : memref<256xi32, #tpu.memory_space<vmem>>) semaphore(%arg11 : memref<!tpu.dma_semaphore, #tpu.memory_space<semaphore_mem>>)
    %dma_start3A_728 = arith.constant 1024 : i32
    %dma_start3A_729 = arith.constant 0 : i32
    %dma_start3A_730 = tpu.memref_slice %arg8[%dma_start3A_728, %dma_start3A_729] : memref<1536x16xf32, #tpu.memory_space<vmem>> -> memref<256x16xf32, #tpu.memory_space<vmem>>
    %dma_start3A_731 = arith.constant 11776 : i32
    %dma_start3A_732 = tpu.memref_slice %arg6[%dma_start3A_731] : memref<24576xi32, #tpu.memory_space<vmem>> -> memref<256xi32, #tpu.memory_space<vmem>>
    %dma_start3A_733 = arith.constant 0 : i32
    %dma_start3A_734 = arith.constant 0 : i32
    %dma_start3A_735 = tpu.memref_slice %arg9[%dma_start3A_733, %dma_start3A_734] : memref<12288x16xf32, #tpu.memory_space<vmem_shared>> -> memref<12288x16xf32, #tpu.memory_space<vmem_shared>>
    tpu.enqueue_indirect_dma source(%dma_start3A_735 : memref<12288x16xf32, #tpu.memory_space<vmem_shared>>) target(%dma_start3A_730 : memref<256x16xf32, #tpu.memory_space<vmem>>) offsets(%dma_start3A_732 : memref<256xi32, #tpu.memory_space<vmem>>) semaphore(%arg11 : memref<!tpu.dma_semaphore, #tpu.memory_space<semaphore_mem>>)
    %dma_start3A_736 = arith.constant 1280 : i32
    %dma_start3A_737 = arith.constant 0 : i32
    %dma_start3A_738 = tpu.memref_slice %arg8[%dma_start3A_736, %dma_start3A_737] : memref<1536x16xf32, #tpu.memory_space<vmem>> -> memref<256x16xf32, #tpu.memory_space<vmem>>
    %dma_start3A_739 = arith.constant 12032 : i32
    %dma_start3A_740 = tpu.memref_slice %arg6[%dma_start3A_739] : memref<24576xi32, #tpu.memory_space<vmem>> -> memref<256xi32, #tpu.memory_space<vmem>>
    %dma_start3A_741 = arith.constant 0 : i32
    %dma_start3A_742 = arith.constant 0 : i32
    %dma_start3A_743 = tpu.memref_slice %arg9[%dma_start3A_741, %dma_start3A_742] : memref<12288x16xf32, #tpu.memory_space<vmem_shared>> -> memref<12288x16xf32, #tpu.memory_space<vmem_shared>>
    tpu.enqueue_indirect_dma source(%dma_start3A_743 : memref<12288x16xf32, #tpu.memory_space<vmem_shared>>) target(%dma_start3A_738 : memref<256x16xf32, #tpu.memory_space<vmem>>) offsets(%dma_start3A_740 : memref<256xi32, #tpu.memory_space<vmem>>) semaphore(%arg11 : memref<!tpu.dma_semaphore, #tpu.memory_space<semaphore_mem>>)
    %dma_wait3A_744 = arith.constant 0 : i32
    %dma_wait3A_745 = arith.constant 0 : i32
    %dma_wait3A_746 = tpu.memref_slice %arg7[%dma_wait3A_744, %dma_wait3A_745] : memref<1536x16xf32, #tpu.memory_space<vmem>> -> memref<256x16xf32, #tpu.memory_space<vmem>>
    %dma_wait3A_747 = arith.constant 9216 : i32
    %dma_wait3A_748 = tpu.memref_slice %arg6[%dma_wait3A_747] : memref<24576xi32, #tpu.memory_space<vmem>> -> memref<256xi32, #tpu.memory_space<vmem>>
    %dma_wait3A_749 = arith.constant 0 : i32
    %dma_wait3A_750 = arith.constant 0 : i32
    %dma_wait3A_751 = tpu.memref_slice %arg9[%dma_wait3A_749, %dma_wait3A_750] : memref<12288x16xf32, #tpu.memory_space<vmem_shared>> -> memref<12288x16xf32, #tpu.memory_space<vmem_shared>>
    tpu.wait_indirect_dma semaphore(%arg10 : memref<!tpu.dma_semaphore, #tpu.memory_space<semaphore_mem>>) src(%dma_wait3A_751 : memref<12288x16xf32, #tpu.memory_space<vmem_shared>>) dst(%dma_wait3A_746 : memref<256x16xf32, #tpu.memory_space<vmem>>)
    %dma_wait3A_752 = arith.constant 256 : i32
    %dma_wait3A_753 = arith.constant 0 : i32
    %dma_wait3A_754 = tpu.memref_slice %arg7[%dma_wait3A_752, %dma_wait3A_753] : memref<1536x16xf32, #tpu.memory_space<vmem>> -> memref<256x16xf32, #tpu.memory_space<vmem>>
    %dma_wait3A_755 = arith.constant 9472 : i32
    %dma_wait3A_756 = tpu.memref_slice %arg6[%dma_wait3A_755] : memref<24576xi32, #tpu.memory_space<vmem>> -> memref<256xi32, #tpu.memory_space<vmem>>
    %dma_wait3A_757 = arith.constant 0 : i32
    %dma_wait3A_758 = arith.constant 0 : i32
    %dma_wait3A_759 = tpu.memref_slice %arg9[%dma_wait3A_757, %dma_wait3A_758] : memref<12288x16xf32, #tpu.memory_space<vmem_shared>> -> memref<12288x16xf32, #tpu.memory_space<vmem_shared>>
    tpu.wait_indirect_dma semaphore(%arg10 : memref<!tpu.dma_semaphore, #tpu.memory_space<semaphore_mem>>) src(%dma_wait3A_759 : memref<12288x16xf32, #tpu.memory_space<vmem_shared>>) dst(%dma_wait3A_754 : memref<256x16xf32, #tpu.memory_space<vmem>>)
    %dma_wait3A_760 = arith.constant 512 : i32
    %dma_wait3A_761 = arith.constant 0 : i32
    %dma_wait3A_762 = tpu.memref_slice %arg7[%dma_wait3A_760, %dma_wait3A_761] : memref<1536x16xf32, #tpu.memory_space<vmem>> -> memref<256x16xf32, #tpu.memory_space<vmem>>
    %dma_wait3A_763 = arith.constant 9728 : i32
    %dma_wait3A_764 = tpu.memref_slice %arg6[%dma_wait3A_763] : memref<24576xi32, #tpu.memory_space<vmem>> -> memref<256xi32, #tpu.memory_space<vmem>>
    %dma_wait3A_765 = arith.constant 0 : i32
    %dma_wait3A_766 = arith.constant 0 : i32
    %dma_wait3A_767 = tpu.memref_slice %arg9[%dma_wait3A_765, %dma_wait3A_766] : memref<12288x16xf32, #tpu.memory_space<vmem_shared>> -> memref<12288x16xf32, #tpu.memory_space<vmem_shared>>
    tpu.wait_indirect_dma semaphore(%arg10 : memref<!tpu.dma_semaphore, #tpu.memory_space<semaphore_mem>>) src(%dma_wait3A_767 : memref<12288x16xf32, #tpu.memory_space<vmem_shared>>) dst(%dma_wait3A_762 : memref<256x16xf32, #tpu.memory_space<vmem>>)
    %dma_wait3A_768 = arith.constant 768 : i32
    %dma_wait3A_769 = arith.constant 0 : i32
    %dma_wait3A_770 = tpu.memref_slice %arg7[%dma_wait3A_768, %dma_wait3A_769] : memref<1536x16xf32, #tpu.memory_space<vmem>> -> memref<256x16xf32, #tpu.memory_space<vmem>>
    %dma_wait3A_771 = arith.constant 9984 : i32
    %dma_wait3A_772 = tpu.memref_slice %arg6[%dma_wait3A_771] : memref<24576xi32, #tpu.memory_space<vmem>> -> memref<256xi32, #tpu.memory_space<vmem>>
    %dma_wait3A_773 = arith.constant 0 : i32
    %dma_wait3A_774 = arith.constant 0 : i32
    %dma_wait3A_775 = tpu.memref_slice %arg9[%dma_wait3A_773, %dma_wait3A_774] : memref<12288x16xf32, #tpu.memory_space<vmem_shared>> -> memref<12288x16xf32, #tpu.memory_space<vmem_shared>>
    tpu.wait_indirect_dma semaphore(%arg10 : memref<!tpu.dma_semaphore, #tpu.memory_space<semaphore_mem>>) src(%dma_wait3A_775 : memref<12288x16xf32, #tpu.memory_space<vmem_shared>>) dst(%dma_wait3A_770 : memref<256x16xf32, #tpu.memory_space<vmem>>)
    %dma_wait3A_776 = arith.constant 1024 : i32
    %dma_wait3A_777 = arith.constant 0 : i32
    %dma_wait3A_778 = tpu.memref_slice %arg7[%dma_wait3A_776, %dma_wait3A_777] : memref<1536x16xf32, #tpu.memory_space<vmem>> -> memref<256x16xf32, #tpu.memory_space<vmem>>
    %dma_wait3A_779 = arith.constant 10240 : i32
    %dma_wait3A_780 = tpu.memref_slice %arg6[%dma_wait3A_779] : memref<24576xi32, #tpu.memory_space<vmem>> -> memref<256xi32, #tpu.memory_space<vmem>>
    %dma_wait3A_781 = arith.constant 0 : i32
    %dma_wait3A_782 = arith.constant 0 : i32
    %dma_wait3A_783 = tpu.memref_slice %arg9[%dma_wait3A_781, %dma_wait3A_782] : memref<12288x16xf32, #tpu.memory_space<vmem_shared>> -> memref<12288x16xf32, #tpu.memory_space<vmem_shared>>
    tpu.wait_indirect_dma semaphore(%arg10 : memref<!tpu.dma_semaphore, #tpu.memory_space<semaphore_mem>>) src(%dma_wait3A_783 : memref<12288x16xf32, #tpu.memory_space<vmem_shared>>) dst(%dma_wait3A_778 : memref<256x16xf32, #tpu.memory_space<vmem>>)
    %dma_wait3A_784 = arith.constant 1280 : i32
    %dma_wait3A_785 = arith.constant 0 : i32
    %dma_wait3A_786 = tpu.memref_slice %arg7[%dma_wait3A_784, %dma_wait3A_785] : memref<1536x16xf32, #tpu.memory_space<vmem>> -> memref<256x16xf32, #tpu.memory_space<vmem>>
    %dma_wait3A_787 = arith.constant 10496 : i32
    %dma_wait3A_788 = tpu.memref_slice %arg6[%dma_wait3A_787] : memref<24576xi32, #tpu.memory_space<vmem>> -> memref<256xi32, #tpu.memory_space<vmem>>
    %dma_wait3A_789 = arith.constant 0 : i32
    %dma_wait3A_790 = arith.constant 0 : i32
    %dma_wait3A_791 = tpu.memref_slice %arg9[%dma_wait3A_789, %dma_wait3A_790] : memref<12288x16xf32, #tpu.memory_space<vmem_shared>> -> memref<12288x16xf32, #tpu.memory_space<vmem_shared>>
    tpu.wait_indirect_dma semaphore(%arg10 : memref<!tpu.dma_semaphore, #tpu.memory_space<semaphore_mem>>) src(%dma_wait3A_791 : memref<12288x16xf32, #tpu.memory_space<vmem_shared>>) dst(%dma_wait3A_786 : memref<256x16xf32, #tpu.memory_space<vmem>>)
    %add3A_792 = arith.constant 9216 : i32
    %add3A_793 = arith.addi %multiple_of3A, %add3A_792 : i32
    %dma_start3A_794 = arith.constant 0 : i32
    %dma_start3A_795 = tpu.memref_slice %arg4[%add3A_793, %dma_start3A_794] : memref<786432x16xf32, #tpu.memory_space<hbm>> -> memref<1536x16xf32, #tpu.memory_space<hbm>>
    %dma_start3A_796 = arith.constant 0 : i32
    %dma_start3A_797 = tpu.memref_slice %arg4[%add3A_793, %dma_start3A_796] : memref<786432x16xf32, #tpu.memory_space<hbm>> -> memref<1536x16xf32, #tpu.memory_space<hbm>>
    tpu.enqueue_dma source(%arg7 : memref<1536x16xf32, #tpu.memory_space<vmem>>) target(%dma_start3A_797 : memref<1536x16xf32, #tpu.memory_space<hbm>>) target_semaphore(%arg12 : memref<!tpu.dma_semaphore, #tpu.memory_space<semaphore_mem>>)
    %dma_wait3A_798 = arith.constant 0 : i32
    %dma_wait3A_799 = tpu.memref_slice %arg4[%add3A_793, %dma_wait3A_798] : memref<786432x16xf32, #tpu.memory_space<hbm>> -> memref<1536x16xf32, #tpu.memory_space<hbm>>
    %dma_wait3A_800 = arith.constant 0 : i32
    %dma_wait3A_801 = tpu.memref_slice %arg4[%add3A_793, %dma_wait3A_800] : memref<786432x16xf32, #tpu.memory_space<hbm>> -> memref<1536x16xf32, #tpu.memory_space<hbm>>
    tpu.wait_dma2 semaphore(%arg12 : memref<!tpu.dma_semaphore, #tpu.memory_space<semaphore_mem>>) src(%arg7 : memref<1536x16xf32, #tpu.memory_space<vmem>>) dst(%dma_wait3A_801 : memref<1536x16xf32, #tpu.memory_space<hbm>>)
    %dma_start3A_802 = arith.constant 0 : i32
    %dma_start3A_803 = arith.constant 0 : i32
    %dma_start3A_804 = tpu.memref_slice %arg7[%dma_start3A_802, %dma_start3A_803] : memref<1536x16xf32, #tpu.memory_space<vmem>> -> memref<256x16xf32, #tpu.memory_space<vmem>>
    %dma_start3A_805 = arith.constant 12288 : i32
    %dma_start3A_806 = tpu.memref_slice %arg6[%dma_start3A_805] : memref<24576xi32, #tpu.memory_space<vmem>> -> memref<256xi32, #tpu.memory_space<vmem>>
    %dma_start3A_807 = arith.constant 0 : i32
    %dma_start3A_808 = arith.constant 0 : i32
    %dma_start3A_809 = tpu.memref_slice %arg9[%dma_start3A_807, %dma_start3A_808] : memref<12288x16xf32, #tpu.memory_space<vmem_shared>> -> memref<12288x16xf32, #tpu.memory_space<vmem_shared>>
    tpu.enqueue_indirect_dma source(%dma_start3A_809 : memref<12288x16xf32, #tpu.memory_space<vmem_shared>>) target(%dma_start3A_804 : memref<256x16xf32, #tpu.memory_space<vmem>>) offsets(%dma_start3A_806 : memref<256xi32, #tpu.memory_space<vmem>>) semaphore(%arg10 : memref<!tpu.dma_semaphore, #tpu.memory_space<semaphore_mem>>)
    %dma_start3A_810 = arith.constant 256 : i32
    %dma_start3A_811 = arith.constant 0 : i32
    %dma_start3A_812 = tpu.memref_slice %arg7[%dma_start3A_810, %dma_start3A_811] : memref<1536x16xf32, #tpu.memory_space<vmem>> -> memref<256x16xf32, #tpu.memory_space<vmem>>
    %dma_start3A_813 = arith.constant 12544 : i32
    %dma_start3A_814 = tpu.memref_slice %arg6[%dma_start3A_813] : memref<24576xi32, #tpu.memory_space<vmem>> -> memref<256xi32, #tpu.memory_space<vmem>>
    %dma_start3A_815 = arith.constant 0 : i32
    %dma_start3A_816 = arith.constant 0 : i32
    %dma_start3A_817 = tpu.memref_slice %arg9[%dma_start3A_815, %dma_start3A_816] : memref<12288x16xf32, #tpu.memory_space<vmem_shared>> -> memref<12288x16xf32, #tpu.memory_space<vmem_shared>>
    tpu.enqueue_indirect_dma source(%dma_start3A_817 : memref<12288x16xf32, #tpu.memory_space<vmem_shared>>) target(%dma_start3A_812 : memref<256x16xf32, #tpu.memory_space<vmem>>) offsets(%dma_start3A_814 : memref<256xi32, #tpu.memory_space<vmem>>) semaphore(%arg10 : memref<!tpu.dma_semaphore, #tpu.memory_space<semaphore_mem>>)
    %dma_start3A_818 = arith.constant 512 : i32
    %dma_start3A_819 = arith.constant 0 : i32
    %dma_start3A_820 = tpu.memref_slice %arg7[%dma_start3A_818, %dma_start3A_819] : memref<1536x16xf32, #tpu.memory_space<vmem>> -> memref<256x16xf32, #tpu.memory_space<vmem>>
    %dma_start3A_821 = arith.constant 12800 : i32
    %dma_start3A_822 = tpu.memref_slice %arg6[%dma_start3A_821] : memref<24576xi32, #tpu.memory_space<vmem>> -> memref<256xi32, #tpu.memory_space<vmem>>
    %dma_start3A_823 = arith.constant 0 : i32
    %dma_start3A_824 = arith.constant 0 : i32
    %dma_start3A_825 = tpu.memref_slice %arg9[%dma_start3A_823, %dma_start3A_824] : memref<12288x16xf32, #tpu.memory_space<vmem_shared>> -> memref<12288x16xf32, #tpu.memory_space<vmem_shared>>
    tpu.enqueue_indirect_dma source(%dma_start3A_825 : memref<12288x16xf32, #tpu.memory_space<vmem_shared>>) target(%dma_start3A_820 : memref<256x16xf32, #tpu.memory_space<vmem>>) offsets(%dma_start3A_822 : memref<256xi32, #tpu.memory_space<vmem>>) semaphore(%arg10 : memref<!tpu.dma_semaphore, #tpu.memory_space<semaphore_mem>>)
    %dma_start3A_826 = arith.constant 768 : i32
    %dma_start3A_827 = arith.constant 0 : i32
    %dma_start3A_828 = tpu.memref_slice %arg7[%dma_start3A_826, %dma_start3A_827] : memref<1536x16xf32, #tpu.memory_space<vmem>> -> memref<256x16xf32, #tpu.memory_space<vmem>>
    %dma_start3A_829 = arith.constant 13056 : i32
    %dma_start3A_830 = tpu.memref_slice %arg6[%dma_start3A_829] : memref<24576xi32, #tpu.memory_space<vmem>> -> memref<256xi32, #tpu.memory_space<vmem>>
    %dma_start3A_831 = arith.constant 0 : i32
    %dma_start3A_832 = arith.constant 0 : i32
    %dma_start3A_833 = tpu.memref_slice %arg9[%dma_start3A_831, %dma_start3A_832] : memref<12288x16xf32, #tpu.memory_space<vmem_shared>> -> memref<12288x16xf32, #tpu.memory_space<vmem_shared>>
    tpu.enqueue_indirect_dma source(%dma_start3A_833 : memref<12288x16xf32, #tpu.memory_space<vmem_shared>>) target(%dma_start3A_828 : memref<256x16xf32, #tpu.memory_space<vmem>>) offsets(%dma_start3A_830 : memref<256xi32, #tpu.memory_space<vmem>>) semaphore(%arg10 : memref<!tpu.dma_semaphore, #tpu.memory_space<semaphore_mem>>)
    %dma_start3A_834 = arith.constant 1024 : i32
    %dma_start3A_835 = arith.constant 0 : i32
    %dma_start3A_836 = tpu.memref_slice %arg7[%dma_start3A_834, %dma_start3A_835] : memref<1536x16xf32, #tpu.memory_space<vmem>> -> memref<256x16xf32, #tpu.memory_space<vmem>>
    %dma_start3A_837 = arith.constant 13312 : i32
    %dma_start3A_838 = tpu.memref_slice %arg6[%dma_start3A_837] : memref<24576xi32, #tpu.memory_space<vmem>> -> memref<256xi32, #tpu.memory_space<vmem>>
    %dma_start3A_839 = arith.constant 0 : i32
    %dma_start3A_840 = arith.constant 0 : i32
    %dma_start3A_841 = tpu.memref_slice %arg9[%dma_start3A_839, %dma_start3A_840] : memref<12288x16xf32, #tpu.memory_space<vmem_shared>> -> memref<12288x16xf32, #tpu.memory_space<vmem_shared>>
    tpu.enqueue_indirect_dma source(%dma_start3A_841 : memref<12288x16xf32, #tpu.memory_space<vmem_shared>>) target(%dma_start3A_836 : memref<256x16xf32, #tpu.memory_space<vmem>>) offsets(%dma_start3A_838 : memref<256xi32, #tpu.memory_space<vmem>>) semaphore(%arg10 : memref<!tpu.dma_semaphore, #tpu.memory_space<semaphore_mem>>)
    %dma_start3A_842 = arith.constant 1280 : i32
    %dma_start3A_843 = arith.constant 0 : i32
    %dma_start3A_844 = tpu.memref_slice %arg7[%dma_start3A_842, %dma_start3A_843] : memref<1536x16xf32, #tpu.memory_space<vmem>> -> memref<256x16xf32, #tpu.memory_space<vmem>>
    %dma_start3A_845 = arith.constant 13568 : i32
    %dma_start3A_846 = tpu.memref_slice %arg6[%dma_start3A_845] : memref<24576xi32, #tpu.memory_space<vmem>> -> memref<256xi32, #tpu.memory_space<vmem>>
    %dma_start3A_847 = arith.constant 0 : i32
    %dma_start3A_848 = arith.constant 0 : i32
    %dma_start3A_849 = tpu.memref_slice %arg9[%dma_start3A_847, %dma_start3A_848] : memref<12288x16xf32, #tpu.memory_space<vmem_shared>> -> memref<12288x16xf32, #tpu.memory_space<vmem_shared>>
    tpu.enqueue_indirect_dma source(%dma_start3A_849 : memref<12288x16xf32, #tpu.memory_space<vmem_shared>>) target(%dma_start3A_844 : memref<256x16xf32, #tpu.memory_space<vmem>>) offsets(%dma_start3A_846 : memref<256xi32, #tpu.memory_space<vmem>>) semaphore(%arg10 : memref<!tpu.dma_semaphore, #tpu.memory_space<semaphore_mem>>)
    %dma_wait3A_850 = arith.constant 0 : i32
    %dma_wait3A_851 = arith.constant 0 : i32
    %dma_wait3A_852 = tpu.memref_slice %arg8[%dma_wait3A_850, %dma_wait3A_851] : memref<1536x16xf32, #tpu.memory_space<vmem>> -> memref<256x16xf32, #tpu.memory_space<vmem>>
    %dma_wait3A_853 = arith.constant 10752 : i32
    %dma_wait3A_854 = tpu.memref_slice %arg6[%dma_wait3A_853] : memref<24576xi32, #tpu.memory_space<vmem>> -> memref<256xi32, #tpu.memory_space<vmem>>
    %dma_wait3A_855 = arith.constant 0 : i32
    %dma_wait3A_856 = arith.constant 0 : i32
    %dma_wait3A_857 = tpu.memref_slice %arg9[%dma_wait3A_855, %dma_wait3A_856] : memref<12288x16xf32, #tpu.memory_space<vmem_shared>> -> memref<12288x16xf32, #tpu.memory_space<vmem_shared>>
    tpu.wait_indirect_dma semaphore(%arg11 : memref<!tpu.dma_semaphore, #tpu.memory_space<semaphore_mem>>) src(%dma_wait3A_857 : memref<12288x16xf32, #tpu.memory_space<vmem_shared>>) dst(%dma_wait3A_852 : memref<256x16xf32, #tpu.memory_space<vmem>>)
    %dma_wait3A_858 = arith.constant 256 : i32
    %dma_wait3A_859 = arith.constant 0 : i32
    %dma_wait3A_860 = tpu.memref_slice %arg8[%dma_wait3A_858, %dma_wait3A_859] : memref<1536x16xf32, #tpu.memory_space<vmem>> -> memref<256x16xf32, #tpu.memory_space<vmem>>
    %dma_wait3A_861 = arith.constant 11008 : i32
    %dma_wait3A_862 = tpu.memref_slice %arg6[%dma_wait3A_861] : memref<24576xi32, #tpu.memory_space<vmem>> -> memref<256xi32, #tpu.memory_space<vmem>>
    %dma_wait3A_863 = arith.constant 0 : i32
    %dma_wait3A_864 = arith.constant 0 : i32
    %dma_wait3A_865 = tpu.memref_slice %arg9[%dma_wait3A_863, %dma_wait3A_864] : memref<12288x16xf32, #tpu.memory_space<vmem_shared>> -> memref<12288x16xf32, #tpu.memory_space<vmem_shared>>
    tpu.wait_indirect_dma semaphore(%arg11 : memref<!tpu.dma_semaphore, #tpu.memory_space<semaphore_mem>>) src(%dma_wait3A_865 : memref<12288x16xf32, #tpu.memory_space<vmem_shared>>) dst(%dma_wait3A_860 : memref<256x16xf32, #tpu.memory_space<vmem>>)
    %dma_wait3A_866 = arith.constant 512 : i32
    %dma_wait3A_867 = arith.constant 0 : i32
    %dma_wait3A_868 = tpu.memref_slice %arg8[%dma_wait3A_866, %dma_wait3A_867] : memref<1536x16xf32, #tpu.memory_space<vmem>> -> memref<256x16xf32, #tpu.memory_space<vmem>>
    %dma_wait3A_869 = arith.constant 11264 : i32
    %dma_wait3A_870 = tpu.memref_slice %arg6[%dma_wait3A_869] : memref<24576xi32, #tpu.memory_space<vmem>> -> memref<256xi32, #tpu.memory_space<vmem>>
    %dma_wait3A_871 = arith.constant 0 : i32
    %dma_wait3A_872 = arith.constant 0 : i32
    %dma_wait3A_873 = tpu.memref_slice %arg9[%dma_wait3A_871, %dma_wait3A_872] : memref<12288x16xf32, #tpu.memory_space<vmem_shared>> -> memref<12288x16xf32, #tpu.memory_space<vmem_shared>>
    tpu.wait_indirect_dma semaphore(%arg11 : memref<!tpu.dma_semaphore, #tpu.memory_space<semaphore_mem>>) src(%dma_wait3A_873 : memref<12288x16xf32, #tpu.memory_space<vmem_shared>>) dst(%dma_wait3A_868 : memref<256x16xf32, #tpu.memory_space<vmem>>)
    %dma_wait3A_874 = arith.constant 768 : i32
    %dma_wait3A_875 = arith.constant 0 : i32
    %dma_wait3A_876 = tpu.memref_slice %arg8[%dma_wait3A_874, %dma_wait3A_875] : memref<1536x16xf32, #tpu.memory_space<vmem>> -> memref<256x16xf32, #tpu.memory_space<vmem>>
    %dma_wait3A_877 = arith.constant 11520 : i32
    %dma_wait3A_878 = tpu.memref_slice %arg6[%dma_wait3A_877] : memref<24576xi32, #tpu.memory_space<vmem>> -> memref<256xi32, #tpu.memory_space<vmem>>
    %dma_wait3A_879 = arith.constant 0 : i32
    %dma_wait3A_880 = arith.constant 0 : i32
    %dma_wait3A_881 = tpu.memref_slice %arg9[%dma_wait3A_879, %dma_wait3A_880] : memref<12288x16xf32, #tpu.memory_space<vmem_shared>> -> memref<12288x16xf32, #tpu.memory_space<vmem_shared>>
    tpu.wait_indirect_dma semaphore(%arg11 : memref<!tpu.dma_semaphore, #tpu.memory_space<semaphore_mem>>) src(%dma_wait3A_881 : memref<12288x16xf32, #tpu.memory_space<vmem_shared>>) dst(%dma_wait3A_876 : memref<256x16xf32, #tpu.memory_space<vmem>>)
    %dma_wait3A_882 = arith.constant 1024 : i32
    %dma_wait3A_883 = arith.constant 0 : i32
    %dma_wait3A_884 = tpu.memref_slice %arg8[%dma_wait3A_882, %dma_wait3A_883] : memref<1536x16xf32, #tpu.memory_space<vmem>> -> memref<256x16xf32, #tpu.memory_space<vmem>>
    %dma_wait3A_885 = arith.constant 11776 : i32
    %dma_wait3A_886 = tpu.memref_slice %arg6[%dma_wait3A_885] : memref<24576xi32, #tpu.memory_space<vmem>> -> memref<256xi32, #tpu.memory_space<vmem>>
    %dma_wait3A_887 = arith.constant 0 : i32
    %dma_wait3A_888 = arith.constant 0 : i32
    %dma_wait3A_889 = tpu.memref_slice %arg9[%dma_wait3A_887, %dma_wait3A_888] : memref<12288x16xf32, #tpu.memory_space<vmem_shared>> -> memref<12288x16xf32, #tpu.memory_space<vmem_shared>>
    tpu.wait_indirect_dma semaphore(%arg11 : memref<!tpu.dma_semaphore, #tpu.memory_space<semaphore_mem>>) src(%dma_wait3A_889 : memref<12288x16xf32, #tpu.memory_space<vmem_shared>>) dst(%dma_wait3A_884 : memref<256x16xf32, #tpu.memory_space<vmem>>)
    %dma_wait3A_890 = arith.constant 1280 : i32
    %dma_wait3A_891 = arith.constant 0 : i32
    %dma_wait3A_892 = tpu.memref_slice %arg8[%dma_wait3A_890, %dma_wait3A_891] : memref<1536x16xf32, #tpu.memory_space<vmem>> -> memref<256x16xf32, #tpu.memory_space<vmem>>
    %dma_wait3A_893 = arith.constant 12032 : i32
    %dma_wait3A_894 = tpu.memref_slice %arg6[%dma_wait3A_893] : memref<24576xi32, #tpu.memory_space<vmem>> -> memref<256xi32, #tpu.memory_space<vmem>>
    %dma_wait3A_895 = arith.constant 0 : i32
    %dma_wait3A_896 = arith.constant 0 : i32
    %dma_wait3A_897 = tpu.memref_slice %arg9[%dma_wait3A_895, %dma_wait3A_896] : memref<12288x16xf32, #tpu.memory_space<vmem_shared>> -> memref<12288x16xf32, #tpu.memory_space<vmem_shared>>
    tpu.wait_indirect_dma semaphore(%arg11 : memref<!tpu.dma_semaphore, #tpu.memory_space<semaphore_mem>>) src(%dma_wait3A_897 : memref<12288x16xf32, #tpu.memory_space<vmem_shared>>) dst(%dma_wait3A_892 : memref<256x16xf32, #tpu.memory_space<vmem>>)
    %add3A_898 = arith.constant 10752 : i32
    %add3A_899 = arith.addi %multiple_of3A, %add3A_898 : i32
    %dma_start3A_900 = arith.constant 0 : i32
    %dma_start3A_901 = tpu.memref_slice %arg4[%add3A_899, %dma_start3A_900] : memref<786432x16xf32, #tpu.memory_space<hbm>> -> memref<1536x16xf32, #tpu.memory_space<hbm>>
    %dma_start3A_902 = arith.constant 0 : i32
    %dma_start3A_903 = tpu.memref_slice %arg4[%add3A_899, %dma_start3A_902] : memref<786432x16xf32, #tpu.memory_space<hbm>> -> memref<1536x16xf32, #tpu.memory_space<hbm>>
    tpu.enqueue_dma source(%arg8 : memref<1536x16xf32, #tpu.memory_space<vmem>>) target(%dma_start3A_903 : memref<1536x16xf32, #tpu.memory_space<hbm>>) target_semaphore(%arg13 : memref<!tpu.dma_semaphore, #tpu.memory_space<semaphore_mem>>)
    %dma_wait3A_904 = arith.constant 0 : i32
    %dma_wait3A_905 = tpu.memref_slice %arg4[%add3A_899, %dma_wait3A_904] : memref<786432x16xf32, #tpu.memory_space<hbm>> -> memref<1536x16xf32, #tpu.memory_space<hbm>>
    %dma_wait3A_906 = arith.constant 0 : i32
    %dma_wait3A_907 = tpu.memref_slice %arg4[%add3A_899, %dma_wait3A_906] : memref<786432x16xf32, #tpu.memory_space<hbm>> -> memref<1536x16xf32, #tpu.memory_space<hbm>>
    tpu.wait_dma2 semaphore(%arg13 : memref<!tpu.dma_semaphore, #tpu.memory_space<semaphore_mem>>) src(%arg8 : memref<1536x16xf32, #tpu.memory_space<vmem>>) dst(%dma_wait3A_907 : memref<1536x16xf32, #tpu.memory_space<hbm>>)
    %dma_start3A_908 = arith.constant 0 : i32
    %dma_start3A_909 = arith.constant 0 : i32
    %dma_start3A_910 = tpu.memref_slice %arg8[%dma_start3A_908, %dma_start3A_909] : memref<1536x16xf32, #tpu.memory_space<vmem>> -> memref<256x16xf32, #tpu.memory_space<vmem>>
    %dma_start3A_911 = arith.constant 13824 : i32
    %dma_start3A_912 = tpu.memref_slice %arg6[%dma_start3A_911] : memref<24576xi32, #tpu.memory_space<vmem>> -> memref<256xi32, #tpu.memory_space<vmem>>
    %dma_start3A_913 = arith.constant 0 : i32
    %dma_start3A_914 = arith.constant 0 : i32
    %dma_start3A_915 = tpu.memref_slice %arg9[%dma_start3A_913, %dma_start3A_914] : memref<12288x16xf32, #tpu.memory_space<vmem_shared>> -> memref<12288x16xf32, #tpu.memory_space<vmem_shared>>
    tpu.enqueue_indirect_dma source(%dma_start3A_915 : memref<12288x16xf32, #tpu.memory_space<vmem_shared>>) target(%dma_start3A_910 : memref<256x16xf32, #tpu.memory_space<vmem>>) offsets(%dma_start3A_912 : memref<256xi32, #tpu.memory_space<vmem>>) semaphore(%arg11 : memref<!tpu.dma_semaphore, #tpu.memory_space<semaphore_mem>>)
    %dma_start3A_916 = arith.constant 256 : i32
    %dma_start3A_917 = arith.constant 0 : i32
    %dma_start3A_918 = tpu.memref_slice %arg8[%dma_start3A_916, %dma_start3A_917] : memref<1536x16xf32, #tpu.memory_space<vmem>> -> memref<256x16xf32, #tpu.memory_space<vmem>>
    %dma_start3A_919 = arith.constant 14080 : i32
    %dma_start3A_920 = tpu.memref_slice %arg6[%dma_start3A_919] : memref<24576xi32, #tpu.memory_space<vmem>> -> memref<256xi32, #tpu.memory_space<vmem>>
    %dma_start3A_921 = arith.constant 0 : i32
    %dma_start3A_922 = arith.constant 0 : i32
    %dma_start3A_923 = tpu.memref_slice %arg9[%dma_start3A_921, %dma_start3A_922] : memref<12288x16xf32, #tpu.memory_space<vmem_shared>> -> memref<12288x16xf32, #tpu.memory_space<vmem_shared>>
    tpu.enqueue_indirect_dma source(%dma_start3A_923 : memref<12288x16xf32, #tpu.memory_space<vmem_shared>>) target(%dma_start3A_918 : memref<256x16xf32, #tpu.memory_space<vmem>>) offsets(%dma_start3A_920 : memref<256xi32, #tpu.memory_space<vmem>>) semaphore(%arg11 : memref<!tpu.dma_semaphore, #tpu.memory_space<semaphore_mem>>)
    %dma_start3A_924 = arith.constant 512 : i32
    %dma_start3A_925 = arith.constant 0 : i32
    %dma_start3A_926 = tpu.memref_slice %arg8[%dma_start3A_924, %dma_start3A_925] : memref<1536x16xf32, #tpu.memory_space<vmem>> -> memref<256x16xf32, #tpu.memory_space<vmem>>
    %dma_start3A_927 = arith.constant 14336 : i32
    %dma_start3A_928 = tpu.memref_slice %arg6[%dma_start3A_927] : memref<24576xi32, #tpu.memory_space<vmem>> -> memref<256xi32, #tpu.memory_space<vmem>>
    %dma_start3A_929 = arith.constant 0 : i32
    %dma_start3A_930 = arith.constant 0 : i32
    %dma_start3A_931 = tpu.memref_slice %arg9[%dma_start3A_929, %dma_start3A_930] : memref<12288x16xf32, #tpu.memory_space<vmem_shared>> -> memref<12288x16xf32, #tpu.memory_space<vmem_shared>>
    tpu.enqueue_indirect_dma source(%dma_start3A_931 : memref<12288x16xf32, #tpu.memory_space<vmem_shared>>) target(%dma_start3A_926 : memref<256x16xf32, #tpu.memory_space<vmem>>) offsets(%dma_start3A_928 : memref<256xi32, #tpu.memory_space<vmem>>) semaphore(%arg11 : memref<!tpu.dma_semaphore, #tpu.memory_space<semaphore_mem>>)
    %dma_start3A_932 = arith.constant 768 : i32
    %dma_start3A_933 = arith.constant 0 : i32
    %dma_start3A_934 = tpu.memref_slice %arg8[%dma_start3A_932, %dma_start3A_933] : memref<1536x16xf32, #tpu.memory_space<vmem>> -> memref<256x16xf32, #tpu.memory_space<vmem>>
    %dma_start3A_935 = arith.constant 14592 : i32
    %dma_start3A_936 = tpu.memref_slice %arg6[%dma_start3A_935] : memref<24576xi32, #tpu.memory_space<vmem>> -> memref<256xi32, #tpu.memory_space<vmem>>
    %dma_start3A_937 = arith.constant 0 : i32
    %dma_start3A_938 = arith.constant 0 : i32
    %dma_start3A_939 = tpu.memref_slice %arg9[%dma_start3A_937, %dma_start3A_938] : memref<12288x16xf32, #tpu.memory_space<vmem_shared>> -> memref<12288x16xf32, #tpu.memory_space<vmem_shared>>
    tpu.enqueue_indirect_dma source(%dma_start3A_939 : memref<12288x16xf32, #tpu.memory_space<vmem_shared>>) target(%dma_start3A_934 : memref<256x16xf32, #tpu.memory_space<vmem>>) offsets(%dma_start3A_936 : memref<256xi32, #tpu.memory_space<vmem>>) semaphore(%arg11 : memref<!tpu.dma_semaphore, #tpu.memory_space<semaphore_mem>>)
    %dma_start3A_940 = arith.constant 1024 : i32
    %dma_start3A_941 = arith.constant 0 : i32
    %dma_start3A_942 = tpu.memref_slice %arg8[%dma_start3A_940, %dma_start3A_941] : memref<1536x16xf32, #tpu.memory_space<vmem>> -> memref<256x16xf32, #tpu.memory_space<vmem>>
    %dma_start3A_943 = arith.constant 14848 : i32
    %dma_start3A_944 = tpu.memref_slice %arg6[%dma_start3A_943] : memref<24576xi32, #tpu.memory_space<vmem>> -> memref<256xi32, #tpu.memory_space<vmem>>
    %dma_start3A_945 = arith.constant 0 : i32
    %dma_start3A_946 = arith.constant 0 : i32
    %dma_start3A_947 = tpu.memref_slice %arg9[%dma_start3A_945, %dma_start3A_946] : memref<12288x16xf32, #tpu.memory_space<vmem_shared>> -> memref<12288x16xf32, #tpu.memory_space<vmem_shared>>
    tpu.enqueue_indirect_dma source(%dma_start3A_947 : memref<12288x16xf32, #tpu.memory_space<vmem_shared>>) target(%dma_start3A_942 : memref<256x16xf32, #tpu.memory_space<vmem>>) offsets(%dma_start3A_944 : memref<256xi32, #tpu.memory_space<vmem>>) semaphore(%arg11 : memref<!tpu.dma_semaphore, #tpu.memory_space<semaphore_mem>>)
    %dma_start3A_948 = arith.constant 1280 : i32
    %dma_start3A_949 = arith.constant 0 : i32
    %dma_start3A_950 = tpu.memref_slice %arg8[%dma_start3A_948, %dma_start3A_949] : memref<1536x16xf32, #tpu.memory_space<vmem>> -> memref<256x16xf32, #tpu.memory_space<vmem>>
    %dma_start3A_951 = arith.constant 15104 : i32
    %dma_start3A_952 = tpu.memref_slice %arg6[%dma_start3A_951] : memref<24576xi32, #tpu.memory_space<vmem>> -> memref<256xi32, #tpu.memory_space<vmem>>
    %dma_start3A_953 = arith.constant 0 : i32
    %dma_start3A_954 = arith.constant 0 : i32
    %dma_start3A_955 = tpu.memref_slice %arg9[%dma_start3A_953, %dma_start3A_954] : memref<12288x16xf32, #tpu.memory_space<vmem_shared>> -> memref<12288x16xf32, #tpu.memory_space<vmem_shared>>
    tpu.enqueue_indirect_dma source(%dma_start3A_955 : memref<12288x16xf32, #tpu.memory_space<vmem_shared>>) target(%dma_start3A_950 : memref<256x16xf32, #tpu.memory_space<vmem>>) offsets(%dma_start3A_952 : memref<256xi32, #tpu.memory_space<vmem>>) semaphore(%arg11 : memref<!tpu.dma_semaphore, #tpu.memory_space<semaphore_mem>>)
    %dma_wait3A_956 = arith.constant 0 : i32
    %dma_wait3A_957 = arith.constant 0 : i32
    %dma_wait3A_958 = tpu.memref_slice %arg7[%dma_wait3A_956, %dma_wait3A_957] : memref<1536x16xf32, #tpu.memory_space<vmem>> -> memref<256x16xf32, #tpu.memory_space<vmem>>
    %dma_wait3A_959 = arith.constant 12288 : i32
    %dma_wait3A_960 = tpu.memref_slice %arg6[%dma_wait3A_959] : memref<24576xi32, #tpu.memory_space<vmem>> -> memref<256xi32, #tpu.memory_space<vmem>>
    %dma_wait3A_961 = arith.constant 0 : i32
    %dma_wait3A_962 = arith.constant 0 : i32
    %dma_wait3A_963 = tpu.memref_slice %arg9[%dma_wait3A_961, %dma_wait3A_962] : memref<12288x16xf32, #tpu.memory_space<vmem_shared>> -> memref<12288x16xf32, #tpu.memory_space<vmem_shared>>
    tpu.wait_indirect_dma semaphore(%arg10 : memref<!tpu.dma_semaphore, #tpu.memory_space<semaphore_mem>>) src(%dma_wait3A_963 : memref<12288x16xf32, #tpu.memory_space<vmem_shared>>) dst(%dma_wait3A_958 : memref<256x16xf32, #tpu.memory_space<vmem>>)
    %dma_wait3A_964 = arith.constant 256 : i32
    %dma_wait3A_965 = arith.constant 0 : i32
    %dma_wait3A_966 = tpu.memref_slice %arg7[%dma_wait3A_964, %dma_wait3A_965] : memref<1536x16xf32, #tpu.memory_space<vmem>> -> memref<256x16xf32, #tpu.memory_space<vmem>>
    %dma_wait3A_967 = arith.constant 12544 : i32
    %dma_wait3A_968 = tpu.memref_slice %arg6[%dma_wait3A_967] : memref<24576xi32, #tpu.memory_space<vmem>> -> memref<256xi32, #tpu.memory_space<vmem>>
    %dma_wait3A_969 = arith.constant 0 : i32
    %dma_wait3A_970 = arith.constant 0 : i32
    %dma_wait3A_971 = tpu.memref_slice %arg9[%dma_wait3A_969, %dma_wait3A_970] : memref<12288x16xf32, #tpu.memory_space<vmem_shared>> -> memref<12288x16xf32, #tpu.memory_space<vmem_shared>>
    tpu.wait_indirect_dma semaphore(%arg10 : memref<!tpu.dma_semaphore, #tpu.memory_space<semaphore_mem>>) src(%dma_wait3A_971 : memref<12288x16xf32, #tpu.memory_space<vmem_shared>>) dst(%dma_wait3A_966 : memref<256x16xf32, #tpu.memory_space<vmem>>)
    %dma_wait3A_972 = arith.constant 512 : i32
    %dma_wait3A_973 = arith.constant 0 : i32
    %dma_wait3A_974 = tpu.memref_slice %arg7[%dma_wait3A_972, %dma_wait3A_973] : memref<1536x16xf32, #tpu.memory_space<vmem>> -> memref<256x16xf32, #tpu.memory_space<vmem>>
    %dma_wait3A_975 = arith.constant 12800 : i32
    %dma_wait3A_976 = tpu.memref_slice %arg6[%dma_wait3A_975] : memref<24576xi32, #tpu.memory_space<vmem>> -> memref<256xi32, #tpu.memory_space<vmem>>
    %dma_wait3A_977 = arith.constant 0 : i32
    %dma_wait3A_978 = arith.constant 0 : i32
    %dma_wait3A_979 = tpu.memref_slice %arg9[%dma_wait3A_977, %dma_wait3A_978] : memref<12288x16xf32, #tpu.memory_space<vmem_shared>> -> memref<12288x16xf32, #tpu.memory_space<vmem_shared>>
    tpu.wait_indirect_dma semaphore(%arg10 : memref<!tpu.dma_semaphore, #tpu.memory_space<semaphore_mem>>) src(%dma_wait3A_979 : memref<12288x16xf32, #tpu.memory_space<vmem_shared>>) dst(%dma_wait3A_974 : memref<256x16xf32, #tpu.memory_space<vmem>>)
    %dma_wait3A_980 = arith.constant 768 : i32
    %dma_wait3A_981 = arith.constant 0 : i32
    %dma_wait3A_982 = tpu.memref_slice %arg7[%dma_wait3A_980, %dma_wait3A_981] : memref<1536x16xf32, #tpu.memory_space<vmem>> -> memref<256x16xf32, #tpu.memory_space<vmem>>
    %dma_wait3A_983 = arith.constant 13056 : i32
    %dma_wait3A_984 = tpu.memref_slice %arg6[%dma_wait3A_983] : memref<24576xi32, #tpu.memory_space<vmem>> -> memref<256xi32, #tpu.memory_space<vmem>>
    %dma_wait3A_985 = arith.constant 0 : i32
    %dma_wait3A_986 = arith.constant 0 : i32
    %dma_wait3A_987 = tpu.memref_slice %arg9[%dma_wait3A_985, %dma_wait3A_986] : memref<12288x16xf32, #tpu.memory_space<vmem_shared>> -> memref<12288x16xf32, #tpu.memory_space<vmem_shared>>
    tpu.wait_indirect_dma semaphore(%arg10 : memref<!tpu.dma_semaphore, #tpu.memory_space<semaphore_mem>>) src(%dma_wait3A_987 : memref<12288x16xf32, #tpu.memory_space<vmem_shared>>) dst(%dma_wait3A_982 : memref<256x16xf32, #tpu.memory_space<vmem>>)
    %dma_wait3A_988 = arith.constant 1024 : i32
    %dma_wait3A_989 = arith.constant 0 : i32
    %dma_wait3A_990 = tpu.memref_slice %arg7[%dma_wait3A_988, %dma_wait3A_989] : memref<1536x16xf32, #tpu.memory_space<vmem>> -> memref<256x16xf32, #tpu.memory_space<vmem>>
    %dma_wait3A_991 = arith.constant 13312 : i32
    %dma_wait3A_992 = tpu.memref_slice %arg6[%dma_wait3A_991] : memref<24576xi32, #tpu.memory_space<vmem>> -> memref<256xi32, #tpu.memory_space<vmem>>
    %dma_wait3A_993 = arith.constant 0 : i32
    %dma_wait3A_994 = arith.constant 0 : i32
    %dma_wait3A_995 = tpu.memref_slice %arg9[%dma_wait3A_993, %dma_wait3A_994] : memref<12288x16xf32, #tpu.memory_space<vmem_shared>> -> memref<12288x16xf32, #tpu.memory_space<vmem_shared>>
    tpu.wait_indirect_dma semaphore(%arg10 : memref<!tpu.dma_semaphore, #tpu.memory_space<semaphore_mem>>) src(%dma_wait3A_995 : memref<12288x16xf32, #tpu.memory_space<vmem_shared>>) dst(%dma_wait3A_990 : memref<256x16xf32, #tpu.memory_space<vmem>>)
    %dma_wait3A_996 = arith.constant 1280 : i32
    %dma_wait3A_997 = arith.constant 0 : i32
    %dma_wait3A_998 = tpu.memref_slice %arg7[%dma_wait3A_996, %dma_wait3A_997] : memref<1536x16xf32, #tpu.memory_space<vmem>> -> memref<256x16xf32, #tpu.memory_space<vmem>>
    %dma_wait3A_999 = arith.constant 13568 : i32
    %dma_wait3A_1000 = tpu.memref_slice %arg6[%dma_wait3A_999] : memref<24576xi32, #tpu.memory_space<vmem>> -> memref<256xi32, #tpu.memory_space<vmem>>
    %dma_wait3A_1001 = arith.constant 0 : i32
    %dma_wait3A_1002 = arith.constant 0 : i32
    %dma_wait3A_1003 = tpu.memref_slice %arg9[%dma_wait3A_1001, %dma_wait3A_1002] : memref<12288x16xf32, #tpu.memory_space<vmem_shared>> -> memref<12288x16xf32, #tpu.memory_space<vmem_shared>>
    tpu.wait_indirect_dma semaphore(%arg10 : memref<!tpu.dma_semaphore, #tpu.memory_space<semaphore_mem>>) src(%dma_wait3A_1003 : memref<12288x16xf32, #tpu.memory_space<vmem_shared>>) dst(%dma_wait3A_998 : memref<256x16xf32, #tpu.memory_space<vmem>>)
    %add3A_1004 = arith.constant 12288 : i32
    %add3A_1005 = arith.addi %multiple_of3A, %add3A_1004 : i32
    %dma_start3A_1006 = arith.constant 0 : i32
    %dma_start3A_1007 = tpu.memref_slice %arg4[%add3A_1005, %dma_start3A_1006] : memref<786432x16xf32, #tpu.memory_space<hbm>> -> memref<1536x16xf32, #tpu.memory_space<hbm>>
    %dma_start3A_1008 = arith.constant 0 : i32
    %dma_start3A_1009 = tpu.memref_slice %arg4[%add3A_1005, %dma_start3A_1008] : memref<786432x16xf32, #tpu.memory_space<hbm>> -> memref<1536x16xf32, #tpu.memory_space<hbm>>
    tpu.enqueue_dma source(%arg7 : memref<1536x16xf32, #tpu.memory_space<vmem>>) target(%dma_start3A_1009 : memref<1536x16xf32, #tpu.memory_space<hbm>>) target_semaphore(%arg12 : memref<!tpu.dma_semaphore, #tpu.memory_space<semaphore_mem>>)
    %dma_wait3A_1010 = arith.constant 0 : i32
    %dma_wait3A_1011 = tpu.memref_slice %arg4[%add3A_1005, %dma_wait3A_1010] : memref<786432x16xf32, #tpu.memory_space<hbm>> -> memref<1536x16xf32, #tpu.memory_space<hbm>>
    %dma_wait3A_1012 = arith.constant 0 : i32
    %dma_wait3A_1013 = tpu.memref_slice %arg4[%add3A_1005, %dma_wait3A_1012] : memref<786432x16xf32, #tpu.memory_space<hbm>> -> memref<1536x16xf32, #tpu.memory_space<hbm>>
    tpu.wait_dma2 semaphore(%arg12 : memref<!tpu.dma_semaphore, #tpu.memory_space<semaphore_mem>>) src(%arg7 : memref<1536x16xf32, #tpu.memory_space<vmem>>) dst(%dma_wait3A_1013 : memref<1536x16xf32, #tpu.memory_space<hbm>>)
    %dma_start3A_1014 = arith.constant 0 : i32
    %dma_start3A_1015 = arith.constant 0 : i32
    %dma_start3A_1016 = tpu.memref_slice %arg7[%dma_start3A_1014, %dma_start3A_1015] : memref<1536x16xf32, #tpu.memory_space<vmem>> -> memref<256x16xf32, #tpu.memory_space<vmem>>
    %dma_start3A_1017 = arith.constant 15360 : i32
    %dma_start3A_1018 = tpu.memref_slice %arg6[%dma_start3A_1017] : memref<24576xi32, #tpu.memory_space<vmem>> -> memref<256xi32, #tpu.memory_space<vmem>>
    %dma_start3A_1019 = arith.constant 0 : i32
    %dma_start3A_1020 = arith.constant 0 : i32
    %dma_start3A_1021 = tpu.memref_slice %arg9[%dma_start3A_1019, %dma_start3A_1020] : memref<12288x16xf32, #tpu.memory_space<vmem_shared>> -> memref<12288x16xf32, #tpu.memory_space<vmem_shared>>
    tpu.enqueue_indirect_dma source(%dma_start3A_1021 : memref<12288x16xf32, #tpu.memory_space<vmem_shared>>) target(%dma_start3A_1016 : memref<256x16xf32, #tpu.memory_space<vmem>>) offsets(%dma_start3A_1018 : memref<256xi32, #tpu.memory_space<vmem>>) semaphore(%arg10 : memref<!tpu.dma_semaphore, #tpu.memory_space<semaphore_mem>>)
    %dma_start3A_1022 = arith.constant 256 : i32
    %dma_start3A_1023 = arith.constant 0 : i32
    %dma_start3A_1024 = tpu.memref_slice %arg7[%dma_start3A_1022, %dma_start3A_1023] : memref<1536x16xf32, #tpu.memory_space<vmem>> -> memref<256x16xf32, #tpu.memory_space<vmem>>
    %dma_start3A_1025 = arith.constant 15616 : i32
    %dma_start3A_1026 = tpu.memref_slice %arg6[%dma_start3A_1025] : memref<24576xi32, #tpu.memory_space<vmem>> -> memref<256xi32, #tpu.memory_space<vmem>>
    %dma_start3A_1027 = arith.constant 0 : i32
    %dma_start3A_1028 = arith.constant 0 : i32
    %dma_start3A_1029 = tpu.memref_slice %arg9[%dma_start3A_1027, %dma_start3A_1028] : memref<12288x16xf32, #tpu.memory_space<vmem_shared>> -> memref<12288x16xf32, #tpu.memory_space<vmem_shared>>
    tpu.enqueue_indirect_dma source(%dma_start3A_1029 : memref<12288x16xf32, #tpu.memory_space<vmem_shared>>) target(%dma_start3A_1024 : memref<256x16xf32, #tpu.memory_space<vmem>>) offsets(%dma_start3A_1026 : memref<256xi32, #tpu.memory_space<vmem>>) semaphore(%arg10 : memref<!tpu.dma_semaphore, #tpu.memory_space<semaphore_mem>>)
    %dma_start3A_1030 = arith.constant 512 : i32
    %dma_start3A_1031 = arith.constant 0 : i32
    %dma_start3A_1032 = tpu.memref_slice %arg7[%dma_start3A_1030, %dma_start3A_1031] : memref<1536x16xf32, #tpu.memory_space<vmem>> -> memref<256x16xf32, #tpu.memory_space<vmem>>
    %dma_start3A_1033 = arith.constant 15872 : i32
    %dma_start3A_1034 = tpu.memref_slice %arg6[%dma_start3A_1033] : memref<24576xi32, #tpu.memory_space<vmem>> -> memref<256xi32, #tpu.memory_space<vmem>>
    %dma_start3A_1035 = arith.constant 0 : i32
    %dma_start3A_1036 = arith.constant 0 : i32
    %dma_start3A_1037 = tpu.memref_slice %arg9[%dma_start3A_1035, %dma_start3A_1036] : memref<12288x16xf32, #tpu.memory_space<vmem_shared>> -> memref<12288x16xf32, #tpu.memory_space<vmem_shared>>
    tpu.enqueue_indirect_dma source(%dma_start3A_1037 : memref<12288x16xf32, #tpu.memory_space<vmem_shared>>) target(%dma_start3A_1032 : memref<256x16xf32, #tpu.memory_space<vmem>>) offsets(%dma_start3A_1034 : memref<256xi32, #tpu.memory_space<vmem>>) semaphore(%arg10 : memref<!tpu.dma_semaphore, #tpu.memory_space<semaphore_mem>>)
    %dma_start3A_1038 = arith.constant 768 : i32
    %dma_start3A_1039 = arith.constant 0 : i32
    %dma_start3A_1040 = tpu.memref_slice %arg7[%dma_start3A_1038, %dma_start3A_1039] : memref<1536x16xf32, #tpu.memory_space<vmem>> -> memref<256x16xf32, #tpu.memory_space<vmem>>
    %dma_start3A_1041 = arith.constant 16128 : i32
    %dma_start3A_1042 = tpu.memref_slice %arg6[%dma_start3A_1041] : memref<24576xi32, #tpu.memory_space<vmem>> -> memref<256xi32, #tpu.memory_space<vmem>>
    %dma_start3A_1043 = arith.constant 0 : i32
    %dma_start3A_1044 = arith.constant 0 : i32
    %dma_start3A_1045 = tpu.memref_slice %arg9[%dma_start3A_1043, %dma_start3A_1044] : memref<12288x16xf32, #tpu.memory_space<vmem_shared>> -> memref<12288x16xf32, #tpu.memory_space<vmem_shared>>
    tpu.enqueue_indirect_dma source(%dma_start3A_1045 : memref<12288x16xf32, #tpu.memory_space<vmem_shared>>) target(%dma_start3A_1040 : memref<256x16xf32, #tpu.memory_space<vmem>>) offsets(%dma_start3A_1042 : memref<256xi32, #tpu.memory_space<vmem>>) semaphore(%arg10 : memref<!tpu.dma_semaphore, #tpu.memory_space<semaphore_mem>>)
    %dma_start3A_1046 = arith.constant 1024 : i32
    %dma_start3A_1047 = arith.constant 0 : i32
    %dma_start3A_1048 = tpu.memref_slice %arg7[%dma_start3A_1046, %dma_start3A_1047] : memref<1536x16xf32, #tpu.memory_space<vmem>> -> memref<256x16xf32, #tpu.memory_space<vmem>>
    %dma_start3A_1049 = arith.constant 16384 : i32
    %dma_start3A_1050 = tpu.memref_slice %arg6[%dma_start3A_1049] : memref<24576xi32, #tpu.memory_space<vmem>> -> memref<256xi32, #tpu.memory_space<vmem>>
    %dma_start3A_1051 = arith.constant 0 : i32
    %dma_start3A_1052 = arith.constant 0 : i32
    %dma_start3A_1053 = tpu.memref_slice %arg9[%dma_start3A_1051, %dma_start3A_1052] : memref<12288x16xf32, #tpu.memory_space<vmem_shared>> -> memref<12288x16xf32, #tpu.memory_space<vmem_shared>>
    tpu.enqueue_indirect_dma source(%dma_start3A_1053 : memref<12288x16xf32, #tpu.memory_space<vmem_shared>>) target(%dma_start3A_1048 : memref<256x16xf32, #tpu.memory_space<vmem>>) offsets(%dma_start3A_1050 : memref<256xi32, #tpu.memory_space<vmem>>) semaphore(%arg10 : memref<!tpu.dma_semaphore, #tpu.memory_space<semaphore_mem>>)
    %dma_start3A_1054 = arith.constant 1280 : i32
    %dma_start3A_1055 = arith.constant 0 : i32
    %dma_start3A_1056 = tpu.memref_slice %arg7[%dma_start3A_1054, %dma_start3A_1055] : memref<1536x16xf32, #tpu.memory_space<vmem>> -> memref<256x16xf32, #tpu.memory_space<vmem>>
    %dma_start3A_1057 = arith.constant 16640 : i32
    %dma_start3A_1058 = tpu.memref_slice %arg6[%dma_start3A_1057] : memref<24576xi32, #tpu.memory_space<vmem>> -> memref<256xi32, #tpu.memory_space<vmem>>
    %dma_start3A_1059 = arith.constant 0 : i32
    %dma_start3A_1060 = arith.constant 0 : i32
    %dma_start3A_1061 = tpu.memref_slice %arg9[%dma_start3A_1059, %dma_start3A_1060] : memref<12288x16xf32, #tpu.memory_space<vmem_shared>> -> memref<12288x16xf32, #tpu.memory_space<vmem_shared>>
    tpu.enqueue_indirect_dma source(%dma_start3A_1061 : memref<12288x16xf32, #tpu.memory_space<vmem_shared>>) target(%dma_start3A_1056 : memref<256x16xf32, #tpu.memory_space<vmem>>) offsets(%dma_start3A_1058 : memref<256xi32, #tpu.memory_space<vmem>>) semaphore(%arg10 : memref<!tpu.dma_semaphore, #tpu.memory_space<semaphore_mem>>)
    %dma_wait3A_1062 = arith.constant 0 : i32
    %dma_wait3A_1063 = arith.constant 0 : i32
    %dma_wait3A_1064 = tpu.memref_slice %arg8[%dma_wait3A_1062, %dma_wait3A_1063] : memref<1536x16xf32, #tpu.memory_space<vmem>> -> memref<256x16xf32, #tpu.memory_space<vmem>>
    %dma_wait3A_1065 = arith.constant 13824 : i32
    %dma_wait3A_1066 = tpu.memref_slice %arg6[%dma_wait3A_1065] : memref<24576xi32, #tpu.memory_space<vmem>> -> memref<256xi32, #tpu.memory_space<vmem>>
    %dma_wait3A_1067 = arith.constant 0 : i32
    %dma_wait3A_1068 = arith.constant 0 : i32
    %dma_wait3A_1069 = tpu.memref_slice %arg9[%dma_wait3A_1067, %dma_wait3A_1068] : memref<12288x16xf32, #tpu.memory_space<vmem_shared>> -> memref<12288x16xf32, #tpu.memory_space<vmem_shared>>
    tpu.wait_indirect_dma semaphore(%arg11 : memref<!tpu.dma_semaphore, #tpu.memory_space<semaphore_mem>>) src(%dma_wait3A_1069 : memref<12288x16xf32, #tpu.memory_space<vmem_shared>>) dst(%dma_wait3A_1064 : memref<256x16xf32, #tpu.memory_space<vmem>>)
    %dma_wait3A_1070 = arith.constant 256 : i32
    %dma_wait3A_1071 = arith.constant 0 : i32
    %dma_wait3A_1072 = tpu.memref_slice %arg8[%dma_wait3A_1070, %dma_wait3A_1071] : memref<1536x16xf32, #tpu.memory_space<vmem>> -> memref<256x16xf32, #tpu.memory_space<vmem>>
    %dma_wait3A_1073 = arith.constant 14080 : i32
    %dma_wait3A_1074 = tpu.memref_slice %arg6[%dma_wait3A_1073] : memref<24576xi32, #tpu.memory_space<vmem>> -> memref<256xi32, #tpu.memory_space<vmem>>
    %dma_wait3A_1075 = arith.constant 0 : i32
    %dma_wait3A_1076 = arith.constant 0 : i32
    %dma_wait3A_1077 = tpu.memref_slice %arg9[%dma_wait3A_1075, %dma_wait3A_1076] : memref<12288x16xf32, #tpu.memory_space<vmem_shared>> -> memref<12288x16xf32, #tpu.memory_space<vmem_shared>>
    tpu.wait_indirect_dma semaphore(%arg11 : memref<!tpu.dma_semaphore, #tpu.memory_space<semaphore_mem>>) src(%dma_wait3A_1077 : memref<12288x16xf32, #tpu.memory_space<vmem_shared>>) dst(%dma_wait3A_1072 : memref<256x16xf32, #tpu.memory_space<vmem>>)
    %dma_wait3A_1078 = arith.constant 512 : i32
    %dma_wait3A_1079 = arith.constant 0 : i32
    %dma_wait3A_1080 = tpu.memref_slice %arg8[%dma_wait3A_1078, %dma_wait3A_1079] : memref<1536x16xf32, #tpu.memory_space<vmem>> -> memref<256x16xf32, #tpu.memory_space<vmem>>
    %dma_wait3A_1081 = arith.constant 14336 : i32
    %dma_wait3A_1082 = tpu.memref_slice %arg6[%dma_wait3A_1081] : memref<24576xi32, #tpu.memory_space<vmem>> -> memref<256xi32, #tpu.memory_space<vmem>>
    %dma_wait3A_1083 = arith.constant 0 : i32
    %dma_wait3A_1084 = arith.constant 0 : i32
    %dma_wait3A_1085 = tpu.memref_slice %arg9[%dma_wait3A_1083, %dma_wait3A_1084] : memref<12288x16xf32, #tpu.memory_space<vmem_shared>> -> memref<12288x16xf32, #tpu.memory_space<vmem_shared>>
    tpu.wait_indirect_dma semaphore(%arg11 : memref<!tpu.dma_semaphore, #tpu.memory_space<semaphore_mem>>) src(%dma_wait3A_1085 : memref<12288x16xf32, #tpu.memory_space<vmem_shared>>) dst(%dma_wait3A_1080 : memref<256x16xf32, #tpu.memory_space<vmem>>)
    %dma_wait3A_1086 = arith.constant 768 : i32
    %dma_wait3A_1087 = arith.constant 0 : i32
    %dma_wait3A_1088 = tpu.memref_slice %arg8[%dma_wait3A_1086, %dma_wait3A_1087] : memref<1536x16xf32, #tpu.memory_space<vmem>> -> memref<256x16xf32, #tpu.memory_space<vmem>>
    %dma_wait3A_1089 = arith.constant 14592 : i32
    %dma_wait3A_1090 = tpu.memref_slice %arg6[%dma_wait3A_1089] : memref<24576xi32, #tpu.memory_space<vmem>> -> memref<256xi32, #tpu.memory_space<vmem>>
    %dma_wait3A_1091 = arith.constant 0 : i32
    %dma_wait3A_1092 = arith.constant 0 : i32
    %dma_wait3A_1093 = tpu.memref_slice %arg9[%dma_wait3A_1091, %dma_wait3A_1092] : memref<12288x16xf32, #tpu.memory_space<vmem_shared>> -> memref<12288x16xf32, #tpu.memory_space<vmem_shared>>
    tpu.wait_indirect_dma semaphore(%arg11 : memref<!tpu.dma_semaphore, #tpu.memory_space<semaphore_mem>>) src(%dma_wait3A_1093 : memref<12288x16xf32, #tpu.memory_space<vmem_shared>>) dst(%dma_wait3A_1088 : memref<256x16xf32, #tpu.memory_space<vmem>>)
    %dma_wait3A_1094 = arith.constant 1024 : i32
    %dma_wait3A_1095 = arith.constant 0 : i32
    %dma_wait3A_1096 = tpu.memref_slice %arg8[%dma_wait3A_1094, %dma_wait3A_1095] : memref<1536x16xf32, #tpu.memory_space<vmem>> -> memref<256x16xf32, #tpu.memory_space<vmem>>
    %dma_wait3A_1097 = arith.constant 14848 : i32
    %dma_wait3A_1098 = tpu.memref_slice %arg6[%dma_wait3A_1097] : memref<24576xi32, #tpu.memory_space<vmem>> -> memref<256xi32, #tpu.memory_space<vmem>>
    %dma_wait3A_1099 = arith.constant 0 : i32
    %dma_wait3A_1100 = arith.constant 0 : i32
    %dma_wait3A_1101 = tpu.memref_slice %arg9[%dma_wait3A_1099, %dma_wait3A_1100] : memref<12288x16xf32, #tpu.memory_space<vmem_shared>> -> memref<12288x16xf32, #tpu.memory_space<vmem_shared>>
    tpu.wait_indirect_dma semaphore(%arg11 : memref<!tpu.dma_semaphore, #tpu.memory_space<semaphore_mem>>) src(%dma_wait3A_1101 : memref<12288x16xf32, #tpu.memory_space<vmem_shared>>) dst(%dma_wait3A_1096 : memref<256x16xf32, #tpu.memory_space<vmem>>)
    %dma_wait3A_1102 = arith.constant 1280 : i32
    %dma_wait3A_1103 = arith.constant 0 : i32
    %dma_wait3A_1104 = tpu.memref_slice %arg8[%dma_wait3A_1102, %dma_wait3A_1103] : memref<1536x16xf32, #tpu.memory_space<vmem>> -> memref<256x16xf32, #tpu.memory_space<vmem>>
    %dma_wait3A_1105 = arith.constant 15104 : i32
    %dma_wait3A_1106 = tpu.memref_slice %arg6[%dma_wait3A_1105] : memref<24576xi32, #tpu.memory_space<vmem>> -> memref<256xi32, #tpu.memory_space<vmem>>
    %dma_wait3A_1107 = arith.constant 0 : i32
    %dma_wait3A_1108 = arith.constant 0 : i32
    %dma_wait3A_1109 = tpu.memref_slice %arg9[%dma_wait3A_1107, %dma_wait3A_1108] : memref<12288x16xf32, #tpu.memory_space<vmem_shared>> -> memref<12288x16xf32, #tpu.memory_space<vmem_shared>>
    tpu.wait_indirect_dma semaphore(%arg11 : memref<!tpu.dma_semaphore, #tpu.memory_space<semaphore_mem>>) src(%dma_wait3A_1109 : memref<12288x16xf32, #tpu.memory_space<vmem_shared>>) dst(%dma_wait3A_1104 : memref<256x16xf32, #tpu.memory_space<vmem>>)
    %add3A_1110 = arith.constant 13824 : i32
    %add3A_1111 = arith.addi %multiple_of3A, %add3A_1110 : i32
    %dma_start3A_1112 = arith.constant 0 : i32
    %dma_start3A_1113 = tpu.memref_slice %arg4[%add3A_1111, %dma_start3A_1112] : memref<786432x16xf32, #tpu.memory_space<hbm>> -> memref<1536x16xf32, #tpu.memory_space<hbm>>
    %dma_start3A_1114 = arith.constant 0 : i32
    %dma_start3A_1115 = tpu.memref_slice %arg4[%add3A_1111, %dma_start3A_1114] : memref<786432x16xf32, #tpu.memory_space<hbm>> -> memref<1536x16xf32, #tpu.memory_space<hbm>>
    tpu.enqueue_dma source(%arg8 : memref<1536x16xf32, #tpu.memory_space<vmem>>) target(%dma_start3A_1115 : memref<1536x16xf32, #tpu.memory_space<hbm>>) target_semaphore(%arg13 : memref<!tpu.dma_semaphore, #tpu.memory_space<semaphore_mem>>)
    %dma_wait3A_1116 = arith.constant 0 : i32
    %dma_wait3A_1117 = tpu.memref_slice %arg4[%add3A_1111, %dma_wait3A_1116] : memref<786432x16xf32, #tpu.memory_space<hbm>> -> memref<1536x16xf32, #tpu.memory_space<hbm>>
    %dma_wait3A_1118 = arith.constant 0 : i32
    %dma_wait3A_1119 = tpu.memref_slice %arg4[%add3A_1111, %dma_wait3A_1118] : memref<786432x16xf32, #tpu.memory_space<hbm>> -> memref<1536x16xf32, #tpu.memory_space<hbm>>
    tpu.wait_dma2 semaphore(%arg13 : memref<!tpu.dma_semaphore, #tpu.memory_space<semaphore_mem>>) src(%arg8 : memref<1536x16xf32, #tpu.memory_space<vmem>>) dst(%dma_wait3A_1119 : memref<1536x16xf32, #tpu.memory_space<hbm>>)
    %dma_start3A_1120 = arith.constant 0 : i32
    %dma_start3A_1121 = arith.constant 0 : i32
    %dma_start3A_1122 = tpu.memref_slice %arg8[%dma_start3A_1120, %dma_start3A_1121] : memref<1536x16xf32, #tpu.memory_space<vmem>> -> memref<256x16xf32, #tpu.memory_space<vmem>>
    %dma_start3A_1123 = arith.constant 16896 : i32
    %dma_start3A_1124 = tpu.memref_slice %arg6[%dma_start3A_1123] : memref<24576xi32, #tpu.memory_space<vmem>> -> memref<256xi32, #tpu.memory_space<vmem>>
    %dma_start3A_1125 = arith.constant 0 : i32
    %dma_start3A_1126 = arith.constant 0 : i32
    %dma_start3A_1127 = tpu.memref_slice %arg9[%dma_start3A_1125, %dma_start3A_1126] : memref<12288x16xf32, #tpu.memory_space<vmem_shared>> -> memref<12288x16xf32, #tpu.memory_space<vmem_shared>>
    tpu.enqueue_indirect_dma source(%dma_start3A_1127 : memref<12288x16xf32, #tpu.memory_space<vmem_shared>>) target(%dma_start3A_1122 : memref<256x16xf32, #tpu.memory_space<vmem>>) offsets(%dma_start3A_1124 : memref<256xi32, #tpu.memory_space<vmem>>) semaphore(%arg11 : memref<!tpu.dma_semaphore, #tpu.memory_space<semaphore_mem>>)
    %dma_start3A_1128 = arith.constant 256 : i32
    %dma_start3A_1129 = arith.constant 0 : i32
    %dma_start3A_1130 = tpu.memref_slice %arg8[%dma_start3A_1128, %dma_start3A_1129] : memref<1536x16xf32, #tpu.memory_space<vmem>> -> memref<256x16xf32, #tpu.memory_space<vmem>>
    %dma_start3A_1131 = arith.constant 17152 : i32
    %dma_start3A_1132 = tpu.memref_slice %arg6[%dma_start3A_1131] : memref<24576xi32, #tpu.memory_space<vmem>> -> memref<256xi32, #tpu.memory_space<vmem>>
    %dma_start3A_1133 = arith.constant 0 : i32
    %dma_start3A_1134 = arith.constant 0 : i32
    %dma_start3A_1135 = tpu.memref_slice %arg9[%dma_start3A_1133, %dma_start3A_1134] : memref<12288x16xf32, #tpu.memory_space<vmem_shared>> -> memref<12288x16xf32, #tpu.memory_space<vmem_shared>>
    tpu.enqueue_indirect_dma source(%dma_start3A_1135 : memref<12288x16xf32, #tpu.memory_space<vmem_shared>>) target(%dma_start3A_1130 : memref<256x16xf32, #tpu.memory_space<vmem>>) offsets(%dma_start3A_1132 : memref<256xi32, #tpu.memory_space<vmem>>) semaphore(%arg11 : memref<!tpu.dma_semaphore, #tpu.memory_space<semaphore_mem>>)
    %dma_start3A_1136 = arith.constant 512 : i32
    %dma_start3A_1137 = arith.constant 0 : i32
    %dma_start3A_1138 = tpu.memref_slice %arg8[%dma_start3A_1136, %dma_start3A_1137] : memref<1536x16xf32, #tpu.memory_space<vmem>> -> memref<256x16xf32, #tpu.memory_space<vmem>>
    %dma_start3A_1139 = arith.constant 17408 : i32
    %dma_start3A_1140 = tpu.memref_slice %arg6[%dma_start3A_1139] : memref<24576xi32, #tpu.memory_space<vmem>> -> memref<256xi32, #tpu.memory_space<vmem>>
    %dma_start3A_1141 = arith.constant 0 : i32
    %dma_start3A_1142 = arith.constant 0 : i32
    %dma_start3A_1143 = tpu.memref_slice %arg9[%dma_start3A_1141, %dma_start3A_1142] : memref<12288x16xf32, #tpu.memory_space<vmem_shared>> -> memref<12288x16xf32, #tpu.memory_space<vmem_shared>>
    tpu.enqueue_indirect_dma source(%dma_start3A_1143 : memref<12288x16xf32, #tpu.memory_space<vmem_shared>>) target(%dma_start3A_1138 : memref<256x16xf32, #tpu.memory_space<vmem>>) offsets(%dma_start3A_1140 : memref<256xi32, #tpu.memory_space<vmem>>) semaphore(%arg11 : memref<!tpu.dma_semaphore, #tpu.memory_space<semaphore_mem>>)
    %dma_start3A_1144 = arith.constant 768 : i32
    %dma_start3A_1145 = arith.constant 0 : i32
    %dma_start3A_1146 = tpu.memref_slice %arg8[%dma_start3A_1144, %dma_start3A_1145] : memref<1536x16xf32, #tpu.memory_space<vmem>> -> memref<256x16xf32, #tpu.memory_space<vmem>>
    %dma_start3A_1147 = arith.constant 17664 : i32
    %dma_start3A_1148 = tpu.memref_slice %arg6[%dma_start3A_1147] : memref<24576xi32, #tpu.memory_space<vmem>> -> memref<256xi32, #tpu.memory_space<vmem>>
    %dma_start3A_1149 = arith.constant 0 : i32
    %dma_start3A_1150 = arith.constant 0 : i32
    %dma_start3A_1151 = tpu.memref_slice %arg9[%dma_start3A_1149, %dma_start3A_1150] : memref<12288x16xf32, #tpu.memory_space<vmem_shared>> -> memref<12288x16xf32, #tpu.memory_space<vmem_shared>>
    tpu.enqueue_indirect_dma source(%dma_start3A_1151 : memref<12288x16xf32, #tpu.memory_space<vmem_shared>>) target(%dma_start3A_1146 : memref<256x16xf32, #tpu.memory_space<vmem>>) offsets(%dma_start3A_1148 : memref<256xi32, #tpu.memory_space<vmem>>) semaphore(%arg11 : memref<!tpu.dma_semaphore, #tpu.memory_space<semaphore_mem>>)
    %dma_start3A_1152 = arith.constant 1024 : i32
    %dma_start3A_1153 = arith.constant 0 : i32
    %dma_start3A_1154 = tpu.memref_slice %arg8[%dma_start3A_1152, %dma_start3A_1153] : memref<1536x16xf32, #tpu.memory_space<vmem>> -> memref<256x16xf32, #tpu.memory_space<vmem>>
    %dma_start3A_1155 = arith.constant 17920 : i32
    %dma_start3A_1156 = tpu.memref_slice %arg6[%dma_start3A_1155] : memref<24576xi32, #tpu.memory_space<vmem>> -> memref<256xi32, #tpu.memory_space<vmem>>
    %dma_start3A_1157 = arith.constant 0 : i32
    %dma_start3A_1158 = arith.constant 0 : i32
    %dma_start3A_1159 = tpu.memref_slice %arg9[%dma_start3A_1157, %dma_start3A_1158] : memref<12288x16xf32, #tpu.memory_space<vmem_shared>> -> memref<12288x16xf32, #tpu.memory_space<vmem_shared>>
    tpu.enqueue_indirect_dma source(%dma_start3A_1159 : memref<12288x16xf32, #tpu.memory_space<vmem_shared>>) target(%dma_start3A_1154 : memref<256x16xf32, #tpu.memory_space<vmem>>) offsets(%dma_start3A_1156 : memref<256xi32, #tpu.memory_space<vmem>>) semaphore(%arg11 : memref<!tpu.dma_semaphore, #tpu.memory_space<semaphore_mem>>)
    %dma_start3A_1160 = arith.constant 1280 : i32
    %dma_start3A_1161 = arith.constant 0 : i32
    %dma_start3A_1162 = tpu.memref_slice %arg8[%dma_start3A_1160, %dma_start3A_1161] : memref<1536x16xf32, #tpu.memory_space<vmem>> -> memref<256x16xf32, #tpu.memory_space<vmem>>
    %dma_start3A_1163 = arith.constant 18176 : i32
    %dma_start3A_1164 = tpu.memref_slice %arg6[%dma_start3A_1163] : memref<24576xi32, #tpu.memory_space<vmem>> -> memref<256xi32, #tpu.memory_space<vmem>>
    %dma_start3A_1165 = arith.constant 0 : i32
    %dma_start3A_1166 = arith.constant 0 : i32
    %dma_start3A_1167 = tpu.memref_slice %arg9[%dma_start3A_1165, %dma_start3A_1166] : memref<12288x16xf32, #tpu.memory_space<vmem_shared>> -> memref<12288x16xf32, #tpu.memory_space<vmem_shared>>
    tpu.enqueue_indirect_dma source(%dma_start3A_1167 : memref<12288x16xf32, #tpu.memory_space<vmem_shared>>) target(%dma_start3A_1162 : memref<256x16xf32, #tpu.memory_space<vmem>>) offsets(%dma_start3A_1164 : memref<256xi32, #tpu.memory_space<vmem>>) semaphore(%arg11 : memref<!tpu.dma_semaphore, #tpu.memory_space<semaphore_mem>>)
    %dma_wait3A_1168 = arith.constant 0 : i32
    %dma_wait3A_1169 = arith.constant 0 : i32
    %dma_wait3A_1170 = tpu.memref_slice %arg7[%dma_wait3A_1168, %dma_wait3A_1169] : memref<1536x16xf32, #tpu.memory_space<vmem>> -> memref<256x16xf32, #tpu.memory_space<vmem>>
    %dma_wait3A_1171 = arith.constant 15360 : i32
    %dma_wait3A_1172 = tpu.memref_slice %arg6[%dma_wait3A_1171] : memref<24576xi32, #tpu.memory_space<vmem>> -> memref<256xi32, #tpu.memory_space<vmem>>
    %dma_wait3A_1173 = arith.constant 0 : i32
    %dma_wait3A_1174 = arith.constant 0 : i32
    %dma_wait3A_1175 = tpu.memref_slice %arg9[%dma_wait3A_1173, %dma_wait3A_1174] : memref<12288x16xf32, #tpu.memory_space<vmem_shared>> -> memref<12288x16xf32, #tpu.memory_space<vmem_shared>>
    tpu.wait_indirect_dma semaphore(%arg10 : memref<!tpu.dma_semaphore, #tpu.memory_space<semaphore_mem>>) src(%dma_wait3A_1175 : memref<12288x16xf32, #tpu.memory_space<vmem_shared>>) dst(%dma_wait3A_1170 : memref<256x16xf32, #tpu.memory_space<vmem>>)
    %dma_wait3A_1176 = arith.constant 256 : i32
    %dma_wait3A_1177 = arith.constant 0 : i32
    %dma_wait3A_1178 = tpu.memref_slice %arg7[%dma_wait3A_1176, %dma_wait3A_1177] : memref<1536x16xf32, #tpu.memory_space<vmem>> -> memref<256x16xf32, #tpu.memory_space<vmem>>
    %dma_wait3A_1179 = arith.constant 15616 : i32
    %dma_wait3A_1180 = tpu.memref_slice %arg6[%dma_wait3A_1179] : memref<24576xi32, #tpu.memory_space<vmem>> -> memref<256xi32, #tpu.memory_space<vmem>>
    %dma_wait3A_1181 = arith.constant 0 : i32
    %dma_wait3A_1182 = arith.constant 0 : i32
    %dma_wait3A_1183 = tpu.memref_slice %arg9[%dma_wait3A_1181, %dma_wait3A_1182] : memref<12288x16xf32, #tpu.memory_space<vmem_shared>> -> memref<12288x16xf32, #tpu.memory_space<vmem_shared>>
    tpu.wait_indirect_dma semaphore(%arg10 : memref<!tpu.dma_semaphore, #tpu.memory_space<semaphore_mem>>) src(%dma_wait3A_1183 : memref<12288x16xf32, #tpu.memory_space<vmem_shared>>) dst(%dma_wait3A_1178 : memref<256x16xf32, #tpu.memory_space<vmem>>)
    %dma_wait3A_1184 = arith.constant 512 : i32
    %dma_wait3A_1185 = arith.constant 0 : i32
    %dma_wait3A_1186 = tpu.memref_slice %arg7[%dma_wait3A_1184, %dma_wait3A_1185] : memref<1536x16xf32, #tpu.memory_space<vmem>> -> memref<256x16xf32, #tpu.memory_space<vmem>>
    %dma_wait3A_1187 = arith.constant 15872 : i32
    %dma_wait3A_1188 = tpu.memref_slice %arg6[%dma_wait3A_1187] : memref<24576xi32, #tpu.memory_space<vmem>> -> memref<256xi32, #tpu.memory_space<vmem>>
    %dma_wait3A_1189 = arith.constant 0 : i32
    %dma_wait3A_1190 = arith.constant 0 : i32
    %dma_wait3A_1191 = tpu.memref_slice %arg9[%dma_wait3A_1189, %dma_wait3A_1190] : memref<12288x16xf32, #tpu.memory_space<vmem_shared>> -> memref<12288x16xf32, #tpu.memory_space<vmem_shared>>
    tpu.wait_indirect_dma semaphore(%arg10 : memref<!tpu.dma_semaphore, #tpu.memory_space<semaphore_mem>>) src(%dma_wait3A_1191 : memref<12288x16xf32, #tpu.memory_space<vmem_shared>>) dst(%dma_wait3A_1186 : memref<256x16xf32, #tpu.memory_space<vmem>>)
    %dma_wait3A_1192 = arith.constant 768 : i32
    %dma_wait3A_1193 = arith.constant 0 : i32
    %dma_wait3A_1194 = tpu.memref_slice %arg7[%dma_wait3A_1192, %dma_wait3A_1193] : memref<1536x16xf32, #tpu.memory_space<vmem>> -> memref<256x16xf32, #tpu.memory_space<vmem>>
    %dma_wait3A_1195 = arith.constant 16128 : i32
    %dma_wait3A_1196 = tpu.memref_slice %arg6[%dma_wait3A_1195] : memref<24576xi32, #tpu.memory_space<vmem>> -> memref<256xi32, #tpu.memory_space<vmem>>
    %dma_wait3A_1197 = arith.constant 0 : i32
    %dma_wait3A_1198 = arith.constant 0 : i32
    %dma_wait3A_1199 = tpu.memref_slice %arg9[%dma_wait3A_1197, %dma_wait3A_1198] : memref<12288x16xf32, #tpu.memory_space<vmem_shared>> -> memref<12288x16xf32, #tpu.memory_space<vmem_shared>>
    tpu.wait_indirect_dma semaphore(%arg10 : memref<!tpu.dma_semaphore, #tpu.memory_space<semaphore_mem>>) src(%dma_wait3A_1199 : memref<12288x16xf32, #tpu.memory_space<vmem_shared>>) dst(%dma_wait3A_1194 : memref<256x16xf32, #tpu.memory_space<vmem>>)
    %dma_wait3A_1200 = arith.constant 1024 : i32
    %dma_wait3A_1201 = arith.constant 0 : i32
    %dma_wait3A_1202 = tpu.memref_slice %arg7[%dma_wait3A_1200, %dma_wait3A_1201] : memref<1536x16xf32, #tpu.memory_space<vmem>> -> memref<256x16xf32, #tpu.memory_space<vmem>>
    %dma_wait3A_1203 = arith.constant 16384 : i32
    %dma_wait3A_1204 = tpu.memref_slice %arg6[%dma_wait3A_1203] : memref<24576xi32, #tpu.memory_space<vmem>> -> memref<256xi32, #tpu.memory_space<vmem>>
    %dma_wait3A_1205 = arith.constant 0 : i32
    %dma_wait3A_1206 = arith.constant 0 : i32
    %dma_wait3A_1207 = tpu.memref_slice %arg9[%dma_wait3A_1205, %dma_wait3A_1206] : memref<12288x16xf32, #tpu.memory_space<vmem_shared>> -> memref<12288x16xf32, #tpu.memory_space<vmem_shared>>
    tpu.wait_indirect_dma semaphore(%arg10 : memref<!tpu.dma_semaphore, #tpu.memory_space<semaphore_mem>>) src(%dma_wait3A_1207 : memref<12288x16xf32, #tpu.memory_space<vmem_shared>>) dst(%dma_wait3A_1202 : memref<256x16xf32, #tpu.memory_space<vmem>>)
    %dma_wait3A_1208 = arith.constant 1280 : i32
    %dma_wait3A_1209 = arith.constant 0 : i32
    %dma_wait3A_1210 = tpu.memref_slice %arg7[%dma_wait3A_1208, %dma_wait3A_1209] : memref<1536x16xf32, #tpu.memory_space<vmem>> -> memref<256x16xf32, #tpu.memory_space<vmem>>
    %dma_wait3A_1211 = arith.constant 16640 : i32
    %dma_wait3A_1212 = tpu.memref_slice %arg6[%dma_wait3A_1211] : memref<24576xi32, #tpu.memory_space<vmem>> -> memref<256xi32, #tpu.memory_space<vmem>>
    %dma_wait3A_1213 = arith.constant 0 : i32
    %dma_wait3A_1214 = arith.constant 0 : i32
    %dma_wait3A_1215 = tpu.memref_slice %arg9[%dma_wait3A_1213, %dma_wait3A_1214] : memref<12288x16xf32, #tpu.memory_space<vmem_shared>> -> memref<12288x16xf32, #tpu.memory_space<vmem_shared>>
    tpu.wait_indirect_dma semaphore(%arg10 : memref<!tpu.dma_semaphore, #tpu.memory_space<semaphore_mem>>) src(%dma_wait3A_1215 : memref<12288x16xf32, #tpu.memory_space<vmem_shared>>) dst(%dma_wait3A_1210 : memref<256x16xf32, #tpu.memory_space<vmem>>)
    %add3A_1216 = arith.constant 15360 : i32
    %add3A_1217 = arith.addi %multiple_of3A, %add3A_1216 : i32
    %dma_start3A_1218 = arith.constant 0 : i32
    %dma_start3A_1219 = tpu.memref_slice %arg4[%add3A_1217, %dma_start3A_1218] : memref<786432x16xf32, #tpu.memory_space<hbm>> -> memref<1536x16xf32, #tpu.memory_space<hbm>>
    %dma_start3A_1220 = arith.constant 0 : i32
    %dma_start3A_1221 = tpu.memref_slice %arg4[%add3A_1217, %dma_start3A_1220] : memref<786432x16xf32, #tpu.memory_space<hbm>> -> memref<1536x16xf32, #tpu.memory_space<hbm>>
    tpu.enqueue_dma source(%arg7 : memref<1536x16xf32, #tpu.memory_space<vmem>>) target(%dma_start3A_1221 : memref<1536x16xf32, #tpu.memory_space<hbm>>) target_semaphore(%arg12 : memref<!tpu.dma_semaphore, #tpu.memory_space<semaphore_mem>>)
    %dma_wait3A_1222 = arith.constant 0 : i32
    %dma_wait3A_1223 = tpu.memref_slice %arg4[%add3A_1217, %dma_wait3A_1222] : memref<786432x16xf32, #tpu.memory_space<hbm>> -> memref<1536x16xf32, #tpu.memory_space<hbm>>
    %dma_wait3A_1224 = arith.constant 0 : i32
    %dma_wait3A_1225 = tpu.memref_slice %arg4[%add3A_1217, %dma_wait3A_1224] : memref<786432x16xf32, #tpu.memory_space<hbm>> -> memref<1536x16xf32, #tpu.memory_space<hbm>>
    tpu.wait_dma2 semaphore(%arg12 : memref<!tpu.dma_semaphore, #tpu.memory_space<semaphore_mem>>) src(%arg7 : memref<1536x16xf32, #tpu.memory_space<vmem>>) dst(%dma_wait3A_1225 : memref<1536x16xf32, #tpu.memory_space<hbm>>)
    %dma_start3A_1226 = arith.constant 0 : i32
    %dma_start3A_1227 = arith.constant 0 : i32
    %dma_start3A_1228 = tpu.memref_slice %arg7[%dma_start3A_1226, %dma_start3A_1227] : memref<1536x16xf32, #tpu.memory_space<vmem>> -> memref<256x16xf32, #tpu.memory_space<vmem>>
    %dma_start3A_1229 = arith.constant 18432 : i32
    %dma_start3A_1230 = tpu.memref_slice %arg6[%dma_start3A_1229] : memref<24576xi32, #tpu.memory_space<vmem>> -> memref<256xi32, #tpu.memory_space<vmem>>
    %dma_start3A_1231 = arith.constant 0 : i32
    %dma_start3A_1232 = arith.constant 0 : i32
    %dma_start3A_1233 = tpu.memref_slice %arg9[%dma_start3A_1231, %dma_start3A_1232] : memref<12288x16xf32, #tpu.memory_space<vmem_shared>> -> memref<12288x16xf32, #tpu.memory_space<vmem_shared>>
    tpu.enqueue_indirect_dma source(%dma_start3A_1233 : memref<12288x16xf32, #tpu.memory_space<vmem_shared>>) target(%dma_start3A_1228 : memref<256x16xf32, #tpu.memory_space<vmem>>) offsets(%dma_start3A_1230 : memref<256xi32, #tpu.memory_space<vmem>>) semaphore(%arg10 : memref<!tpu.dma_semaphore, #tpu.memory_space<semaphore_mem>>)
    %dma_start3A_1234 = arith.constant 256 : i32
    %dma_start3A_1235 = arith.constant 0 : i32
    %dma_start3A_1236 = tpu.memref_slice %arg7[%dma_start3A_1234, %dma_start3A_1235] : memref<1536x16xf32, #tpu.memory_space<vmem>> -> memref<256x16xf32, #tpu.memory_space<vmem>>
    %dma_start3A_1237 = arith.constant 18688 : i32
    %dma_start3A_1238 = tpu.memref_slice %arg6[%dma_start3A_1237] : memref<24576xi32, #tpu.memory_space<vmem>> -> memref<256xi32, #tpu.memory_space<vmem>>
    %dma_start3A_1239 = arith.constant 0 : i32
    %dma_start3A_1240 = arith.constant 0 : i32
    %dma_start3A_1241 = tpu.memref_slice %arg9[%dma_start3A_1239, %dma_start3A_1240] : memref<12288x16xf32, #tpu.memory_space<vmem_shared>> -> memref<12288x16xf32, #tpu.memory_space<vmem_shared>>
    tpu.enqueue_indirect_dma source(%dma_start3A_1241 : memref<12288x16xf32, #tpu.memory_space<vmem_shared>>) target(%dma_start3A_1236 : memref<256x16xf32, #tpu.memory_space<vmem>>) offsets(%dma_start3A_1238 : memref<256xi32, #tpu.memory_space<vmem>>) semaphore(%arg10 : memref<!tpu.dma_semaphore, #tpu.memory_space<semaphore_mem>>)
    %dma_start3A_1242 = arith.constant 512 : i32
    %dma_start3A_1243 = arith.constant 0 : i32
    %dma_start3A_1244 = tpu.memref_slice %arg7[%dma_start3A_1242, %dma_start3A_1243] : memref<1536x16xf32, #tpu.memory_space<vmem>> -> memref<256x16xf32, #tpu.memory_space<vmem>>
    %dma_start3A_1245 = arith.constant 18944 : i32
    %dma_start3A_1246 = tpu.memref_slice %arg6[%dma_start3A_1245] : memref<24576xi32, #tpu.memory_space<vmem>> -> memref<256xi32, #tpu.memory_space<vmem>>
    %dma_start3A_1247 = arith.constant 0 : i32
    %dma_start3A_1248 = arith.constant 0 : i32
    %dma_start3A_1249 = tpu.memref_slice %arg9[%dma_start3A_1247, %dma_start3A_1248] : memref<12288x16xf32, #tpu.memory_space<vmem_shared>> -> memref<12288x16xf32, #tpu.memory_space<vmem_shared>>
    tpu.enqueue_indirect_dma source(%dma_start3A_1249 : memref<12288x16xf32, #tpu.memory_space<vmem_shared>>) target(%dma_start3A_1244 : memref<256x16xf32, #tpu.memory_space<vmem>>) offsets(%dma_start3A_1246 : memref<256xi32, #tpu.memory_space<vmem>>) semaphore(%arg10 : memref<!tpu.dma_semaphore, #tpu.memory_space<semaphore_mem>>)
    %dma_start3A_1250 = arith.constant 768 : i32
    %dma_start3A_1251 = arith.constant 0 : i32
    %dma_start3A_1252 = tpu.memref_slice %arg7[%dma_start3A_1250, %dma_start3A_1251] : memref<1536x16xf32, #tpu.memory_space<vmem>> -> memref<256x16xf32, #tpu.memory_space<vmem>>
    %dma_start3A_1253 = arith.constant 19200 : i32
    %dma_start3A_1254 = tpu.memref_slice %arg6[%dma_start3A_1253] : memref<24576xi32, #tpu.memory_space<vmem>> -> memref<256xi32, #tpu.memory_space<vmem>>
    %dma_start3A_1255 = arith.constant 0 : i32
    %dma_start3A_1256 = arith.constant 0 : i32
    %dma_start3A_1257 = tpu.memref_slice %arg9[%dma_start3A_1255, %dma_start3A_1256] : memref<12288x16xf32, #tpu.memory_space<vmem_shared>> -> memref<12288x16xf32, #tpu.memory_space<vmem_shared>>
    tpu.enqueue_indirect_dma source(%dma_start3A_1257 : memref<12288x16xf32, #tpu.memory_space<vmem_shared>>) target(%dma_start3A_1252 : memref<256x16xf32, #tpu.memory_space<vmem>>) offsets(%dma_start3A_1254 : memref<256xi32, #tpu.memory_space<vmem>>) semaphore(%arg10 : memref<!tpu.dma_semaphore, #tpu.memory_space<semaphore_mem>>)
    %dma_start3A_1258 = arith.constant 1024 : i32
    %dma_start3A_1259 = arith.constant 0 : i32
    %dma_start3A_1260 = tpu.memref_slice %arg7[%dma_start3A_1258, %dma_start3A_1259] : memref<1536x16xf32, #tpu.memory_space<vmem>> -> memref<256x16xf32, #tpu.memory_space<vmem>>
    %dma_start3A_1261 = arith.constant 19456 : i32
    %dma_start3A_1262 = tpu.memref_slice %arg6[%dma_start3A_1261] : memref<24576xi32, #tpu.memory_space<vmem>> -> memref<256xi32, #tpu.memory_space<vmem>>
    %dma_start3A_1263 = arith.constant 0 : i32
    %dma_start3A_1264 = arith.constant 0 : i32
    %dma_start3A_1265 = tpu.memref_slice %arg9[%dma_start3A_1263, %dma_start3A_1264] : memref<12288x16xf32, #tpu.memory_space<vmem_shared>> -> memref<12288x16xf32, #tpu.memory_space<vmem_shared>>
    tpu.enqueue_indirect_dma source(%dma_start3A_1265 : memref<12288x16xf32, #tpu.memory_space<vmem_shared>>) target(%dma_start3A_1260 : memref<256x16xf32, #tpu.memory_space<vmem>>) offsets(%dma_start3A_1262 : memref<256xi32, #tpu.memory_space<vmem>>) semaphore(%arg10 : memref<!tpu.dma_semaphore, #tpu.memory_space<semaphore_mem>>)
    %dma_start3A_1266 = arith.constant 1280 : i32
    %dma_start3A_1267 = arith.constant 0 : i32
    %dma_start3A_1268 = tpu.memref_slice %arg7[%dma_start3A_1266, %dma_start3A_1267] : memref<1536x16xf32, #tpu.memory_space<vmem>> -> memref<256x16xf32, #tpu.memory_space<vmem>>
    %dma_start3A_1269 = arith.constant 19712 : i32
    %dma_start3A_1270 = tpu.memref_slice %arg6[%dma_start3A_1269] : memref<24576xi32, #tpu.memory_space<vmem>> -> memref<256xi32, #tpu.memory_space<vmem>>
    %dma_start3A_1271 = arith.constant 0 : i32
    %dma_start3A_1272 = arith.constant 0 : i32
    %dma_start3A_1273 = tpu.memref_slice %arg9[%dma_start3A_1271, %dma_start3A_1272] : memref<12288x16xf32, #tpu.memory_space<vmem_shared>> -> memref<12288x16xf32, #tpu.memory_space<vmem_shared>>
    tpu.enqueue_indirect_dma source(%dma_start3A_1273 : memref<12288x16xf32, #tpu.memory_space<vmem_shared>>) target(%dma_start3A_1268 : memref<256x16xf32, #tpu.memory_space<vmem>>) offsets(%dma_start3A_1270 : memref<256xi32, #tpu.memory_space<vmem>>) semaphore(%arg10 : memref<!tpu.dma_semaphore, #tpu.memory_space<semaphore_mem>>)
    %dma_wait3A_1274 = arith.constant 0 : i32
    %dma_wait3A_1275 = arith.constant 0 : i32
    %dma_wait3A_1276 = tpu.memref_slice %arg8[%dma_wait3A_1274, %dma_wait3A_1275] : memref<1536x16xf32, #tpu.memory_space<vmem>> -> memref<256x16xf32, #tpu.memory_space<vmem>>
    %dma_wait3A_1277 = arith.constant 16896 : i32
    %dma_wait3A_1278 = tpu.memref_slice %arg6[%dma_wait3A_1277] : memref<24576xi32, #tpu.memory_space<vmem>> -> memref<256xi32, #tpu.memory_space<vmem>>
    %dma_wait3A_1279 = arith.constant 0 : i32
    %dma_wait3A_1280 = arith.constant 0 : i32
    %dma_wait3A_1281 = tpu.memref_slice %arg9[%dma_wait3A_1279, %dma_wait3A_1280] : memref<12288x16xf32, #tpu.memory_space<vmem_shared>> -> memref<12288x16xf32, #tpu.memory_space<vmem_shared>>
    tpu.wait_indirect_dma semaphore(%arg11 : memref<!tpu.dma_semaphore, #tpu.memory_space<semaphore_mem>>) src(%dma_wait3A_1281 : memref<12288x16xf32, #tpu.memory_space<vmem_shared>>) dst(%dma_wait3A_1276 : memref<256x16xf32, #tpu.memory_space<vmem>>)
    %dma_wait3A_1282 = arith.constant 256 : i32
    %dma_wait3A_1283 = arith.constant 0 : i32
    %dma_wait3A_1284 = tpu.memref_slice %arg8[%dma_wait3A_1282, %dma_wait3A_1283] : memref<1536x16xf32, #tpu.memory_space<vmem>> -> memref<256x16xf32, #tpu.memory_space<vmem>>
    %dma_wait3A_1285 = arith.constant 17152 : i32
    %dma_wait3A_1286 = tpu.memref_slice %arg6[%dma_wait3A_1285] : memref<24576xi32, #tpu.memory_space<vmem>> -> memref<256xi32, #tpu.memory_space<vmem>>
    %dma_wait3A_1287 = arith.constant 0 : i32
    %dma_wait3A_1288 = arith.constant 0 : i32
    %dma_wait3A_1289 = tpu.memref_slice %arg9[%dma_wait3A_1287, %dma_wait3A_1288] : memref<12288x16xf32, #tpu.memory_space<vmem_shared>> -> memref<12288x16xf32, #tpu.memory_space<vmem_shared>>
    tpu.wait_indirect_dma semaphore(%arg11 : memref<!tpu.dma_semaphore, #tpu.memory_space<semaphore_mem>>) src(%dma_wait3A_1289 : memref<12288x16xf32, #tpu.memory_space<vmem_shared>>) dst(%dma_wait3A_1284 : memref<256x16xf32, #tpu.memory_space<vmem>>)
    %dma_wait3A_1290 = arith.constant 512 : i32
    %dma_wait3A_1291 = arith.constant 0 : i32
    %dma_wait3A_1292 = tpu.memref_slice %arg8[%dma_wait3A_1290, %dma_wait3A_1291] : memref<1536x16xf32, #tpu.memory_space<vmem>> -> memref<256x16xf32, #tpu.memory_space<vmem>>
    %dma_wait3A_1293 = arith.constant 17408 : i32
    %dma_wait3A_1294 = tpu.memref_slice %arg6[%dma_wait3A_1293] : memref<24576xi32, #tpu.memory_space<vmem>> -> memref<256xi32, #tpu.memory_space<vmem>>
    %dma_wait3A_1295 = arith.constant 0 : i32
    %dma_wait3A_1296 = arith.constant 0 : i32
    %dma_wait3A_1297 = tpu.memref_slice %arg9[%dma_wait3A_1295, %dma_wait3A_1296] : memref<12288x16xf32, #tpu.memory_space<vmem_shared>> -> memref<12288x16xf32, #tpu.memory_space<vmem_shared>>
    tpu.wait_indirect_dma semaphore(%arg11 : memref<!tpu.dma_semaphore, #tpu.memory_space<semaphore_mem>>) src(%dma_wait3A_1297 : memref<12288x16xf32, #tpu.memory_space<vmem_shared>>) dst(%dma_wait3A_1292 : memref<256x16xf32, #tpu.memory_space<vmem>>)
    %dma_wait3A_1298 = arith.constant 768 : i32
    %dma_wait3A_1299 = arith.constant 0 : i32
    %dma_wait3A_1300 = tpu.memref_slice %arg8[%dma_wait3A_1298, %dma_wait3A_1299] : memref<1536x16xf32, #tpu.memory_space<vmem>> -> memref<256x16xf32, #tpu.memory_space<vmem>>
    %dma_wait3A_1301 = arith.constant 17664 : i32
    %dma_wait3A_1302 = tpu.memref_slice %arg6[%dma_wait3A_1301] : memref<24576xi32, #tpu.memory_space<vmem>> -> memref<256xi32, #tpu.memory_space<vmem>>
    %dma_wait3A_1303 = arith.constant 0 : i32
    %dma_wait3A_1304 = arith.constant 0 : i32
    %dma_wait3A_1305 = tpu.memref_slice %arg9[%dma_wait3A_1303, %dma_wait3A_1304] : memref<12288x16xf32, #tpu.memory_space<vmem_shared>> -> memref<12288x16xf32, #tpu.memory_space<vmem_shared>>
    tpu.wait_indirect_dma semaphore(%arg11 : memref<!tpu.dma_semaphore, #tpu.memory_space<semaphore_mem>>) src(%dma_wait3A_1305 : memref<12288x16xf32, #tpu.memory_space<vmem_shared>>) dst(%dma_wait3A_1300 : memref<256x16xf32, #tpu.memory_space<vmem>>)
    %dma_wait3A_1306 = arith.constant 1024 : i32
    %dma_wait3A_1307 = arith.constant 0 : i32
    %dma_wait3A_1308 = tpu.memref_slice %arg8[%dma_wait3A_1306, %dma_wait3A_1307] : memref<1536x16xf32, #tpu.memory_space<vmem>> -> memref<256x16xf32, #tpu.memory_space<vmem>>
    %dma_wait3A_1309 = arith.constant 17920 : i32
    %dma_wait3A_1310 = tpu.memref_slice %arg6[%dma_wait3A_1309] : memref<24576xi32, #tpu.memory_space<vmem>> -> memref<256xi32, #tpu.memory_space<vmem>>
    %dma_wait3A_1311 = arith.constant 0 : i32
    %dma_wait3A_1312 = arith.constant 0 : i32
    %dma_wait3A_1313 = tpu.memref_slice %arg9[%dma_wait3A_1311, %dma_wait3A_1312] : memref<12288x16xf32, #tpu.memory_space<vmem_shared>> -> memref<12288x16xf32, #tpu.memory_space<vmem_shared>>
    tpu.wait_indirect_dma semaphore(%arg11 : memref<!tpu.dma_semaphore, #tpu.memory_space<semaphore_mem>>) src(%dma_wait3A_1313 : memref<12288x16xf32, #tpu.memory_space<vmem_shared>>) dst(%dma_wait3A_1308 : memref<256x16xf32, #tpu.memory_space<vmem>>)
    %dma_wait3A_1314 = arith.constant 1280 : i32
    %dma_wait3A_1315 = arith.constant 0 : i32
    %dma_wait3A_1316 = tpu.memref_slice %arg8[%dma_wait3A_1314, %dma_wait3A_1315] : memref<1536x16xf32, #tpu.memory_space<vmem>> -> memref<256x16xf32, #tpu.memory_space<vmem>>
    %dma_wait3A_1317 = arith.constant 18176 : i32
    %dma_wait3A_1318 = tpu.memref_slice %arg6[%dma_wait3A_1317] : memref<24576xi32, #tpu.memory_space<vmem>> -> memref<256xi32, #tpu.memory_space<vmem>>
    %dma_wait3A_1319 = arith.constant 0 : i32
    %dma_wait3A_1320 = arith.constant 0 : i32
    %dma_wait3A_1321 = tpu.memref_slice %arg9[%dma_wait3A_1319, %dma_wait3A_1320] : memref<12288x16xf32, #tpu.memory_space<vmem_shared>> -> memref<12288x16xf32, #tpu.memory_space<vmem_shared>>
    tpu.wait_indirect_dma semaphore(%arg11 : memref<!tpu.dma_semaphore, #tpu.memory_space<semaphore_mem>>) src(%dma_wait3A_1321 : memref<12288x16xf32, #tpu.memory_space<vmem_shared>>) dst(%dma_wait3A_1316 : memref<256x16xf32, #tpu.memory_space<vmem>>)
    %add3A_1322 = arith.constant 16896 : i32
    %add3A_1323 = arith.addi %multiple_of3A, %add3A_1322 : i32
    %dma_start3A_1324 = arith.constant 0 : i32
    %dma_start3A_1325 = tpu.memref_slice %arg4[%add3A_1323, %dma_start3A_1324] : memref<786432x16xf32, #tpu.memory_space<hbm>> -> memref<1536x16xf32, #tpu.memory_space<hbm>>
    %dma_start3A_1326 = arith.constant 0 : i32
    %dma_start3A_1327 = tpu.memref_slice %arg4[%add3A_1323, %dma_start3A_1326] : memref<786432x16xf32, #tpu.memory_space<hbm>> -> memref<1536x16xf32, #tpu.memory_space<hbm>>
    tpu.enqueue_dma source(%arg8 : memref<1536x16xf32, #tpu.memory_space<vmem>>) target(%dma_start3A_1327 : memref<1536x16xf32, #tpu.memory_space<hbm>>) target_semaphore(%arg13 : memref<!tpu.dma_semaphore, #tpu.memory_space<semaphore_mem>>)
    %dma_wait3A_1328 = arith.constant 0 : i32
    %dma_wait3A_1329 = tpu.memref_slice %arg4[%add3A_1323, %dma_wait3A_1328] : memref<786432x16xf32, #tpu.memory_space<hbm>> -> memref<1536x16xf32, #tpu.memory_space<hbm>>
    %dma_wait3A_1330 = arith.constant 0 : i32
    %dma_wait3A_1331 = tpu.memref_slice %arg4[%add3A_1323, %dma_wait3A_1330] : memref<786432x16xf32, #tpu.memory_space<hbm>> -> memref<1536x16xf32, #tpu.memory_space<hbm>>
    tpu.wait_dma2 semaphore(%arg13 : memref<!tpu.dma_semaphore, #tpu.memory_space<semaphore_mem>>) src(%arg8 : memref<1536x16xf32, #tpu.memory_space<vmem>>) dst(%dma_wait3A_1331 : memref<1536x16xf32, #tpu.memory_space<hbm>>)
    %dma_start3A_1332 = arith.constant 0 : i32
    %dma_start3A_1333 = arith.constant 0 : i32
    %dma_start3A_1334 = tpu.memref_slice %arg8[%dma_start3A_1332, %dma_start3A_1333] : memref<1536x16xf32, #tpu.memory_space<vmem>> -> memref<256x16xf32, #tpu.memory_space<vmem>>
    %dma_start3A_1335 = arith.constant 19968 : i32
    %dma_start3A_1336 = tpu.memref_slice %arg6[%dma_start3A_1335] : memref<24576xi32, #tpu.memory_space<vmem>> -> memref<256xi32, #tpu.memory_space<vmem>>
    %dma_start3A_1337 = arith.constant 0 : i32
    %dma_start3A_1338 = arith.constant 0 : i32
    %dma_start3A_1339 = tpu.memref_slice %arg9[%dma_start3A_1337, %dma_start3A_1338] : memref<12288x16xf32, #tpu.memory_space<vmem_shared>> -> memref<12288x16xf32, #tpu.memory_space<vmem_shared>>
    tpu.enqueue_indirect_dma source(%dma_start3A_1339 : memref<12288x16xf32, #tpu.memory_space<vmem_shared>>) target(%dma_start3A_1334 : memref<256x16xf32, #tpu.memory_space<vmem>>) offsets(%dma_start3A_1336 : memref<256xi32, #tpu.memory_space<vmem>>) semaphore(%arg11 : memref<!tpu.dma_semaphore, #tpu.memory_space<semaphore_mem>>)
    %dma_start3A_1340 = arith.constant 256 : i32
    %dma_start3A_1341 = arith.constant 0 : i32
    %dma_start3A_1342 = tpu.memref_slice %arg8[%dma_start3A_1340, %dma_start3A_1341] : memref<1536x16xf32, #tpu.memory_space<vmem>> -> memref<256x16xf32, #tpu.memory_space<vmem>>
    %dma_start3A_1343 = arith.constant 20224 : i32
    %dma_start3A_1344 = tpu.memref_slice %arg6[%dma_start3A_1343] : memref<24576xi32, #tpu.memory_space<vmem>> -> memref<256xi32, #tpu.memory_space<vmem>>
    %dma_start3A_1345 = arith.constant 0 : i32
    %dma_start3A_1346 = arith.constant 0 : i32
    %dma_start3A_1347 = tpu.memref_slice %arg9[%dma_start3A_1345, %dma_start3A_1346] : memref<12288x16xf32, #tpu.memory_space<vmem_shared>> -> memref<12288x16xf32, #tpu.memory_space<vmem_shared>>
    tpu.enqueue_indirect_dma source(%dma_start3A_1347 : memref<12288x16xf32, #tpu.memory_space<vmem_shared>>) target(%dma_start3A_1342 : memref<256x16xf32, #tpu.memory_space<vmem>>) offsets(%dma_start3A_1344 : memref<256xi32, #tpu.memory_space<vmem>>) semaphore(%arg11 : memref<!tpu.dma_semaphore, #tpu.memory_space<semaphore_mem>>)
    %dma_start3A_1348 = arith.constant 512 : i32
    %dma_start3A_1349 = arith.constant 0 : i32
    %dma_start3A_1350 = tpu.memref_slice %arg8[%dma_start3A_1348, %dma_start3A_1349] : memref<1536x16xf32, #tpu.memory_space<vmem>> -> memref<256x16xf32, #tpu.memory_space<vmem>>
    %dma_start3A_1351 = arith.constant 20480 : i32
    %dma_start3A_1352 = tpu.memref_slice %arg6[%dma_start3A_1351] : memref<24576xi32, #tpu.memory_space<vmem>> -> memref<256xi32, #tpu.memory_space<vmem>>
    %dma_start3A_1353 = arith.constant 0 : i32
    %dma_start3A_1354 = arith.constant 0 : i32
    %dma_start3A_1355 = tpu.memref_slice %arg9[%dma_start3A_1353, %dma_start3A_1354] : memref<12288x16xf32, #tpu.memory_space<vmem_shared>> -> memref<12288x16xf32, #tpu.memory_space<vmem_shared>>
    tpu.enqueue_indirect_dma source(%dma_start3A_1355 : memref<12288x16xf32, #tpu.memory_space<vmem_shared>>) target(%dma_start3A_1350 : memref<256x16xf32, #tpu.memory_space<vmem>>) offsets(%dma_start3A_1352 : memref<256xi32, #tpu.memory_space<vmem>>) semaphore(%arg11 : memref<!tpu.dma_semaphore, #tpu.memory_space<semaphore_mem>>)
    %dma_start3A_1356 = arith.constant 768 : i32
    %dma_start3A_1357 = arith.constant 0 : i32
    %dma_start3A_1358 = tpu.memref_slice %arg8[%dma_start3A_1356, %dma_start3A_1357] : memref<1536x16xf32, #tpu.memory_space<vmem>> -> memref<256x16xf32, #tpu.memory_space<vmem>>
    %dma_start3A_1359 = arith.constant 20736 : i32
    %dma_start3A_1360 = tpu.memref_slice %arg6[%dma_start3A_1359] : memref<24576xi32, #tpu.memory_space<vmem>> -> memref<256xi32, #tpu.memory_space<vmem>>
    %dma_start3A_1361 = arith.constant 0 : i32
    %dma_start3A_1362 = arith.constant 0 : i32
    %dma_start3A_1363 = tpu.memref_slice %arg9[%dma_start3A_1361, %dma_start3A_1362] : memref<12288x16xf32, #tpu.memory_space<vmem_shared>> -> memref<12288x16xf32, #tpu.memory_space<vmem_shared>>
    tpu.enqueue_indirect_dma source(%dma_start3A_1363 : memref<12288x16xf32, #tpu.memory_space<vmem_shared>>) target(%dma_start3A_1358 : memref<256x16xf32, #tpu.memory_space<vmem>>) offsets(%dma_start3A_1360 : memref<256xi32, #tpu.memory_space<vmem>>) semaphore(%arg11 : memref<!tpu.dma_semaphore, #tpu.memory_space<semaphore_mem>>)
    %dma_start3A_1364 = arith.constant 1024 : i32
    %dma_start3A_1365 = arith.constant 0 : i32
    %dma_start3A_1366 = tpu.memref_slice %arg8[%dma_start3A_1364, %dma_start3A_1365] : memref<1536x16xf32, #tpu.memory_space<vmem>> -> memref<256x16xf32, #tpu.memory_space<vmem>>
    %dma_start3A_1367 = arith.constant 20992 : i32
    %dma_start3A_1368 = tpu.memref_slice %arg6[%dma_start3A_1367] : memref<24576xi32, #tpu.memory_space<vmem>> -> memref<256xi32, #tpu.memory_space<vmem>>
    %dma_start3A_1369 = arith.constant 0 : i32
    %dma_start3A_1370 = arith.constant 0 : i32
    %dma_start3A_1371 = tpu.memref_slice %arg9[%dma_start3A_1369, %dma_start3A_1370] : memref<12288x16xf32, #tpu.memory_space<vmem_shared>> -> memref<12288x16xf32, #tpu.memory_space<vmem_shared>>
    tpu.enqueue_indirect_dma source(%dma_start3A_1371 : memref<12288x16xf32, #tpu.memory_space<vmem_shared>>) target(%dma_start3A_1366 : memref<256x16xf32, #tpu.memory_space<vmem>>) offsets(%dma_start3A_1368 : memref<256xi32, #tpu.memory_space<vmem>>) semaphore(%arg11 : memref<!tpu.dma_semaphore, #tpu.memory_space<semaphore_mem>>)
    %dma_start3A_1372 = arith.constant 1280 : i32
    %dma_start3A_1373 = arith.constant 0 : i32
    %dma_start3A_1374 = tpu.memref_slice %arg8[%dma_start3A_1372, %dma_start3A_1373] : memref<1536x16xf32, #tpu.memory_space<vmem>> -> memref<256x16xf32, #tpu.memory_space<vmem>>
    %dma_start3A_1375 = arith.constant 21248 : i32
    %dma_start3A_1376 = tpu.memref_slice %arg6[%dma_start3A_1375] : memref<24576xi32, #tpu.memory_space<vmem>> -> memref<256xi32, #tpu.memory_space<vmem>>
    %dma_start3A_1377 = arith.constant 0 : i32
    %dma_start3A_1378 = arith.constant 0 : i32
    %dma_start3A_1379 = tpu.memref_slice %arg9[%dma_start3A_1377, %dma_start3A_1378] : memref<12288x16xf32, #tpu.memory_space<vmem_shared>> -> memref<12288x16xf32, #tpu.memory_space<vmem_shared>>
    tpu.enqueue_indirect_dma source(%dma_start3A_1379 : memref<12288x16xf32, #tpu.memory_space<vmem_shared>>) target(%dma_start3A_1374 : memref<256x16xf32, #tpu.memory_space<vmem>>) offsets(%dma_start3A_1376 : memref<256xi32, #tpu.memory_space<vmem>>) semaphore(%arg11 : memref<!tpu.dma_semaphore, #tpu.memory_space<semaphore_mem>>)
    %dma_wait3A_1380 = arith.constant 0 : i32
    %dma_wait3A_1381 = arith.constant 0 : i32
    %dma_wait3A_1382 = tpu.memref_slice %arg7[%dma_wait3A_1380, %dma_wait3A_1381] : memref<1536x16xf32, #tpu.memory_space<vmem>> -> memref<256x16xf32, #tpu.memory_space<vmem>>
    %dma_wait3A_1383 = arith.constant 18432 : i32
    %dma_wait3A_1384 = tpu.memref_slice %arg6[%dma_wait3A_1383] : memref<24576xi32, #tpu.memory_space<vmem>> -> memref<256xi32, #tpu.memory_space<vmem>>
    %dma_wait3A_1385 = arith.constant 0 : i32
    %dma_wait3A_1386 = arith.constant 0 : i32
    %dma_wait3A_1387 = tpu.memref_slice %arg9[%dma_wait3A_1385, %dma_wait3A_1386] : memref<12288x16xf32, #tpu.memory_space<vmem_shared>> -> memref<12288x16xf32, #tpu.memory_space<vmem_shared>>
    tpu.wait_indirect_dma semaphore(%arg10 : memref<!tpu.dma_semaphore, #tpu.memory_space<semaphore_mem>>) src(%dma_wait3A_1387 : memref<12288x16xf32, #tpu.memory_space<vmem_shared>>) dst(%dma_wait3A_1382 : memref<256x16xf32, #tpu.memory_space<vmem>>)
    %dma_wait3A_1388 = arith.constant 256 : i32
    %dma_wait3A_1389 = arith.constant 0 : i32
    %dma_wait3A_1390 = tpu.memref_slice %arg7[%dma_wait3A_1388, %dma_wait3A_1389] : memref<1536x16xf32, #tpu.memory_space<vmem>> -> memref<256x16xf32, #tpu.memory_space<vmem>>
    %dma_wait3A_1391 = arith.constant 18688 : i32
    %dma_wait3A_1392 = tpu.memref_slice %arg6[%dma_wait3A_1391] : memref<24576xi32, #tpu.memory_space<vmem>> -> memref<256xi32, #tpu.memory_space<vmem>>
    %dma_wait3A_1393 = arith.constant 0 : i32
    %dma_wait3A_1394 = arith.constant 0 : i32
    %dma_wait3A_1395 = tpu.memref_slice %arg9[%dma_wait3A_1393, %dma_wait3A_1394] : memref<12288x16xf32, #tpu.memory_space<vmem_shared>> -> memref<12288x16xf32, #tpu.memory_space<vmem_shared>>
    tpu.wait_indirect_dma semaphore(%arg10 : memref<!tpu.dma_semaphore, #tpu.memory_space<semaphore_mem>>) src(%dma_wait3A_1395 : memref<12288x16xf32, #tpu.memory_space<vmem_shared>>) dst(%dma_wait3A_1390 : memref<256x16xf32, #tpu.memory_space<vmem>>)
    %dma_wait3A_1396 = arith.constant 512 : i32
    %dma_wait3A_1397 = arith.constant 0 : i32
    %dma_wait3A_1398 = tpu.memref_slice %arg7[%dma_wait3A_1396, %dma_wait3A_1397] : memref<1536x16xf32, #tpu.memory_space<vmem>> -> memref<256x16xf32, #tpu.memory_space<vmem>>
    %dma_wait3A_1399 = arith.constant 18944 : i32
    %dma_wait3A_1400 = tpu.memref_slice %arg6[%dma_wait3A_1399] : memref<24576xi32, #tpu.memory_space<vmem>> -> memref<256xi32, #tpu.memory_space<vmem>>
    %dma_wait3A_1401 = arith.constant 0 : i32
    %dma_wait3A_1402 = arith.constant 0 : i32
    %dma_wait3A_1403 = tpu.memref_slice %arg9[%dma_wait3A_1401, %dma_wait3A_1402] : memref<12288x16xf32, #tpu.memory_space<vmem_shared>> -> memref<12288x16xf32, #tpu.memory_space<vmem_shared>>
    tpu.wait_indirect_dma semaphore(%arg10 : memref<!tpu.dma_semaphore, #tpu.memory_space<semaphore_mem>>) src(%dma_wait3A_1403 : memref<12288x16xf32, #tpu.memory_space<vmem_shared>>) dst(%dma_wait3A_1398 : memref<256x16xf32, #tpu.memory_space<vmem>>)
    %dma_wait3A_1404 = arith.constant 768 : i32
    %dma_wait3A_1405 = arith.constant 0 : i32
    %dma_wait3A_1406 = tpu.memref_slice %arg7[%dma_wait3A_1404, %dma_wait3A_1405] : memref<1536x16xf32, #tpu.memory_space<vmem>> -> memref<256x16xf32, #tpu.memory_space<vmem>>
    %dma_wait3A_1407 = arith.constant 19200 : i32
    %dma_wait3A_1408 = tpu.memref_slice %arg6[%dma_wait3A_1407] : memref<24576xi32, #tpu.memory_space<vmem>> -> memref<256xi32, #tpu.memory_space<vmem>>
    %dma_wait3A_1409 = arith.constant 0 : i32
    %dma_wait3A_1410 = arith.constant 0 : i32
    %dma_wait3A_1411 = tpu.memref_slice %arg9[%dma_wait3A_1409, %dma_wait3A_1410] : memref<12288x16xf32, #tpu.memory_space<vmem_shared>> -> memref<12288x16xf32, #tpu.memory_space<vmem_shared>>
    tpu.wait_indirect_dma semaphore(%arg10 : memref<!tpu.dma_semaphore, #tpu.memory_space<semaphore_mem>>) src(%dma_wait3A_1411 : memref<12288x16xf32, #tpu.memory_space<vmem_shared>>) dst(%dma_wait3A_1406 : memref<256x16xf32, #tpu.memory_space<vmem>>)
    %dma_wait3A_1412 = arith.constant 1024 : i32
    %dma_wait3A_1413 = arith.constant 0 : i32
    %dma_wait3A_1414 = tpu.memref_slice %arg7[%dma_wait3A_1412, %dma_wait3A_1413] : memref<1536x16xf32, #tpu.memory_space<vmem>> -> memref<256x16xf32, #tpu.memory_space<vmem>>
    %dma_wait3A_1415 = arith.constant 19456 : i32
    %dma_wait3A_1416 = tpu.memref_slice %arg6[%dma_wait3A_1415] : memref<24576xi32, #tpu.memory_space<vmem>> -> memref<256xi32, #tpu.memory_space<vmem>>
    %dma_wait3A_1417 = arith.constant 0 : i32
    %dma_wait3A_1418 = arith.constant 0 : i32
    %dma_wait3A_1419 = tpu.memref_slice %arg9[%dma_wait3A_1417, %dma_wait3A_1418] : memref<12288x16xf32, #tpu.memory_space<vmem_shared>> -> memref<12288x16xf32, #tpu.memory_space<vmem_shared>>
    tpu.wait_indirect_dma semaphore(%arg10 : memref<!tpu.dma_semaphore, #tpu.memory_space<semaphore_mem>>) src(%dma_wait3A_1419 : memref<12288x16xf32, #tpu.memory_space<vmem_shared>>) dst(%dma_wait3A_1414 : memref<256x16xf32, #tpu.memory_space<vmem>>)
    %dma_wait3A_1420 = arith.constant 1280 : i32
    %dma_wait3A_1421 = arith.constant 0 : i32
    %dma_wait3A_1422 = tpu.memref_slice %arg7[%dma_wait3A_1420, %dma_wait3A_1421] : memref<1536x16xf32, #tpu.memory_space<vmem>> -> memref<256x16xf32, #tpu.memory_space<vmem>>
    %dma_wait3A_1423 = arith.constant 19712 : i32
    %dma_wait3A_1424 = tpu.memref_slice %arg6[%dma_wait3A_1423] : memref<24576xi32, #tpu.memory_space<vmem>> -> memref<256xi32, #tpu.memory_space<vmem>>
    %dma_wait3A_1425 = arith.constant 0 : i32
    %dma_wait3A_1426 = arith.constant 0 : i32
    %dma_wait3A_1427 = tpu.memref_slice %arg9[%dma_wait3A_1425, %dma_wait3A_1426] : memref<12288x16xf32, #tpu.memory_space<vmem_shared>> -> memref<12288x16xf32, #tpu.memory_space<vmem_shared>>
    tpu.wait_indirect_dma semaphore(%arg10 : memref<!tpu.dma_semaphore, #tpu.memory_space<semaphore_mem>>) src(%dma_wait3A_1427 : memref<12288x16xf32, #tpu.memory_space<vmem_shared>>) dst(%dma_wait3A_1422 : memref<256x16xf32, #tpu.memory_space<vmem>>)
    %add3A_1428 = arith.constant 18432 : i32
    %add3A_1429 = arith.addi %multiple_of3A, %add3A_1428 : i32
    %dma_start3A_1430 = arith.constant 0 : i32
    %dma_start3A_1431 = tpu.memref_slice %arg4[%add3A_1429, %dma_start3A_1430] : memref<786432x16xf32, #tpu.memory_space<hbm>> -> memref<1536x16xf32, #tpu.memory_space<hbm>>
    %dma_start3A_1432 = arith.constant 0 : i32
    %dma_start3A_1433 = tpu.memref_slice %arg4[%add3A_1429, %dma_start3A_1432] : memref<786432x16xf32, #tpu.memory_space<hbm>> -> memref<1536x16xf32, #tpu.memory_space<hbm>>
    tpu.enqueue_dma source(%arg7 : memref<1536x16xf32, #tpu.memory_space<vmem>>) target(%dma_start3A_1433 : memref<1536x16xf32, #tpu.memory_space<hbm>>) target_semaphore(%arg12 : memref<!tpu.dma_semaphore, #tpu.memory_space<semaphore_mem>>)
    %dma_wait3A_1434 = arith.constant 0 : i32
    %dma_wait3A_1435 = tpu.memref_slice %arg4[%add3A_1429, %dma_wait3A_1434] : memref<786432x16xf32, #tpu.memory_space<hbm>> -> memref<1536x16xf32, #tpu.memory_space<hbm>>
    %dma_wait3A_1436 = arith.constant 0 : i32
    %dma_wait3A_1437 = tpu.memref_slice %arg4[%add3A_1429, %dma_wait3A_1436] : memref<786432x16xf32, #tpu.memory_space<hbm>> -> memref<1536x16xf32, #tpu.memory_space<hbm>>
    tpu.wait_dma2 semaphore(%arg12 : memref<!tpu.dma_semaphore, #tpu.memory_space<semaphore_mem>>) src(%arg7 : memref<1536x16xf32, #tpu.memory_space<vmem>>) dst(%dma_wait3A_1437 : memref<1536x16xf32, #tpu.memory_space<hbm>>)
    %dma_start3A_1438 = arith.constant 0 : i32
    %dma_start3A_1439 = arith.constant 0 : i32
    %dma_start3A_1440 = tpu.memref_slice %arg7[%dma_start3A_1438, %dma_start3A_1439] : memref<1536x16xf32, #tpu.memory_space<vmem>> -> memref<256x16xf32, #tpu.memory_space<vmem>>
    %dma_start3A_1441 = arith.constant 21504 : i32
    %dma_start3A_1442 = tpu.memref_slice %arg6[%dma_start3A_1441] : memref<24576xi32, #tpu.memory_space<vmem>> -> memref<256xi32, #tpu.memory_space<vmem>>
    %dma_start3A_1443 = arith.constant 0 : i32
    %dma_start3A_1444 = arith.constant 0 : i32
    %dma_start3A_1445 = tpu.memref_slice %arg9[%dma_start3A_1443, %dma_start3A_1444] : memref<12288x16xf32, #tpu.memory_space<vmem_shared>> -> memref<12288x16xf32, #tpu.memory_space<vmem_shared>>
    tpu.enqueue_indirect_dma source(%dma_start3A_1445 : memref<12288x16xf32, #tpu.memory_space<vmem_shared>>) target(%dma_start3A_1440 : memref<256x16xf32, #tpu.memory_space<vmem>>) offsets(%dma_start3A_1442 : memref<256xi32, #tpu.memory_space<vmem>>) semaphore(%arg10 : memref<!tpu.dma_semaphore, #tpu.memory_space<semaphore_mem>>)
    %dma_start3A_1446 = arith.constant 256 : i32
    %dma_start3A_1447 = arith.constant 0 : i32
    %dma_start3A_1448 = tpu.memref_slice %arg7[%dma_start3A_1446, %dma_start3A_1447] : memref<1536x16xf32, #tpu.memory_space<vmem>> -> memref<256x16xf32, #tpu.memory_space<vmem>>
    %dma_start3A_1449 = arith.constant 21760 : i32
    %dma_start3A_1450 = tpu.memref_slice %arg6[%dma_start3A_1449] : memref<24576xi32, #tpu.memory_space<vmem>> -> memref<256xi32, #tpu.memory_space<vmem>>
    %dma_start3A_1451 = arith.constant 0 : i32
    %dma_start3A_1452 = arith.constant 0 : i32
    %dma_start3A_1453 = tpu.memref_slice %arg9[%dma_start3A_1451, %dma_start3A_1452] : memref<12288x16xf32, #tpu.memory_space<vmem_shared>> -> memref<12288x16xf32, #tpu.memory_space<vmem_shared>>
    tpu.enqueue_indirect_dma source(%dma_start3A_1453 : memref<12288x16xf32, #tpu.memory_space<vmem_shared>>) target(%dma_start3A_1448 : memref<256x16xf32, #tpu.memory_space<vmem>>) offsets(%dma_start3A_1450 : memref<256xi32, #tpu.memory_space<vmem>>) semaphore(%arg10 : memref<!tpu.dma_semaphore, #tpu.memory_space<semaphore_mem>>)
    %dma_start3A_1454 = arith.constant 512 : i32
    %dma_start3A_1455 = arith.constant 0 : i32
    %dma_start3A_1456 = tpu.memref_slice %arg7[%dma_start3A_1454, %dma_start3A_1455] : memref<1536x16xf32, #tpu.memory_space<vmem>> -> memref<256x16xf32, #tpu.memory_space<vmem>>
    %dma_start3A_1457 = arith.constant 22016 : i32
    %dma_start3A_1458 = tpu.memref_slice %arg6[%dma_start3A_1457] : memref<24576xi32, #tpu.memory_space<vmem>> -> memref<256xi32, #tpu.memory_space<vmem>>
    %dma_start3A_1459 = arith.constant 0 : i32
    %dma_start3A_1460 = arith.constant 0 : i32
    %dma_start3A_1461 = tpu.memref_slice %arg9[%dma_start3A_1459, %dma_start3A_1460] : memref<12288x16xf32, #tpu.memory_space<vmem_shared>> -> memref<12288x16xf32, #tpu.memory_space<vmem_shared>>
    tpu.enqueue_indirect_dma source(%dma_start3A_1461 : memref<12288x16xf32, #tpu.memory_space<vmem_shared>>) target(%dma_start3A_1456 : memref<256x16xf32, #tpu.memory_space<vmem>>) offsets(%dma_start3A_1458 : memref<256xi32, #tpu.memory_space<vmem>>) semaphore(%arg10 : memref<!tpu.dma_semaphore, #tpu.memory_space<semaphore_mem>>)
    %dma_start3A_1462 = arith.constant 768 : i32
    %dma_start3A_1463 = arith.constant 0 : i32
    %dma_start3A_1464 = tpu.memref_slice %arg7[%dma_start3A_1462, %dma_start3A_1463] : memref<1536x16xf32, #tpu.memory_space<vmem>> -> memref<256x16xf32, #tpu.memory_space<vmem>>
    %dma_start3A_1465 = arith.constant 22272 : i32
    %dma_start3A_1466 = tpu.memref_slice %arg6[%dma_start3A_1465] : memref<24576xi32, #tpu.memory_space<vmem>> -> memref<256xi32, #tpu.memory_space<vmem>>
    %dma_start3A_1467 = arith.constant 0 : i32
    %dma_start3A_1468 = arith.constant 0 : i32
    %dma_start3A_1469 = tpu.memref_slice %arg9[%dma_start3A_1467, %dma_start3A_1468] : memref<12288x16xf32, #tpu.memory_space<vmem_shared>> -> memref<12288x16xf32, #tpu.memory_space<vmem_shared>>
    tpu.enqueue_indirect_dma source(%dma_start3A_1469 : memref<12288x16xf32, #tpu.memory_space<vmem_shared>>) target(%dma_start3A_1464 : memref<256x16xf32, #tpu.memory_space<vmem>>) offsets(%dma_start3A_1466 : memref<256xi32, #tpu.memory_space<vmem>>) semaphore(%arg10 : memref<!tpu.dma_semaphore, #tpu.memory_space<semaphore_mem>>)
    %dma_start3A_1470 = arith.constant 1024 : i32
    %dma_start3A_1471 = arith.constant 0 : i32
    %dma_start3A_1472 = tpu.memref_slice %arg7[%dma_start3A_1470, %dma_start3A_1471] : memref<1536x16xf32, #tpu.memory_space<vmem>> -> memref<256x16xf32, #tpu.memory_space<vmem>>
    %dma_start3A_1473 = arith.constant 22528 : i32
    %dma_start3A_1474 = tpu.memref_slice %arg6[%dma_start3A_1473] : memref<24576xi32, #tpu.memory_space<vmem>> -> memref<256xi32, #tpu.memory_space<vmem>>
    %dma_start3A_1475 = arith.constant 0 : i32
    %dma_start3A_1476 = arith.constant 0 : i32
    %dma_start3A_1477 = tpu.memref_slice %arg9[%dma_start3A_1475, %dma_start3A_1476] : memref<12288x16xf32, #tpu.memory_space<vmem_shared>> -> memref<12288x16xf32, #tpu.memory_space<vmem_shared>>
    tpu.enqueue_indirect_dma source(%dma_start3A_1477 : memref<12288x16xf32, #tpu.memory_space<vmem_shared>>) target(%dma_start3A_1472 : memref<256x16xf32, #tpu.memory_space<vmem>>) offsets(%dma_start3A_1474 : memref<256xi32, #tpu.memory_space<vmem>>) semaphore(%arg10 : memref<!tpu.dma_semaphore, #tpu.memory_space<semaphore_mem>>)
    %dma_start3A_1478 = arith.constant 1280 : i32
    %dma_start3A_1479 = arith.constant 0 : i32
    %dma_start3A_1480 = tpu.memref_slice %arg7[%dma_start3A_1478, %dma_start3A_1479] : memref<1536x16xf32, #tpu.memory_space<vmem>> -> memref<256x16xf32, #tpu.memory_space<vmem>>
    %dma_start3A_1481 = arith.constant 22784 : i32
    %dma_start3A_1482 = tpu.memref_slice %arg6[%dma_start3A_1481] : memref<24576xi32, #tpu.memory_space<vmem>> -> memref<256xi32, #tpu.memory_space<vmem>>
    %dma_start3A_1483 = arith.constant 0 : i32
    %dma_start3A_1484 = arith.constant 0 : i32
    %dma_start3A_1485 = tpu.memref_slice %arg9[%dma_start3A_1483, %dma_start3A_1484] : memref<12288x16xf32, #tpu.memory_space<vmem_shared>> -> memref<12288x16xf32, #tpu.memory_space<vmem_shared>>
    tpu.enqueue_indirect_dma source(%dma_start3A_1485 : memref<12288x16xf32, #tpu.memory_space<vmem_shared>>) target(%dma_start3A_1480 : memref<256x16xf32, #tpu.memory_space<vmem>>) offsets(%dma_start3A_1482 : memref<256xi32, #tpu.memory_space<vmem>>) semaphore(%arg10 : memref<!tpu.dma_semaphore, #tpu.memory_space<semaphore_mem>>)
    %dma_wait3A_1486 = arith.constant 0 : i32
    %dma_wait3A_1487 = arith.constant 0 : i32
    %dma_wait3A_1488 = tpu.memref_slice %arg8[%dma_wait3A_1486, %dma_wait3A_1487] : memref<1536x16xf32, #tpu.memory_space<vmem>> -> memref<256x16xf32, #tpu.memory_space<vmem>>
    %dma_wait3A_1489 = arith.constant 19968 : i32
    %dma_wait3A_1490 = tpu.memref_slice %arg6[%dma_wait3A_1489] : memref<24576xi32, #tpu.memory_space<vmem>> -> memref<256xi32, #tpu.memory_space<vmem>>
    %dma_wait3A_1491 = arith.constant 0 : i32
    %dma_wait3A_1492 = arith.constant 0 : i32
    %dma_wait3A_1493 = tpu.memref_slice %arg9[%dma_wait3A_1491, %dma_wait3A_1492] : memref<12288x16xf32, #tpu.memory_space<vmem_shared>> -> memref<12288x16xf32, #tpu.memory_space<vmem_shared>>
    tpu.wait_indirect_dma semaphore(%arg11 : memref<!tpu.dma_semaphore, #tpu.memory_space<semaphore_mem>>) src(%dma_wait3A_1493 : memref<12288x16xf32, #tpu.memory_space<vmem_shared>>) dst(%dma_wait3A_1488 : memref<256x16xf32, #tpu.memory_space<vmem>>)
    %dma_wait3A_1494 = arith.constant 256 : i32
    %dma_wait3A_1495 = arith.constant 0 : i32
    %dma_wait3A_1496 = tpu.memref_slice %arg8[%dma_wait3A_1494, %dma_wait3A_1495] : memref<1536x16xf32, #tpu.memory_space<vmem>> -> memref<256x16xf32, #tpu.memory_space<vmem>>
    %dma_wait3A_1497 = arith.constant 20224 : i32
    %dma_wait3A_1498 = tpu.memref_slice %arg6[%dma_wait3A_1497] : memref<24576xi32, #tpu.memory_space<vmem>> -> memref<256xi32, #tpu.memory_space<vmem>>
    %dma_wait3A_1499 = arith.constant 0 : i32
    %dma_wait3A_1500 = arith.constant 0 : i32
    %dma_wait3A_1501 = tpu.memref_slice %arg9[%dma_wait3A_1499, %dma_wait3A_1500] : memref<12288x16xf32, #tpu.memory_space<vmem_shared>> -> memref<12288x16xf32, #tpu.memory_space<vmem_shared>>
    tpu.wait_indirect_dma semaphore(%arg11 : memref<!tpu.dma_semaphore, #tpu.memory_space<semaphore_mem>>) src(%dma_wait3A_1501 : memref<12288x16xf32, #tpu.memory_space<vmem_shared>>) dst(%dma_wait3A_1496 : memref<256x16xf32, #tpu.memory_space<vmem>>)
    %dma_wait3A_1502 = arith.constant 512 : i32
    %dma_wait3A_1503 = arith.constant 0 : i32
    %dma_wait3A_1504 = tpu.memref_slice %arg8[%dma_wait3A_1502, %dma_wait3A_1503] : memref<1536x16xf32, #tpu.memory_space<vmem>> -> memref<256x16xf32, #tpu.memory_space<vmem>>
    %dma_wait3A_1505 = arith.constant 20480 : i32
    %dma_wait3A_1506 = tpu.memref_slice %arg6[%dma_wait3A_1505] : memref<24576xi32, #tpu.memory_space<vmem>> -> memref<256xi32, #tpu.memory_space<vmem>>
    %dma_wait3A_1507 = arith.constant 0 : i32
    %dma_wait3A_1508 = arith.constant 0 : i32
    %dma_wait3A_1509 = tpu.memref_slice %arg9[%dma_wait3A_1507, %dma_wait3A_1508] : memref<12288x16xf32, #tpu.memory_space<vmem_shared>> -> memref<12288x16xf32, #tpu.memory_space<vmem_shared>>
    tpu.wait_indirect_dma semaphore(%arg11 : memref<!tpu.dma_semaphore, #tpu.memory_space<semaphore_mem>>) src(%dma_wait3A_1509 : memref<12288x16xf32, #tpu.memory_space<vmem_shared>>) dst(%dma_wait3A_1504 : memref<256x16xf32, #tpu.memory_space<vmem>>)
    %dma_wait3A_1510 = arith.constant 768 : i32
    %dma_wait3A_1511 = arith.constant 0 : i32
    %dma_wait3A_1512 = tpu.memref_slice %arg8[%dma_wait3A_1510, %dma_wait3A_1511] : memref<1536x16xf32, #tpu.memory_space<vmem>> -> memref<256x16xf32, #tpu.memory_space<vmem>>
    %dma_wait3A_1513 = arith.constant 20736 : i32
    %dma_wait3A_1514 = tpu.memref_slice %arg6[%dma_wait3A_1513] : memref<24576xi32, #tpu.memory_space<vmem>> -> memref<256xi32, #tpu.memory_space<vmem>>
    %dma_wait3A_1515 = arith.constant 0 : i32
    %dma_wait3A_1516 = arith.constant 0 : i32
    %dma_wait3A_1517 = tpu.memref_slice %arg9[%dma_wait3A_1515, %dma_wait3A_1516] : memref<12288x16xf32, #tpu.memory_space<vmem_shared>> -> memref<12288x16xf32, #tpu.memory_space<vmem_shared>>
    tpu.wait_indirect_dma semaphore(%arg11 : memref<!tpu.dma_semaphore, #tpu.memory_space<semaphore_mem>>) src(%dma_wait3A_1517 : memref<12288x16xf32, #tpu.memory_space<vmem_shared>>) dst(%dma_wait3A_1512 : memref<256x16xf32, #tpu.memory_space<vmem>>)
    %dma_wait3A_1518 = arith.constant 1024 : i32
    %dma_wait3A_1519 = arith.constant 0 : i32
    %dma_wait3A_1520 = tpu.memref_slice %arg8[%dma_wait3A_1518, %dma_wait3A_1519] : memref<1536x16xf32, #tpu.memory_space<vmem>> -> memref<256x16xf32, #tpu.memory_space<vmem>>
    %dma_wait3A_1521 = arith.constant 20992 : i32
    %dma_wait3A_1522 = tpu.memref_slice %arg6[%dma_wait3A_1521] : memref<24576xi32, #tpu.memory_space<vmem>> -> memref<256xi32, #tpu.memory_space<vmem>>
    %dma_wait3A_1523 = arith.constant 0 : i32
    %dma_wait3A_1524 = arith.constant 0 : i32
    %dma_wait3A_1525 = tpu.memref_slice %arg9[%dma_wait3A_1523, %dma_wait3A_1524] : memref<12288x16xf32, #tpu.memory_space<vmem_shared>> -> memref<12288x16xf32, #tpu.memory_space<vmem_shared>>
    tpu.wait_indirect_dma semaphore(%arg11 : memref<!tpu.dma_semaphore, #tpu.memory_space<semaphore_mem>>) src(%dma_wait3A_1525 : memref<12288x16xf32, #tpu.memory_space<vmem_shared>>) dst(%dma_wait3A_1520 : memref<256x16xf32, #tpu.memory_space<vmem>>)
    %dma_wait3A_1526 = arith.constant 1280 : i32
    %dma_wait3A_1527 = arith.constant 0 : i32
    %dma_wait3A_1528 = tpu.memref_slice %arg8[%dma_wait3A_1526, %dma_wait3A_1527] : memref<1536x16xf32, #tpu.memory_space<vmem>> -> memref<256x16xf32, #tpu.memory_space<vmem>>
    %dma_wait3A_1529 = arith.constant 21248 : i32
    %dma_wait3A_1530 = tpu.memref_slice %arg6[%dma_wait3A_1529] : memref<24576xi32, #tpu.memory_space<vmem>> -> memref<256xi32, #tpu.memory_space<vmem>>
    %dma_wait3A_1531 = arith.constant 0 : i32
    %dma_wait3A_1532 = arith.constant 0 : i32
    %dma_wait3A_1533 = tpu.memref_slice %arg9[%dma_wait3A_1531, %dma_wait3A_1532] : memref<12288x16xf32, #tpu.memory_space<vmem_shared>> -> memref<12288x16xf32, #tpu.memory_space<vmem_shared>>
    tpu.wait_indirect_dma semaphore(%arg11 : memref<!tpu.dma_semaphore, #tpu.memory_space<semaphore_mem>>) src(%dma_wait3A_1533 : memref<12288x16xf32, #tpu.memory_space<vmem_shared>>) dst(%dma_wait3A_1528 : memref<256x16xf32, #tpu.memory_space<vmem>>)
    %add3A_1534 = arith.constant 19968 : i32
    %add3A_1535 = arith.addi %multiple_of3A, %add3A_1534 : i32
    %dma_start3A_1536 = arith.constant 0 : i32
    %dma_start3A_1537 = tpu.memref_slice %arg4[%add3A_1535, %dma_start3A_1536] : memref<786432x16xf32, #tpu.memory_space<hbm>> -> memref<1536x16xf32, #tpu.memory_space<hbm>>
    %dma_start3A_1538 = arith.constant 0 : i32
    %dma_start3A_1539 = tpu.memref_slice %arg4[%add3A_1535, %dma_start3A_1538] : memref<786432x16xf32, #tpu.memory_space<hbm>> -> memref<1536x16xf32, #tpu.memory_space<hbm>>
    tpu.enqueue_dma source(%arg8 : memref<1536x16xf32, #tpu.memory_space<vmem>>) target(%dma_start3A_1539 : memref<1536x16xf32, #tpu.memory_space<hbm>>) target_semaphore(%arg13 : memref<!tpu.dma_semaphore, #tpu.memory_space<semaphore_mem>>)
    %dma_wait3A_1540 = arith.constant 0 : i32
    %dma_wait3A_1541 = tpu.memref_slice %arg4[%add3A_1535, %dma_wait3A_1540] : memref<786432x16xf32, #tpu.memory_space<hbm>> -> memref<1536x16xf32, #tpu.memory_space<hbm>>
    %dma_wait3A_1542 = arith.constant 0 : i32
    %dma_wait3A_1543 = tpu.memref_slice %arg4[%add3A_1535, %dma_wait3A_1542] : memref<786432x16xf32, #tpu.memory_space<hbm>> -> memref<1536x16xf32, #tpu.memory_space<hbm>>
    tpu.wait_dma2 semaphore(%arg13 : memref<!tpu.dma_semaphore, #tpu.memory_space<semaphore_mem>>) src(%arg8 : memref<1536x16xf32, #tpu.memory_space<vmem>>) dst(%dma_wait3A_1543 : memref<1536x16xf32, #tpu.memory_space<hbm>>)
    %dma_start3A_1544 = arith.constant 0 : i32
    %dma_start3A_1545 = arith.constant 0 : i32
    %dma_start3A_1546 = tpu.memref_slice %arg8[%dma_start3A_1544, %dma_start3A_1545] : memref<1536x16xf32, #tpu.memory_space<vmem>> -> memref<256x16xf32, #tpu.memory_space<vmem>>
    %dma_start3A_1547 = arith.constant 23040 : i32
    %dma_start3A_1548 = tpu.memref_slice %arg6[%dma_start3A_1547] : memref<24576xi32, #tpu.memory_space<vmem>> -> memref<256xi32, #tpu.memory_space<vmem>>
    %dma_start3A_1549 = arith.constant 0 : i32
    %dma_start3A_1550 = arith.constant 0 : i32
    %dma_start3A_1551 = tpu.memref_slice %arg9[%dma_start3A_1549, %dma_start3A_1550] : memref<12288x16xf32, #tpu.memory_space<vmem_shared>> -> memref<12288x16xf32, #tpu.memory_space<vmem_shared>>
    tpu.enqueue_indirect_dma source(%dma_start3A_1551 : memref<12288x16xf32, #tpu.memory_space<vmem_shared>>) target(%dma_start3A_1546 : memref<256x16xf32, #tpu.memory_space<vmem>>) offsets(%dma_start3A_1548 : memref<256xi32, #tpu.memory_space<vmem>>) semaphore(%arg11 : memref<!tpu.dma_semaphore, #tpu.memory_space<semaphore_mem>>)
    %dma_start3A_1552 = arith.constant 256 : i32
    %dma_start3A_1553 = arith.constant 0 : i32
    %dma_start3A_1554 = tpu.memref_slice %arg8[%dma_start3A_1552, %dma_start3A_1553] : memref<1536x16xf32, #tpu.memory_space<vmem>> -> memref<256x16xf32, #tpu.memory_space<vmem>>
    %dma_start3A_1555 = arith.constant 23296 : i32
    %dma_start3A_1556 = tpu.memref_slice %arg6[%dma_start3A_1555] : memref<24576xi32, #tpu.memory_space<vmem>> -> memref<256xi32, #tpu.memory_space<vmem>>
    %dma_start3A_1557 = arith.constant 0 : i32
    %dma_start3A_1558 = arith.constant 0 : i32
    %dma_start3A_1559 = tpu.memref_slice %arg9[%dma_start3A_1557, %dma_start3A_1558] : memref<12288x16xf32, #tpu.memory_space<vmem_shared>> -> memref<12288x16xf32, #tpu.memory_space<vmem_shared>>
    tpu.enqueue_indirect_dma source(%dma_start3A_1559 : memref<12288x16xf32, #tpu.memory_space<vmem_shared>>) target(%dma_start3A_1554 : memref<256x16xf32, #tpu.memory_space<vmem>>) offsets(%dma_start3A_1556 : memref<256xi32, #tpu.memory_space<vmem>>) semaphore(%arg11 : memref<!tpu.dma_semaphore, #tpu.memory_space<semaphore_mem>>)
    %dma_start3A_1560 = arith.constant 512 : i32
    %dma_start3A_1561 = arith.constant 0 : i32
    %dma_start3A_1562 = tpu.memref_slice %arg8[%dma_start3A_1560, %dma_start3A_1561] : memref<1536x16xf32, #tpu.memory_space<vmem>> -> memref<256x16xf32, #tpu.memory_space<vmem>>
    %dma_start3A_1563 = arith.constant 23552 : i32
    %dma_start3A_1564 = tpu.memref_slice %arg6[%dma_start3A_1563] : memref<24576xi32, #tpu.memory_space<vmem>> -> memref<256xi32, #tpu.memory_space<vmem>>
    %dma_start3A_1565 = arith.constant 0 : i32
    %dma_start3A_1566 = arith.constant 0 : i32
    %dma_start3A_1567 = tpu.memref_slice %arg9[%dma_start3A_1565, %dma_start3A_1566] : memref<12288x16xf32, #tpu.memory_space<vmem_shared>> -> memref<12288x16xf32, #tpu.memory_space<vmem_shared>>
    tpu.enqueue_indirect_dma source(%dma_start3A_1567 : memref<12288x16xf32, #tpu.memory_space<vmem_shared>>) target(%dma_start3A_1562 : memref<256x16xf32, #tpu.memory_space<vmem>>) offsets(%dma_start3A_1564 : memref<256xi32, #tpu.memory_space<vmem>>) semaphore(%arg11 : memref<!tpu.dma_semaphore, #tpu.memory_space<semaphore_mem>>)
    %dma_start3A_1568 = arith.constant 768 : i32
    %dma_start3A_1569 = arith.constant 0 : i32
    %dma_start3A_1570 = tpu.memref_slice %arg8[%dma_start3A_1568, %dma_start3A_1569] : memref<1536x16xf32, #tpu.memory_space<vmem>> -> memref<256x16xf32, #tpu.memory_space<vmem>>
    %dma_start3A_1571 = arith.constant 23808 : i32
    %dma_start3A_1572 = tpu.memref_slice %arg6[%dma_start3A_1571] : memref<24576xi32, #tpu.memory_space<vmem>> -> memref<256xi32, #tpu.memory_space<vmem>>
    %dma_start3A_1573 = arith.constant 0 : i32
    %dma_start3A_1574 = arith.constant 0 : i32
    %dma_start3A_1575 = tpu.memref_slice %arg9[%dma_start3A_1573, %dma_start3A_1574] : memref<12288x16xf32, #tpu.memory_space<vmem_shared>> -> memref<12288x16xf32, #tpu.memory_space<vmem_shared>>
    tpu.enqueue_indirect_dma source(%dma_start3A_1575 : memref<12288x16xf32, #tpu.memory_space<vmem_shared>>) target(%dma_start3A_1570 : memref<256x16xf32, #tpu.memory_space<vmem>>) offsets(%dma_start3A_1572 : memref<256xi32, #tpu.memory_space<vmem>>) semaphore(%arg11 : memref<!tpu.dma_semaphore, #tpu.memory_space<semaphore_mem>>)
    %dma_start3A_1576 = arith.constant 1024 : i32
    %dma_start3A_1577 = arith.constant 0 : i32
    %dma_start3A_1578 = tpu.memref_slice %arg8[%dma_start3A_1576, %dma_start3A_1577] : memref<1536x16xf32, #tpu.memory_space<vmem>> -> memref<256x16xf32, #tpu.memory_space<vmem>>
    %dma_start3A_1579 = arith.constant 24064 : i32
    %dma_start3A_1580 = tpu.memref_slice %arg6[%dma_start3A_1579] : memref<24576xi32, #tpu.memory_space<vmem>> -> memref<256xi32, #tpu.memory_space<vmem>>
    %dma_start3A_1581 = arith.constant 0 : i32
    %dma_start3A_1582 = arith.constant 0 : i32
    %dma_start3A_1583 = tpu.memref_slice %arg9[%dma_start3A_1581, %dma_start3A_1582] : memref<12288x16xf32, #tpu.memory_space<vmem_shared>> -> memref<12288x16xf32, #tpu.memory_space<vmem_shared>>
    tpu.enqueue_indirect_dma source(%dma_start3A_1583 : memref<12288x16xf32, #tpu.memory_space<vmem_shared>>) target(%dma_start3A_1578 : memref<256x16xf32, #tpu.memory_space<vmem>>) offsets(%dma_start3A_1580 : memref<256xi32, #tpu.memory_space<vmem>>) semaphore(%arg11 : memref<!tpu.dma_semaphore, #tpu.memory_space<semaphore_mem>>)
    %dma_start3A_1584 = arith.constant 1280 : i32
    %dma_start3A_1585 = arith.constant 0 : i32
    %dma_start3A_1586 = tpu.memref_slice %arg8[%dma_start3A_1584, %dma_start3A_1585] : memref<1536x16xf32, #tpu.memory_space<vmem>> -> memref<256x16xf32, #tpu.memory_space<vmem>>
    %dma_start3A_1587 = arith.constant 24320 : i32
    %dma_start3A_1588 = tpu.memref_slice %arg6[%dma_start3A_1587] : memref<24576xi32, #tpu.memory_space<vmem>> -> memref<256xi32, #tpu.memory_space<vmem>>
    %dma_start3A_1589 = arith.constant 0 : i32
    %dma_start3A_1590 = arith.constant 0 : i32
    %dma_start3A_1591 = tpu.memref_slice %arg9[%dma_start3A_1589, %dma_start3A_1590] : memref<12288x16xf32, #tpu.memory_space<vmem_shared>> -> memref<12288x16xf32, #tpu.memory_space<vmem_shared>>
    tpu.enqueue_indirect_dma source(%dma_start3A_1591 : memref<12288x16xf32, #tpu.memory_space<vmem_shared>>) target(%dma_start3A_1586 : memref<256x16xf32, #tpu.memory_space<vmem>>) offsets(%dma_start3A_1588 : memref<256xi32, #tpu.memory_space<vmem>>) semaphore(%arg11 : memref<!tpu.dma_semaphore, #tpu.memory_space<semaphore_mem>>)
    %dma_wait3A_1592 = arith.constant 0 : i32
    %dma_wait3A_1593 = arith.constant 0 : i32
    %dma_wait3A_1594 = tpu.memref_slice %arg7[%dma_wait3A_1592, %dma_wait3A_1593] : memref<1536x16xf32, #tpu.memory_space<vmem>> -> memref<256x16xf32, #tpu.memory_space<vmem>>
    %dma_wait3A_1595 = arith.constant 21504 : i32
    %dma_wait3A_1596 = tpu.memref_slice %arg6[%dma_wait3A_1595] : memref<24576xi32, #tpu.memory_space<vmem>> -> memref<256xi32, #tpu.memory_space<vmem>>
    %dma_wait3A_1597 = arith.constant 0 : i32
    %dma_wait3A_1598 = arith.constant 0 : i32
    %dma_wait3A_1599 = tpu.memref_slice %arg9[%dma_wait3A_1597, %dma_wait3A_1598] : memref<12288x16xf32, #tpu.memory_space<vmem_shared>> -> memref<12288x16xf32, #tpu.memory_space<vmem_shared>>
    tpu.wait_indirect_dma semaphore(%arg10 : memref<!tpu.dma_semaphore, #tpu.memory_space<semaphore_mem>>) src(%dma_wait3A_1599 : memref<12288x16xf32, #tpu.memory_space<vmem_shared>>) dst(%dma_wait3A_1594 : memref<256x16xf32, #tpu.memory_space<vmem>>)
    %dma_wait3A_1600 = arith.constant 256 : i32
    %dma_wait3A_1601 = arith.constant 0 : i32
    %dma_wait3A_1602 = tpu.memref_slice %arg7[%dma_wait3A_1600, %dma_wait3A_1601] : memref<1536x16xf32, #tpu.memory_space<vmem>> -> memref<256x16xf32, #tpu.memory_space<vmem>>
    %dma_wait3A_1603 = arith.constant 21760 : i32
    %dma_wait3A_1604 = tpu.memref_slice %arg6[%dma_wait3A_1603] : memref<24576xi32, #tpu.memory_space<vmem>> -> memref<256xi32, #tpu.memory_space<vmem>>
    %dma_wait3A_1605 = arith.constant 0 : i32
    %dma_wait3A_1606 = arith.constant 0 : i32
    %dma_wait3A_1607 = tpu.memref_slice %arg9[%dma_wait3A_1605, %dma_wait3A_1606] : memref<12288x16xf32, #tpu.memory_space<vmem_shared>> -> memref<12288x16xf32, #tpu.memory_space<vmem_shared>>
    tpu.wait_indirect_dma semaphore(%arg10 : memref<!tpu.dma_semaphore, #tpu.memory_space<semaphore_mem>>) src(%dma_wait3A_1607 : memref<12288x16xf32, #tpu.memory_space<vmem_shared>>) dst(%dma_wait3A_1602 : memref<256x16xf32, #tpu.memory_space<vmem>>)
    %dma_wait3A_1608 = arith.constant 512 : i32
    %dma_wait3A_1609 = arith.constant 0 : i32
    %dma_wait3A_1610 = tpu.memref_slice %arg7[%dma_wait3A_1608, %dma_wait3A_1609] : memref<1536x16xf32, #tpu.memory_space<vmem>> -> memref<256x16xf32, #tpu.memory_space<vmem>>
    %dma_wait3A_1611 = arith.constant 22016 : i32
    %dma_wait3A_1612 = tpu.memref_slice %arg6[%dma_wait3A_1611] : memref<24576xi32, #tpu.memory_space<vmem>> -> memref<256xi32, #tpu.memory_space<vmem>>
    %dma_wait3A_1613 = arith.constant 0 : i32
    %dma_wait3A_1614 = arith.constant 0 : i32
    %dma_wait3A_1615 = tpu.memref_slice %arg9[%dma_wait3A_1613, %dma_wait3A_1614] : memref<12288x16xf32, #tpu.memory_space<vmem_shared>> -> memref<12288x16xf32, #tpu.memory_space<vmem_shared>>
    tpu.wait_indirect_dma semaphore(%arg10 : memref<!tpu.dma_semaphore, #tpu.memory_space<semaphore_mem>>) src(%dma_wait3A_1615 : memref<12288x16xf32, #tpu.memory_space<vmem_shared>>) dst(%dma_wait3A_1610 : memref<256x16xf32, #tpu.memory_space<vmem>>)
    %dma_wait3A_1616 = arith.constant 768 : i32
    %dma_wait3A_1617 = arith.constant 0 : i32
    %dma_wait3A_1618 = tpu.memref_slice %arg7[%dma_wait3A_1616, %dma_wait3A_1617] : memref<1536x16xf32, #tpu.memory_space<vmem>> -> memref<256x16xf32, #tpu.memory_space<vmem>>
    %dma_wait3A_1619 = arith.constant 22272 : i32
    %dma_wait3A_1620 = tpu.memref_slice %arg6[%dma_wait3A_1619] : memref<24576xi32, #tpu.memory_space<vmem>> -> memref<256xi32, #tpu.memory_space<vmem>>
    %dma_wait3A_1621 = arith.constant 0 : i32
    %dma_wait3A_1622 = arith.constant 0 : i32
    %dma_wait3A_1623 = tpu.memref_slice %arg9[%dma_wait3A_1621, %dma_wait3A_1622] : memref<12288x16xf32, #tpu.memory_space<vmem_shared>> -> memref<12288x16xf32, #tpu.memory_space<vmem_shared>>
    tpu.wait_indirect_dma semaphore(%arg10 : memref<!tpu.dma_semaphore, #tpu.memory_space<semaphore_mem>>) src(%dma_wait3A_1623 : memref<12288x16xf32, #tpu.memory_space<vmem_shared>>) dst(%dma_wait3A_1618 : memref<256x16xf32, #tpu.memory_space<vmem>>)
    %dma_wait3A_1624 = arith.constant 1024 : i32
    %dma_wait3A_1625 = arith.constant 0 : i32
    %dma_wait3A_1626 = tpu.memref_slice %arg7[%dma_wait3A_1624, %dma_wait3A_1625] : memref<1536x16xf32, #tpu.memory_space<vmem>> -> memref<256x16xf32, #tpu.memory_space<vmem>>
    %dma_wait3A_1627 = arith.constant 22528 : i32
    %dma_wait3A_1628 = tpu.memref_slice %arg6[%dma_wait3A_1627] : memref<24576xi32, #tpu.memory_space<vmem>> -> memref<256xi32, #tpu.memory_space<vmem>>
    %dma_wait3A_1629 = arith.constant 0 : i32
    %dma_wait3A_1630 = arith.constant 0 : i32
    %dma_wait3A_1631 = tpu.memref_slice %arg9[%dma_wait3A_1629, %dma_wait3A_1630] : memref<12288x16xf32, #tpu.memory_space<vmem_shared>> -> memref<12288x16xf32, #tpu.memory_space<vmem_shared>>
    tpu.wait_indirect_dma semaphore(%arg10 : memref<!tpu.dma_semaphore, #tpu.memory_space<semaphore_mem>>) src(%dma_wait3A_1631 : memref<12288x16xf32, #tpu.memory_space<vmem_shared>>) dst(%dma_wait3A_1626 : memref<256x16xf32, #tpu.memory_space<vmem>>)
    %dma_wait3A_1632 = arith.constant 1280 : i32
    %dma_wait3A_1633 = arith.constant 0 : i32
    %dma_wait3A_1634 = tpu.memref_slice %arg7[%dma_wait3A_1632, %dma_wait3A_1633] : memref<1536x16xf32, #tpu.memory_space<vmem>> -> memref<256x16xf32, #tpu.memory_space<vmem>>
    %dma_wait3A_1635 = arith.constant 22784 : i32
    %dma_wait3A_1636 = tpu.memref_slice %arg6[%dma_wait3A_1635] : memref<24576xi32, #tpu.memory_space<vmem>> -> memref<256xi32, #tpu.memory_space<vmem>>
    %dma_wait3A_1637 = arith.constant 0 : i32
    %dma_wait3A_1638 = arith.constant 0 : i32
    %dma_wait3A_1639 = tpu.memref_slice %arg9[%dma_wait3A_1637, %dma_wait3A_1638] : memref<12288x16xf32, #tpu.memory_space<vmem_shared>> -> memref<12288x16xf32, #tpu.memory_space<vmem_shared>>
    tpu.wait_indirect_dma semaphore(%arg10 : memref<!tpu.dma_semaphore, #tpu.memory_space<semaphore_mem>>) src(%dma_wait3A_1639 : memref<12288x16xf32, #tpu.memory_space<vmem_shared>>) dst(%dma_wait3A_1634 : memref<256x16xf32, #tpu.memory_space<vmem>>)
    %add3A_1640 = arith.constant 21504 : i32
    %add3A_1641 = arith.addi %multiple_of3A, %add3A_1640 : i32
    %dma_start3A_1642 = arith.constant 0 : i32
    %dma_start3A_1643 = tpu.memref_slice %arg4[%add3A_1641, %dma_start3A_1642] : memref<786432x16xf32, #tpu.memory_space<hbm>> -> memref<1536x16xf32, #tpu.memory_space<hbm>>
    %dma_start3A_1644 = arith.constant 0 : i32
    %dma_start3A_1645 = tpu.memref_slice %arg4[%add3A_1641, %dma_start3A_1644] : memref<786432x16xf32, #tpu.memory_space<hbm>> -> memref<1536x16xf32, #tpu.memory_space<hbm>>
    tpu.enqueue_dma source(%arg7 : memref<1536x16xf32, #tpu.memory_space<vmem>>) target(%dma_start3A_1645 : memref<1536x16xf32, #tpu.memory_space<hbm>>) target_semaphore(%arg12 : memref<!tpu.dma_semaphore, #tpu.memory_space<semaphore_mem>>)
    %dma_wait3A_1646 = arith.constant 0 : i32
    %dma_wait3A_1647 = arith.constant 0 : i32
    %dma_wait3A_1648 = tpu.memref_slice %arg8[%dma_wait3A_1646, %dma_wait3A_1647] : memref<1536x16xf32, #tpu.memory_space<vmem>> -> memref<256x16xf32, #tpu.memory_space<vmem>>
    %dma_wait3A_1649 = arith.constant 23040 : i32
    %dma_wait3A_1650 = tpu.memref_slice %arg6[%dma_wait3A_1649] : memref<24576xi32, #tpu.memory_space<vmem>> -> memref<256xi32, #tpu.memory_space<vmem>>
    %dma_wait3A_1651 = arith.constant 0 : i32
    %dma_wait3A_1652 = arith.constant 0 : i32
    %dma_wait3A_1653 = tpu.memref_slice %arg9[%dma_wait3A_1651, %dma_wait3A_1652] : memref<12288x16xf32, #tpu.memory_space<vmem_shared>> -> memref<12288x16xf32, #tpu.memory_space<vmem_shared>>
    tpu.wait_indirect_dma semaphore(%arg11 : memref<!tpu.dma_semaphore, #tpu.memory_space<semaphore_mem>>) src(%dma_wait3A_1653 : memref<12288x16xf32, #tpu.memory_space<vmem_shared>>) dst(%dma_wait3A_1648 : memref<256x16xf32, #tpu.memory_space<vmem>>)
    %dma_wait3A_1654 = arith.constant 256 : i32
    %dma_wait3A_1655 = arith.constant 0 : i32
    %dma_wait3A_1656 = tpu.memref_slice %arg8[%dma_wait3A_1654, %dma_wait3A_1655] : memref<1536x16xf32, #tpu.memory_space<vmem>> -> memref<256x16xf32, #tpu.memory_space<vmem>>
    %dma_wait3A_1657 = arith.constant 23296 : i32
    %dma_wait3A_1658 = tpu.memref_slice %arg6[%dma_wait3A_1657] : memref<24576xi32, #tpu.memory_space<vmem>> -> memref<256xi32, #tpu.memory_space<vmem>>
    %dma_wait3A_1659 = arith.constant 0 : i32
    %dma_wait3A_1660 = arith.constant 0 : i32
    %dma_wait3A_1661 = tpu.memref_slice %arg9[%dma_wait3A_1659, %dma_wait3A_1660] : memref<12288x16xf32, #tpu.memory_space<vmem_shared>> -> memref<12288x16xf32, #tpu.memory_space<vmem_shared>>
    tpu.wait_indirect_dma semaphore(%arg11 : memref<!tpu.dma_semaphore, #tpu.memory_space<semaphore_mem>>) src(%dma_wait3A_1661 : memref<12288x16xf32, #tpu.memory_space<vmem_shared>>) dst(%dma_wait3A_1656 : memref<256x16xf32, #tpu.memory_space<vmem>>)
    %dma_wait3A_1662 = arith.constant 512 : i32
    %dma_wait3A_1663 = arith.constant 0 : i32
    %dma_wait3A_1664 = tpu.memref_slice %arg8[%dma_wait3A_1662, %dma_wait3A_1663] : memref<1536x16xf32, #tpu.memory_space<vmem>> -> memref<256x16xf32, #tpu.memory_space<vmem>>
    %dma_wait3A_1665 = arith.constant 23552 : i32
    %dma_wait3A_1666 = tpu.memref_slice %arg6[%dma_wait3A_1665] : memref<24576xi32, #tpu.memory_space<vmem>> -> memref<256xi32, #tpu.memory_space<vmem>>
    %dma_wait3A_1667 = arith.constant 0 : i32
    %dma_wait3A_1668 = arith.constant 0 : i32
    %dma_wait3A_1669 = tpu.memref_slice %arg9[%dma_wait3A_1667, %dma_wait3A_1668] : memref<12288x16xf32, #tpu.memory_space<vmem_shared>> -> memref<12288x16xf32, #tpu.memory_space<vmem_shared>>
    tpu.wait_indirect_dma semaphore(%arg11 : memref<!tpu.dma_semaphore, #tpu.memory_space<semaphore_mem>>) src(%dma_wait3A_1669 : memref<12288x16xf32, #tpu.memory_space<vmem_shared>>) dst(%dma_wait3A_1664 : memref<256x16xf32, #tpu.memory_space<vmem>>)
    %dma_wait3A_1670 = arith.constant 768 : i32
    %dma_wait3A_1671 = arith.constant 0 : i32
    %dma_wait3A_1672 = tpu.memref_slice %arg8[%dma_wait3A_1670, %dma_wait3A_1671] : memref<1536x16xf32, #tpu.memory_space<vmem>> -> memref<256x16xf32, #tpu.memory_space<vmem>>
    %dma_wait3A_1673 = arith.constant 23808 : i32
    %dma_wait3A_1674 = tpu.memref_slice %arg6[%dma_wait3A_1673] : memref<24576xi32, #tpu.memory_space<vmem>> -> memref<256xi32, #tpu.memory_space<vmem>>
    %dma_wait3A_1675 = arith.constant 0 : i32
    %dma_wait3A_1676 = arith.constant 0 : i32
    %dma_wait3A_1677 = tpu.memref_slice %arg9[%dma_wait3A_1675, %dma_wait3A_1676] : memref<12288x16xf32, #tpu.memory_space<vmem_shared>> -> memref<12288x16xf32, #tpu.memory_space<vmem_shared>>
    tpu.wait_indirect_dma semaphore(%arg11 : memref<!tpu.dma_semaphore, #tpu.memory_space<semaphore_mem>>) src(%dma_wait3A_1677 : memref<12288x16xf32, #tpu.memory_space<vmem_shared>>) dst(%dma_wait3A_1672 : memref<256x16xf32, #tpu.memory_space<vmem>>)
    %dma_wait3A_1678 = arith.constant 1024 : i32
    %dma_wait3A_1679 = arith.constant 0 : i32
    %dma_wait3A_1680 = tpu.memref_slice %arg8[%dma_wait3A_1678, %dma_wait3A_1679] : memref<1536x16xf32, #tpu.memory_space<vmem>> -> memref<256x16xf32, #tpu.memory_space<vmem>>
    %dma_wait3A_1681 = arith.constant 24064 : i32
    %dma_wait3A_1682 = tpu.memref_slice %arg6[%dma_wait3A_1681] : memref<24576xi32, #tpu.memory_space<vmem>> -> memref<256xi32, #tpu.memory_space<vmem>>
    %dma_wait3A_1683 = arith.constant 0 : i32
    %dma_wait3A_1684 = arith.constant 0 : i32
    %dma_wait3A_1685 = tpu.memref_slice %arg9[%dma_wait3A_1683, %dma_wait3A_1684] : memref<12288x16xf32, #tpu.memory_space<vmem_shared>> -> memref<12288x16xf32, #tpu.memory_space<vmem_shared>>
    tpu.wait_indirect_dma semaphore(%arg11 : memref<!tpu.dma_semaphore, #tpu.memory_space<semaphore_mem>>) src(%dma_wait3A_1685 : memref<12288x16xf32, #tpu.memory_space<vmem_shared>>) dst(%dma_wait3A_1680 : memref<256x16xf32, #tpu.memory_space<vmem>>)
    %dma_wait3A_1686 = arith.constant 1280 : i32
    %dma_wait3A_1687 = arith.constant 0 : i32
    %dma_wait3A_1688 = tpu.memref_slice %arg8[%dma_wait3A_1686, %dma_wait3A_1687] : memref<1536x16xf32, #tpu.memory_space<vmem>> -> memref<256x16xf32, #tpu.memory_space<vmem>>
    %dma_wait3A_1689 = arith.constant 24320 : i32
    %dma_wait3A_1690 = tpu.memref_slice %arg6[%dma_wait3A_1689] : memref<24576xi32, #tpu.memory_space<vmem>> -> memref<256xi32, #tpu.memory_space<vmem>>
    %dma_wait3A_1691 = arith.constant 0 : i32
    %dma_wait3A_1692 = arith.constant 0 : i32
    %dma_wait3A_1693 = tpu.memref_slice %arg9[%dma_wait3A_1691, %dma_wait3A_1692] : memref<12288x16xf32, #tpu.memory_space<vmem_shared>> -> memref<12288x16xf32, #tpu.memory_space<vmem_shared>>
    tpu.wait_indirect_dma semaphore(%arg11 : memref<!tpu.dma_semaphore, #tpu.memory_space<semaphore_mem>>) src(%dma_wait3A_1693 : memref<12288x16xf32, #tpu.memory_space<vmem_shared>>) dst(%dma_wait3A_1688 : memref<256x16xf32, #tpu.memory_space<vmem>>)
    %add3A_1694 = arith.constant 23040 : i32
    %add3A_1695 = arith.addi %multiple_of3A, %add3A_1694 : i32
    %dma_start3A_1696 = arith.constant 0 : i32
    %dma_start3A_1697 = tpu.memref_slice %arg4[%add3A_1695, %dma_start3A_1696] : memref<786432x16xf32, #tpu.memory_space<hbm>> -> memref<1536x16xf32, #tpu.memory_space<hbm>>
    %dma_start3A_1698 = arith.constant 0 : i32
    %dma_start3A_1699 = tpu.memref_slice %arg4[%add3A_1695, %dma_start3A_1698] : memref<786432x16xf32, #tpu.memory_space<hbm>> -> memref<1536x16xf32, #tpu.memory_space<hbm>>
    tpu.enqueue_dma source(%arg8 : memref<1536x16xf32, #tpu.memory_space<vmem>>) target(%dma_start3A_1699 : memref<1536x16xf32, #tpu.memory_space<hbm>>) target_semaphore(%arg13 : memref<!tpu.dma_semaphore, #tpu.memory_space<semaphore_mem>>)
    %dma_wait3A_1700 = arith.constant 0 : i32
    %dma_wait3A_1701 = tpu.memref_slice %arg4[%add3A_1641, %dma_wait3A_1700] : memref<786432x16xf32, #tpu.memory_space<hbm>> -> memref<1536x16xf32, #tpu.memory_space<hbm>>
    %dma_wait3A_1702 = arith.constant 0 : i32
    %dma_wait3A_1703 = tpu.memref_slice %arg4[%add3A_1641, %dma_wait3A_1702] : memref<786432x16xf32, #tpu.memory_space<hbm>> -> memref<1536x16xf32, #tpu.memory_space<hbm>>
    tpu.wait_dma2 semaphore(%arg12 : memref<!tpu.dma_semaphore, #tpu.memory_space<semaphore_mem>>) src(%arg7 : memref<1536x16xf32, #tpu.memory_space<vmem>>) dst(%dma_wait3A_1703 : memref<1536x16xf32, #tpu.memory_space<hbm>>)
    %dma_wait3A_1704 = arith.constant 0 : i32
    %dma_wait3A_1705 = tpu.memref_slice %arg4[%add3A_1695, %dma_wait3A_1704] : memref<786432x16xf32, #tpu.memory_space<hbm>> -> memref<1536x16xf32, #tpu.memory_space<hbm>>
    %dma_wait3A_1706 = arith.constant 0 : i32
    %dma_wait3A_1707 = tpu.memref_slice %arg4[%add3A_1695, %dma_wait3A_1706] : memref<786432x16xf32, #tpu.memory_space<hbm>> -> memref<1536x16xf32, #tpu.memory_space<hbm>>
    tpu.wait_dma2 semaphore(%arg13 : memref<!tpu.dma_semaphore, #tpu.memory_space<semaphore_mem>>) src(%arg8 : memref<1536x16xf32, #tpu.memory_space<vmem>>) dst(%dma_wait3A_1707 : memref<1536x16xf32, #tpu.memory_space<hbm>>)
    return
  }
}

</mosaic_0001>

<sc_bundles>
// kernel: _impl.3.cloned.1.call-start
scs
__scs_entry_jumppad:
0x0: {  	(pc) =	sbr.rel $0x88, $3  }
0x1: {  	(tag) =	ssettag $0x0;
	lr =	simm.s32 $0x1  }
0x2: {  	[smem:$0x3F9F] =	sst lr;
	_ =	strace $0xD0000000  }
0x3: {  	_ = 	snop  }
0x4: {  	_ = 	snop  }
0x5: {  	_ = 	snop  }
0x6: {  	_ = 	snop  }
0x7: {  	_ = 	snop  }
__scs_overlays_trampoline_lowered:
0x8: {  	[smem:$0x3FAE] =	sst s0  }
0x9: {  	[smem:$0x3FAF] =	sst s1  }
0xa: {  	[smem:$0x3FB0] =	sst s2  }
0xb: {  	[smem:$0x3FB1] =	sst s3  }
0xc: {  	[smem:$0x3FB2] =	sst s4  }
0xd: {  	[smem:$0x3FB3] =	sst s5  }
0xe: {  	[smem:$0x3FB4] =	sst s6  }
0xf: {  	[smem:$0x3FB5] =	sst s7  }
0x10: {  	[smem:$0x3FB6] =	sst s8  }
0x11: {  	[smem:$0x3FB7] =	sst s9;
	s0 =	simm.s32 @!p0 $0x0  }
0x12: {  	s1 =	sld [smem:$0x3F9D];
	s0 =	simm.s32 @p0 $0x1  }
0x13: {  	[smem:$0x3FB8] =	sst s0;
	s0 =	simm.s32 @!p1 $0x0  }
0x14: {  	s2 =	sld [smem:$0x3F9C];
	s0 =	simm.s32 @p1 $0x1  }
0x15: {  	[smem:$0x3FB9] =	sst s0;
	s0 =	simm.s32 @!p2 $0x0  }
0x16: {  	s3 =	sld [smem:$0x3FDB];
	s0 =	simm.s32 @p2 $0x1  }
0x17: {  	s4 =	simm.s32 $0x1BF5;
	[smem:$0x3FBB] =	sst s0  }
0x18: {  	s0 =	sld [smem:$0x3F9E];
	_ =	swait.ge [sflag:s4], $0x0  }
0x19: {  	s7 =	sld [smem:$0x3F9F]  }
0x1a: {  	s8 =	sadd.s32 $0xFFFFE003, lr  }
0x1b: {  	s9 =	sadd.s32 $0xFFFFFEF7, lr;
	s5 =	simm.s32 $0xFFFFFFFF;
	p2 =	slt.u32 s8, $0xFFFFF086  }
0x1c: {  	p1 =	slt.u32 s9, $0xF7A;
	s5 =	simm.s32 @!p2 $0x0  }
0x1d: {  	s5 =	simm.s32 @p1 $0x1;
	p0 =	seq.s32 s7, s2  }
0x1e: {  	s7 =	smul.u32 @!p0 $0xF7A, s2;
	p2 =	seq.s32 @!p0 s5, $0x0  }
0x1f: {  	s9 =	smul.u32 $0xF7A, s1;
	s8 =	simm.s32 @!p0 $0x1BF5;
	p2 =	por !p2, p0  }
0x20: {  	[sflag:s8] =	ssyncset.s32 @!p0 $0xFFFFF086;
	s6 =	sadd.s32 @!p0 s3, s7;
	s7 =	simm.s32 @!p0 $0x108  }
0x21: {  	s3 =	sadd.s32 s3, s9;
	s6 =	sadd.s32 @!p0 $0x88, s6;
	s7 =	simm.s32 @p2 $0x1082  }
0x22: {  	[simem:s7], [sflag:s8] =	dma.local @!p0 [hbm:s6], $0xF7A  }
0x23: {  	s9 =	sor.u32 $0xD0000000, s2;
	s6 =	simm.s32 $0x108;
	_ =	swait.ge @!p0 [sflag:s8], $0x0  }
0x24: {  	s3 =	sadd.s32 $0x88, s3;
	s6 =	simm.s32 @!p1 $0x1082;
	[sflag:s4] =	ssyncset.s32 $0xFFFFF086  }
0x25: {  	[simem:s6], [sflag:s4] =	dma.local [hbm:s3], $0xF7A  }
0x26: {  	[smem:$0x3F9F] =	sst s1;
	(tag) =	ssettag s2;
	_ =	strace s9  }
0x27: {  	s1 =	sld [smem:$0x3FAF]  }
0x28: {  	s2 =	sld [smem:$0x3FB0]  }
0x29: {  	s4 =	sld [smem:$0x3FB2]  }
0x2a: {  	p0 =	seq.s32 s5, $0x0;
	s5 =	sld [smem:$0x3FB3]  }
0x2b: {  	s6 =	sld [smem:$0x3FB4]  }
0x2c: {  	s7 =	sld [smem:$0x3FB5]  }
0x2d: {  	s3 =	simm.s32 $0x108;
	s8 =	sld [smem:$0x3FB6]  }
0x2e: {  	s3 =	simm.s32 @!p0 $0x1082;
	s9 =	sld [smem:$0x3FB7]  }
0x2f: {  	lr =	sadd.s32 s0, s3;
	s0 =	sld [smem:$0x3FAE]  }
0x30: {  	s3 =	sld [smem:$0x3FB1]  }
0x31: {  	[smem:$0x3FBA] =	sst s10  }
0x32: {  	s10 =	sld [smem:$0x3FB8];
	_ =	sdelay $0x3  }
0x33: {  	p0 =	seq.s32 s10, $0x1;
	s10 =	sld [smem:$0x3FBA];
	_ =	sdelay $0x3  }
0x34: {  	[smem:$0x3FBA] =	sst s10  }
0x35: {  	s10 =	sld [smem:$0x3FB9];
	_ =	sdelay $0x3  }
0x36: {  	p1 =	seq.s32 s10, $0x1;
	s10 =	sld [smem:$0x3FBA];
	_ =	sdelay $0x3  }
0x37: {  	[smem:$0x3FBA] =	sst s10  }
0x38: {  	s10 =	sld [smem:$0x3FBB]  }
0x39: {  	_ = 	snop;
	(pc) =	sbr.ind lr, $3  }
0x3a: {  	_ = 	snop  }
0x3b: {  	_ = 	snop  }
0x3c: {  	p2 =	seq.s32 s10, $0x1;
	s10 =	sld [smem:$0x3FBA]  }
0x3d: {  	_ =	shalt  }
0x3e: {  	_ =	shalt  }
0x3f: {  	_ =	shalt  }
0x40: {  	_ =	shalt  }
0x41: {  	_ =	shalt  }
0x42: {  	_ =	shalt  }
0x43: {  	_ =	shalt  }
0x44: {  	_ =	shalt  }
0x45: {  	_ =	shalt  }
0x46: {  	_ =	shalt  }
0x47: {  	_ =	shalt  }
0x48: {  	_ =	shalt  }
0x49: {  	_ =	shalt  }
0x4a: {  	_ =	shalt  }
0x4b: {  	_ =	shalt  }
0x4c: {  	_ =	shalt  }
0x4d: {  	_ =	shalt  }
0x4e: {  	_ =	shalt  }
0x4f: {  	_ =	shalt  }
0x50: {  	_ =	shalt  }
0x51: {  	_ =	shalt  }
0x52: {  	_ =	shalt  }
0x53: {  	_ =	shalt  }
0x54: {  	_ =	shalt  }
0x55: {  	_ =	shalt  }
0x56: {  	_ =	shalt  }
0x57: {  	_ =	shalt  }
0x58: {  	_ =	shalt  }
0x59: {  	_ =	shalt  }
0x5a: {  	_ =	shalt  }
0x5b: {  	_ =	shalt  }
0x5c: {  	_ =	shalt  }
0x5d: {  	_ =	shalt  }
0x5e: {  	_ =	shalt  }
0x5f: {  	_ =	shalt  }
0x60: {  	_ =	shalt  }
0x61: {  	_ =	shalt  }
0x62: {  	_ =	shalt  }
0x63: {  	_ =	shalt  }
0x64: {  	_ =	shalt  }
0x65: {  	_ =	shalt  }
0x66: {  	_ =	shalt  }
0x67: {  	_ =	shalt  }
0x68: {  	_ =	shalt  }
0x69: {  	_ =	shalt  }
0x6a: {  	_ =	shalt  }
0x6b: {  	_ =	shalt  }
0x6c: {  	_ =	shalt  }
0x6d: {  	_ =	shalt  }
0x6e: {  	_ =	shalt  }
0x6f: {  	_ =	shalt  }
0x70: {  	_ =	shalt  }
0x71: {  	_ =	shalt  }
0x72: {  	_ =	shalt  }
0x73: {  	_ =	shalt  }
0x74: {  	_ =	shalt  }
0x75: {  	_ =	shalt  }
0x76: {  	_ =	shalt  }
0x77: {  	_ =	shalt  }
0x78: {  	_ =	shalt  }
0x79: {  	_ =	shalt  }
0x7a: {  	_ =	shalt  }
0x7b: {  	_ =	shalt  }
0x7c: {  	_ =	shalt  }
0x7d: {  	_ =	shalt  }
0x7e: {  	_ =	shalt  }
0x7f: {  	_ =	shalt  }
0x80: {  	_ =	shalt  }
0x81: {  	_ =	shalt  }
0x82: {  	_ =	shalt  }
0x83: {  	_ =	shalt  }
0x84: {  	_ =	shalt  }
0x85: {  	_ =	shalt  }
0x86: {  	_ =	shalt  }
0x87: {  	_ =	shalt  }
.Lfunc_end0:
.L_simem_size_0:
called_computation_lowered:
.L_overlay_start_0:
0x88: {  	s2 =	sld [smem:$0x3FD9]  }
0x89: {  	s3 =	sld [smem:$0x3FFE];
	_ =	sdelay $0x1  }
0x8a: {  	s1 =	srdreg.scid  }
0x8b: {  	s0 =	sand.u32 $0x1, s1  }
0x8c: {  	s17 =	sshll.u32 s0, $0xA;
	s2 =	sadd.s32 s3, s2  }
0x8d: {  	s2 =	sadd.s32 s2, s17  }
0x8e: {  	[smem:$0x3FC6] =	sst s2  }
0x8f: {  	_ = 	snop  }
0x90: {  	s2 =	sld [smem:$0x3FD0];
	(tm) =	ssettm $0x1  }
0x91: {  	s18 =	sld [smem:$0x3FFB];
	_ =	sdelay $0x3  }
0x92: {  	_ =	strace s18  }
0x93: {  	s3 =	sld [smem:$0x3FFC];
	_ =	sdelay $0x3  }
0x94: {  	_ =	strace s3  }
0x95: {  	s3 =	sld [smem:$0x3FFD];
	_ =	sdelay $0x3  }
0x96: {  	_ =	strace s3  }
0x97: {  	_ =	strace $0x8FFFFFFF  }
0x98: {  	s19 =	sld [smem:$0x3FDB];
	_ =	sdelay $0x1  }
0x99: {  	s4 =	simm.s32 $_scs_section_size  }
0x9a: {  	s5 =	simm.s32 $_size__tile_overlayer_lowered;
	s6 =	simm.s32 $_tile_overlayer_lowered  }
0x9b: {  	s22 =	simm.s32 $0x1BFF;
	s21 =	sshll.u32 s6, $0x1;
	s3 =	sadd.s32 s4, s19  }
0x9c: {  	s7 =	simm.s32 $0x0;
	s20 =	sshll.u32 s5, $0x1;
	s5 =	sadd.s32 s21, s3  }
0x9d: {  	[timem:s7], [sflag:s22] =	dma.local [hbm:s5], s20  }
0x9e: {  	_ =	swait.ge [sflag:s22], s20  }
0x9f: {  	s4 =	ssub.s32 $0x0, s20;
	[sflag:s22] =	ssyncset.done $0x0  }
0xa0: {  	[sflag:s22] =	ssyncadd.s32 s4;
	_ =	sdelay $0x1  }
0xa1: {  	s23 =	simm.s32 $0x1B8B  }
0xa2: {  	_ =	swait.ge [sflag:s23], $0x1  }
0xa3: {  	[sflag:s23] =	ssyncset.done $0x0  }
0xa4: {  	s25 =	simm.s32 $0x1B8E;
	s24 =	sld [smem:$0x3FFE];
	[sflag:s23] =	ssyncadd.s32 $0xFFFFFFFF  }
0xa5: {  	s26 =	simm.s32 $execute0_lowered;
	[smem:$0x3FD2] =	sst s25  }
0xa6: {  	s5 =	sshll.u32 s26, $0x1;
	_ =	strace $0x80000046;
	[dreg:$0x1] =	wrdreg $0xFFFFFFFF  }
0xa7: {  	s28 =	simm.s32 $_size_execute0_lowered;
	s3 =	sadd.s32 s3, s5;
	[dreg:$0x0] =	wrdreg $0x0  }
0xa8: {  	s5 =	sshll.u32 s28, $0x1;
	[dreg:$0x2] =	wrdreg s3  }
0xa9: {  	[dreg:$0x3] =	wrdreg s5  }
0xaa: {  	[dreg:$0x4] =	wrdreg $0xC0  }
0xab: {  	_ =	task [dreg:s7], $0x5FFFF  }
0xac: {  	[dreg:$0x1] =	wrdreg $0xFFFFFFFF  }
0xad: {  	[dreg:$0x0] =	wrdreg $0x60  }
0xae: {  	[dreg:$0x2] =	wrdreg s24  }
0xaf: {  	[dreg:$0x3] =	wrdreg s2  }
0xb0: {  	[dreg:$0x4] =	wrdreg $0x180000  }
0xb1: {  	[dreg:$0x5] =	wrdreg $0x9  }
0xb2: {  	_ =	task.clear_ibuf [dreg:s7], $0x6FFFF;
	_ =	strace $0x90000046  }
0xb3: {  	s29 =	simm.s32 $0x9;
	_ =	strace $0x80000048  }
0xb4: {  	_ =	swait.ge [sflag:s29], $0x1  }
0xb5: {  	[sflag:s29] =	ssyncadd.s32 $0xFFFFFFFF  }
0xb6: {  	_ =	strace $0x90000048  }
0xb7: {  	_ =	sfence  }
0xb8: {  	s30 =	sld [smem:$0x0];
	_ =	sdelay $0x2  }
0xb9: {  	s31 =	sshll.u32 s1, $0xD;
	s1 =	sshrl.u32 s1, $0x2  }
0xba: {  	s3 =	sand.u32 $0x4000, s31;
	s1 =	sadd.s32 s1, s30  }
0xbb: {  	s0 =	sor.u32 s3, s0;
	s1 =	sshll.u32 s1, $0x11  }
0xbc: {  	s0 =	sor.u32 s1, s0  }
0xbd: {  	s0 =	sadd.s32 $0x8F2B, s0  }
0xbe: {  	[sflag:s0] =	ssyncadd.remote.s32 $0x1  }
0xbf: {  	_ =	sfence.sel $0xFFFF  }
0xc0: {  	[dreg:$0x0] =	wrdreg $0xFFFFFFFF;
	(pc) =	sbr.abs _section_cstart, $3  }
0xc1: {  	[dreg:$0x1] =	wrdreg $0xFFFFFFFF  }
0xc2: {  	_ =	task.clear_ibuf [dreg:s7], $0x2FFFF;
	_ =	strace $0x9FFFFFFF  }
0xc3: {  	(tm) =	ssettm $0x7FFFFFFF  }
tec
execute0_lowered:
.L_overlay_start_1:
0x0: {  	(tag) =	ssettag $0x1  }
0x1: {  	s0 =	rddreg [dreg:$0x0]  }
0x2: {  	s3 =	rddreg [dreg:$0x1]  }
0x3: {  	s2 =	srdreg.scid;
	s4 =	stileid.u32  }
0x4: {  	s1 =	rddreg [dreg:$0x2];
	s5 =	sand.u32 $0x1, s2;
	s6 =	sshll.u32 s4, $0x1  }
0x5: {  	s29 =	simm.s32 $0xD000;
	s31 =	simm.s32 $0xE000;
	s6 =	sor.u32 s5, s6  }
0x6: {  	s30 =	simm.s32 $0x10000;
	s2 =	simm.s32 $0x0;
	s7 =	smul.u32 $0xC00, s6  }
0x7: {  	s28 =	simm.s32 $0x11000;
	[smem:$0x7FF] =	sst s2;
	s5 =	ssub.s32 $0x2, s5  }
0x8: {  	s8 =	smul.u32 $0xC000, s6;
	s7 =	sadd.s32 s7, s0;
	s0 =	sadd.s32 $0x600, s0  }
0x9: {  	_ =	strace $0x80000047;
	s14 =	sshrl.u32 s5, $0x1;
	[dreg:$0x4] =	wrdreg s0  }
0xa: {  	s0 =	ssub.s32 s5, s14;
	s15 =	sadd.s32 $0x6600, s7;
	s5 =	sadd.s32 s3, s8  }
0xb: {  	s9 =	simm.s32 $0x1;
	[dreg:$0x5] =	wrdreg s15;
	s16 =	sadd.s32 $0xC00, s5  }
0xc: {  	s6 =	smul.u32 $0x60000, s6;
	s17 =	sadd.s32 $0x1800, s5;
	[dreg:$0x6] =	wrdreg s16  }
0xd: {  	s10 =	simm.s32 $0x3;
	s18 =	sadd.s32 $0x2400, s5;
	[dreg:$0x7] =	wrdreg s17  }
0xe: {  	s6 =	sshrl.u32 s6, $0x3;
	s19 =	sadd.s32 $0x3000, s5;
	[dreg:$0x8] =	wrdreg s18  }
0xf: {  	s3 =	sadd.s32 s3, s6;
	s20 =	sadd.s32 $0x3C00, s5;
	[dreg:$0x9] =	wrdreg s19  }
0x10: {  	s11 =	simm.s32 $0x2;
	s21 =	sadd.s32 $0x4800, s3;
	[dreg:$0xa] =	wrdreg s20  }
0x11: {  	s12 =	simm.s32 $0x4;
	s22 =	sadd.s32 $0x5400, s3;
	[dreg:$0xb] =	wrdreg s21  }
0x12: {  	s13 =	simm.s32 $0x0;
	s23 =	sadd.s32 $0x6000, s3;
	[dreg:$0xc] =	wrdreg s22  }
0x13: {  	p0 =	sne.s32 s4, $0x0;
	s24 =	sadd.s32 $0x6C00, s3;
	[dreg:$0xd] =	wrdreg s23  }
0x14: {  	s4 =	simm.s32 $0x14000;
	s25 =	sadd.s32 $0x7800, s3;
	[dreg:$0xe] =	wrdreg s24  }
0x15: {  	v0 =	vlaneseq.u32;
	s6 =	simm.s32 $0x15000;
	s26 =	sadd.s32 $0x8400, s3;
	[dreg:$0xf] =	wrdreg s25  }
0x16: {  	v0 =	vand.u32 $0x7, v0;
	s7 =	simm.s32 $0x16000;
	s8 =	simm.s32 $0x17000;
	[dreg:$0x10] =	wrdreg s26  }
0x17: {  	v0 =	vmul.u32 $0x100, v0;
	s17 =	sadd.s32 $0x9000, s3;
	s18 =	sadd.s32 $0x9C00, s3;
	s19 =	sadd.s32 $0xA800, s3  }
0x18: {  	s20 =	sadd.s32 $0xB400, s3;
	s21 =	smax.u32 s0, $0x1;
	s22 =	sshrl.u32 @!p0 s1, $0x3  }
0x19: {  	vm0 =	vmmov $0xff;
	v1 =	vor.u32 $0x800, v0;
	v2 =	vor.u32 $0x1000, v0;
	s23 =	simm.s32 $0x5;
	s24 =	simm.s32 $0x100;
	s26 =	simm.s32 $0xC000  }
0x1a: {  	v3 =	vor.u32 $0x1800, v0;
	v4 =	vor.u32 $0x2000, v0;
	v5 =	vor.u32 $0x2800, v0;
	s25 =	simm.s32 $0xF000;
	s0 =	simm.s32 $0x12000;
	s3 =	simm.s32 $0x13000  }
.LBB2_1:
0x1b: {  	s14 =	simm.s32 @!p0 $0x1C05;
	s15 =	rddreg [dreg:$0x4]  }
0x1c: {  	[spmem:s22], [sflag:s14] =	dma.local @!p0 [hbm:s15], $0x6000  }
0x1d: {  	s14 =	simm.s32 @!p0 $0x5  }
0x1e: {  	_ =	swait.ge @!p0 [sflag:s14], $0x6000  }
0x1f: {  	[sflag:s14] =	ssyncset.done @!p0 $0x0  }
0x20: {  	[sflag:s14] =	ssyncadd.s32 @!p0 $0xFFFFA000  }
0x21: {  	[bflag:$0x0] =	sbarrier.arrive $0xFFFF  }
0x22: {  	s16 =	rddreg [dreg:$0x5]  }
0x23: {  	[tilespmem:s2], [sflag:$0x5] =	stream.linear.gather [hbm4b:s16+s2], $0x6000, $0x38;
	[tilespmem:$0x1B000] =	vst v63  }
0x24: {  	_ =	swait.ge [sflag:s23], $0x6000  }
0x25: {  	[sflag:s23] =	ssyncset.done $0x0  }
0x26: {  	s14 =	simm.s32 $0x0;
	[sflag:s23] =	ssyncadd.s32 $0xFFFFA000  }
0x27: {  	v6 =	vld [tilespmem:s14+$0x148]  }
0x28: {  	v7 =	vld [tilespmem:s14+$0x170]  }
0x29: {  	v8 =	vld [tilespmem:s14+$0x0]  }
0x2a: {  	v9 =	vld [tilespmem:s14+$0x28]  }
0x2b: {  	v10 =	vld [tilespmem:s14+$0x60]  }
0x2c: {  	v11 =	vld [tilespmem:s14+$0x88]  }
0x2d: {  	v12 =	vld [tilespmem:s14+$0xC0]  }
0x2e: {  	v13 =	vld [tilespmem:s14+$0x120]  }
0x2f: {  	v6 =	vsel vm0, v6, v7;
	v7 =	vld [tilespmem:s14+$0xE8]  }
0x30: {  	v57 =	vld [tilespmem:s14+$0xF0];
	v8 =	vsel vm0, v8, v9;
	v6 =	vadd.s32 v5, v6  }
0x31: {  	[tilespmem:s14+$0x6170] =	vst v6;
	v6 =	vadd.s32 v0, v8;
	v8 =	vld [tilespmem:s14+$0x148]  }
0x32: {  	v9 =	vld [tilespmem:s14+$0x8];
	[tilespmem:s14+$0x6000] =	vst v6;
	v6 =	vsel vm0, v10, v11  }
0x33: {  	v10 =	vld [tilespmem:s14+$0x30];
	v6 =	vadd.s32 v0, v6  }
0x34: {  	v11 =	vld [tilespmem:s14+$0x90];
	[tilespmem:s14+$0x6010] =	vst v6;
	v6 =	vsel vm0, v12, v7  }
0x35: {  	v7 =	vld [tilespmem:s14+$0x68];
	v6 =	vadd.s32 v0, v6  }
0x36: {  	v58 =	vld [tilespmem:s14+$0x98];
	[tilespmem:s14+$0x6020] =	vst v6;
	v6 =	vsel vm0, v13, v8  }
0x37: {  	v8 =	vld [tilespmem:s14+$0xC8];
	v6 =	vadd.s32 v0, v6  }
0x38: {  	[tilespmem:s14+$0x6030] =	vst v6;
	v6 =	vsel vm0, v9, v10;
	v9 =	vld [tilespmem:s14+$0x128]  }
0x39: {  	v10 =	vld [tilespmem:s14+$0x150];
	v6 =	vadd.s32 v1, v6  }
0x3a: {  	[tilespmem:s14+$0x6040] =	vst v6;
	v6 =	vsel vm0, v7, v11;
	v7 =	vld [tilespmem:s14+$0x10]  }
0x3b: {  	v11 =	vld [tilespmem:s14+$0x38];
	v6 =	vadd.s32 v1, v6  }
0x3c: {  	v59 =	vld [tilespmem:s14+$0x40];
	[tilespmem:s14+$0x6050] =	vst v6;
	v6 =	vsel vm0, v8, v57  }
0x3d: {  	v8 =	vld [tilespmem:s14+$0x70];
	v6 =	vadd.s32 v1, v6  }
0x3e: {  	[tilespmem:s14+$0x6060] =	vst v6;
	v6 =	vsel vm0, v9, v10;
	v9 =	vld [tilespmem:s14+$0xD0]  }
0x3f: {  	v10 =	vld [tilespmem:s14+$0xF8];
	v6 =	vadd.s32 v1, v6  }
0x40: {  	[tilespmem:s14+$0x6070] =	vst v6;
	v6 =	vsel vm0, v7, v11;
	v7 =	vld [tilespmem:s14+$0x130]  }
0x41: {  	v11 =	vld [tilespmem:s14+$0x158];
	v6 =	vadd.s32 v2, v6  }
0x42: {  	v60 =	vld [tilespmem:s14+$0x160];
	[tilespmem:s14+$0x6080] =	vst v6;
	v6 =	vsel vm0, v8, v58  }
0x43: {  	v8 =	vld [tilespmem:s14+$0x18];
	v6 =	vadd.s32 v2, v6  }
0x44: {  	[tilespmem:s14+$0x6090] =	vst v6;
	v6 =	vsel vm0, v9, v10;
	v9 =	vld [tilespmem:s14+$0x78]  }
0x45: {  	v10 =	vld [tilespmem:s14+$0xA0];
	v6 =	vadd.s32 v2, v6  }
0x46: {  	[tilespmem:s14+$0x60A0] =	vst v6;
	v6 =	vsel vm0, v7, v11;
	v7 =	vld [tilespmem:s14+$0xD8]  }
0x47: {  	v11 =	vld [tilespmem:s14+$0x100];
	v6 =	vadd.s32 v2, v6  }
0x48: {  	v61 =	vld [tilespmem:s14+$0x108];
	[tilespmem:s14+$0x60B0] =	vst v6;
	v6 =	vsel vm0, v8, v59  }
0x49: {  	v8 =	vld [tilespmem:s14+$0x138];
	v6 =	vadd.s32 v3, v6  }
0x4a: {  	[tilespmem:s14+$0x60C0] =	vst v6;
	v6 =	vsel vm0, v9, v10;
	v9 =	vld [tilespmem:s14+$0x20]  }
0x4b: {  	v10 =	vld [tilespmem:s14+$0x48];
	v6 =	vadd.s32 v3, v6  }
0x4c: {  	[tilespmem:s14+$0x60D0] =	vst v6;
	v6 =	vsel vm0, v7, v11;
	v7 =	vld [tilespmem:s14+$0x80]  }
0x4d: {  	v11 =	vld [tilespmem:s14+$0xA8];
	v6 =	vadd.s32 v3, v6  }
0x4e: {  	v62 =	vld [tilespmem:s14+$0x168];
	[tilespmem:s14+$0x60E0] =	vst v6;
	v6 =	vsel vm0, v8, v60  }
0x4f: {  	v8 =	vld [tilespmem:s14+$0xE0];
	v6 =	vadd.s32 v3, v6  }
0x50: {  	[tilespmem:s14+$0x60F0] =	vst v6;
	v6 =	vsel vm0, v9, v10;
	v10 =	vld [tilespmem:s14+$0x140]  }
0x51: {  	v14 =	vld [tilespmem:s14+$0x50];
	v6 =	vadd.s32 v4, v6  }
0x52: {  	[tilespmem:s14+$0x6100] =	vst v6;
	v6 =	vsel vm0, v7, v11;
	v11 =	vld [tilespmem:s14+$0x28]  }
0x53: {  	v9 =	vld [tilespmem:s14+$0xB0];
	v6 =	vadd.s32 v4, v6  }
0x54: {  	[tilespmem:s14+$0x6110] =	vst v6;
	v6 =	vsel vm0, v8, v61;
	v8 =	vld [tilespmem:s14+$0x88]  }
0x55: {  	v6 =	vadd.s32 v4, v6;
	v7 =	vsel vm0, v10, v62;
	v10 =	vld [tilespmem:s14+$0x110]  }
0x56: {  	s16 =	simm.s32 $0x180;
	[tilespmem:s14+$0x6120] =	vst v6;
	v6 =	vld [tilespmem:s14+$0xE8];
	v63 =	vadd.s32 v4, v7  }
0x57: {  	s15 =	simm.s32 $0xC00;
	v7 =	vld [tilespmem:s16+$0x148];
	[tilespmem:s14+$0x6130] =	vst v63;
	v11 =	vsel vm0, v11, v14  }
.LBB2_2:
0x58: {  	p1 =	sne.s32 s15, $0x17A00;
	v12 =	vld [tilespmem:s16+$0x170];
	v11 =	vadd.s32 v5, v11  }
0x59: {  	v13 =	vld [tilespmem:s16+$0x0];
	[tilespmem:s14+$0x6140] =	vst v11;
	v8 =	vsel vm0, v8, v9  }
0x5a: {  	v9 =	vld [tilespmem:s16+$0x28];
	v8 =	vadd.s32 v5, v8  }
0x5b: {  	v11 =	vld [tilespmem:s16+$0x60];
	[tilespmem:s14+$0x6150] =	vst v8;
	v6 =	vsel vm0, v6, v10  }
0x5c: {  	v8 =	vld [tilespmem:s16+$0x88];
	v6 =	vadd.s32 v5, v6  }
0x5d: {  	v10 =	vld [tilespmem:s16+$0xC0];
	v7 =	vsel vm0, v7, v12;
	[tilespmem:s14+$0x6160] =	vst v6;
	s14 =	smov.u32 s16  }
0x5e: {  	v6 =	vld [tilespmem:s14+$0xE8];
	v7 =	vadd.s32 v5, v7  }
0x5f: {  	v9 =	vsel vm0, v13, v9;
	v12 =	vld [tilespmem:s14+$0x120];
	[tilespmem:s14+$0x6170] =	vst v7  }
0x60: {  	v7 =	vadd.s32 v0, v9;
	v9 =	vld [tilespmem:s14+$0x148]  }
0x61: {  	[tilespmem:s14+$0x6000] =	vst v7;
	v7 =	vsel vm0, v11, v8;
	v8 =	vld [tilespmem:s14+$0x8]  }
0x62: {  	v7 =	vadd.s32 v0, v7;
	v11 =	vld [tilespmem:s14+$0x30]  }
0x63: {  	[tilespmem:s14+$0x6010] =	vst v7;
	v6 =	vsel vm0, v10, v6;
	v7 =	vld [tilespmem:s14+$0x68]  }
0x64: {  	v6 =	vadd.s32 v0, v6;
	v10 =	vld [tilespmem:s14+$0x90]  }
0x65: {  	[tilespmem:s14+$0x6020] =	vst v6;
	v6 =	vsel vm0, v12, v9;
	v9 =	vld [tilespmem:s14+$0xC8]  }
0x66: {  	v6 =	vadd.s32 v0, v6;
	v12 =	vld [tilespmem:s14+$0xF0]  }
0x67: {  	[tilespmem:s14+$0x6030] =	vst v6;
	v6 =	vsel vm0, v8, v11;
	v8 =	vld [tilespmem:s14+$0x128]  }
0x68: {  	v6 =	vadd.s32 v1, v6;
	v11 =	vld [tilespmem:s14+$0x150]  }
0x69: {  	[tilespmem:s14+$0x6040] =	vst v6;
	v6 =	vsel vm0, v7, v10;
	v7 =	vld [tilespmem:s14+$0x10]  }
0x6a: {  	v6 =	vadd.s32 v1, v6;
	v10 =	vld [tilespmem:s14+$0x38]  }
0x6b: {  	[tilespmem:s14+$0x6050] =	vst v6;
	v6 =	vsel vm0, v9, v12;
	v9 =	vld [tilespmem:s14+$0x70]  }
0x6c: {  	v6 =	vadd.s32 v1, v6;
	v12 =	vld [tilespmem:s14+$0x98]  }
0x6d: {  	[tilespmem:s14+$0x6060] =	vst v6;
	v6 =	vsel vm0, v8, v11;
	v8 =	vld [tilespmem:s14+$0xD0]  }
0x6e: {  	v6 =	vadd.s32 v1, v6;
	v11 =	vld [tilespmem:s14+$0xF8]  }
0x6f: {  	[tilespmem:s14+$0x6070] =	vst v6;
	v6 =	vsel vm0, v7, v10;
	v7 =	vld [tilespmem:s14+$0x130]  }
0x70: {  	v6 =	vadd.s32 v2, v6;
	v10 =	vld [tilespmem:s14+$0x158]  }
0x71: {  	[tilespmem:s14+$0x6080] =	vst v6;
	v6 =	vsel vm0, v9, v12;
	v9 =	vld [tilespmem:s14+$0x18]  }
0x72: {  	v6 =	vadd.s32 v2, v6;
	v12 =	vld [tilespmem:s14+$0x40]  }
0x73: {  	[tilespmem:s14+$0x6090] =	vst v6;
	v6 =	vsel vm0, v8, v11;
	v8 =	vld [tilespmem:s14+$0x78]  }
0x74: {  	v6 =	vadd.s32 v2, v6;
	v11 =	vld [tilespmem:s14+$0xA0]  }
0x75: {  	[tilespmem:s14+$0x60A0] =	vst v6;
	v6 =	vsel vm0, v7, v10;
	v7 =	vld [tilespmem:s14+$0xD8]  }
0x76: {  	v6 =	vadd.s32 v2, v6;
	v10 =	vld [tilespmem:s14+$0x100]  }
0x77: {  	[tilespmem:s14+$0x60B0] =	vst v6;
	v6 =	vsel vm0, v9, v12;
	v9 =	vld [tilespmem:s14+$0x138]  }
0x78: {  	v6 =	vadd.s32 v3, v6;
	v12 =	vld [tilespmem:s14+$0x160]  }
0x79: {  	[tilespmem:s14+$0x60C0] =	vst v6;
	v6 =	vsel vm0, v8, v11;
	v8 =	vld [tilespmem:s14+$0x20]  }
0x7a: {  	v6 =	vadd.s32 v3, v6;
	v11 =	vld [tilespmem:s14+$0x48]  }
0x7b: {  	[tilespmem:s14+$0x60D0] =	vst v6;
	v6 =	vsel vm0, v7, v10;
	v7 =	vld [tilespmem:s14+$0x80]  }
0x7c: {  	v6 =	vadd.s32 v3, v6;
	v10 =	vld [tilespmem:s14+$0xA8]  }
0x7d: {  	[tilespmem:s14+$0x60E0] =	vst v6;
	v6 =	vsel vm0, v9, v12;
	v9 =	vld [tilespmem:s14+$0xE0]  }
0x7e: {  	v6 =	vadd.s32 v3, v6;
	v12 =	vld [tilespmem:s14+$0x108]  }
0x7f: {  	[tilespmem:s14+$0x60F0] =	vst v6;
	v6 =	vsel vm0, v8, v11;
	v11 =	vld [tilespmem:s14+$0x140]  }
0x80: {  	v6 =	vadd.s32 v4, v6;
	v13 =	vld [tilespmem:s14+$0x168]  }
0x81: {  	[tilespmem:s14+$0x6100] =	vst v6;
	v6 =	vsel vm0, v7, v10;
	v14 =	vld [tilespmem:s14+$0x28]  }
0x82: {  	v6 =	vadd.s32 v4, v6;
	v15 =	vld [tilespmem:s14+$0x50]  }
.Ltmp0:
0x83: {  	[tilespmem:s14+$0x6110] =	vst v6;
	v6 =	vsel vm0, v9, v12;
	v8 =	vld [tilespmem:s14+$0x88];
	(pc) =	sbr.rel @p1 .LBB2_2-.Ltmp0, $4  }
0x84: {  	v6 =	vadd.s32 v4, v6;
	v9 =	vld [tilespmem:s14+$0xB0]  }
0x85: {  	[tilespmem:s14+$0x6120] =	vst v6;
	v7 =	vsel vm0, v11, v13;
	v6 =	vld [tilespmem:s14+$0xE8]  }
0x86: {  	s16 =	sshra.s32 s15, $0x2;
	v11 =	vadd.s32 v4, v7;
	v10 =	vld [tilespmem:s14+$0x110]  }
0x87: {  	s15 =	sadd.s32 $0x600, s15;
	v7 =	vld [tilespmem:s16+$0x148];
	[tilespmem:s14+$0x6130] =	vst v11;
	v11 =	vsel vm0, v14, v15  }
0x88: {  	v12 =	vld [tilespmem:s16+$0x170];
	v11 =	vadd.s32 v5, v11  }
0x89: {  	v13 =	vld [tilespmem:s16+$0x0];
	[tilespmem:s14+$0x6140] =	vst v11;
	v8 =	vsel vm0, v8, v9  }
0x8a: {  	v28 =	vld [tilespmem:s16+$0x28];
	v8 =	vadd.s32 v5, v8  }
0x8b: {  	v11 =	vld [tilespmem:s16+$0x60];
	[tilespmem:s14+$0x6150] =	vst v8;
	v6 =	vsel vm0, v6, v10  }
0x8c: {  	v8 =	vld [tilespmem:s16+$0x88];
	v6 =	vadd.s32 v5, v6  }
0x8d: {  	v29 =	vld [tilespmem:s16+$0xC0];
	[tilespmem:s14+$0x6160] =	vst v6  }
0x8e: {  	v6 =	vsel vm0, v7, v12;
	v7 =	vld [tilespmem:s16+$0xE8]  }
0x8f: {  	v30 =	vld [tilespmem:s16+$0x120]  }
0x90: {  	v6 =	vadd.s32 v5, v6;
	v31 =	vld [tilespmem:s16+$0x148];
	v9 =	vsel vm0, v13, v28  }
0x91: {  	v32 =	vld [tilespmem:s16+$0x8];
	[tilespmem:s16+$0x6170] =	vst v6;
	v6 =	vadd.s32 v0, v9  }
0x92: {  	v33 =	vld [tilespmem:s16+$0x30];
	[tilespmem:s16+$0x6000] =	vst v6;
	v6 =	vsel vm0, v11, v8  }
0x93: {  	v34 =	vld [tilespmem:s16+$0x90];
	v6 =	vadd.s32 v0, v6  }
0x94: {  	v35 =	vld [tilespmem:s16+$0xC8];
	[tilespmem:s16+$0x6010] =	vst v6;
	v6 =	vsel vm0, v29, v7  }
0x95: {  	v7 =	vld [tilespmem:s16+$0x68];
	v6 =	vadd.s32 v0, v6  }
0x96: {  	v36 =	vld [tilespmem:s16+$0xF0];
	[tilespmem:s16+$0x6020] =	vst v6;
	v6 =	vsel vm0, v30, v31  }
0x97: {  	v37 =	vld [tilespmem:s16+$0x128];
	v6 =	vadd.s32 v0, v6  }
0x98: {  	v38 =	vld [tilespmem:s16+$0x150];
	[tilespmem:s16+$0x6030] =	vst v6;
	v6 =	vsel vm0, v32, v33  }
0x99: {  	v39 =	vld [tilespmem:s16+$0x38];
	v6 =	vadd.s32 v1, v6  }
0x9a: {  	v40 =	vld [tilespmem:s16+$0x70];
	[tilespmem:s16+$0x6040] =	vst v6;
	v6 =	vsel vm0, v7, v34  }
0x9b: {  	v7 =	vld [tilespmem:s16+$0x10];
	v6 =	vadd.s32 v1, v6  }
0x9c: {  	v41 =	vld [tilespmem:s16+$0x98];
	[tilespmem:s16+$0x6050] =	vst v6;
	v6 =	vsel vm0, v35, v36  }
0x9d: {  	v42 =	vld [tilespmem:s16+$0xD0];
	v6 =	vadd.s32 v1, v6  }
0x9e: {  	v43 =	vld [tilespmem:s16+$0xF8];
	[tilespmem:s16+$0x6060] =	vst v6;
	v6 =	vsel vm0, v37, v38  }
0x9f: {  	v44 =	vld [tilespmem:s16+$0x158];
	v6 =	vadd.s32 v1, v6  }
0xa0: {  	v45 =	vld [tilespmem:s16+$0x18];
	[tilespmem:s16+$0x6070] =	vst v6;
	v6 =	vsel vm0, v7, v39  }
0xa1: {  	v7 =	vld [tilespmem:s16+$0x130];
	v6 =	vadd.s32 v2, v6  }
0xa2: {  	v46 =	vld [tilespmem:s16+$0x40];
	[tilespmem:s16+$0x6080] =	vst v6;
	v6 =	vsel vm0, v40, v41  }
0xa3: {  	v47 =	vld [tilespmem:s16+$0x78];
	v6 =	vadd.s32 v2, v6  }
0xa4: {  	v48 =	vld [tilespmem:s16+$0xA0];
	[tilespmem:s16+$0x6090] =	vst v6;
	v6 =	vsel vm0, v42, v43  }
0xa5: {  	v49 =	vld [tilespmem:s16+$0x100];
	v6 =	vadd.s32 v2, v6  }
0xa6: {  	v50 =	vld [tilespmem:s16+$0x138];
	[tilespmem:s16+$0x60A0] =	vst v6;
	v6 =	vsel vm0, v7, v44  }
0xa7: {  	v7 =	vld [tilespmem:s16+$0xD8];
	v6 =	vadd.s32 v2, v6  }
0xa8: {  	v51 =	vld [tilespmem:s16+$0x160];
	[tilespmem:s16+$0x60B0] =	vst v6;
	v6 =	vsel vm0, v45, v46  }
0xa9: {  	v52 =	vld [tilespmem:s16+$0x20];
	v6 =	vadd.s32 v3, v6  }
0xaa: {  	v53 =	vld [tilespmem:s16+$0x48];
	[tilespmem:s16+$0x60C0] =	vst v6;
	v6 =	vsel vm0, v47, v48  }
0xab: {  	v54 =	vld [tilespmem:s16+$0xA8];
	v6 =	vadd.s32 v3, v6  }
0xac: {  	v55 =	vld [tilespmem:s16+$0xE0];
	[tilespmem:s16+$0x60D0] =	vst v6;
	v6 =	vsel vm0, v7, v49  }
0xad: {  	v7 =	vld [tilespmem:s16+$0x80];
	v6 =	vadd.s32 v3, v6  }
0xae: {  	v56 =	vld [tilespmem:s16+$0x108];
	[tilespmem:s16+$0x60E0] =	vst v6;
	v6 =	vsel vm0, v50, v51  }
0xaf: {  	v57 =	vld [tilespmem:s16+$0x140];
	v6 =	vadd.s32 v3, v6  }
0xb0: {  	v58 =	vld [tilespmem:s16+$0x168];
	[tilespmem:s16+$0x60F0] =	vst v6;
	v6 =	vsel vm0, v52, v53  }
0xb1: {  	v59 =	vld [tilespmem:s16+$0x50];
	v6 =	vadd.s32 v4, v6  }
0xb2: {  	v60 =	vld [tilespmem:s16+$0x88];
	[tilespmem:s16+$0x6100] =	vst v6;
	v6 =	vsel vm0, v7, v54  }
0xb3: {  	v61 =	vld [tilespmem:s16+$0xB0];
	v6 =	vadd.s32 v4, v6  }
0xb4: {  	v7 =	vld [tilespmem:s16+$0x28];
	[tilespmem:s16+$0x6110] =	vst v6;
	v6 =	vsel vm0, v55, v56  }
0xb5: {  	v62 =	vld [tilespmem:s16+$0x110];
	v6 =	vadd.s32 v4, v6  }
0xb6: {  	[tilespmem:s16+$0x6120] =	vst v6;
	v6 =	vld [tilespmem:s16+$0xE8];
	_ =	sdelay $0x1  }
0xb7: {  	v8 =	vsel vm0, v57, v58  }
0xb8: {  	v8 =	vadd.s32 v4, v8;
	v7 =	vsel vm0, v7, v59  }
0xb9: {  	v63 =	vsel vm0, v60, v61;
	[tilespmem:s16+$0x6130] =	vst v8;
	v7 =	vadd.s32 v5, v7  }
0xba: {  	[tilespmem:s16+$0x6140] =	vst v7;
	v7 =	vadd.s32 v5, v63;
	v6 =	vsel vm0, v6, v62  }
0xbb: {  	[tilespmem:s16+$0x6150] =	vst v7;
	v6 =	vadd.s32 v5, v6  }
0xbc: {  	[tilespmem:s16+$0x6160] =	vst v6;
	s16 =	simm.s32 $0x6000  }
0xbd: {  	[tilespmem:s26], [sflag:$0x1] =	stream.indirect.gather [spmem:s1], $0x10, s16, s24, $0xb8;
	[tilespmem:$0x1B000] =	vst v63  }
0xbe: {  	s15 =	simm.s32 $0x6100  }
0xbf: {  	[tilespmem:s29], [sflag:$0x1] =	stream.indirect.gather [spmem:s1], $0x10, s15, s24, $0xb8;
	[tilespmem:$0x1B000] =	vst v63  }
0xc0: {  	s16 =	simm.s32 $0x6200  }
0xc1: {  	[tilespmem:s31], [sflag:$0x1] =	stream.indirect.gather [spmem:s1], $0x10, s16, s24, $0xb8;
	[tilespmem:$0x1B000] =	vst v63  }
0xc2: {  	s15 =	simm.s32 $0x6300  }
0xc3: {  	[tilespmem:s25], [sflag:$0x1] =	stream.indirect.gather [spmem:s1], $0x10, s15, s24, $0xb8;
	[tilespmem:$0x1B000] =	vst v63  }
0xc4: {  	s16 =	simm.s32 $0x6400  }
0xc5: {  	[tilespmem:s30], [sflag:$0x1] =	stream.indirect.gather [spmem:s1], $0x10, s16, s24, $0xb8;
	[tilespmem:$0x1B000] =	vst v63  }
0xc6: {  	s15 =	simm.s32 $0x6500  }
0xc7: {  	[tilespmem:s28], [sflag:$0x1] =	stream.indirect.gather [spmem:s1], $0x10, s15, s24, $0xb8;
	[tilespmem:$0x1B000] =	vst v63  }
0xc8: {  	s16 =	simm.s32 $0x6600  }
0xc9: {  	[tilespmem:s0], [sflag:$0x2] =	stream.indirect.gather [spmem:s1], $0x10, s16, s24, $0xb8;
	[tilespmem:$0x1B000] =	vst v63  }
0xca: {  	s15 =	simm.s32 $0x6700  }
0xcb: {  	[tilespmem:s3], [sflag:$0x2] =	stream.indirect.gather [spmem:s1], $0x10, s15, s24, $0xb8;
	[tilespmem:$0x1B000] =	vst v63  }
0xcc: {  	s16 =	simm.s32 $0x6800  }
0xcd: {  	[tilespmem:s4], [sflag:$0x2] =	stream.indirect.gather [spmem:s1], $0x10, s16, s24, $0xb8;
	[tilespmem:$0x1B000] =	vst v63  }
0xce: {  	s15 =	simm.s32 $0x6900  }
0xcf: {  	[tilespmem:s6], [sflag:$0x2] =	stream.indirect.gather [spmem:s1], $0x10, s15, s24, $0xb8;
	[tilespmem:$0x1B000] =	vst v63  }
0xd0: {  	s16 =	simm.s32 $0x6A00  }
0xd1: {  	[tilespmem:s7], [sflag:$0x2] =	stream.indirect.gather [spmem:s1], $0x10, s16, s24, $0xb8;
	[tilespmem:$0x1B000] =	vst v63  }
0xd2: {  	s15 =	simm.s32 $0x6B00  }
0xd3: {  	[tilespmem:s8], [sflag:$0x2] =	stream.indirect.gather [spmem:s1], $0x10, s15, s24, $0xb8;
	[tilespmem:$0x1B000] =	vst v63  }
0xd4: {  	_ =	swait.ge [sflag:s9], $0x1000  }
0xd5: {  	[sflag:s9] =	ssyncset.done $0x0  }
0xd6: {  	[sflag:s9] =	ssyncadd.s32 $0xFFFFF000  }
0xd7: {  	_ =	swait.ge [sflag:s9], $0x1000  }
0xd8: {  	[sflag:s9] =	ssyncset.done $0x0  }
0xd9: {  	[sflag:s9] =	ssyncadd.s32 $0xFFFFF000  }
0xda: {  	_ =	swait.ge [sflag:s9], $0x1000  }
0xdb: {  	[sflag:s9] =	ssyncset.done $0x0  }
0xdc: {  	[sflag:s9] =	ssyncadd.s32 $0xFFFFF000  }
0xdd: {  	_ =	swait.ge [sflag:s9], $0x1000  }
0xde: {  	[sflag:s9] =	ssyncset.done $0x0  }
0xdf: {  	[sflag:s9] =	ssyncadd.s32 $0xFFFFF000  }
0xe0: {  	_ =	swait.ge [sflag:s9], $0x1000  }
0xe1: {  	[sflag:s9] =	ssyncset.done $0x0  }
0xe2: {  	[sflag:s9] =	ssyncadd.s32 $0xFFFFF000  }
0xe3: {  	_ =	swait.ge [sflag:s9], $0x1000  }
0xe4: {  	[sflag:s9] =	ssyncset.done $0x0  }
0xe5: {  	[sflag:s9] =	ssyncadd.s32 $0xFFFFF000  }
0xe6: {  	[hbm4b:s5+s2] =	stream.linear.scatter [tilespmem:s26], [sflag:$0x3], $0x6000, $0x38;
	[tilespmem:$0x1B000] =	vst v63  }
0xe7: {  	_ =	swait.ge [sflag:s10], $0x6000  }
0xe8: {  	[sflag:s10] =	ssyncset.done $0x0  }
0xe9: {  	s16 =	simm.s32 $0x6C00;
	[sflag:s10] =	ssyncadd.s32 $0xFFFFA000  }
0xea: {  	[tilespmem:s26], [sflag:$0x1] =	stream.indirect.gather [spmem:s1], $0x10, s16, s24, $0xb8;
	[tilespmem:$0x1B000] =	vst v63  }
0xeb: {  	s15 =	simm.s32 $0x6D00  }
0xec: {  	[tilespmem:s29], [sflag:$0x1] =	stream.indirect.gather [spmem:s1], $0x10, s15, s24, $0xb8;
	[tilespmem:$0x1B000] =	vst v63  }
0xed: {  	s16 =	simm.s32 $0x6E00  }
0xee: {  	[tilespmem:s31], [sflag:$0x1] =	stream.indirect.gather [spmem:s1], $0x10, s16, s24, $0xb8;
	[tilespmem:$0x1B000] =	vst v63  }
0xef: {  	s15 =	simm.s32 $0x6F00  }
0xf0: {  	[tilespmem:s25], [sflag:$0x1] =	stream.indirect.gather [spmem:s1], $0x10, s15, s24, $0xb8;
	[tilespmem:$0x1B000] =	vst v63  }
0xf1: {  	s16 =	simm.s32 $0x7000  }
0xf2: {  	[tilespmem:s30], [sflag:$0x1] =	stream.indirect.gather [spmem:s1], $0x10, s16, s24, $0xb8;
	[tilespmem:$0x1B000] =	vst v63  }
0xf3: {  	s15 =	simm.s32 $0x7100  }
0xf4: {  	[tilespmem:s28], [sflag:$0x1] =	stream.indirect.gather [spmem:s1], $0x10, s15, s24, $0xb8;
	[tilespmem:$0x1B000] =	vst v63  }
0xf5: {  	_ =	swait.ge [sflag:s11], $0x1000  }
0xf6: {  	[sflag:s11] =	ssyncset.done $0x0  }
0xf7: {  	[sflag:s11] =	ssyncadd.s32 $0xFFFFF000  }
0xf8: {  	_ =	swait.ge [sflag:s11], $0x1000  }
0xf9: {  	[sflag:s11] =	ssyncset.done $0x0  }
0xfa: {  	[sflag:s11] =	ssyncadd.s32 $0xFFFFF000  }
0xfb: {  	_ =	swait.ge [sflag:s11], $0x1000  }
0xfc: {  	[sflag:s11] =	ssyncset.done $0x0  }
0xfd: {  	[sflag:s11] =	ssyncadd.s32 $0xFFFFF000  }
0xfe: {  	_ =	swait.ge [sflag:s11], $0x1000  }
0xff: {  	[sflag:s11] =	ssyncset.done $0x0  }
0x100: {  	[sflag:s11] =	ssyncadd.s32 $0xFFFFF000  }
0x101: {  	_ =	swait.ge [sflag:s11], $0x1000  }
0x102: {  	[sflag:s11] =	ssyncset.done $0x0  }
0x103: {  	[sflag:s11] =	ssyncadd.s32 $0xFFFFF000  }
0x104: {  	_ =	swait.ge [sflag:s11], $0x1000  }
0x105: {  	[sflag:s11] =	ssyncset.done $0x0  }
0x106: {  	s16 =	rddreg [dreg:$0x6];
	[sflag:s11] =	ssyncadd.s32 $0xFFFFF000  }
0x107: {  	[hbm4b:s16+s2] =	stream.linear.scatter [tilespmem:s0], [sflag:$0x4], $0x6000, $0x38;
	[tilespmem:$0x1B000] =	vst v63  }
0x108: {  	_ =	swait.ge [sflag:s12], $0x6000  }
0x109: {  	[sflag:s12] =	ssyncset.done $0x0  }
0x10a: {  	s15 =	simm.s32 $0x7200;
	[sflag:s12] =	ssyncadd.s32 $0xFFFFA000  }
0x10b: {  	[tilespmem:s0], [sflag:$0x2] =	stream.indirect.gather [spmem:s1], $0x10, s15, s24, $0xb8;
	[tilespmem:$0x1B000] =	vst v63  }
0x10c: {  	s16 =	simm.s32 $0x7300  }
0x10d: {  	[tilespmem:s3], [sflag:$0x2] =	stream.indirect.gather [spmem:s1], $0x10, s16, s24, $0xb8;
	[tilespmem:$0x1B000] =	vst v63  }
0x10e: {  	s15 =	simm.s32 $0x7400  }
0x10f: {  	[tilespmem:s4], [sflag:$0x2] =	stream.indirect.gather [spmem:s1], $0x10, s15, s24, $0xb8;
	[tilespmem:$0x1B000] =	vst v63  }
0x110: {  	s16 =	simm.s32 $0x7500  }
0x111: {  	[tilespmem:s6], [sflag:$0x2] =	stream.indirect.gather [spmem:s1], $0x10, s16, s24, $0xb8;
	[tilespmem:$0x1B000] =	vst v63  }
0x112: {  	s15 =	simm.s32 $0x7600  }
0x113: {  	[tilespmem:s7], [sflag:$0x2] =	stream.indirect.gather [spmem:s1], $0x10, s15, s24, $0xb8;
	[tilespmem:$0x1B000] =	vst v63  }
0x114: {  	s16 =	simm.s32 $0x7700  }
0x115: {  	[tilespmem:s8], [sflag:$0x2] =	stream.indirect.gather [spmem:s1], $0x10, s16, s24, $0xb8;
	[tilespmem:$0x1B000] =	vst v63  }
0x116: {  	_ =	swait.ge [sflag:s9], $0x1000  }
0x117: {  	[sflag:s9] =	ssyncset.done $0x0  }
0x118: {  	[sflag:s9] =	ssyncadd.s32 $0xFFFFF000  }
0x119: {  	_ =	swait.ge [sflag:s9], $0x1000  }
0x11a: {  	[sflag:s9] =	ssyncset.done $0x0  }
0x11b: {  	[sflag:s9] =	ssyncadd.s32 $0xFFFFF000  }
0x11c: {  	_ =	swait.ge [sflag:s9], $0x1000  }
0x11d: {  	[sflag:s9] =	ssyncset.done $0x0  }
0x11e: {  	[sflag:s9] =	ssyncadd.s32 $0xFFFFF000  }
0x11f: {  	_ =	swait.ge [sflag:s9], $0x1000  }
0x120: {  	[sflag:s9] =	ssyncset.done $0x0  }
0x121: {  	[sflag:s9] =	ssyncadd.s32 $0xFFFFF000  }
0x122: {  	_ =	swait.ge [sflag:s9], $0x1000  }
0x123: {  	[sflag:s9] =	ssyncset.done $0x0  }
0x124: {  	[sflag:s9] =	ssyncadd.s32 $0xFFFFF000  }
0x125: {  	_ =	swait.ge [sflag:s9], $0x1000  }
0x126: {  	[sflag:s9] =	ssyncset.done $0x0  }
0x127: {  	s15 =	rddreg [dreg:$0x7];
	[sflag:s9] =	ssyncadd.s32 $0xFFFFF000  }
0x128: {  	[hbm4b:s15+s2] =	stream.linear.scatter [tilespmem:s26], [sflag:$0x3], $0x6000, $0x38;
	[tilespmem:$0x1B000] =	vst v63  }
0x129: {  	_ =	swait.ge [sflag:s10], $0x6000  }
0x12a: {  	[sflag:s10] =	ssyncset.done $0x0  }
0x12b: {  	s16 =	simm.s32 $0x7800;
	[sflag:s10] =	ssyncadd.s32 $0xFFFFA000  }
0x12c: {  	[tilespmem:s26], [sflag:$0x1] =	stream.indirect.gather [spmem:s1], $0x10, s16, s24, $0xb8;
	[tilespmem:$0x1B000] =	vst v63  }
0x12d: {  	s15 =	simm.s32 $0x7900  }
0x12e: {  	[tilespmem:s29], [sflag:$0x1] =	stream.indirect.gather [spmem:s1], $0x10, s15, s24, $0xb8;
	[tilespmem:$0x1B000] =	vst v63  }
0x12f: {  	s16 =	simm.s32 $0x7A00  }
0x130: {  	[tilespmem:s31], [sflag:$0x1] =	stream.indirect.gather [spmem:s1], $0x10, s16, s24, $0xb8;
	[tilespmem:$0x1B000] =	vst v63  }
0x131: {  	s15 =	simm.s32 $0x7B00  }
0x132: {  	[tilespmem:s25], [sflag:$0x1] =	stream.indirect.gather [spmem:s1], $0x10, s15, s24, $0xb8;
	[tilespmem:$0x1B000] =	vst v63  }
0x133: {  	s16 =	simm.s32 $0x7C00  }
0x134: {  	[tilespmem:s30], [sflag:$0x1] =	stream.indirect.gather [spmem:s1], $0x10, s16, s24, $0xb8;
	[tilespmem:$0x1B000] =	vst v63  }
0x135: {  	s15 =	simm.s32 $0x7D00  }
0x136: {  	[tilespmem:s28], [sflag:$0x1] =	stream.indirect.gather [spmem:s1], $0x10, s15, s24, $0xb8;
	[tilespmem:$0x1B000] =	vst v63  }
0x137: {  	_ =	swait.ge [sflag:s11], $0x1000  }
0x138: {  	[sflag:s11] =	ssyncset.done $0x0  }
0x139: {  	[sflag:s11] =	ssyncadd.s32 $0xFFFFF000  }
0x13a: {  	_ =	swait.ge [sflag:s11], $0x1000  }
0x13b: {  	[sflag:s11] =	ssyncset.done $0x0  }
0x13c: {  	[sflag:s11] =	ssyncadd.s32 $0xFFFFF000  }
0x13d: {  	_ =	swait.ge [sflag:s11], $0x1000  }
0x13e: {  	[sflag:s11] =	ssyncset.done $0x0  }
0x13f: {  	[sflag:s11] =	ssyncadd.s32 $0xFFFFF000  }
0x140: {  	_ =	swait.ge [sflag:s11], $0x1000  }
0x141: {  	[sflag:s11] =	ssyncset.done $0x0  }
0x142: {  	[sflag:s11] =	ssyncadd.s32 $0xFFFFF000  }
0x143: {  	_ =	swait.ge [sflag:s11], $0x1000  }
0x144: {  	[sflag:s11] =	ssyncset.done $0x0  }
0x145: {  	[sflag:s11] =	ssyncadd.s32 $0xFFFFF000  }
0x146: {  	_ =	swait.ge [sflag:s11], $0x1000  }
0x147: {  	[sflag:s11] =	ssyncset.done $0x0  }
0x148: {  	s16 =	rddreg [dreg:$0x8];
	[sflag:s11] =	ssyncadd.s32 $0xFFFFF000  }
0x149: {  	[hbm4b:s16+s2] =	stream.linear.scatter [tilespmem:s0], [sflag:$0x4], $0x6000, $0x38;
	[tilespmem:$0x1B000] =	vst v63  }
0x14a: {  	_ =	swait.ge [sflag:s12], $0x6000  }
0x14b: {  	[sflag:s12] =	ssyncset.done $0x0  }
0x14c: {  	s15 =	simm.s32 $0x7E00;
	[sflag:s12] =	ssyncadd.s32 $0xFFFFA000  }
0x14d: {  	[tilespmem:s0], [sflag:$0x2] =	stream.indirect.gather [spmem:s1], $0x10, s15, s24, $0xb8;
	[tilespmem:$0x1B000] =	vst v63  }
0x14e: {  	s16 =	simm.s32 $0x7F00  }
0x14f: {  	[tilespmem:s3], [sflag:$0x2] =	stream.indirect.gather [spmem:s1], $0x10, s16, s24, $0xb8;
	[tilespmem:$0x1B000] =	vst v63  }
0x150: {  	s15 =	simm.s32 $0x8000  }
0x151: {  	[tilespmem:s4], [sflag:$0x2] =	stream.indirect.gather [spmem:s1], $0x10, s15, s24, $0xb8;
	[tilespmem:$0x1B000] =	vst v63  }
0x152: {  	s16 =	simm.s32 $0x8100  }
0x153: {  	[tilespmem:s6], [sflag:$0x2] =	stream.indirect.gather [spmem:s1], $0x10, s16, s24, $0xb8;
	[tilespmem:$0x1B000] =	vst v63  }
0x154: {  	s15 =	simm.s32 $0x8200  }
0x155: {  	[tilespmem:s7], [sflag:$0x2] =	stream.indirect.gather [spmem:s1], $0x10, s15, s24, $0xb8;
	[tilespmem:$0x1B000] =	vst v63  }
0x156: {  	s16 =	simm.s32 $0x8300  }
0x157: {  	[tilespmem:s8], [sflag:$0x2] =	stream.indirect.gather [spmem:s1], $0x10, s16, s24, $0xb8;
	[tilespmem:$0x1B000] =	vst v63  }
0x158: {  	_ =	swait.ge [sflag:s9], $0x1000  }
0x159: {  	[sflag:s9] =	ssyncset.done $0x0  }
0x15a: {  	[sflag:s9] =	ssyncadd.s32 $0xFFFFF000  }
0x15b: {  	_ =	swait.ge [sflag:s9], $0x1000  }
0x15c: {  	[sflag:s9] =	ssyncset.done $0x0  }
0x15d: {  	[sflag:s9] =	ssyncadd.s32 $0xFFFFF000  }
0x15e: {  	_ =	swait.ge [sflag:s9], $0x1000  }
0x15f: {  	[sflag:s9] =	ssyncset.done $0x0  }
0x160: {  	[sflag:s9] =	ssyncadd.s32 $0xFFFFF000  }
0x161: {  	_ =	swait.ge [sflag:s9], $0x1000  }
0x162: {  	[sflag:s9] =	ssyncset.done $0x0  }
0x163: {  	[sflag:s9] =	ssyncadd.s32 $0xFFFFF000  }
0x164: {  	_ =	swait.ge [sflag:s9], $0x1000  }
0x165: {  	[sflag:s9] =	ssyncset.done $0x0  }
0x166: {  	[sflag:s9] =	ssyncadd.s32 $0xFFFFF000  }
0x167: {  	_ =	swait.ge [sflag:s9], $0x1000  }
0x168: {  	[sflag:s9] =	ssyncset.done $0x0  }
0x169: {  	s15 =	rddreg [dreg:$0x9];
	[sflag:s9] =	ssyncadd.s32 $0xFFFFF000  }
0x16a: {  	[hbm4b:s15+s2] =	stream.linear.scatter [tilespmem:s26], [sflag:$0x3], $0x6000, $0x38;
	[tilespmem:$0x1B000] =	vst v63  }
0x16b: {  	_ =	swait.ge [sflag:s10], $0x6000  }
0x16c: {  	[sflag:s10] =	ssyncset.done $0x0  }
0x16d: {  	s16 =	simm.s32 $0x8400;
	[sflag:s10] =	ssyncadd.s32 $0xFFFFA000  }
0x16e: {  	[tilespmem:s26], [sflag:$0x1] =	stream.indirect.gather [spmem:s1], $0x10, s16, s24, $0xb8;
	[tilespmem:$0x1B000] =	vst v63  }
0x16f: {  	s15 =	simm.s32 $0x8500  }
0x170: {  	[tilespmem:s29], [sflag:$0x1] =	stream.indirect.gather [spmem:s1], $0x10, s15, s24, $0xb8;
	[tilespmem:$0x1B000] =	vst v63  }
0x171: {  	s16 =	simm.s32 $0x8600  }
0x172: {  	[tilespmem:s31], [sflag:$0x1] =	stream.indirect.gather [spmem:s1], $0x10, s16, s24, $0xb8;
	[tilespmem:$0x1B000] =	vst v63  }
0x173: {  	s15 =	simm.s32 $0x8700  }
0x174: {  	[tilespmem:s25], [sflag:$0x1] =	stream.indirect.gather [spmem:s1], $0x10, s15, s24, $0xb8;
	[tilespmem:$0x1B000] =	vst v63  }
0x175: {  	s16 =	simm.s32 $0x8800  }
0x176: {  	[tilespmem:s30], [sflag:$0x1] =	stream.indirect.gather [spmem:s1], $0x10, s16, s24, $0xb8;
	[tilespmem:$0x1B000] =	vst v63  }
0x177: {  	s15 =	simm.s32 $0x8900  }
0x178: {  	[tilespmem:s28], [sflag:$0x1] =	stream.indirect.gather [spmem:s1], $0x10, s15, s24, $0xb8;
	[tilespmem:$0x1B000] =	vst v63  }
0x179: {  	_ =	swait.ge [sflag:s11], $0x1000  }
0x17a: {  	[sflag:s11] =	ssyncset.done $0x0  }
0x17b: {  	[sflag:s11] =	ssyncadd.s32 $0xFFFFF000  }
0x17c: {  	_ =	swait.ge [sflag:s11], $0x1000  }
0x17d: {  	[sflag:s11] =	ssyncset.done $0x0  }
0x17e: {  	[sflag:s11] =	ssyncadd.s32 $0xFFFFF000  }
0x17f: {  	_ =	swait.ge [sflag:s11], $0x1000  }
0x180: {  	[sflag:s11] =	ssyncset.done $0x0  }
0x181: {  	[sflag:s11] =	ssyncadd.s32 $0xFFFFF000  }
0x182: {  	_ =	swait.ge [sflag:s11], $0x1000  }
0x183: {  	[sflag:s11] =	ssyncset.done $0x0  }
0x184: {  	[sflag:s11] =	ssyncadd.s32 $0xFFFFF000  }
0x185: {  	_ =	swait.ge [sflag:s11], $0x1000  }
0x186: {  	[sflag:s11] =	ssyncset.done $0x0  }
0x187: {  	[sflag:s11] =	ssyncadd.s32 $0xFFFFF000  }
0x188: {  	_ =	swait.ge [sflag:s11], $0x1000  }
0x189: {  	[sflag:s11] =	ssyncset.done $0x0  }
0x18a: {  	s16 =	rddreg [dreg:$0xa];
	[sflag:s11] =	ssyncadd.s32 $0xFFFFF000  }
0x18b: {  	[hbm4b:s16+s2] =	stream.linear.scatter [tilespmem:s0], [sflag:$0x4], $0x6000, $0x38;
	[tilespmem:$0x1B000] =	vst v63  }
0x18c: {  	_ =	swait.ge [sflag:s12], $0x6000  }
0x18d: {  	[sflag:s12] =	ssyncset.done $0x0  }
0x18e: {  	s15 =	simm.s32 $0x8A00;
	[sflag:s12] =	ssyncadd.s32 $0xFFFFA000  }
0x18f: {  	[tilespmem:s0], [sflag:$0x2] =	stream.indirect.gather [spmem:s1], $0x10, s15, s24, $0xb8;
	[tilespmem:$0x1B000] =	vst v63  }
0x190: {  	s16 =	simm.s32 $0x8B00  }
0x191: {  	[tilespmem:s3], [sflag:$0x2] =	stream.indirect.gather [spmem:s1], $0x10, s16, s24, $0xb8;
	[tilespmem:$0x1B000] =	vst v63  }
0x192: {  	s15 =	simm.s32 $0x8C00  }
0x193: {  	[tilespmem:s4], [sflag:$0x2] =	stream.indirect.gather [spmem:s1], $0x10, s15, s24, $0xb8;
	[tilespmem:$0x1B000] =	vst v63  }
0x194: {  	s16 =	simm.s32 $0x8D00  }
0x195: {  	[tilespmem:s6], [sflag:$0x2] =	stream.indirect.gather [spmem:s1], $0x10, s16, s24, $0xb8;
	[tilespmem:$0x1B000] =	vst v63  }
0x196: {  	s15 =	simm.s32 $0x8E00  }
0x197: {  	[tilespmem:s7], [sflag:$0x2] =	stream.indirect.gather [spmem:s1], $0x10, s15, s24, $0xb8;
	[tilespmem:$0x1B000] =	vst v63  }
0x198: {  	s16 =	simm.s32 $0x8F00  }
0x199: {  	[tilespmem:s8], [sflag:$0x2] =	stream.indirect.gather [spmem:s1], $0x10, s16, s24, $0xb8;
	[tilespmem:$0x1B000] =	vst v63  }
0x19a: {  	_ =	swait.ge [sflag:s9], $0x1000  }
0x19b: {  	[sflag:s9] =	ssyncset.done $0x0  }
0x19c: {  	[sflag:s9] =	ssyncadd.s32 $0xFFFFF000  }
0x19d: {  	_ =	swait.ge [sflag:s9], $0x1000  }
0x19e: {  	[sflag:s9] =	ssyncset.done $0x0  }
0x19f: {  	[sflag:s9] =	ssyncadd.s32 $0xFFFFF000  }
0x1a0: {  	_ =	swait.ge [sflag:s9], $0x1000  }
0x1a1: {  	[sflag:s9] =	ssyncset.done $0x0  }
0x1a2: {  	[sflag:s9] =	ssyncadd.s32 $0xFFFFF000  }
0x1a3: {  	_ =	swait.ge [sflag:s9], $0x1000  }
0x1a4: {  	[sflag:s9] =	ssyncset.done $0x0  }
0x1a5: {  	[sflag:s9] =	ssyncadd.s32 $0xFFFFF000  }
0x1a6: {  	_ =	swait.ge [sflag:s9], $0x1000  }
0x1a7: {  	[sflag:s9] =	ssyncset.done $0x0  }
0x1a8: {  	[sflag:s9] =	ssyncadd.s32 $0xFFFFF000  }
0x1a9: {  	_ =	swait.ge [sflag:s9], $0x1000  }
0x1aa: {  	[sflag:s9] =	ssyncset.done $0x0  }
0x1ab: {  	s15 =	rddreg [dreg:$0xb];
	[sflag:s9] =	ssyncadd.s32 $0xFFFFF000  }
0x1ac: {  	[hbm4b:s15+s2] =	stream.linear.scatter [tilespmem:s26], [sflag:$0x3], $0x6000, $0x38;
	[tilespmem:$0x1B000] =	vst v63  }
0x1ad: {  	_ =	swait.ge [sflag:s10], $0x6000  }
0x1ae: {  	[sflag:s10] =	ssyncset.done $0x0  }
0x1af: {  	s16 =	simm.s32 $0x9000;
	[sflag:s10] =	ssyncadd.s32 $0xFFFFA000  }
0x1b0: {  	[tilespmem:s26], [sflag:$0x1] =	stream.indirect.gather [spmem:s1], $0x10, s16, s24, $0xb8;
	[tilespmem:$0x1B000] =	vst v63  }
0x1b1: {  	s15 =	simm.s32 $0x9100  }
0x1b2: {  	[tilespmem:s29], [sflag:$0x1] =	stream.indirect.gather [spmem:s1], $0x10, s15, s24, $0xb8;
	[tilespmem:$0x1B000] =	vst v63  }
0x1b3: {  	s16 =	simm.s32 $0x9200  }
0x1b4: {  	[tilespmem:s31], [sflag:$0x1] =	stream.indirect.gather [spmem:s1], $0x10, s16, s24, $0xb8;
	[tilespmem:$0x1B000] =	vst v63  }
0x1b5: {  	s15 =	simm.s32 $0x9300  }
0x1b6: {  	[tilespmem:s25], [sflag:$0x1] =	stream.indirect.gather [spmem:s1], $0x10, s15, s24, $0xb8;
	[tilespmem:$0x1B000] =	vst v63  }
0x1b7: {  	s16 =	simm.s32 $0x9400  }
0x1b8: {  	[tilespmem:s30], [sflag:$0x1] =	stream.indirect.gather [spmem:s1], $0x10, s16, s24, $0xb8;
	[tilespmem:$0x1B000] =	vst v63  }
0x1b9: {  	s15 =	simm.s32 $0x9500  }
0x1ba: {  	[tilespmem:s28], [sflag:$0x1] =	stream.indirect.gather [spmem:s1], $0x10, s15, s24, $0xb8;
	[tilespmem:$0x1B000] =	vst v63  }
0x1bb: {  	_ =	swait.ge [sflag:s11], $0x1000  }
0x1bc: {  	[sflag:s11] =	ssyncset.done $0x0  }
0x1bd: {  	[sflag:s11] =	ssyncadd.s32 $0xFFFFF000  }
0x1be: {  	_ =	swait.ge [sflag:s11], $0x1000  }
0x1bf: {  	[sflag:s11] =	ssyncset.done $0x0  }
0x1c0: {  	[sflag:s11] =	ssyncadd.s32 $0xFFFFF000  }
0x1c1: {  	_ =	swait.ge [sflag:s11], $0x1000  }
0x1c2: {  	[sflag:s11] =	ssyncset.done $0x0  }
0x1c3: {  	[sflag:s11] =	ssyncadd.s32 $0xFFFFF000  }
0x1c4: {  	_ =	swait.ge [sflag:s11], $0x1000  }
0x1c5: {  	[sflag:s11] =	ssyncset.done $0x0  }
0x1c6: {  	[sflag:s11] =	ssyncadd.s32 $0xFFFFF000  }
0x1c7: {  	_ =	swait.ge [sflag:s11], $0x1000  }
0x1c8: {  	[sflag:s11] =	ssyncset.done $0x0  }
0x1c9: {  	[sflag:s11] =	ssyncadd.s32 $0xFFFFF000  }
0x1ca: {  	_ =	swait.ge [sflag:s11], $0x1000  }
0x1cb: {  	[sflag:s11] =	ssyncset.done $0x0  }
0x1cc: {  	s16 =	rddreg [dreg:$0xc];
	[sflag:s11] =	ssyncadd.s32 $0xFFFFF000  }
0x1cd: {  	[hbm4b:s16+s2] =	stream.linear.scatter [tilespmem:s0], [sflag:$0x4], $0x6000, $0x38;
	[tilespmem:$0x1B000] =	vst v63  }
0x1ce: {  	_ =	swait.ge [sflag:s12], $0x6000  }
0x1cf: {  	[sflag:s12] =	ssyncset.done $0x0  }
0x1d0: {  	s15 =	simm.s32 $0x9600;
	[sflag:s12] =	ssyncadd.s32 $0xFFFFA000  }
0x1d1: {  	[tilespmem:s0], [sflag:$0x2] =	stream.indirect.gather [spmem:s1], $0x10, s15, s24, $0xb8;
	[tilespmem:$0x1B000] =	vst v63  }
0x1d2: {  	s16 =	simm.s32 $0x9700  }
0x1d3: {  	[tilespmem:s3], [sflag:$0x2] =	stream.indirect.gather [spmem:s1], $0x10, s16, s24, $0xb8;
	[tilespmem:$0x1B000] =	vst v63  }
0x1d4: {  	s15 =	simm.s32 $0x9800  }
0x1d5: {  	[tilespmem:s4], [sflag:$0x2] =	stream.indirect.gather [spmem:s1], $0x10, s15, s24, $0xb8;
	[tilespmem:$0x1B000] =	vst v63  }
0x1d6: {  	s16 =	simm.s32 $0x9900  }
0x1d7: {  	[tilespmem:s6], [sflag:$0x2] =	stream.indirect.gather [spmem:s1], $0x10, s16, s24, $0xb8;
	[tilespmem:$0x1B000] =	vst v63  }
0x1d8: {  	s15 =	simm.s32 $0x9A00  }
0x1d9: {  	[tilespmem:s7], [sflag:$0x2] =	stream.indirect.gather [spmem:s1], $0x10, s15, s24, $0xb8;
	[tilespmem:$0x1B000] =	vst v63  }
0x1da: {  	s16 =	simm.s32 $0x9B00  }
0x1db: {  	[tilespmem:s8], [sflag:$0x2] =	stream.indirect.gather [spmem:s1], $0x10, s16, s24, $0xb8;
	[tilespmem:$0x1B000] =	vst v63  }
0x1dc: {  	_ =	swait.ge [sflag:s9], $0x1000  }
0x1dd: {  	[sflag:s9] =	ssyncset.done $0x0  }
0x1de: {  	[sflag:s9] =	ssyncadd.s32 $0xFFFFF000  }
0x1df: {  	_ =	swait.ge [sflag:s9], $0x1000  }
0x1e0: {  	[sflag:s9] =	ssyncset.done $0x0  }
0x1e1: {  	[sflag:s9] =	ssyncadd.s32 $0xFFFFF000  }
0x1e2: {  	_ =	swait.ge [sflag:s9], $0x1000  }
0x1e3: {  	[sflag:s9] =	ssyncset.done $0x0  }
0x1e4: {  	[sflag:s9] =	ssyncadd.s32 $0xFFFFF000  }
0x1e5: {  	_ =	swait.ge [sflag:s9], $0x1000  }
0x1e6: {  	[sflag:s9] =	ssyncset.done $0x0  }
0x1e7: {  	[sflag:s9] =	ssyncadd.s32 $0xFFFFF000  }
0x1e8: {  	_ =	swait.ge [sflag:s9], $0x1000  }
0x1e9: {  	[sflag:s9] =	ssyncset.done $0x0  }
0x1ea: {  	[sflag:s9] =	ssyncadd.s32 $0xFFFFF000  }
0x1eb: {  	_ =	swait.ge [sflag:s9], $0x1000  }
0x1ec: {  	[sflag:s9] =	ssyncset.done $0x0  }
0x1ed: {  	s15 =	rddreg [dreg:$0xd];
	[sflag:s9] =	ssyncadd.s32 $0xFFFFF000  }
0x1ee: {  	[hbm4b:s15+s2] =	stream.linear.scatter [tilespmem:s26], [sflag:$0x3], $0x6000, $0x38;
	[tilespmem:$0x1B000] =	vst v63  }
0x1ef: {  	_ =	swait.ge [sflag:s10], $0x6000  }
0x1f0: {  	[sflag:s10] =	ssyncset.done $0x0  }
0x1f1: {  	s16 =	simm.s32 $0x9C00;
	[sflag:s10] =	ssyncadd.s32 $0xFFFFA000  }
0x1f2: {  	[tilespmem:s26], [sflag:$0x1] =	stream.indirect.gather [spmem:s1], $0x10, s16, s24, $0xb8;
	[tilespmem:$0x1B000] =	vst v63  }
0x1f3: {  	s15 =	simm.s32 $0x9D00  }
0x1f4: {  	[tilespmem:s29], [sflag:$0x1] =	stream.indirect.gather [spmem:s1], $0x10, s15, s24, $0xb8;
	[tilespmem:$0x1B000] =	vst v63  }
0x1f5: {  	s16 =	simm.s32 $0x9E00  }
0x1f6: {  	[tilespmem:s31], [sflag:$0x1] =	stream.indirect.gather [spmem:s1], $0x10, s16, s24, $0xb8;
	[tilespmem:$0x1B000] =	vst v63  }
0x1f7: {  	s15 =	simm.s32 $0x9F00  }
0x1f8: {  	[tilespmem:s25], [sflag:$0x1] =	stream.indirect.gather [spmem:s1], $0x10, s15, s24, $0xb8;
	[tilespmem:$0x1B000] =	vst v63  }
0x1f9: {  	s16 =	simm.s32 $0xA000  }
0x1fa: {  	[tilespmem:s30], [sflag:$0x1] =	stream.indirect.gather [spmem:s1], $0x10, s16, s24, $0xb8;
	[tilespmem:$0x1B000] =	vst v63  }
0x1fb: {  	s15 =	simm.s32 $0xA100  }
0x1fc: {  	[tilespmem:s28], [sflag:$0x1] =	stream.indirect.gather [spmem:s1], $0x10, s15, s24, $0xb8;
	[tilespmem:$0x1B000] =	vst v63  }
0x1fd: {  	_ =	swait.ge [sflag:s11], $0x1000  }
0x1fe: {  	[sflag:s11] =	ssyncset.done $0x0  }
0x1ff: {  	[sflag:s11] =	ssyncadd.s32 $0xFFFFF000  }
0x200: {  	_ =	swait.ge [sflag:s11], $0x1000  }
0x201: {  	[sflag:s11] =	ssyncset.done $0x0  }
0x202: {  	[sflag:s11] =	ssyncadd.s32 $0xFFFFF000  }
0x203: {  	_ =	swait.ge [sflag:s11], $0x1000  }
0x204: {  	[sflag:s11] =	ssyncset.done $0x0  }
0x205: {  	[sflag:s11] =	ssyncadd.s32 $0xFFFFF000  }
0x206: {  	_ =	swait.ge [sflag:s11], $0x1000  }
0x207: {  	[sflag:s11] =	ssyncset.done $0x0  }
0x208: {  	[sflag:s11] =	ssyncadd.s32 $0xFFFFF000  }
0x209: {  	_ =	swait.ge [sflag:s11], $0x1000  }
0x20a: {  	[sflag:s11] =	ssyncset.done $0x0  }
0x20b: {  	[sflag:s11] =	ssyncadd.s32 $0xFFFFF000  }
0x20c: {  	_ =	swait.ge [sflag:s11], $0x1000  }
0x20d: {  	[sflag:s11] =	ssyncset.done $0x0  }
0x20e: {  	s16 =	rddreg [dreg:$0xe];
	[sflag:s11] =	ssyncadd.s32 $0xFFFFF000  }
0x20f: {  	[hbm4b:s16+s2] =	stream.linear.scatter [tilespmem:s0], [sflag:$0x4], $0x6000, $0x38;
	[tilespmem:$0x1B000] =	vst v63  }
0x210: {  	_ =	swait.ge [sflag:s12], $0x6000  }
0x211: {  	[sflag:s12] =	ssyncset.done $0x0  }
0x212: {  	s15 =	simm.s32 $0xA200;
	[sflag:s12] =	ssyncadd.s32 $0xFFFFA000  }
0x213: {  	[tilespmem:s0], [sflag:$0x2] =	stream.indirect.gather [spmem:s1], $0x10, s15, s24, $0xb8;
	[tilespmem:$0x1B000] =	vst v63  }
0x214: {  	s16 =	simm.s32 $0xA300  }
0x215: {  	[tilespmem:s3], [sflag:$0x2] =	stream.indirect.gather [spmem:s1], $0x10, s16, s24, $0xb8;
	[tilespmem:$0x1B000] =	vst v63  }
0x216: {  	s15 =	simm.s32 $0xA400  }
0x217: {  	[tilespmem:s4], [sflag:$0x2] =	stream.indirect.gather [spmem:s1], $0x10, s15, s24, $0xb8;
	[tilespmem:$0x1B000] =	vst v63  }
0x218: {  	s16 =	simm.s32 $0xA500  }
0x219: {  	[tilespmem:s6], [sflag:$0x2] =	stream.indirect.gather [spmem:s1], $0x10, s16, s24, $0xb8;
	[tilespmem:$0x1B000] =	vst v63  }
0x21a: {  	s15 =	simm.s32 $0xA600  }
0x21b: {  	[tilespmem:s7], [sflag:$0x2] =	stream.indirect.gather [spmem:s1], $0x10, s15, s24, $0xb8;
	[tilespmem:$0x1B000] =	vst v63  }
0x21c: {  	s16 =	simm.s32 $0xA700  }
0x21d: {  	[tilespmem:s8], [sflag:$0x2] =	stream.indirect.gather [spmem:s1], $0x10, s16, s24, $0xb8;
	[tilespmem:$0x1B000] =	vst v63  }
0x21e: {  	_ =	swait.ge [sflag:s9], $0x1000  }
0x21f: {  	[sflag:s9] =	ssyncset.done $0x0  }
0x220: {  	[sflag:s9] =	ssyncadd.s32 $0xFFFFF000  }
0x221: {  	_ =	swait.ge [sflag:s9], $0x1000  }
0x222: {  	[sflag:s9] =	ssyncset.done $0x0  }
0x223: {  	[sflag:s9] =	ssyncadd.s32 $0xFFFFF000  }
0x224: {  	_ =	swait.ge [sflag:s9], $0x1000  }
0x225: {  	[sflag:s9] =	ssyncset.done $0x0  }
0x226: {  	[sflag:s9] =	ssyncadd.s32 $0xFFFFF000  }
0x227: {  	_ =	swait.ge [sflag:s9], $0x1000  }
0x228: {  	[sflag:s9] =	ssyncset.done $0x0  }
0x229: {  	[sflag:s9] =	ssyncadd.s32 $0xFFFFF000  }
0x22a: {  	_ =	swait.ge [sflag:s9], $0x1000  }
0x22b: {  	[sflag:s9] =	ssyncset.done $0x0  }
0x22c: {  	[sflag:s9] =	ssyncadd.s32 $0xFFFFF000  }
0x22d: {  	_ =	swait.ge [sflag:s9], $0x1000  }
0x22e: {  	[sflag:s9] =	ssyncset.done $0x0  }
0x22f: {  	s15 =	rddreg [dreg:$0xf];
	[sflag:s9] =	ssyncadd.s32 $0xFFFFF000  }
0x230: {  	[hbm4b:s15+s2] =	stream.linear.scatter [tilespmem:s26], [sflag:$0x3], $0x6000, $0x38;
	[tilespmem:$0x1B000] =	vst v63  }
0x231: {  	_ =	swait.ge [sflag:s10], $0x6000  }
0x232: {  	[sflag:s10] =	ssyncset.done $0x0  }
0x233: {  	s16 =	simm.s32 $0xA800;
	[sflag:s10] =	ssyncadd.s32 $0xFFFFA000  }
0x234: {  	[tilespmem:s26], [sflag:$0x1] =	stream.indirect.gather [spmem:s1], $0x10, s16, s24, $0xb8;
	[tilespmem:$0x1B000] =	vst v63  }
0x235: {  	s15 =	simm.s32 $0xA900  }
0x236: {  	[tilespmem:s29], [sflag:$0x1] =	stream.indirect.gather [spmem:s1], $0x10, s15, s24, $0xb8;
	[tilespmem:$0x1B000] =	vst v63  }
0x237: {  	s16 =	simm.s32 $0xAA00  }
0x238: {  	[tilespmem:s31], [sflag:$0x1] =	stream.indirect.gather [spmem:s1], $0x10, s16, s24, $0xb8;
	[tilespmem:$0x1B000] =	vst v63  }
0x239: {  	s15 =	simm.s32 $0xAB00  }
0x23a: {  	[tilespmem:s25], [sflag:$0x1] =	stream.indirect.gather [spmem:s1], $0x10, s15, s24, $0xb8;
	[tilespmem:$0x1B000] =	vst v63  }
0x23b: {  	s16 =	simm.s32 $0xAC00  }
0x23c: {  	[tilespmem:s30], [sflag:$0x1] =	stream.indirect.gather [spmem:s1], $0x10, s16, s24, $0xb8;
	[tilespmem:$0x1B000] =	vst v63  }
0x23d: {  	s15 =	simm.s32 $0xAD00  }
0x23e: {  	[tilespmem:s28], [sflag:$0x1] =	stream.indirect.gather [spmem:s1], $0x10, s15, s24, $0xb8;
	[tilespmem:$0x1B000] =	vst v63  }
0x23f: {  	_ =	swait.ge [sflag:s11], $0x1000  }
0x240: {  	[sflag:s11] =	ssyncset.done $0x0  }
0x241: {  	[sflag:s11] =	ssyncadd.s32 $0xFFFFF000  }
0x242: {  	_ =	swait.ge [sflag:s11], $0x1000  }
0x243: {  	[sflag:s11] =	ssyncset.done $0x0  }
0x244: {  	[sflag:s11] =	ssyncadd.s32 $0xFFFFF000  }
0x245: {  	_ =	swait.ge [sflag:s11], $0x1000  }
0x246: {  	[sflag:s11] =	ssyncset.done $0x0  }
0x247: {  	[sflag:s11] =	ssyncadd.s32 $0xFFFFF000  }
0x248: {  	_ =	swait.ge [sflag:s11], $0x1000  }
0x249: {  	[sflag:s11] =	ssyncset.done $0x0  }
0x24a: {  	[sflag:s11] =	ssyncadd.s32 $0xFFFFF000  }
0x24b: {  	_ =	swait.ge [sflag:s11], $0x1000  }
0x24c: {  	[sflag:s11] =	ssyncset.done $0x0  }
0x24d: {  	[sflag:s11] =	ssyncadd.s32 $0xFFFFF000  }
0x24e: {  	_ =	swait.ge [sflag:s11], $0x1000  }
0x24f: {  	[sflag:s11] =	ssyncset.done $0x0  }
0x250: {  	s16 =	rddreg [dreg:$0x10];
	[sflag:s11] =	ssyncadd.s32 $0xFFFFF000  }
0x251: {  	[hbm4b:s16+s2] =	stream.linear.scatter [tilespmem:s0], [sflag:$0x4], $0x6000, $0x38;
	[tilespmem:$0x1B000] =	vst v63  }
0x252: {  	_ =	swait.ge [sflag:s12], $0x6000  }
0x253: {  	[sflag:s12] =	ssyncset.done $0x0  }
0x254: {  	s15 =	simm.s32 $0xAE00;
	[sflag:s12] =	ssyncadd.s32 $0xFFFFA000  }
0x255: {  	[tilespmem:s0], [sflag:$0x2] =	stream.indirect.gather [spmem:s1], $0x10, s15, s24, $0xb8;
	[tilespmem:$0x1B000] =	vst v63  }
0x256: {  	s16 =	simm.s32 $0xAF00  }
0x257: {  	[tilespmem:s3], [sflag:$0x2] =	stream.indirect.gather [spmem:s1], $0x10, s16, s24, $0xb8;
	[tilespmem:$0x1B000] =	vst v63  }
0x258: {  	s15 =	simm.s32 $0xB000  }
0x259: {  	[tilespmem:s4], [sflag:$0x2] =	stream.indirect.gather [spmem:s1], $0x10, s15, s24, $0xb8;
	[tilespmem:$0x1B000] =	vst v63  }
0x25a: {  	s16 =	simm.s32 $0xB100  }
0x25b: {  	[tilespmem:s6], [sflag:$0x2] =	stream.indirect.gather [spmem:s1], $0x10, s16, s24, $0xb8;
	[tilespmem:$0x1B000] =	vst v63  }
0x25c: {  	s15 =	simm.s32 $0xB200  }
0x25d: {  	[tilespmem:s7], [sflag:$0x2] =	stream.indirect.gather [spmem:s1], $0x10, s15, s24, $0xb8;
	[tilespmem:$0x1B000] =	vst v63  }
0x25e: {  	s16 =	simm.s32 $0xB300  }
0x25f: {  	[tilespmem:s8], [sflag:$0x2] =	stream.indirect.gather [spmem:s1], $0x10, s16, s24, $0xb8;
	[tilespmem:$0x1B000] =	vst v63  }
0x260: {  	_ =	swait.ge [sflag:s9], $0x1000  }
0x261: {  	[sflag:s9] =	ssyncset.done $0x0  }
0x262: {  	[sflag:s9] =	ssyncadd.s32 $0xFFFFF000  }
0x263: {  	_ =	swait.ge [sflag:s9], $0x1000  }
0x264: {  	[sflag:s9] =	ssyncset.done $0x0  }
0x265: {  	[sflag:s9] =	ssyncadd.s32 $0xFFFFF000  }
0x266: {  	_ =	swait.ge [sflag:s9], $0x1000  }
0x267: {  	[sflag:s9] =	ssyncset.done $0x0  }
0x268: {  	[sflag:s9] =	ssyncadd.s32 $0xFFFFF000  }
0x269: {  	_ =	swait.ge [sflag:s9], $0x1000  }
0x26a: {  	[sflag:s9] =	ssyncset.done $0x0  }
0x26b: {  	[sflag:s9] =	ssyncadd.s32 $0xFFFFF000  }
0x26c: {  	_ =	swait.ge [sflag:s9], $0x1000  }
0x26d: {  	[sflag:s9] =	ssyncset.done $0x0  }
0x26e: {  	[sflag:s9] =	ssyncadd.s32 $0xFFFFF000  }
0x26f: {  	_ =	swait.ge [sflag:s9], $0x1000  }
0x270: {  	[sflag:s9] =	ssyncset.done $0x0  }
0x271: {  	[sflag:s9] =	ssyncadd.s32 $0xFFFFF000  }
0x272: {  	[hbm4b:s17+s2] =	stream.linear.scatter [tilespmem:s26], [sflag:$0x3], $0x6000, $0x38;
	[tilespmem:$0x1B000] =	vst v63  }
0x273: {  	_ =	swait.ge [sflag:s10], $0x6000  }
0x274: {  	[sflag:s10] =	ssyncset.done $0x0  }
0x275: {  	s15 =	simm.s32 $0xB400;
	[sflag:s10] =	ssyncadd.s32 $0xFFFFA000  }
0x276: {  	[tilespmem:s26], [sflag:$0x1] =	stream.indirect.gather [spmem:s1], $0x10, s15, s24, $0xb8;
	[tilespmem:$0x1B000] =	vst v63  }
0x277: {  	s16 =	simm.s32 $0xB500  }
0x278: {  	[tilespmem:s29], [sflag:$0x1] =	stream.indirect.gather [spmem:s1], $0x10, s16, s24, $0xb8;
	[tilespmem:$0x1B000] =	vst v63  }
0x279: {  	s15 =	simm.s32 $0xB600  }
0x27a: {  	[tilespmem:s31], [sflag:$0x1] =	stream.indirect.gather [spmem:s1], $0x10, s15, s24, $0xb8;
	[tilespmem:$0x1B000] =	vst v63  }
0x27b: {  	s16 =	simm.s32 $0xB700  }
0x27c: {  	[tilespmem:s25], [sflag:$0x1] =	stream.indirect.gather [spmem:s1], $0x10, s16, s24, $0xb8;
	[tilespmem:$0x1B000] =	vst v63  }
0x27d: {  	s15 =	simm.s32 $0xB800  }
0x27e: {  	[tilespmem:s30], [sflag:$0x1] =	stream.indirect.gather [spmem:s1], $0x10, s15, s24, $0xb8;
	[tilespmem:$0x1B000] =	vst v63  }
0x27f: {  	s16 =	simm.s32 $0xB900  }
0x280: {  	[tilespmem:s28], [sflag:$0x1] =	stream.indirect.gather [spmem:s1], $0x10, s16, s24, $0xb8;
	[tilespmem:$0x1B000] =	vst v63  }
0x281: {  	_ =	swait.ge [sflag:s11], $0x1000  }
0x282: {  	[sflag:s11] =	ssyncset.done $0x0  }
0x283: {  	[sflag:s11] =	ssyncadd.s32 $0xFFFFF000  }
0x284: {  	_ =	swait.ge [sflag:s11], $0x1000  }
0x285: {  	[sflag:s11] =	ssyncset.done $0x0  }
0x286: {  	[sflag:s11] =	ssyncadd.s32 $0xFFFFF000  }
0x287: {  	_ =	swait.ge [sflag:s11], $0x1000  }
0x288: {  	[sflag:s11] =	ssyncset.done $0x0  }
0x289: {  	[sflag:s11] =	ssyncadd.s32 $0xFFFFF000  }
0x28a: {  	_ =	swait.ge [sflag:s11], $0x1000  }
0x28b: {  	[sflag:s11] =	ssyncset.done $0x0  }
0x28c: {  	[sflag:s11] =	ssyncadd.s32 $0xFFFFF000  }
0x28d: {  	_ =	swait.ge [sflag:s11], $0x1000  }
0x28e: {  	[sflag:s11] =	ssyncset.done $0x0  }
0x28f: {  	[sflag:s11] =	ssyncadd.s32 $0xFFFFF000  }
0x290: {  	_ =	swait.ge [sflag:s11], $0x1000  }
0x291: {  	[sflag:s11] =	ssyncset.done $0x0  }
0x292: {  	[sflag:s11] =	ssyncadd.s32 $0xFFFFF000  }
0x293: {  	[hbm4b:s18+s2] =	stream.linear.scatter [tilespmem:s0], [sflag:$0x4], $0x6000, $0x38;
	[tilespmem:$0x1B000] =	vst v63  }
0x294: {  	_ =	swait.ge [sflag:s12], $0x6000  }
0x295: {  	[sflag:s12] =	ssyncset.done $0x0  }
0x296: {  	s15 =	simm.s32 $0xBA00;
	[sflag:s12] =	ssyncadd.s32 $0xFFFFA000  }
0x297: {  	[tilespmem:s0], [sflag:$0x2] =	stream.indirect.gather [spmem:s1], $0x10, s15, s24, $0xb8;
	[tilespmem:$0x1B000] =	vst v63  }
0x298: {  	s16 =	simm.s32 $0xBB00  }
0x299: {  	[tilespmem:s3], [sflag:$0x2] =	stream.indirect.gather [spmem:s1], $0x10, s16, s24, $0xb8;
	[tilespmem:$0x1B000] =	vst v63  }
0x29a: {  	s15 =	simm.s32 $0xBC00  }
0x29b: {  	[tilespmem:s4], [sflag:$0x2] =	stream.indirect.gather [spmem:s1], $0x10, s15, s24, $0xb8;
	[tilespmem:$0x1B000] =	vst v63  }
0x29c: {  	s16 =	simm.s32 $0xBD00  }
0x29d: {  	[tilespmem:s6], [sflag:$0x2] =	stream.indirect.gather [spmem:s1], $0x10, s16, s24, $0xb8;
	[tilespmem:$0x1B000] =	vst v63  }
0x29e: {  	s15 =	simm.s32 $0xBE00  }
0x29f: {  	[tilespmem:s7], [sflag:$0x2] =	stream.indirect.gather [spmem:s1], $0x10, s15, s24, $0xb8;
	[tilespmem:$0x1B000] =	vst v63  }
0x2a0: {  	s16 =	simm.s32 $0xBF00  }
0x2a1: {  	[tilespmem:s8], [sflag:$0x2] =	stream.indirect.gather [spmem:s1], $0x10, s16, s24, $0xb8;
	[tilespmem:$0x1B000] =	vst v63  }
0x2a2: {  	_ =	swait.ge [sflag:s9], $0x1000  }
0x2a3: {  	[sflag:s9] =	ssyncset.done $0x0  }
0x2a4: {  	[sflag:s9] =	ssyncadd.s32 $0xFFFFF000  }
0x2a5: {  	_ =	swait.ge [sflag:s9], $0x1000  }
0x2a6: {  	[sflag:s9] =	ssyncset.done $0x0  }
0x2a7: {  	[sflag:s9] =	ssyncadd.s32 $0xFFFFF000  }
0x2a8: {  	_ =	swait.ge [sflag:s9], $0x1000  }
0x2a9: {  	[sflag:s9] =	ssyncset.done $0x0  }
0x2aa: {  	[sflag:s9] =	ssyncadd.s32 $0xFFFFF000  }
0x2ab: {  	_ =	swait.ge [sflag:s9], $0x1000  }
0x2ac: {  	[sflag:s9] =	ssyncset.done $0x0  }
0x2ad: {  	[sflag:s9] =	ssyncadd.s32 $0xFFFFF000  }
0x2ae: {  	_ =	swait.ge [sflag:s9], $0x1000  }
0x2af: {  	[sflag:s9] =	ssyncset.done $0x0  }
0x2b0: {  	[sflag:s9] =	ssyncadd.s32 $0xFFFFF000  }
0x2b1: {  	_ =	swait.ge [sflag:s9], $0x1000  }
0x2b2: {  	[sflag:s9] =	ssyncset.done $0x0  }
0x2b3: {  	[sflag:s9] =	ssyncadd.s32 $0xFFFFF000  }
0x2b4: {  	[hbm4b:s19+s2] =	stream.linear.scatter [tilespmem:s26], [sflag:$0x3], $0x6000, $0x38;
	[tilespmem:$0x1B000] =	vst v63  }
0x2b5: {  	_ =	swait.ge [sflag:s11], $0x1000  }
0x2b6: {  	[sflag:s11] =	ssyncset.done $0x0  }
0x2b7: {  	[sflag:s11] =	ssyncadd.s32 $0xFFFFF000  }
0x2b8: {  	_ =	swait.ge [sflag:s11], $0x1000  }
0x2b9: {  	[sflag:s11] =	ssyncset.done $0x0  }
0x2ba: {  	[sflag:s11] =	ssyncadd.s32 $0xFFFFF000  }
0x2bb: {  	_ =	swait.ge [sflag:s11], $0x1000  }
0x2bc: {  	[sflag:s11] =	ssyncset.done $0x0  }
0x2bd: {  	[sflag:s11] =	ssyncadd.s32 $0xFFFFF000  }
0x2be: {  	_ =	swait.ge [sflag:s11], $0x1000  }
0x2bf: {  	[sflag:s11] =	ssyncset.done $0x0  }
0x2c0: {  	[sflag:s11] =	ssyncadd.s32 $0xFFFFF000  }
0x2c1: {  	_ =	swait.ge [sflag:s11], $0x1000  }
0x2c2: {  	[sflag:s11] =	ssyncset.done $0x0  }
0x2c3: {  	[sflag:s11] =	ssyncadd.s32 $0xFFFFF000  }
0x2c4: {  	_ =	swait.ge [sflag:s11], $0x1000  }
0x2c5: {  	[sflag:s11] =	ssyncset.done $0x0  }
0x2c6: {  	s13 =	sadd.s32 $0x1, s13;
	[sflag:s11] =	ssyncadd.s32 $0xFFFFF000  }
0x2c7: {  	[hbm4b:s20+s2] =	stream.linear.scatter [tilespmem:s0], [sflag:$0x4], $0x6000, $0x38;
	[tilespmem:$0x1B000] =	vst v63  }
0x2c8: {  	p1 =	sne.s32 s13, s21;
	_ =	swait.ge [sflag:s10], $0x6000  }
.Ltmp1:
0x2c9: {  	[sflag:s10] =	ssyncset.done $0x0;
	(pc) =	sbr.rel @p1 .LBB2_1-.Ltmp1, $4  }
0x2ca: {  	[sflag:s10] =	ssyncadd.s32 $0xFFFFA000  }
0x2cb: {  	_ =	swait.ge [sflag:s12], $0x6000  }
0x2cc: {  	[sflag:s12] =	ssyncset.done $0x0  }
0x2cd: {  	[sflag:s12] =	ssyncadd.s32 $0xFFFFA000  }
0x2ce: {  	_ =	sfence.sel $0x180000  }
0x2cf: {  	[bflag:$0x0] =	sbarrier.arrive $0xFFFF  }
0x2d0: {  	_ =	strace $0x90000047  }
0x2d1: {  	[bflag:$0x2] =	sbarrier.arrive $0xFFFF  }
0x2d2: {  	s0 =	rddreg [dreg:$0x3]  }
0x2d3: {  	s0 =	sadd.s32 @!p0 $0x100000, s0  }
0x2d4: {  	[sflag:s0] =	ssyncadd.tile.s32 @!p0 $0x1;
	_ =	shalt  }
.Lfunc_end2:
_tile_overlayer_lowered:
.L_overlay_start_2:
0x2d5: {  	(tag) =	ssettag $0x2  }
0x2d6: {  	s0 =	rddreg [dreg:$0x0];
	s2 =	stileid.u32  }
0x2d7: {  	s1 =	rddreg [dreg:$0x1];
	p0 =	sne.s32 s2, $0x0  }
0x2d8: {  	s3 =	rddreg [dreg:$0x2];
	[bflag:$0x3] =	sbarrier.arrive $0xFFFF;
	s2 =	simm.s32 @!p0 $0x1C05  }
0x2d9: {  	[timem:s3], [sflag:s2] =	dma.local @!p0 [hbm:s0], s1  }
0x2da: {  	s0 =	simm.s32 @!p0 $0x5  }
0x2db: {  	_ =	swait.ge @!p0 [sflag:s0], s1  }
0x2dc: {  	s1 =	ssub.s32 @!p0 $0x0, s1;
	[sflag:s0] =	ssyncset.done @!p0 $0x0  }
0x2dd: {  	[sflag:s0] =	ssyncadd.s32 @!p0 s1  }
0x2de: {  	[bflag:$0x3] =	sbarrier.arrive $0xFFFF  }
0x2df: {  	_ =	shalt  }

</sc_bundles>
